<compile_context>
chip_gen: v7x
topology: tpu7x:2x2x1
jax: 0.10.2.dev20260603
libtpu: 0.0.44.dev20260713+nightly
codegen_flags: <defaults>
</compile_context>

<pallas_src>
import functools

import jax
import jax.numpy as jnp
from jax import lax
from jax.experimental import pallas as pl
from jax.experimental.pallas import tpu as pltpu
from jax.experimental.pallas import tpu_sc as plsc

_XL, _YL, _ZL = 511, 511, 255
_WATER = 0.08

_N = 1048576
_NC = 2
_NS = 16
_NW = _NC * _NS
_P = _N // _NW
_C = 8192
_NCH = _P // _C
_G = 128
_R = _C // _G
_U = _G // 16


def _sc_body(xs, ys, zs, par, img, out,
             xv, yv, zv, pv, i0, v0, g0, i1, v1, g1, s0, s1):
    wid = lax.axis_index("s") * _NC + lax.axis_index("c")
    base = wid * _P
    pltpu.sync_copy(par, pv)
    banks = ((i0, v0, g0, s0), (i1, v1, g1, s1))

    def compute_and_fire(k, idxb, vb, gb, sem):
        off = base + k * _C
        pltpu.sync_copy(xs.at[pl.ds(off, _C)], xv)
        pltpu.sync_copy(ys.at[pl.ds(off, _C)], yv)
        pltpu.sync_copy(zs.at[pl.ds(off, _C)], zv)

        def ixloop(j, _):
            for u in range(_U):
                s = pl.ds(j * _G + u * 16, 16)
                x = xv[s]
                y = yv[s]
                z = zv[s]
                ixi = ((x + pv[0]) * pv[3]).astype(jnp.int32)
                iyi = ((y + pv[1]) * pv[4]).astype(jnp.int32)
                izi = ((z + pv[2]) * pv[5]).astype(jnp.int32)
                m = ((ixi < 0) | (iyi < 0) | (izi < 0)
                     | (ixi > _XL) | (iyi > _YL) | (izi > _ZL))
                lin = (ixi * 131072 + (iyi >> 3) * 2048 + (izi >> 7) * 1024
                       + (iyi & 7) * 128 + (izi & 127))
                idxb[s] = jnp.where(m, 0, lin)
                vb[s] = jnp.where(m, jnp.float32(0.0), jnp.float32(1.0))
            blk = pl.ds(j * _G, _G)
            pltpu.async_copy(img.at[idxb.at[blk]], gb.at[blk], sem)
            return 0

        lax.fori_loop(0, _R, ixloop, 0)

    def drain_and_emit(k, idxb, vb, gb, sem):
        off = base + k * _C

        def drain(r, _):
            blk = pl.ds(r * _G, _G)
            pltpu.make_async_copy(img.at[idxb.at[blk]], gb.at[blk], sem).wait()
            return 0

        lax.fori_loop(0, _R, drain, 0)

        def trloop(j, _):
            for u in range(_U):
                s = pl.ds(j * _G + u * 16, 16)
                t = jnp.maximum(gb[s], jnp.float32(-1000.0)) * jnp.float32(1e-3)
                gb[s] = (t + jnp.float32(1.0)) * jnp.float32(_WATER) * vb[s]
            return 0

        lax.fori_loop(0, _R, trloop, 0)
        pltpu.sync_copy(gb, out.at[pl.ds(off, _C)])

    for k in range(_NCH):
        compute_and_fire(k, *banks[k % 2])
        if k > 0:
            drain_and_emit(k - 1, *banks[(k - 1) % 2])
    drain_and_emit(_NCH - 1, *banks[(_NCH - 1) % 2])


_sc_gather = functools.partial(
    pl.kernel,
    out_type=jax.ShapeDtypeStruct((_N,), jnp.float32),
    mesh=plsc.VectorSubcoreMesh(core_axis_name="c", subcore_axis_name="s"),
    scratch_types=[
        pltpu.VMEM((_C,), jnp.float32),
        pltpu.VMEM((_C,), jnp.float32),
        pltpu.VMEM((_C,), jnp.float32),
        pltpu.VMEM((6, 16), jnp.float32),
        pltpu.VMEM((_C,), jnp.int32),
        pltpu.VMEM((_C,), jnp.float32),
        pltpu.VMEM((_C,), jnp.float32),
        pltpu.VMEM((_C,), jnp.int32),
        pltpu.VMEM((_C,), jnp.float32),
        pltpu.VMEM((_C,), jnp.float32),
        pltpu.SemaphoreType.DMA,
        pltpu.SemaphoreType.DMA,
    ],
)(_sc_body)


def kernel(xyz, img, ct_size):
    pts = xyz[0]
    xs = pts[:, 0]
    ys = pts[:, 1]
    zs = pts[:, 2]
    img_flat = (img.reshape(512, 64, 8, 2, 128)
                .transpose(0, 1, 3, 2, 4).reshape(-1))
    half = ct_size / 2.0
    lims = jnp.array([_XL, _YL, _ZL], dtype=jnp.float32)
    scale = lims / ct_size
    par = jnp.broadcast_to(
        jnp.concatenate([half, scale]).astype(jnp.float32).reshape(6, 1),
        (6, 16),
    )
    sigma = _sc_gather(xs, ys, zs, par, img_flat)
    rgb = jnp.ones((1, _N, 3), jnp.float32)
    return jnp.concatenate((rgb, sigma.reshape(1, _N, 1)), axis=-1)

# --- scband reference (transcript-rebuilt; emitter-appended) ---
"""Pipeline reference for scband-ctimage-14044543058096 (READ-ONLY COPY).

The authoritative reference and input builder live on the scoring server;
editing this copy changes nothing except your own understanding.
"""

import jax, jax.numpy as jnp
import numpy as np

X_LIM, Y_LIM, Z_LIM = 511, 511, 255
WATER_COEFF = 0.08


def setup_inputs(seed: int = 0) -> dict:
    key = jax.random.key(seed)
    k1, k2 = jax.random.split(key)
    xyz = jax.random.normal(k1, (1, 1048576, 3), dtype=jnp.float32)
    img = jax.random.normal(k2, (512, 512, 256), dtype=jnp.float32) * 500.0
    ct_size = jnp.ones((3,), dtype=jnp.float32) * 4.0
    return {"xyz": xyz, "img": img, "ct_size": ct_size}


def reference(xyz, img, ct_size):
    # __init__ transform: img = (img.clamp(min=-1000)/1000 + 1) * water_coeff
    img_s = (jnp.clip(img, -1000.0, None) / 1000.0 + 1.0) * WATER_COEFF
    p = xyz[0]  # squeeze(0) -> [N, 3]
    p = (p + ct_size[None, :] / 2.0) / ct_size[None, :]
    lims = jnp.array([X_LIM, Y_LIM, Z_LIM], dtype=p.dtype)
    p = p * lims[None, :]
    # torch .long() truncates toward zero; astype(int32) matches
    idx = p.astype(jnp.int32).T  # [3, N]
    mask = (idx[0] < 0) | (idx[1] < 0) | (idx[2] < 0) | (idx[0] > X_LIM) | (idx[1] > Y_LIM) | (idx[2] > Z_LIM)
    idx = jnp.where(mask[None, :], 0, idx)
    sigma = img_s[idx[0], idx[1], idx[2]]
    sigma = jnp.where(mask, 0.0, sigma)
    sigma = sigma.reshape(1, -1, 1)
    rgb = jnp.ones((1, sigma.shape[1], 3), dtype=sigma.dtype)
    return jnp.concatenate((rgb, sigma), axis=-1)

if __name__ == "__main__":
    import jax
    _d = setup_inputs()
    print(jax.jit(kernel)(*tuple(_d.values())))

</pallas_src>

<mosaic_0001>
#map = affine_map<(d0, d1) -> (0)>
#map1 = affine_map<(d0, d1) -> (0, 0)>
module attributes {stable_mosaic.version = 14 : i64} {
  func.func @_sc_body(%arg0: i32, %arg1: i32, %arg2: memref<1048576xf32, #tpu.memory_space<hbm>>, %arg3: memref<1048576xf32, #tpu.memory_space<hbm>>, %arg4: memref<1048576xf32, #tpu.memory_space<hbm>>, %arg5: memref<6x16xf32, #tpu.memory_space<hbm>>, %arg6: memref<67108864xf32, #tpu.memory_space<hbm>>, %arg7: memref<1048576xf32, #tpu.memory_space<hbm>>, %arg8: memref<8192xf32, #tpu.memory_space<vmem>>, %arg9: memref<8192xf32, #tpu.memory_space<vmem>>, %arg10: memref<8192xf32, #tpu.memory_space<vmem>>, %arg11: memref<6x16xf32, #tpu.memory_space<vmem>>, %arg12: memref<8192xi32, #tpu.memory_space<vmem>>, %arg13: memref<8192xf32, #tpu.memory_space<vmem>>, %arg14: memref<8192xf32, #tpu.memory_space<vmem>>, %arg15: memref<8192xi32, #tpu.memory_space<vmem>>, %arg16: memref<8192xf32, #tpu.memory_space<vmem>>, %arg17: memref<8192xf32, #tpu.memory_space<vmem>>, %arg18: memref<!tpu.dma_semaphore, #tpu.memory_space<semaphore_mem>>, %arg19: memref<!tpu.dma_semaphore, #tpu.memory_space<semaphore_mem>>) attributes {dimension_semantics = [#tpu.dimension_semantics<core_parallel>, #tpu.dimension_semantics<subcore_parallel>], iteration_bounds = array<i64: 2, 16>, scalar_prefetch = 0 : i64, scratch_operands = 12 : i64, tpu.core_type = #tpu.core_type<sc_vector_subcore>, window_params = [{transform_indices = #map}, {transform_indices = #map}, {transform_indices = #map}, {transform_indices = #map1}, {transform_indices = #map}, {transform_indices = #map}]} {
    %mul3A = arith.constant 2 : i32
    %mul3A_0 = arith.muli %arg1, %mul3A : i32
    %add3A = arith.addi %mul3A_0, %arg0 : i32
    %mul3A_1 = arith.constant 32768 : i32
    %mul3A_2 = arith.muli %add3A, %mul3A_1 : i32
    "tpu.region"() ({
      %run_scoped3A = tpu.sem_alloc : memref<!tpu.dma_semaphore, #tpu.memory_space<semaphore_mem>>
      tpu.enqueue_dma source(%arg5 : memref<6x16xf32, #tpu.memory_space<hbm>>) target(%arg11 : memref<6x16xf32, #tpu.memory_space<vmem>>) target_semaphore(%run_scoped3A : memref<!tpu.dma_semaphore, #tpu.memory_space<semaphore_mem>>)
      tpu.wait_dma2 semaphore(%run_scoped3A : memref<!tpu.dma_semaphore, #tpu.memory_space<semaphore_mem>>) src(%arg5 : memref<6x16xf32, #tpu.memory_space<hbm>>) dst(%arg11 : memref<6x16xf32, #tpu.memory_space<vmem>>)
      tpu.yield
    }) : () -> ()
    %add3A_3 = arith.constant 0 : i32
    %add3A_4 = arith.addi %mul3A_2, %add3A_3 : i32
    "tpu.region"() ({
      %run_scoped3A = tpu.sem_alloc : memref<!tpu.dma_semaphore, #tpu.memory_space<semaphore_mem>>
      %dma_start3A = tpu.memref_slice %arg2[%add3A_4] : memref<1048576xf32, #tpu.memory_space<hbm>> -> memref<8192xf32, #tpu.memory_space<hbm>>
      %dma_start3A_102 = tpu.memref_slice %arg2[%add3A_4] : memref<1048576xf32, #tpu.memory_space<hbm>> -> memref<8192xf32, #tpu.memory_space<hbm>>
      tpu.enqueue_dma source(%dma_start3A_102 : memref<8192xf32, #tpu.memory_space<hbm>>) target(%arg8 : memref<8192xf32, #tpu.memory_space<vmem>>) target_semaphore(%run_scoped3A : memref<!tpu.dma_semaphore, #tpu.memory_space<semaphore_mem>>)
      %dma_wait3A = tpu.memref_slice %arg2[%add3A_4] : memref<1048576xf32, #tpu.memory_space<hbm>> -> memref<8192xf32, #tpu.memory_space<hbm>>
      %dma_wait3A_103 = tpu.memref_slice %arg2[%add3A_4] : memref<1048576xf32, #tpu.memory_space<hbm>> -> memref<8192xf32, #tpu.memory_space<hbm>>
      tpu.wait_dma2 semaphore(%run_scoped3A : memref<!tpu.dma_semaphore, #tpu.memory_space<semaphore_mem>>) src(%dma_wait3A_103 : memref<8192xf32, #tpu.memory_space<hbm>>) dst(%arg8 : memref<8192xf32, #tpu.memory_space<vmem>>)
      tpu.yield
    }) : () -> ()
    "tpu.region"() ({
      %run_scoped3A = tpu.sem_alloc : memref<!tpu.dma_semaphore, #tpu.memory_space<semaphore_mem>>
      %dma_start3A = tpu.memref_slice %arg3[%add3A_4] : memref<1048576xf32, #tpu.memory_space<hbm>> -> memref<8192xf32, #tpu.memory_space<hbm>>
      %dma_start3A_102 = tpu.memref_slice %arg3[%add3A_4] : memref<1048576xf32, #tpu.memory_space<hbm>> -> memref<8192xf32, #tpu.memory_space<hbm>>
      tpu.enqueue_dma source(%dma_start3A_102 : memref<8192xf32, #tpu.memory_space<hbm>>) target(%arg9 : memref<8192xf32, #tpu.memory_space<vmem>>) target_semaphore(%run_scoped3A : memref<!tpu.dma_semaphore, #tpu.memory_space<semaphore_mem>>)
      %dma_wait3A = tpu.memref_slice %arg3[%add3A_4] : memref<1048576xf32, #tpu.memory_space<hbm>> -> memref<8192xf32, #tpu.memory_space<hbm>>
      %dma_wait3A_103 = tpu.memref_slice %arg3[%add3A_4] : memref<1048576xf32, #tpu.memory_space<hbm>> -> memref<8192xf32, #tpu.memory_space<hbm>>
      tpu.wait_dma2 semaphore(%run_scoped3A : memref<!tpu.dma_semaphore, #tpu.memory_space<semaphore_mem>>) src(%dma_wait3A_103 : memref<8192xf32, #tpu.memory_space<hbm>>) dst(%arg9 : memref<8192xf32, #tpu.memory_space<vmem>>)
      tpu.yield
    }) : () -> ()
    "tpu.region"() ({
      %run_scoped3A = tpu.sem_alloc : memref<!tpu.dma_semaphore, #tpu.memory_space<semaphore_mem>>
      %dma_start3A = tpu.memref_slice %arg4[%add3A_4] : memref<1048576xf32, #tpu.memory_space<hbm>> -> memref<8192xf32, #tpu.memory_space<hbm>>
      %dma_start3A_102 = tpu.memref_slice %arg4[%add3A_4] : memref<1048576xf32, #tpu.memory_space<hbm>> -> memref<8192xf32, #tpu.memory_space<hbm>>
      tpu.enqueue_dma source(%dma_start3A_102 : memref<8192xf32, #tpu.memory_space<hbm>>) target(%arg10 : memref<8192xf32, #tpu.memory_space<vmem>>) target_semaphore(%run_scoped3A : memref<!tpu.dma_semaphore, #tpu.memory_space<semaphore_mem>>)
      %dma_wait3A = tpu.memref_slice %arg4[%add3A_4] : memref<1048576xf32, #tpu.memory_space<hbm>> -> memref<8192xf32, #tpu.memory_space<hbm>>
      %dma_wait3A_103 = tpu.memref_slice %arg4[%add3A_4] : memref<1048576xf32, #tpu.memory_space<hbm>> -> memref<8192xf32, #tpu.memory_space<hbm>>
      tpu.wait_dma2 semaphore(%run_scoped3A : memref<!tpu.dma_semaphore, #tpu.memory_space<semaphore_mem>>) src(%dma_wait3A_103 : memref<8192xf32, #tpu.memory_space<hbm>>) dst(%arg10 : memref<8192xf32, #tpu.memory_space<vmem>>)
      tpu.yield
    }) : () -> ()
    %scan3A = arith.constant 0 : i32
    %scan3A_5 = arith.constant 0 : i32
    %scan3A_6 = arith.constant 64 : i32
    %scan3A_7 = arith.addi %scan3A_5, %scan3A_6 : i32
    %scan3A_8 = arith.constant 1 : i32
    %scan3A_9 = scf.for %scan3A_102 = %scan3A_5 to %scan3A_7 step %scan3A_8 iter_args(%scan3A_103 = %scan3A) -> (i32)  : i32 {
      %mul3A_104 = arith.constant 128 : i32
      %mul3A_105 = arith.muli %scan3A_102, %mul3A_104 : i32
      %add3A_106 = arith.constant 0 : i32
      %add3A_107 = arith.addi %mul3A_105, %add3A_106 : i32
      %get3A = arith.index_cast %add3A_107 : i32 to index
      %get3A_108 = tpu.vector_load %arg8[%get3A] {strides = array<i32>} : memref<8192xf32, #tpu.memory_space<vmem>>, vector<16xf32>,
      %get3A_109 = vector.shape_cast %get3A_108 : vector<16xf32> to vector<16xf32>
      %get3A_110 = arith.index_cast %add3A_107 : i32 to index
      %get3A_111 = tpu.vector_load %arg9[%get3A_110] {strides = array<i32>} : memref<8192xf32, #tpu.memory_space<vmem>>, vector<16xf32>,
      %get3A_112 = vector.shape_cast %get3A_111 : vector<16xf32> to vector<16xf32>
      %get3A_113 = arith.index_cast %add3A_107 : i32 to index
      %get3A_114 = tpu.vector_load %arg10[%get3A_113] {strides = array<i32>} : memref<8192xf32, #tpu.memory_space<vmem>>, vector<16xf32>,
      %get3A_115 = vector.shape_cast %get3A_114 : vector<16xf32> to vector<16xf32>
      %get3A_116 = arith.constant 0 : i32
      %get3A_117 = arith.index_cast %get3A_116 : i32 to index
      %get3A_118 = arith.constant 0 : index
      %get3A_119 = tpu.vector_load %arg11[%get3A_117, %get3A_118] {strides = array<i32>} : memref<6x16xf32, #tpu.memory_space<vmem>>, vector<1x16xf32>,
      %get3A_120 = vector.shape_cast %get3A_119 : vector<1x16xf32> to vector<16xf32>
      %add3A_121 = arith.addf %get3A_109, %get3A_120 : vector<16xf32>
      %get3A_122 = arith.constant 3 : i32
      %get3A_123 = arith.index_cast %get3A_122 : i32 to index
      %get3A_124 = arith.constant 0 : index
      %get3A_125 = tpu.vector_load %arg11[%get3A_123, %get3A_124] {strides = array<i32>} : memref<6x16xf32, #tpu.memory_space<vmem>>, vector<1x16xf32>,
      %get3A_126 = vector.shape_cast %get3A_125 : vector<1x16xf32> to vector<16xf32>
      %mul3A_127 = arith.mulf %add3A_121, %get3A_126 : vector<16xf32>
      %convert_element_type3A = arith.fptosi %mul3A_127 : vector<16xf32> to vector<16xi32>
      %get3A_128 = arith.constant 1 : i32
      %get3A_129 = arith.index_cast %get3A_128 : i32 to index
      %get3A_130 = arith.constant 0 : index
      %get3A_131 = tpu.vector_load %arg11[%get3A_129, %get3A_130] {strides = array<i32>} : memref<6x16xf32, #tpu.memory_space<vmem>>, vector<1x16xf32>,
      %get3A_132 = vector.shape_cast %get3A_131 : vector<1x16xf32> to vector<16xf32>
      %add3A_133 = arith.addf %get3A_112, %get3A_132 : vector<16xf32>
      %get3A_134 = arith.constant 4 : i32
      %get3A_135 = arith.index_cast %get3A_134 : i32 to index
      %get3A_136 = arith.constant 0 : index
      %get3A_137 = tpu.vector_load %arg11[%get3A_135, %get3A_136] {strides = array<i32>} : memref<6x16xf32, #tpu.memory_space<vmem>>, vector<1x16xf32>,
      %get3A_138 = vector.shape_cast %get3A_137 : vector<1x16xf32> to vector<16xf32>
      %mul3A_139 = arith.mulf %add3A_133, %get3A_138 : vector<16xf32>
      %convert_element_type3A_140 = arith.fptosi %mul3A_139 : vector<16xf32> to vector<16xi32>
      %get3A_141 = arith.constant 2 : i32
      %get3A_142 = arith.index_cast %get3A_141 : i32 to index
      %get3A_143 = arith.constant 0 : index
      %get3A_144 = tpu.vector_load %arg11[%get3A_142, %get3A_143] {strides = array<i32>} : memref<6x16xf32, #tpu.memory_space<vmem>>, vector<1x16xf32>,
      %get3A_145 = vector.shape_cast %get3A_144 : vector<1x16xf32> to vector<16xf32>
      %add3A_146 = arith.addf %get3A_115, %get3A_145 : vector<16xf32>
      %get3A_147 = arith.constant 5 : i32
      %get3A_148 = arith.index_cast %get3A_147 : i32 to index
      %get3A_149 = arith.constant 0 : index
      %get3A_150 = tpu.vector_load %arg11[%get3A_148, %get3A_149] {strides = array<i32>} : memref<6x16xf32, #tpu.memory_space<vmem>>, vector<1x16xf32>,
      %get3A_151 = vector.shape_cast %get3A_150 : vector<1x16xf32> to vector<16xf32>
      %mul3A_152 = arith.mulf %add3A_146, %get3A_151 : vector<16xf32>
      %convert_element_type3A_153 = arith.fptosi %mul3A_152 : vector<16xf32> to vector<16xi32>
      %lt3A = arith.constant 0 : i32
      %lt3A_154 = vector.broadcast %lt3A : i32 to vector<16xi32>
      %lt3A_155 = arith.cmpi slt, %convert_element_type3A, %lt3A_154 : vector<16xi32>
      %lt3A_156 = arith.constant 0 : i32
      %lt3A_157 = vector.broadcast %lt3A_156 : i32 to vector<16xi32>
      %lt3A_158 = arith.cmpi slt, %convert_element_type3A_140, %lt3A_157 : vector<16xi32>
      %or3A = arith.ori %lt3A_155, %lt3A_158 : vector<16xi1>
      %lt3A_159 = arith.constant 0 : i32
      %lt3A_160 = vector.broadcast %lt3A_159 : i32 to vector<16xi32>
      %lt3A_161 = arith.cmpi slt, %convert_element_type3A_153, %lt3A_160 : vector<16xi32>
      %or3A_162 = arith.ori %or3A, %lt3A_161 : vector<16xi1>
      %gt3A = arith.constant 511 : i32
      %gt3A_163 = vector.broadcast %gt3A : i32 to vector<16xi32>
      %gt3A_164 = arith.cmpi sgt, %convert_element_type3A, %gt3A_163 : vector<16xi32>
      %or3A_165 = arith.ori %or3A_162, %gt3A_164 : vector<16xi1>
      %gt3A_166 = arith.constant 511 : i32
      %gt3A_167 = vector.broadcast %gt3A_166 : i32 to vector<16xi32>
      %gt3A_168 = arith.cmpi sgt, %convert_element_type3A_140, %gt3A_167 : vector<16xi32>
      %or3A_169 = arith.ori %or3A_165, %gt3A_168 : vector<16xi1>
      %gt3A_170 = arith.constant 255 : i32
      %gt3A_171 = vector.broadcast %gt3A_170 : i32 to vector<16xi32>
      %gt3A_172 = arith.cmpi sgt, %convert_element_type3A_153, %gt3A_171 : vector<16xi32>
      %or3A_173 = arith.ori %or3A_169, %gt3A_172 : vector<16xi1>
      %mul3A_174 = arith.constant 131072 : i32
      %mul3A_175 = vector.broadcast %mul3A_174 : i32 to vector<16xi32>
      %mul3A_176 = arith.muli %convert_element_type3A, %mul3A_175 : vector<16xi32>
      %shift_right_arithmetic3A = arith.constant 3 : i32
      %shift_right_arithmetic3A_177 = vector.broadcast %shift_right_arithmetic3A : i32 to vector<16xi32>
      %shift_right_arithmetic3A_178 = arith.shrsi %convert_element_type3A_140, %shift_right_arithmetic3A_177 : vector<16xi32>
      %mul3A_179 = arith.constant 2048 : i32
      %mul3A_180 = vector.broadcast %mul3A_179 : i32 to vector<16xi32>
      %mul3A_181 = arith.muli %shift_right_arithmetic3A_178, %mul3A_180 : vector<16xi32>
      %add3A_182 = arith.addi %mul3A_176, %mul3A_181 : vector<16xi32>
      %shift_right_arithmetic3A_183 = arith.constant 7 : i32
      %shift_right_arithmetic3A_184 = vector.broadcast %shift_right_arithmetic3A_183 : i32 to vector<16xi32>
      %shift_right_arithmetic3A_185 = arith.shrsi %convert_element_type3A_153, %shift_right_arithmetic3A_184 : vector<16xi32>
      %mul3A_186 = arith.constant 1024 : i32
      %mul3A_187 = vector.broadcast %mul3A_186 : i32 to vector<16xi32>
      %mul3A_188 = arith.muli %shift_right_arithmetic3A_185, %mul3A_187 : vector<16xi32>
      %add3A_189 = arith.addi %add3A_182, %mul3A_188 : vector<16xi32>
      %and3A = arith.constant 7 : i32
      %and3A_190 = vector.broadcast %and3A : i32 to vector<16xi32>
      %and3A_191 = arith.andi %convert_element_type3A_140, %and3A_190 : vector<16xi32>
      %mul3A_192 = arith.constant 128 : i32
      %mul3A_193 = vector.broadcast %mul3A_192 : i32 to vector<16xi32>
      %mul3A_194 = arith.muli %and3A_191, %mul3A_193 : vector<16xi32>
      %add3A_195 = arith.addi %add3A_189, %mul3A_194 : vector<16xi32>
      %and3A_196 = arith.constant 127 : i32
      %and3A_197 = vector.broadcast %and3A_196 : i32 to vector<16xi32>
      %and3A_198 = arith.andi %convert_element_type3A_153, %and3A_197 : vector<16xi32>
      %add3A_199 = arith.addi %add3A_195, %and3A_198 : vector<16xi32>
      %jit3A = arith.constant 0 : i32
      %broadcast_in_dim3A = vector.broadcast %jit3A : i32 to vector<16xi32>
      %select_n3A = arith.select %or3A_173, %broadcast_in_dim3A, %add3A_199 : vector<16xi1>, vector<16xi32>
      %swap3A = arith.index_cast %add3A_107 : i32 to index
      %swap3A_200 = tpu.vector_load %arg12[%swap3A] {strides = array<i32>} : memref<8192xi32, #tpu.memory_space<vmem>>, vector<16xi32>,
      %swap3A_201 = vector.shape_cast %swap3A_200 : vector<16xi32> to vector<16xi32>
      %swap3A_202 = vector.shape_cast %select_n3A : vector<16xi32> to vector<16xi32>
      tpu.vector_store %arg12[%swap3A], %swap3A_202 {strides = array<i32>} : memref<8192xi32, #tpu.memory_space<vmem>>, vector<16xi32>,
      %jit3A_203 = arith.constant 0.000000e+00 : f32
      %jit3A_204 = arith.constant 1.000000e+00 : f32
      %broadcast_in_dim3A_205 = vector.broadcast %jit3A_203 : f32 to vector<16xf32>
      %broadcast_in_dim3A_206 = vector.broadcast %jit3A_204 : f32 to vector<16xf32>
      %select_n3A_207 = arith.select %or3A_173, %broadcast_in_dim3A_205, %broadcast_in_dim3A_206 : vector<16xi1>, vector<16xf32>
      %swap3A_208 = arith.index_cast %add3A_107 : i32 to index
      %swap3A_209 = tpu.vector_load %arg13[%swap3A_208] {strides = array<i32>} : memref<8192xf32, #tpu.memory_space<vmem>>, vector<16xf32>,
      %swap3A_210 = vector.shape_cast %swap3A_209 : vector<16xf32> to vector<16xf32>
      %swap3A_211 = vector.shape_cast %select_n3A_207 : vector<16xf32> to vector<16xf32>
      tpu.vector_store %arg13[%swap3A_208], %swap3A_211 {strides = array<i32>} : memref<8192xf32, #tpu.memory_space<vmem>>, vector<16xf32>,
      %mul3A_212 = arith.constant 128 : i32
      %mul3A_213 = arith.muli %scan3A_102, %mul3A_212 : i32
      %add3A_214 = arith.constant 16 : i32
      %add3A_215 = arith.addi %mul3A_213, %add3A_214 : i32
      %get3A_216 = arith.index_cast %add3A_215 : i32 to index
      %get3A_217 = tpu.vector_load %arg8[%get3A_216] {strides = array<i32>} : memref<8192xf32, #tpu.memory_space<vmem>>, vector<16xf32>,
      %get3A_218 = vector.shape_cast %get3A_217 : vector<16xf32> to vector<16xf32>
      %get3A_219 = arith.index_cast %add3A_215 : i32 to index
      %get3A_220 = tpu.vector_load %arg9[%get3A_219] {strides = array<i32>} : memref<8192xf32, #tpu.memory_space<vmem>>, vector<16xf32>,
      %get3A_221 = vector.shape_cast %get3A_220 : vector<16xf32> to vector<16xf32>
      %get3A_222 = arith.index_cast %add3A_215 : i32 to index
      %get3A_223 = tpu.vector_load %arg10[%get3A_222] {strides = array<i32>} : memref<8192xf32, #tpu.memory_space<vmem>>, vector<16xf32>,
      %get3A_224 = vector.shape_cast %get3A_223 : vector<16xf32> to vector<16xf32>
      %get3A_225 = arith.constant 0 : i32
      %get3A_226 = arith.index_cast %get3A_225 : i32 to index
      %get3A_227 = arith.constant 0 : index
      %get3A_228 = tpu.vector_load %arg11[%get3A_226, %get3A_227] {strides = array<i32>} : memref<6x16xf32, #tpu.memory_space<vmem>>, vector<1x16xf32>,
      %get3A_229 = vector.shape_cast %get3A_228 : vector<1x16xf32> to vector<16xf32>
      %add3A_230 = arith.addf %get3A_218, %get3A_229 : vector<16xf32>
      %get3A_231 = arith.constant 3 : i32
      %get3A_232 = arith.index_cast %get3A_231 : i32 to index
      %get3A_233 = arith.constant 0 : index
      %get3A_234 = tpu.vector_load %arg11[%get3A_232, %get3A_233] {strides = array<i32>} : memref<6x16xf32, #tpu.memory_space<vmem>>, vector<1x16xf32>,
      %get3A_235 = vector.shape_cast %get3A_234 : vector<1x16xf32> to vector<16xf32>
      %mul3A_236 = arith.mulf %add3A_230, %get3A_235 : vector<16xf32>
      %convert_element_type3A_237 = arith.fptosi %mul3A_236 : vector<16xf32> to vector<16xi32>
      %get3A_238 = arith.constant 1 : i32
      %get3A_239 = arith.index_cast %get3A_238 : i32 to index
      %get3A_240 = arith.constant 0 : index
      %get3A_241 = tpu.vector_load %arg11[%get3A_239, %get3A_240] {strides = array<i32>} : memref<6x16xf32, #tpu.memory_space<vmem>>, vector<1x16xf32>,
      %get3A_242 = vector.shape_cast %get3A_241 : vector<1x16xf32> to vector<16xf32>
      %add3A_243 = arith.addf %get3A_221, %get3A_242 : vector<16xf32>
      %get3A_244 = arith.constant 4 : i32
      %get3A_245 = arith.index_cast %get3A_244 : i32 to index
      %get3A_246 = arith.constant 0 : index
      %get3A_247 = tpu.vector_load %arg11[%get3A_245, %get3A_246] {strides = array<i32>} : memref<6x16xf32, #tpu.memory_space<vmem>>, vector<1x16xf32>,
      %get3A_248 = vector.shape_cast %get3A_247 : vector<1x16xf32> to vector<16xf32>
      %mul3A_249 = arith.mulf %add3A_243, %get3A_248 : vector<16xf32>
      %convert_element_type3A_250 = arith.fptosi %mul3A_249 : vector<16xf32> to vector<16xi32>
      %get3A_251 = arith.constant 2 : i32
      %get3A_252 = arith.index_cast %get3A_251 : i32 to index
      %get3A_253 = arith.constant 0 : index
      %get3A_254 = tpu.vector_load %arg11[%get3A_252, %get3A_253] {strides = array<i32>} : memref<6x16xf32, #tpu.memory_space<vmem>>, vector<1x16xf32>,
      %get3A_255 = vector.shape_cast %get3A_254 : vector<1x16xf32> to vector<16xf32>
      %add3A_256 = arith.addf %get3A_224, %get3A_255 : vector<16xf32>
      %get3A_257 = arith.constant 5 : i32
      %get3A_258 = arith.index_cast %get3A_257 : i32 to index
      %get3A_259 = arith.constant 0 : index
      %get3A_260 = tpu.vector_load %arg11[%get3A_258, %get3A_259] {strides = array<i32>} : memref<6x16xf32, #tpu.memory_space<vmem>>, vector<1x16xf32>,
      %get3A_261 = vector.shape_cast %get3A_260 : vector<1x16xf32> to vector<16xf32>
      %mul3A_262 = arith.mulf %add3A_256, %get3A_261 : vector<16xf32>
      %convert_element_type3A_263 = arith.fptosi %mul3A_262 : vector<16xf32> to vector<16xi32>
      %lt3A_264 = arith.constant 0 : i32
      %lt3A_265 = vector.broadcast %lt3A_264 : i32 to vector<16xi32>
      %lt3A_266 = arith.cmpi slt, %convert_element_type3A_237, %lt3A_265 : vector<16xi32>
      %lt3A_267 = arith.constant 0 : i32
      %lt3A_268 = vector.broadcast %lt3A_267 : i32 to vector<16xi32>
      %lt3A_269 = arith.cmpi slt, %convert_element_type3A_250, %lt3A_268 : vector<16xi32>
      %or3A_270 = arith.ori %lt3A_266, %lt3A_269 : vector<16xi1>
      %lt3A_271 = arith.constant 0 : i32
      %lt3A_272 = vector.broadcast %lt3A_271 : i32 to vector<16xi32>
      %lt3A_273 = arith.cmpi slt, %convert_element_type3A_263, %lt3A_272 : vector<16xi32>
      %or3A_274 = arith.ori %or3A_270, %lt3A_273 : vector<16xi1>
      %gt3A_275 = arith.constant 511 : i32
      %gt3A_276 = vector.broadcast %gt3A_275 : i32 to vector<16xi32>
      %gt3A_277 = arith.cmpi sgt, %convert_element_type3A_237, %gt3A_276 : vector<16xi32>
      %or3A_278 = arith.ori %or3A_274, %gt3A_277 : vector<16xi1>
      %gt3A_279 = arith.constant 511 : i32
      %gt3A_280 = vector.broadcast %gt3A_279 : i32 to vector<16xi32>
      %gt3A_281 = arith.cmpi sgt, %convert_element_type3A_250, %gt3A_280 : vector<16xi32>
      %or3A_282 = arith.ori %or3A_278, %gt3A_281 : vector<16xi1>
      %gt3A_283 = arith.constant 255 : i32
      %gt3A_284 = vector.broadcast %gt3A_283 : i32 to vector<16xi32>
      %gt3A_285 = arith.cmpi sgt, %convert_element_type3A_263, %gt3A_284 : vector<16xi32>
      %or3A_286 = arith.ori %or3A_282, %gt3A_285 : vector<16xi1>
      %mul3A_287 = arith.constant 131072 : i32
      %mul3A_288 = vector.broadcast %mul3A_287 : i32 to vector<16xi32>
      %mul3A_289 = arith.muli %convert_element_type3A_237, %mul3A_288 : vector<16xi32>
      %shift_right_arithmetic3A_290 = arith.constant 3 : i32
      %shift_right_arithmetic3A_291 = vector.broadcast %shift_right_arithmetic3A_290 : i32 to vector<16xi32>
      %shift_right_arithmetic3A_292 = arith.shrsi %convert_element_type3A_250, %shift_right_arithmetic3A_291 : vector<16xi32>
      %mul3A_293 = arith.constant 2048 : i32
      %mul3A_294 = vector.broadcast %mul3A_293 : i32 to vector<16xi32>
      %mul3A_295 = arith.muli %shift_right_arithmetic3A_292, %mul3A_294 : vector<16xi32>
      %add3A_296 = arith.addi %mul3A_289, %mul3A_295 : vector<16xi32>
      %shift_right_arithmetic3A_297 = arith.constant 7 : i32
      %shift_right_arithmetic3A_298 = vector.broadcast %shift_right_arithmetic3A_297 : i32 to vector<16xi32>
      %shift_right_arithmetic3A_299 = arith.shrsi %convert_element_type3A_263, %shift_right_arithmetic3A_298 : vector<16xi32>
      %mul3A_300 = arith.constant 1024 : i32
      %mul3A_301 = vector.broadcast %mul3A_300 : i32 to vector<16xi32>
      %mul3A_302 = arith.muli %shift_right_arithmetic3A_299, %mul3A_301 : vector<16xi32>
      %add3A_303 = arith.addi %add3A_296, %mul3A_302 : vector<16xi32>
      %and3A_304 = arith.constant 7 : i32
      %and3A_305 = vector.broadcast %and3A_304 : i32 to vector<16xi32>
      %and3A_306 = arith.andi %convert_element_type3A_250, %and3A_305 : vector<16xi32>
      %mul3A_307 = arith.constant 128 : i32
      %mul3A_308 = vector.broadcast %mul3A_307 : i32 to vector<16xi32>
      %mul3A_309 = arith.muli %and3A_306, %mul3A_308 : vector<16xi32>
      %add3A_310 = arith.addi %add3A_303, %mul3A_309 : vector<16xi32>
      %and3A_311 = arith.constant 127 : i32
      %and3A_312 = vector.broadcast %and3A_311 : i32 to vector<16xi32>
      %and3A_313 = arith.andi %convert_element_type3A_263, %and3A_312 : vector<16xi32>
      %add3A_314 = arith.addi %add3A_310, %and3A_313 : vector<16xi32>
      %jit3A_315 = arith.constant 0 : i32
      %broadcast_in_dim3A_316 = vector.broadcast %jit3A_315 : i32 to vector<16xi32>
      %select_n3A_317 = arith.select %or3A_286, %broadcast_in_dim3A_316, %add3A_314 : vector<16xi1>, vector<16xi32>
      %swap3A_318 = arith.index_cast %add3A_215 : i32 to index
      %swap3A_319 = tpu.vector_load %arg12[%swap3A_318] {strides = array<i32>} : memref<8192xi32, #tpu.memory_space<vmem>>, vector<16xi32>,
      %swap3A_320 = vector.shape_cast %swap3A_319 : vector<16xi32> to vector<16xi32>
      %swap3A_321 = vector.shape_cast %select_n3A_317 : vector<16xi32> to vector<16xi32>
      tpu.vector_store %arg12[%swap3A_318], %swap3A_321 {strides = array<i32>} : memref<8192xi32, #tpu.memory_space<vmem>>, vector<16xi32>,
      %jit3A_322 = arith.constant 0.000000e+00 : f32
      %jit3A_323 = arith.constant 1.000000e+00 : f32
      %broadcast_in_dim3A_324 = vector.broadcast %jit3A_322 : f32 to vector<16xf32>
      %broadcast_in_dim3A_325 = vector.broadcast %jit3A_323 : f32 to vector<16xf32>
      %select_n3A_326 = arith.select %or3A_286, %broadcast_in_dim3A_324, %broadcast_in_dim3A_325 : vector<16xi1>, vector<16xf32>
      %swap3A_327 = arith.index_cast %add3A_215 : i32 to index
      %swap3A_328 = tpu.vector_load %arg13[%swap3A_327] {strides = array<i32>} : memref<8192xf32, #tpu.memory_space<vmem>>, vector<16xf32>,
      %swap3A_329 = vector.shape_cast %swap3A_328 : vector<16xf32> to vector<16xf32>
      %swap3A_330 = vector.shape_cast %select_n3A_326 : vector<16xf32> to vector<16xf32>
      tpu.vector_store %arg13[%swap3A_327], %swap3A_330 {strides = array<i32>} : memref<8192xf32, #tpu.memory_space<vmem>>, vector<16xf32>,
      %mul3A_331 = arith.constant 128 : i32
      %mul3A_332 = arith.muli %scan3A_102, %mul3A_331 : i32
      %add3A_333 = arith.constant 32 : i32
      %add3A_334 = arith.addi %mul3A_332, %add3A_333 : i32
      %get3A_335 = arith.index_cast %add3A_334 : i32 to index
      %get3A_336 = tpu.vector_load %arg8[%get3A_335] {strides = array<i32>} : memref<8192xf32, #tpu.memory_space<vmem>>, vector<16xf32>,
      %get3A_337 = vector.shape_cast %get3A_336 : vector<16xf32> to vector<16xf32>
      %get3A_338 = arith.index_cast %add3A_334 : i32 to index
      %get3A_339 = tpu.vector_load %arg9[%get3A_338] {strides = array<i32>} : memref<8192xf32, #tpu.memory_space<vmem>>, vector<16xf32>,
      %get3A_340 = vector.shape_cast %get3A_339 : vector<16xf32> to vector<16xf32>
      %get3A_341 = arith.index_cast %add3A_334 : i32 to index
      %get3A_342 = tpu.vector_load %arg10[%get3A_341] {strides = array<i32>} : memref<8192xf32, #tpu.memory_space<vmem>>, vector<16xf32>,
      %get3A_343 = vector.shape_cast %get3A_342 : vector<16xf32> to vector<16xf32>
      %get3A_344 = arith.constant 0 : i32
      %get3A_345 = arith.index_cast %get3A_344 : i32 to index
      %get3A_346 = arith.constant 0 : index
      %get3A_347 = tpu.vector_load %arg11[%get3A_345, %get3A_346] {strides = array<i32>} : memref<6x16xf32, #tpu.memory_space<vmem>>, vector<1x16xf32>,
      %get3A_348 = vector.shape_cast %get3A_347 : vector<1x16xf32> to vector<16xf32>
      %add3A_349 = arith.addf %get3A_337, %get3A_348 : vector<16xf32>
      %get3A_350 = arith.constant 3 : i32
      %get3A_351 = arith.index_cast %get3A_350 : i32 to index
      %get3A_352 = arith.constant 0 : index
      %get3A_353 = tpu.vector_load %arg11[%get3A_351, %get3A_352] {strides = array<i32>} : memref<6x16xf32, #tpu.memory_space<vmem>>, vector<1x16xf32>,
      %get3A_354 = vector.shape_cast %get3A_353 : vector<1x16xf32> to vector<16xf32>
      %mul3A_355 = arith.mulf %add3A_349, %get3A_354 : vector<16xf32>
      %convert_element_type3A_356 = arith.fptosi %mul3A_355 : vector<16xf32> to vector<16xi32>
      %get3A_357 = arith.constant 1 : i32
      %get3A_358 = arith.index_cast %get3A_357 : i32 to index
      %get3A_359 = arith.constant 0 : index
      %get3A_360 = tpu.vector_load %arg11[%get3A_358, %get3A_359] {strides = array<i32>} : memref<6x16xf32, #tpu.memory_space<vmem>>, vector<1x16xf32>,
      %get3A_361 = vector.shape_cast %get3A_360 : vector<1x16xf32> to vector<16xf32>
      %add3A_362 = arith.addf %get3A_340, %get3A_361 : vector<16xf32>
      %get3A_363 = arith.constant 4 : i32
      %get3A_364 = arith.index_cast %get3A_363 : i32 to index
      %get3A_365 = arith.constant 0 : index
      %get3A_366 = tpu.vector_load %arg11[%get3A_364, %get3A_365] {strides = array<i32>} : memref<6x16xf32, #tpu.memory_space<vmem>>, vector<1x16xf32>,
      %get3A_367 = vector.shape_cast %get3A_366 : vector<1x16xf32> to vector<16xf32>
      %mul3A_368 = arith.mulf %add3A_362, %get3A_367 : vector<16xf32>
      %convert_element_type3A_369 = arith.fptosi %mul3A_368 : vector<16xf32> to vector<16xi32>
      %get3A_370 = arith.constant 2 : i32
      %get3A_371 = arith.index_cast %get3A_370 : i32 to index
      %get3A_372 = arith.constant 0 : index
      %get3A_373 = tpu.vector_load %arg11[%get3A_371, %get3A_372] {strides = array<i32>} : memref<6x16xf32, #tpu.memory_space<vmem>>, vector<1x16xf32>,
      %get3A_374 = vector.shape_cast %get3A_373 : vector<1x16xf32> to vector<16xf32>
      %add3A_375 = arith.addf %get3A_343, %get3A_374 : vector<16xf32>
      %get3A_376 = arith.constant 5 : i32
      %get3A_377 = arith.index_cast %get3A_376 : i32 to index
      %get3A_378 = arith.constant 0 : index
      %get3A_379 = tpu.vector_load %arg11[%get3A_377, %get3A_378] {strides = array<i32>} : memref<6x16xf32, #tpu.memory_space<vmem>>, vector<1x16xf32>,
      %get3A_380 = vector.shape_cast %get3A_379 : vector<1x16xf32> to vector<16xf32>
      %mul3A_381 = arith.mulf %add3A_375, %get3A_380 : vector<16xf32>
      %convert_element_type3A_382 = arith.fptosi %mul3A_381 : vector<16xf32> to vector<16xi32>
      %lt3A_383 = arith.constant 0 : i32
      %lt3A_384 = vector.broadcast %lt3A_383 : i32 to vector<16xi32>
      %lt3A_385 = arith.cmpi slt, %convert_element_type3A_356, %lt3A_384 : vector<16xi32>
      %lt3A_386 = arith.constant 0 : i32
      %lt3A_387 = vector.broadcast %lt3A_386 : i32 to vector<16xi32>
      %lt3A_388 = arith.cmpi slt, %convert_element_type3A_369, %lt3A_387 : vector<16xi32>
      %or3A_389 = arith.ori %lt3A_385, %lt3A_388 : vector<16xi1>
      %lt3A_390 = arith.constant 0 : i32
      %lt3A_391 = vector.broadcast %lt3A_390 : i32 to vector<16xi32>
      %lt3A_392 = arith.cmpi slt, %convert_element_type3A_382, %lt3A_391 : vector<16xi32>
      %or3A_393 = arith.ori %or3A_389, %lt3A_392 : vector<16xi1>
      %gt3A_394 = arith.constant 511 : i32
      %gt3A_395 = vector.broadcast %gt3A_394 : i32 to vector<16xi32>
      %gt3A_396 = arith.cmpi sgt, %convert_element_type3A_356, %gt3A_395 : vector<16xi32>
      %or3A_397 = arith.ori %or3A_393, %gt3A_396 : vector<16xi1>
      %gt3A_398 = arith.constant 511 : i32
      %gt3A_399 = vector.broadcast %gt3A_398 : i32 to vector<16xi32>
      %gt3A_400 = arith.cmpi sgt, %convert_element_type3A_369, %gt3A_399 : vector<16xi32>
      %or3A_401 = arith.ori %or3A_397, %gt3A_400 : vector<16xi1>
      %gt3A_402 = arith.constant 255 : i32
      %gt3A_403 = vector.broadcast %gt3A_402 : i32 to vector<16xi32>
      %gt3A_404 = arith.cmpi sgt, %convert_element_type3A_382, %gt3A_403 : vector<16xi32>
      %or3A_405 = arith.ori %or3A_401, %gt3A_404 : vector<16xi1>
      %mul3A_406 = arith.constant 131072 : i32
      %mul3A_407 = vector.broadcast %mul3A_406 : i32 to vector<16xi32>
      %mul3A_408 = arith.muli %convert_element_type3A_356, %mul3A_407 : vector<16xi32>
      %shift_right_arithmetic3A_409 = arith.constant 3 : i32
      %shift_right_arithmetic3A_410 = vector.broadcast %shift_right_arithmetic3A_409 : i32 to vector<16xi32>
      %shift_right_arithmetic3A_411 = arith.shrsi %convert_element_type3A_369, %shift_right_arithmetic3A_410 : vector<16xi32>
      %mul3A_412 = arith.constant 2048 : i32
      %mul3A_413 = vector.broadcast %mul3A_412 : i32 to vector<16xi32>
      %mul3A_414 = arith.muli %shift_right_arithmetic3A_411, %mul3A_413 : vector<16xi32>
      %add3A_415 = arith.addi %mul3A_408, %mul3A_414 : vector<16xi32>
      %shift_right_arithmetic3A_416 = arith.constant 7 : i32
      %shift_right_arithmetic3A_417 = vector.broadcast %shift_right_arithmetic3A_416 : i32 to vector<16xi32>
      %shift_right_arithmetic3A_418 = arith.shrsi %convert_element_type3A_382, %shift_right_arithmetic3A_417 : vector<16xi32>
      %mul3A_419 = arith.constant 1024 : i32
      %mul3A_420 = vector.broadcast %mul3A_419 : i32 to vector<16xi32>
      %mul3A_421 = arith.muli %shift_right_arithmetic3A_418, %mul3A_420 : vector<16xi32>
      %add3A_422 = arith.addi %add3A_415, %mul3A_421 : vector<16xi32>
      %and3A_423 = arith.constant 7 : i32
      %and3A_424 = vector.broadcast %and3A_423 : i32 to vector<16xi32>
      %and3A_425 = arith.andi %convert_element_type3A_369, %and3A_424 : vector<16xi32>
      %mul3A_426 = arith.constant 128 : i32
      %mul3A_427 = vector.broadcast %mul3A_426 : i32 to vector<16xi32>
      %mul3A_428 = arith.muli %and3A_425, %mul3A_427 : vector<16xi32>
      %add3A_429 = arith.addi %add3A_422, %mul3A_428 : vector<16xi32>
      %and3A_430 = arith.constant 127 : i32
      %and3A_431 = vector.broadcast %and3A_430 : i32 to vector<16xi32>
      %and3A_432 = arith.andi %convert_element_type3A_382, %and3A_431 : vector<16xi32>
      %add3A_433 = arith.addi %add3A_429, %and3A_432 : vector<16xi32>
      %jit3A_434 = arith.constant 0 : i32
      %broadcast_in_dim3A_435 = vector.broadcast %jit3A_434 : i32 to vector<16xi32>
      %select_n3A_436 = arith.select %or3A_405, %broadcast_in_dim3A_435, %add3A_433 : vector<16xi1>, vector<16xi32>
      %swap3A_437 = arith.index_cast %add3A_334 : i32 to index
      %swap3A_438 = tpu.vector_load %arg12[%swap3A_437] {strides = array<i32>} : memref<8192xi32, #tpu.memory_space<vmem>>, vector<16xi32>,
      %swap3A_439 = vector.shape_cast %swap3A_438 : vector<16xi32> to vector<16xi32>
      %swap3A_440 = vector.shape_cast %select_n3A_436 : vector<16xi32> to vector<16xi32>
      tpu.vector_store %arg12[%swap3A_437], %swap3A_440 {strides = array<i32>} : memref<8192xi32, #tpu.memory_space<vmem>>, vector<16xi32>,
      %jit3A_441 = arith.constant 0.000000e+00 : f32
      %jit3A_442 = arith.constant 1.000000e+00 : f32
      %broadcast_in_dim3A_443 = vector.broadcast %jit3A_441 : f32 to vector<16xf32>
      %broadcast_in_dim3A_444 = vector.broadcast %jit3A_442 : f32 to vector<16xf32>
      %select_n3A_445 = arith.select %or3A_405, %broadcast_in_dim3A_443, %broadcast_in_dim3A_444 : vector<16xi1>, vector<16xf32>
      %swap3A_446 = arith.index_cast %add3A_334 : i32 to index
      %swap3A_447 = tpu.vector_load %arg13[%swap3A_446] {strides = array<i32>} : memref<8192xf32, #tpu.memory_space<vmem>>, vector<16xf32>,
      %swap3A_448 = vector.shape_cast %swap3A_447 : vector<16xf32> to vector<16xf32>
      %swap3A_449 = vector.shape_cast %select_n3A_445 : vector<16xf32> to vector<16xf32>
      tpu.vector_store %arg13[%swap3A_446], %swap3A_449 {strides = array<i32>} : memref<8192xf32, #tpu.memory_space<vmem>>, vector<16xf32>,
      %mul3A_450 = arith.constant 128 : i32
      %mul3A_451 = arith.muli %scan3A_102, %mul3A_450 : i32
      %add3A_452 = arith.constant 48 : i32
      %add3A_453 = arith.addi %mul3A_451, %add3A_452 : i32
      %get3A_454 = arith.index_cast %add3A_453 : i32 to index
      %get3A_455 = tpu.vector_load %arg8[%get3A_454] {strides = array<i32>} : memref<8192xf32, #tpu.memory_space<vmem>>, vector<16xf32>,
      %get3A_456 = vector.shape_cast %get3A_455 : vector<16xf32> to vector<16xf32>
      %get3A_457 = arith.index_cast %add3A_453 : i32 to index
      %get3A_458 = tpu.vector_load %arg9[%get3A_457] {strides = array<i32>} : memref<8192xf32, #tpu.memory_space<vmem>>, vector<16xf32>,
      %get3A_459 = vector.shape_cast %get3A_458 : vector<16xf32> to vector<16xf32>
      %get3A_460 = arith.index_cast %add3A_453 : i32 to index
      %get3A_461 = tpu.vector_load %arg10[%get3A_460] {strides = array<i32>} : memref<8192xf32, #tpu.memory_space<vmem>>, vector<16xf32>,
      %get3A_462 = vector.shape_cast %get3A_461 : vector<16xf32> to vector<16xf32>
      %get3A_463 = arith.constant 0 : i32
      %get3A_464 = arith.index_cast %get3A_463 : i32 to index
      %get3A_465 = arith.constant 0 : index
      %get3A_466 = tpu.vector_load %arg11[%get3A_464, %get3A_465] {strides = array<i32>} : memref<6x16xf32, #tpu.memory_space<vmem>>, vector<1x16xf32>,
      %get3A_467 = vector.shape_cast %get3A_466 : vector<1x16xf32> to vector<16xf32>
      %add3A_468 = arith.addf %get3A_456, %get3A_467 : vector<16xf32>
      %get3A_469 = arith.constant 3 : i32
      %get3A_470 = arith.index_cast %get3A_469 : i32 to index
      %get3A_471 = arith.constant 0 : index
      %get3A_472 = tpu.vector_load %arg11[%get3A_470, %get3A_471] {strides = array<i32>} : memref<6x16xf32, #tpu.memory_space<vmem>>, vector<1x16xf32>,
      %get3A_473 = vector.shape_cast %get3A_472 : vector<1x16xf32> to vector<16xf32>
      %mul3A_474 = arith.mulf %add3A_468, %get3A_473 : vector<16xf32>
      %convert_element_type3A_475 = arith.fptosi %mul3A_474 : vector<16xf32> to vector<16xi32>
      %get3A_476 = arith.constant 1 : i32
      %get3A_477 = arith.index_cast %get3A_476 : i32 to index
      %get3A_478 = arith.constant 0 : index
      %get3A_479 = tpu.vector_load %arg11[%get3A_477, %get3A_478] {strides = array<i32>} : memref<6x16xf32, #tpu.memory_space<vmem>>, vector<1x16xf32>,
      %get3A_480 = vector.shape_cast %get3A_479 : vector<1x16xf32> to vector<16xf32>
      %add3A_481 = arith.addf %get3A_459, %get3A_480 : vector<16xf32>
      %get3A_482 = arith.constant 4 : i32
      %get3A_483 = arith.index_cast %get3A_482 : i32 to index
      %get3A_484 = arith.constant 0 : index
      %get3A_485 = tpu.vector_load %arg11[%get3A_483, %get3A_484] {strides = array<i32>} : memref<6x16xf32, #tpu.memory_space<vmem>>, vector<1x16xf32>,
      %get3A_486 = vector.shape_cast %get3A_485 : vector<1x16xf32> to vector<16xf32>
      %mul3A_487 = arith.mulf %add3A_481, %get3A_486 : vector<16xf32>
      %convert_element_type3A_488 = arith.fptosi %mul3A_487 : vector<16xf32> to vector<16xi32>
      %get3A_489 = arith.constant 2 : i32
      %get3A_490 = arith.index_cast %get3A_489 : i32 to index
      %get3A_491 = arith.constant 0 : index
      %get3A_492 = tpu.vector_load %arg11[%get3A_490, %get3A_491] {strides = array<i32>} : memref<6x16xf32, #tpu.memory_space<vmem>>, vector<1x16xf32>,
      %get3A_493 = vector.shape_cast %get3A_492 : vector<1x16xf32> to vector<16xf32>
      %add3A_494 = arith.addf %get3A_462, %get3A_493 : vector<16xf32>
      %get3A_495 = arith.constant 5 : i32
      %get3A_496 = arith.index_cast %get3A_495 : i32 to index
      %get3A_497 = arith.constant 0 : index
      %get3A_498 = tpu.vector_load %arg11[%get3A_496, %get3A_497] {strides = array<i32>} : memref<6x16xf32, #tpu.memory_space<vmem>>, vector<1x16xf32>,
      %get3A_499 = vector.shape_cast %get3A_498 : vector<1x16xf32> to vector<16xf32>
      %mul3A_500 = arith.mulf %add3A_494, %get3A_499 : vector<16xf32>
      %convert_element_type3A_501 = arith.fptosi %mul3A_500 : vector<16xf32> to vector<16xi32>
      %lt3A_502 = arith.constant 0 : i32
      %lt3A_503 = vector.broadcast %lt3A_502 : i32 to vector<16xi32>
      %lt3A_504 = arith.cmpi slt, %convert_element_type3A_475, %lt3A_503 : vector<16xi32>
      %lt3A_505 = arith.constant 0 : i32
      %lt3A_506 = vector.broadcast %lt3A_505 : i32 to vector<16xi32>
      %lt3A_507 = arith.cmpi slt, %convert_element_type3A_488, %lt3A_506 : vector<16xi32>
      %or3A_508 = arith.ori %lt3A_504, %lt3A_507 : vector<16xi1>
      %lt3A_509 = arith.constant 0 : i32
      %lt3A_510 = vector.broadcast %lt3A_509 : i32 to vector<16xi32>
      %lt3A_511 = arith.cmpi slt, %convert_element_type3A_501, %lt3A_510 : vector<16xi32>
      %or3A_512 = arith.ori %or3A_508, %lt3A_511 : vector<16xi1>
      %gt3A_513 = arith.constant 511 : i32
      %gt3A_514 = vector.broadcast %gt3A_513 : i32 to vector<16xi32>
      %gt3A_515 = arith.cmpi sgt, %convert_element_type3A_475, %gt3A_514 : vector<16xi32>
      %or3A_516 = arith.ori %or3A_512, %gt3A_515 : vector<16xi1>
      %gt3A_517 = arith.constant 511 : i32
      %gt3A_518 = vector.broadcast %gt3A_517 : i32 to vector<16xi32>
      %gt3A_519 = arith.cmpi sgt, %convert_element_type3A_488, %gt3A_518 : vector<16xi32>
      %or3A_520 = arith.ori %or3A_516, %gt3A_519 : vector<16xi1>
      %gt3A_521 = arith.constant 255 : i32
      %gt3A_522 = vector.broadcast %gt3A_521 : i32 to vector<16xi32>
      %gt3A_523 = arith.cmpi sgt, %convert_element_type3A_501, %gt3A_522 : vector<16xi32>
      %or3A_524 = arith.ori %or3A_520, %gt3A_523 : vector<16xi1>
      %mul3A_525 = arith.constant 131072 : i32
      %mul3A_526 = vector.broadcast %mul3A_525 : i32 to vector<16xi32>
      %mul3A_527 = arith.muli %convert_element_type3A_475, %mul3A_526 : vector<16xi32>
      %shift_right_arithmetic3A_528 = arith.constant 3 : i32
      %shift_right_arithmetic3A_529 = vector.broadcast %shift_right_arithmetic3A_528 : i32 to vector<16xi32>
      %shift_right_arithmetic3A_530 = arith.shrsi %convert_element_type3A_488, %shift_right_arithmetic3A_529 : vector<16xi32>
      %mul3A_531 = arith.constant 2048 : i32
      %mul3A_532 = vector.broadcast %mul3A_531 : i32 to vector<16xi32>
      %mul3A_533 = arith.muli %shift_right_arithmetic3A_530, %mul3A_532 : vector<16xi32>
      %add3A_534 = arith.addi %mul3A_527, %mul3A_533 : vector<16xi32>
      %shift_right_arithmetic3A_535 = arith.constant 7 : i32
      %shift_right_arithmetic3A_536 = vector.broadcast %shift_right_arithmetic3A_535 : i32 to vector<16xi32>
      %shift_right_arithmetic3A_537 = arith.shrsi %convert_element_type3A_501, %shift_right_arithmetic3A_536 : vector<16xi32>
      %mul3A_538 = arith.constant 1024 : i32
      %mul3A_539 = vector.broadcast %mul3A_538 : i32 to vector<16xi32>
      %mul3A_540 = arith.muli %shift_right_arithmetic3A_537, %mul3A_539 : vector<16xi32>
      %add3A_541 = arith.addi %add3A_534, %mul3A_540 : vector<16xi32>
      %and3A_542 = arith.constant 7 : i32
      %and3A_543 = vector.broadcast %and3A_542 : i32 to vector<16xi32>
      %and3A_544 = arith.andi %convert_element_type3A_488, %and3A_543 : vector<16xi32>
      %mul3A_545 = arith.constant 128 : i32
      %mul3A_546 = vector.broadcast %mul3A_545 : i32 to vector<16xi32>
      %mul3A_547 = arith.muli %and3A_544, %mul3A_546 : vector<16xi32>
      %add3A_548 = arith.addi %add3A_541, %mul3A_547 : vector<16xi32>
      %and3A_549 = arith.constant 127 : i32
      %and3A_550 = vector.broadcast %and3A_549 : i32 to vector<16xi32>
      %and3A_551 = arith.andi %convert_element_type3A_501, %and3A_550 : vector<16xi32>
      %add3A_552 = arith.addi %add3A_548, %and3A_551 : vector<16xi32>
      %jit3A_553 = arith.constant 0 : i32
      %broadcast_in_dim3A_554 = vector.broadcast %jit3A_553 : i32 to vector<16xi32>
      %select_n3A_555 = arith.select %or3A_524, %broadcast_in_dim3A_554, %add3A_552 : vector<16xi1>, vector<16xi32>
      %swap3A_556 = arith.index_cast %add3A_453 : i32 to index
      %swap3A_557 = tpu.vector_load %arg12[%swap3A_556] {strides = array<i32>} : memref<8192xi32, #tpu.memory_space<vmem>>, vector<16xi32>,
      %swap3A_558 = vector.shape_cast %swap3A_557 : vector<16xi32> to vector<16xi32>
      %swap3A_559 = vector.shape_cast %select_n3A_555 : vector<16xi32> to vector<16xi32>
      tpu.vector_store %arg12[%swap3A_556], %swap3A_559 {strides = array<i32>} : memref<8192xi32, #tpu.memory_space<vmem>>, vector<16xi32>,
      %jit3A_560 = arith.constant 0.000000e+00 : f32
      %jit3A_561 = arith.constant 1.000000e+00 : f32
      %broadcast_in_dim3A_562 = vector.broadcast %jit3A_560 : f32 to vector<16xf32>
      %broadcast_in_dim3A_563 = vector.broadcast %jit3A_561 : f32 to vector<16xf32>
      %select_n3A_564 = arith.select %or3A_524, %broadcast_in_dim3A_562, %broadcast_in_dim3A_563 : vector<16xi1>, vector<16xf32>
      %swap3A_565 = arith.index_cast %add3A_453 : i32 to index
      %swap3A_566 = tpu.vector_load %arg13[%swap3A_565] {strides = array<i32>} : memref<8192xf32, #tpu.memory_space<vmem>>, vector<16xf32>,
      %swap3A_567 = vector.shape_cast %swap3A_566 : vector<16xf32> to vector<16xf32>
      %swap3A_568 = vector.shape_cast %select_n3A_564 : vector<16xf32> to vector<16xf32>
      tpu.vector_store %arg13[%swap3A_565], %swap3A_568 {strides = array<i32>} : memref<8192xf32, #tpu.memory_space<vmem>>, vector<16xf32>,
      %mul3A_569 = arith.constant 128 : i32
      %mul3A_570 = arith.muli %scan3A_102, %mul3A_569 : i32
      %add3A_571 = arith.constant 64 : i32
      %add3A_572 = arith.addi %mul3A_570, %add3A_571 : i32
      %get3A_573 = arith.index_cast %add3A_572 : i32 to index
      %get3A_574 = tpu.vector_load %arg8[%get3A_573] {strides = array<i32>} : memref<8192xf32, #tpu.memory_space<vmem>>, vector<16xf32>,
      %get3A_575 = vector.shape_cast %get3A_574 : vector<16xf32> to vector<16xf32>
      %get3A_576 = arith.index_cast %add3A_572 : i32 to index
      %get3A_577 = tpu.vector_load %arg9[%get3A_576] {strides = array<i32>} : memref<8192xf32, #tpu.memory_space<vmem>>, vector<16xf32>,
      %get3A_578 = vector.shape_cast %get3A_577 : vector<16xf32> to vector<16xf32>
      %get3A_579 = arith.index_cast %add3A_572 : i32 to index
      %get3A_580 = tpu.vector_load %arg10[%get3A_579] {strides = array<i32>} : memref<8192xf32, #tpu.memory_space<vmem>>, vector<16xf32>,
      %get3A_581 = vector.shape_cast %get3A_580 : vector<16xf32> to vector<16xf32>
      %get3A_582 = arith.constant 0 : i32
      %get3A_583 = arith.index_cast %get3A_582 : i32 to index
      %get3A_584 = arith.constant 0 : index
      %get3A_585 = tpu.vector_load %arg11[%get3A_583, %get3A_584] {strides = array<i32>} : memref<6x16xf32, #tpu.memory_space<vmem>>, vector<1x16xf32>,
      %get3A_586 = vector.shape_cast %get3A_585 : vector<1x16xf32> to vector<16xf32>
      %add3A_587 = arith.addf %get3A_575, %get3A_586 : vector<16xf32>
      %get3A_588 = arith.constant 3 : i32
      %get3A_589 = arith.index_cast %get3A_588 : i32 to index
      %get3A_590 = arith.constant 0 : index
      %get3A_591 = tpu.vector_load %arg11[%get3A_589, %get3A_590] {strides = array<i32>} : memref<6x16xf32, #tpu.memory_space<vmem>>, vector<1x16xf32>,
      %get3A_592 = vector.shape_cast %get3A_591 : vector<1x16xf32> to vector<16xf32>
      %mul3A_593 = arith.mulf %add3A_587, %get3A_592 : vector<16xf32>
      %convert_element_type3A_594 = arith.fptosi %mul3A_593 : vector<16xf32> to vector<16xi32>
      %get3A_595 = arith.constant 1 : i32
      %get3A_596 = arith.index_cast %get3A_595 : i32 to index
      %get3A_597 = arith.constant 0 : index
      %get3A_598 = tpu.vector_load %arg11[%get3A_596, %get3A_597] {strides = array<i32>} : memref<6x16xf32, #tpu.memory_space<vmem>>, vector<1x16xf32>,
      %get3A_599 = vector.shape_cast %get3A_598 : vector<1x16xf32> to vector<16xf32>
      %add3A_600 = arith.addf %get3A_578, %get3A_599 : vector<16xf32>
      %get3A_601 = arith.constant 4 : i32
      %get3A_602 = arith.index_cast %get3A_601 : i32 to index
      %get3A_603 = arith.constant 0 : index
      %get3A_604 = tpu.vector_load %arg11[%get3A_602, %get3A_603] {strides = array<i32>} : memref<6x16xf32, #tpu.memory_space<vmem>>, vector<1x16xf32>,
      %get3A_605 = vector.shape_cast %get3A_604 : vector<1x16xf32> to vector<16xf32>
      %mul3A_606 = arith.mulf %add3A_600, %get3A_605 : vector<16xf32>
      %convert_element_type3A_607 = arith.fptosi %mul3A_606 : vector<16xf32> to vector<16xi32>
      %get3A_608 = arith.constant 2 : i32
      %get3A_609 = arith.index_cast %get3A_608 : i32 to index
      %get3A_610 = arith.constant 0 : index
      %get3A_611 = tpu.vector_load %arg11[%get3A_609, %get3A_610] {strides = array<i32>} : memref<6x16xf32, #tpu.memory_space<vmem>>, vector<1x16xf32>,
      %get3A_612 = vector.shape_cast %get3A_611 : vector<1x16xf32> to vector<16xf32>
      %add3A_613 = arith.addf %get3A_581, %get3A_612 : vector<16xf32>
      %get3A_614 = arith.constant 5 : i32
      %get3A_615 = arith.index_cast %get3A_614 : i32 to index
      %get3A_616 = arith.constant 0 : index
      %get3A_617 = tpu.vector_load %arg11[%get3A_615, %get3A_616] {strides = array<i32>} : memref<6x16xf32, #tpu.memory_space<vmem>>, vector<1x16xf32>,
      %get3A_618 = vector.shape_cast %get3A_617 : vector<1x16xf32> to vector<16xf32>
      %mul3A_619 = arith.mulf %add3A_613, %get3A_618 : vector<16xf32>
      %convert_element_type3A_620 = arith.fptosi %mul3A_619 : vector<16xf32> to vector<16xi32>
      %lt3A_621 = arith.constant 0 : i32
      %lt3A_622 = vector.broadcast %lt3A_621 : i32 to vector<16xi32>
      %lt3A_623 = arith.cmpi slt, %convert_element_type3A_594, %lt3A_622 : vector<16xi32>
      %lt3A_624 = arith.constant 0 : i32
      %lt3A_625 = vector.broadcast %lt3A_624 : i32 to vector<16xi32>
      %lt3A_626 = arith.cmpi slt, %convert_element_type3A_607, %lt3A_625 : vector<16xi32>
      %or3A_627 = arith.ori %lt3A_623, %lt3A_626 : vector<16xi1>
      %lt3A_628 = arith.constant 0 : i32
      %lt3A_629 = vector.broadcast %lt3A_628 : i32 to vector<16xi32>
      %lt3A_630 = arith.cmpi slt, %convert_element_type3A_620, %lt3A_629 : vector<16xi32>
      %or3A_631 = arith.ori %or3A_627, %lt3A_630 : vector<16xi1>
      %gt3A_632 = arith.constant 511 : i32
      %gt3A_633 = vector.broadcast %gt3A_632 : i32 to vector<16xi32>
      %gt3A_634 = arith.cmpi sgt, %convert_element_type3A_594, %gt3A_633 : vector<16xi32>
      %or3A_635 = arith.ori %or3A_631, %gt3A_634 : vector<16xi1>
      %gt3A_636 = arith.constant 511 : i32
      %gt3A_637 = vector.broadcast %gt3A_636 : i32 to vector<16xi32>
      %gt3A_638 = arith.cmpi sgt, %convert_element_type3A_607, %gt3A_637 : vector<16xi32>
      %or3A_639 = arith.ori %or3A_635, %gt3A_638 : vector<16xi1>
      %gt3A_640 = arith.constant 255 : i32
      %gt3A_641 = vector.broadcast %gt3A_640 : i32 to vector<16xi32>
      %gt3A_642 = arith.cmpi sgt, %convert_element_type3A_620, %gt3A_641 : vector<16xi32>
      %or3A_643 = arith.ori %or3A_639, %gt3A_642 : vector<16xi1>
      %mul3A_644 = arith.constant 131072 : i32
      %mul3A_645 = vector.broadcast %mul3A_644 : i32 to vector<16xi32>
      %mul3A_646 = arith.muli %convert_element_type3A_594, %mul3A_645 : vector<16xi32>
      %shift_right_arithmetic3A_647 = arith.constant 3 : i32
      %shift_right_arithmetic3A_648 = vector.broadcast %shift_right_arithmetic3A_647 : i32 to vector<16xi32>
      %shift_right_arithmetic3A_649 = arith.shrsi %convert_element_type3A_607, %shift_right_arithmetic3A_648 : vector<16xi32>
      %mul3A_650 = arith.constant 2048 : i32
      %mul3A_651 = vector.broadcast %mul3A_650 : i32 to vector<16xi32>
      %mul3A_652 = arith.muli %shift_right_arithmetic3A_649, %mul3A_651 : vector<16xi32>
      %add3A_653 = arith.addi %mul3A_646, %mul3A_652 : vector<16xi32>
      %shift_right_arithmetic3A_654 = arith.constant 7 : i32
      %shift_right_arithmetic3A_655 = vector.broadcast %shift_right_arithmetic3A_654 : i32 to vector<16xi32>
      %shift_right_arithmetic3A_656 = arith.shrsi %convert_element_type3A_620, %shift_right_arithmetic3A_655 : vector<16xi32>
      %mul3A_657 = arith.constant 1024 : i32
      %mul3A_658 = vector.broadcast %mul3A_657 : i32 to vector<16xi32>
      %mul3A_659 = arith.muli %shift_right_arithmetic3A_656, %mul3A_658 : vector<16xi32>
      %add3A_660 = arith.addi %add3A_653, %mul3A_659 : vector<16xi32>
      %and3A_661 = arith.constant 7 : i32
      %and3A_662 = vector.broadcast %and3A_661 : i32 to vector<16xi32>
      %and3A_663 = arith.andi %convert_element_type3A_607, %and3A_662 : vector<16xi32>
      %mul3A_664 = arith.constant 128 : i32
      %mul3A_665 = vector.broadcast %mul3A_664 : i32 to vector<16xi32>
      %mul3A_666 = arith.muli %and3A_663, %mul3A_665 : vector<16xi32>
      %add3A_667 = arith.addi %add3A_660, %mul3A_666 : vector<16xi32>
      %and3A_668 = arith.constant 127 : i32
      %and3A_669 = vector.broadcast %and3A_668 : i32 to vector<16xi32>
      %and3A_670 = arith.andi %convert_element_type3A_620, %and3A_669 : vector<16xi32>
      %add3A_671 = arith.addi %add3A_667, %and3A_670 : vector<16xi32>
      %jit3A_672 = arith.constant 0 : i32
      %broadcast_in_dim3A_673 = vector.broadcast %jit3A_672 : i32 to vector<16xi32>
      %select_n3A_674 = arith.select %or3A_643, %broadcast_in_dim3A_673, %add3A_671 : vector<16xi1>, vector<16xi32>
      %swap3A_675 = arith.index_cast %add3A_572 : i32 to index
      %swap3A_676 = tpu.vector_load %arg12[%swap3A_675] {strides = array<i32>} : memref<8192xi32, #tpu.memory_space<vmem>>, vector<16xi32>,
      %swap3A_677 = vector.shape_cast %swap3A_676 : vector<16xi32> to vector<16xi32>
      %swap3A_678 = vector.shape_cast %select_n3A_674 : vector<16xi32> to vector<16xi32>
      tpu.vector_store %arg12[%swap3A_675], %swap3A_678 {strides = array<i32>} : memref<8192xi32, #tpu.memory_space<vmem>>, vector<16xi32>,
      %jit3A_679 = arith.constant 0.000000e+00 : f32
      %jit3A_680 = arith.constant 1.000000e+00 : f32
      %broadcast_in_dim3A_681 = vector.broadcast %jit3A_679 : f32 to vector<16xf32>
      %broadcast_in_dim3A_682 = vector.broadcast %jit3A_680 : f32 to vector<16xf32>
      %select_n3A_683 = arith.select %or3A_643, %broadcast_in_dim3A_681, %broadcast_in_dim3A_682 : vector<16xi1>, vector<16xf32>
      %swap3A_684 = arith.index_cast %add3A_572 : i32 to index
      %swap3A_685 = tpu.vector_load %arg13[%swap3A_684] {strides = array<i32>} : memref<8192xf32, #tpu.memory_space<vmem>>, vector<16xf32>,
      %swap3A_686 = vector.shape_cast %swap3A_685 : vector<16xf32> to vector<16xf32>
      %swap3A_687 = vector.shape_cast %select_n3A_683 : vector<16xf32> to vector<16xf32>
      tpu.vector_store %arg13[%swap3A_684], %swap3A_687 {strides = array<i32>} : memref<8192xf32, #tpu.memory_space<vmem>>, vector<16xf32>,
      %mul3A_688 = arith.constant 128 : i32
      %mul3A_689 = arith.muli %scan3A_102, %mul3A_688 : i32
      %add3A_690 = arith.constant 80 : i32
      %add3A_691 = arith.addi %mul3A_689, %add3A_690 : i32
      %get3A_692 = arith.index_cast %add3A_691 : i32 to index
      %get3A_693 = tpu.vector_load %arg8[%get3A_692] {strides = array<i32>} : memref<8192xf32, #tpu.memory_space<vmem>>, vector<16xf32>,
      %get3A_694 = vector.shape_cast %get3A_693 : vector<16xf32> to vector<16xf32>
      %get3A_695 = arith.index_cast %add3A_691 : i32 to index
      %get3A_696 = tpu.vector_load %arg9[%get3A_695] {strides = array<i32>} : memref<8192xf32, #tpu.memory_space<vmem>>, vector<16xf32>,
      %get3A_697 = vector.shape_cast %get3A_696 : vector<16xf32> to vector<16xf32>
      %get3A_698 = arith.index_cast %add3A_691 : i32 to index
      %get3A_699 = tpu.vector_load %arg10[%get3A_698] {strides = array<i32>} : memref<8192xf32, #tpu.memory_space<vmem>>, vector<16xf32>,
      %get3A_700 = vector.shape_cast %get3A_699 : vector<16xf32> to vector<16xf32>
      %get3A_701 = arith.constant 0 : i32
      %get3A_702 = arith.index_cast %get3A_701 : i32 to index
      %get3A_703 = arith.constant 0 : index
      %get3A_704 = tpu.vector_load %arg11[%get3A_702, %get3A_703] {strides = array<i32>} : memref<6x16xf32, #tpu.memory_space<vmem>>, vector<1x16xf32>,
      %get3A_705 = vector.shape_cast %get3A_704 : vector<1x16xf32> to vector<16xf32>
      %add3A_706 = arith.addf %get3A_694, %get3A_705 : vector<16xf32>
      %get3A_707 = arith.constant 3 : i32
      %get3A_708 = arith.index_cast %get3A_707 : i32 to index
      %get3A_709 = arith.constant 0 : index
      %get3A_710 = tpu.vector_load %arg11[%get3A_708, %get3A_709] {strides = array<i32>} : memref<6x16xf32, #tpu.memory_space<vmem>>, vector<1x16xf32>,
      %get3A_711 = vector.shape_cast %get3A_710 : vector<1x16xf32> to vector<16xf32>
      %mul3A_712 = arith.mulf %add3A_706, %get3A_711 : vector<16xf32>
      %convert_element_type3A_713 = arith.fptosi %mul3A_712 : vector<16xf32> to vector<16xi32>
      %get3A_714 = arith.constant 1 : i32
      %get3A_715 = arith.index_cast %get3A_714 : i32 to index
      %get3A_716 = arith.constant 0 : index
      %get3A_717 = tpu.vector_load %arg11[%get3A_715, %get3A_716] {strides = array<i32>} : memref<6x16xf32, #tpu.memory_space<vmem>>, vector<1x16xf32>,
      %get3A_718 = vector.shape_cast %get3A_717 : vector<1x16xf32> to vector<16xf32>
      %add3A_719 = arith.addf %get3A_697, %get3A_718 : vector<16xf32>
      %get3A_720 = arith.constant 4 : i32
      %get3A_721 = arith.index_cast %get3A_720 : i32 to index
      %get3A_722 = arith.constant 0 : index
      %get3A_723 = tpu.vector_load %arg11[%get3A_721, %get3A_722] {strides = array<i32>} : memref<6x16xf32, #tpu.memory_space<vmem>>, vector<1x16xf32>,
      %get3A_724 = vector.shape_cast %get3A_723 : vector<1x16xf32> to vector<16xf32>
      %mul3A_725 = arith.mulf %add3A_719, %get3A_724 : vector<16xf32>
      %convert_element_type3A_726 = arith.fptosi %mul3A_725 : vector<16xf32> to vector<16xi32>
      %get3A_727 = arith.constant 2 : i32
      %get3A_728 = arith.index_cast %get3A_727 : i32 to index
      %get3A_729 = arith.constant 0 : index
      %get3A_730 = tpu.vector_load %arg11[%get3A_728, %get3A_729] {strides = array<i32>} : memref<6x16xf32, #tpu.memory_space<vmem>>, vector<1x16xf32>,
      %get3A_731 = vector.shape_cast %get3A_730 : vector<1x16xf32> to vector<16xf32>
      %add3A_732 = arith.addf %get3A_700, %get3A_731 : vector<16xf32>
      %get3A_733 = arith.constant 5 : i32
      %get3A_734 = arith.index_cast %get3A_733 : i32 to index
      %get3A_735 = arith.constant 0 : index
      %get3A_736 = tpu.vector_load %arg11[%get3A_734, %get3A_735] {strides = array<i32>} : memref<6x16xf32, #tpu.memory_space<vmem>>, vector<1x16xf32>,
      %get3A_737 = vector.shape_cast %get3A_736 : vector<1x16xf32> to vector<16xf32>
      %mul3A_738 = arith.mulf %add3A_732, %get3A_737 : vector<16xf32>
      %convert_element_type3A_739 = arith.fptosi %mul3A_738 : vector<16xf32> to vector<16xi32>
      %lt3A_740 = arith.constant 0 : i32
      %lt3A_741 = vector.broadcast %lt3A_740 : i32 to vector<16xi32>
      %lt3A_742 = arith.cmpi slt, %convert_element_type3A_713, %lt3A_741 : vector<16xi32>
      %lt3A_743 = arith.constant 0 : i32
      %lt3A_744 = vector.broadcast %lt3A_743 : i32 to vector<16xi32>
      %lt3A_745 = arith.cmpi slt, %convert_element_type3A_726, %lt3A_744 : vector<16xi32>
      %or3A_746 = arith.ori %lt3A_742, %lt3A_745 : vector<16xi1>
      %lt3A_747 = arith.constant 0 : i32
      %lt3A_748 = vector.broadcast %lt3A_747 : i32 to vector<16xi32>
      %lt3A_749 = arith.cmpi slt, %convert_element_type3A_739, %lt3A_748 : vector<16xi32>
      %or3A_750 = arith.ori %or3A_746, %lt3A_749 : vector<16xi1>
      %gt3A_751 = arith.constant 511 : i32
      %gt3A_752 = vector.broadcast %gt3A_751 : i32 to vector<16xi32>
      %gt3A_753 = arith.cmpi sgt, %convert_element_type3A_713, %gt3A_752 : vector<16xi32>
      %or3A_754 = arith.ori %or3A_750, %gt3A_753 : vector<16xi1>
      %gt3A_755 = arith.constant 511 : i32
      %gt3A_756 = vector.broadcast %gt3A_755 : i32 to vector<16xi32>
      %gt3A_757 = arith.cmpi sgt, %convert_element_type3A_726, %gt3A_756 : vector<16xi32>
      %or3A_758 = arith.ori %or3A_754, %gt3A_757 : vector<16xi1>
      %gt3A_759 = arith.constant 255 : i32
      %gt3A_760 = vector.broadcast %gt3A_759 : i32 to vector<16xi32>
      %gt3A_761 = arith.cmpi sgt, %convert_element_type3A_739, %gt3A_760 : vector<16xi32>
      %or3A_762 = arith.ori %or3A_758, %gt3A_761 : vector<16xi1>
      %mul3A_763 = arith.constant 131072 : i32
      %mul3A_764 = vector.broadcast %mul3A_763 : i32 to vector<16xi32>
      %mul3A_765 = arith.muli %convert_element_type3A_713, %mul3A_764 : vector<16xi32>
      %shift_right_arithmetic3A_766 = arith.constant 3 : i32
      %shift_right_arithmetic3A_767 = vector.broadcast %shift_right_arithmetic3A_766 : i32 to vector<16xi32>
      %shift_right_arithmetic3A_768 = arith.shrsi %convert_element_type3A_726, %shift_right_arithmetic3A_767 : vector<16xi32>
      %mul3A_769 = arith.constant 2048 : i32
      %mul3A_770 = vector.broadcast %mul3A_769 : i32 to vector<16xi32>
      %mul3A_771 = arith.muli %shift_right_arithmetic3A_768, %mul3A_770 : vector<16xi32>
      %add3A_772 = arith.addi %mul3A_765, %mul3A_771 : vector<16xi32>
      %shift_right_arithmetic3A_773 = arith.constant 7 : i32
      %shift_right_arithmetic3A_774 = vector.broadcast %shift_right_arithmetic3A_773 : i32 to vector<16xi32>
      %shift_right_arithmetic3A_775 = arith.shrsi %convert_element_type3A_739, %shift_right_arithmetic3A_774 : vector<16xi32>
      %mul3A_776 = arith.constant 1024 : i32
      %mul3A_777 = vector.broadcast %mul3A_776 : i32 to vector<16xi32>
      %mul3A_778 = arith.muli %shift_right_arithmetic3A_775, %mul3A_777 : vector<16xi32>
      %add3A_779 = arith.addi %add3A_772, %mul3A_778 : vector<16xi32>
      %and3A_780 = arith.constant 7 : i32
      %and3A_781 = vector.broadcast %and3A_780 : i32 to vector<16xi32>
      %and3A_782 = arith.andi %convert_element_type3A_726, %and3A_781 : vector<16xi32>
      %mul3A_783 = arith.constant 128 : i32
      %mul3A_784 = vector.broadcast %mul3A_783 : i32 to vector<16xi32>
      %mul3A_785 = arith.muli %and3A_782, %mul3A_784 : vector<16xi32>
      %add3A_786 = arith.addi %add3A_779, %mul3A_785 : vector<16xi32>
      %and3A_787 = arith.constant 127 : i32
      %and3A_788 = vector.broadcast %and3A_787 : i32 to vector<16xi32>
      %and3A_789 = arith.andi %convert_element_type3A_739, %and3A_788 : vector<16xi32>
      %add3A_790 = arith.addi %add3A_786, %and3A_789 : vector<16xi32>
      %jit3A_791 = arith.constant 0 : i32
      %broadcast_in_dim3A_792 = vector.broadcast %jit3A_791 : i32 to vector<16xi32>
      %select_n3A_793 = arith.select %or3A_762, %broadcast_in_dim3A_792, %add3A_790 : vector<16xi1>, vector<16xi32>
      %swap3A_794 = arith.index_cast %add3A_691 : i32 to index
      %swap3A_795 = tpu.vector_load %arg12[%swap3A_794] {strides = array<i32>} : memref<8192xi32, #tpu.memory_space<vmem>>, vector<16xi32>,
      %swap3A_796 = vector.shape_cast %swap3A_795 : vector<16xi32> to vector<16xi32>
      %swap3A_797 = vector.shape_cast %select_n3A_793 : vector<16xi32> to vector<16xi32>
      tpu.vector_store %arg12[%swap3A_794], %swap3A_797 {strides = array<i32>} : memref<8192xi32, #tpu.memory_space<vmem>>, vector<16xi32>,
      %jit3A_798 = arith.constant 0.000000e+00 : f32
      %jit3A_799 = arith.constant 1.000000e+00 : f32
      %broadcast_in_dim3A_800 = vector.broadcast %jit3A_798 : f32 to vector<16xf32>
      %broadcast_in_dim3A_801 = vector.broadcast %jit3A_799 : f32 to vector<16xf32>
      %select_n3A_802 = arith.select %or3A_762, %broadcast_in_dim3A_800, %broadcast_in_dim3A_801 : vector<16xi1>, vector<16xf32>
      %swap3A_803 = arith.index_cast %add3A_691 : i32 to index
      %swap3A_804 = tpu.vector_load %arg13[%swap3A_803] {strides = array<i32>} : memref<8192xf32, #tpu.memory_space<vmem>>, vector<16xf32>,
      %swap3A_805 = vector.shape_cast %swap3A_804 : vector<16xf32> to vector<16xf32>
      %swap3A_806 = vector.shape_cast %select_n3A_802 : vector<16xf32> to vector<16xf32>
      tpu.vector_store %arg13[%swap3A_803], %swap3A_806 {strides = array<i32>} : memref<8192xf32, #tpu.memory_space<vmem>>, vector<16xf32>,
      %mul3A_807 = arith.constant 128 : i32
      %mul3A_808 = arith.muli %scan3A_102, %mul3A_807 : i32
      %add3A_809 = arith.constant 96 : i32
      %add3A_810 = arith.addi %mul3A_808, %add3A_809 : i32
      %get3A_811 = arith.index_cast %add3A_810 : i32 to index
      %get3A_812 = tpu.vector_load %arg8[%get3A_811] {strides = array<i32>} : memref<8192xf32, #tpu.memory_space<vmem>>, vector<16xf32>,
      %get3A_813 = vector.shape_cast %get3A_812 : vector<16xf32> to vector<16xf32>
      %get3A_814 = arith.index_cast %add3A_810 : i32 to index
      %get3A_815 = tpu.vector_load %arg9[%get3A_814] {strides = array<i32>} : memref<8192xf32, #tpu.memory_space<vmem>>, vector<16xf32>,
      %get3A_816 = vector.shape_cast %get3A_815 : vector<16xf32> to vector<16xf32>
      %get3A_817 = arith.index_cast %add3A_810 : i32 to index
      %get3A_818 = tpu.vector_load %arg10[%get3A_817] {strides = array<i32>} : memref<8192xf32, #tpu.memory_space<vmem>>, vector<16xf32>,
      %get3A_819 = vector.shape_cast %get3A_818 : vector<16xf32> to vector<16xf32>
      %get3A_820 = arith.constant 0 : i32
      %get3A_821 = arith.index_cast %get3A_820 : i32 to index
      %get3A_822 = arith.constant 0 : index
      %get3A_823 = tpu.vector_load %arg11[%get3A_821, %get3A_822] {strides = array<i32>} : memref<6x16xf32, #tpu.memory_space<vmem>>, vector<1x16xf32>,
      %get3A_824 = vector.shape_cast %get3A_823 : vector<1x16xf32> to vector<16xf32>
      %add3A_825 = arith.addf %get3A_813, %get3A_824 : vector<16xf32>
      %get3A_826 = arith.constant 3 : i32
      %get3A_827 = arith.index_cast %get3A_826 : i32 to index
      %get3A_828 = arith.constant 0 : index
      %get3A_829 = tpu.vector_load %arg11[%get3A_827, %get3A_828] {strides = array<i32>} : memref<6x16xf32, #tpu.memory_space<vmem>>, vector<1x16xf32>,
      %get3A_830 = vector.shape_cast %get3A_829 : vector<1x16xf32> to vector<16xf32>
      %mul3A_831 = arith.mulf %add3A_825, %get3A_830 : vector<16xf32>
      %convert_element_type3A_832 = arith.fptosi %mul3A_831 : vector<16xf32> to vector<16xi32>
      %get3A_833 = arith.constant 1 : i32
      %get3A_834 = arith.index_cast %get3A_833 : i32 to index
      %get3A_835 = arith.constant 0 : index
      %get3A_836 = tpu.vector_load %arg11[%get3A_834, %get3A_835] {strides = array<i32>} : memref<6x16xf32, #tpu.memory_space<vmem>>, vector<1x16xf32>,
      %get3A_837 = vector.shape_cast %get3A_836 : vector<1x16xf32> to vector<16xf32>
      %add3A_838 = arith.addf %get3A_816, %get3A_837 : vector<16xf32>
      %get3A_839 = arith.constant 4 : i32
      %get3A_840 = arith.index_cast %get3A_839 : i32 to index
      %get3A_841 = arith.constant 0 : index
      %get3A_842 = tpu.vector_load %arg11[%get3A_840, %get3A_841] {strides = array<i32>} : memref<6x16xf32, #tpu.memory_space<vmem>>, vector<1x16xf32>,
      %get3A_843 = vector.shape_cast %get3A_842 : vector<1x16xf32> to vector<16xf32>
      %mul3A_844 = arith.mulf %add3A_838, %get3A_843 : vector<16xf32>
      %convert_element_type3A_845 = arith.fptosi %mul3A_844 : vector<16xf32> to vector<16xi32>
      %get3A_846 = arith.constant 2 : i32
      %get3A_847 = arith.index_cast %get3A_846 : i32 to index
      %get3A_848 = arith.constant 0 : index
      %get3A_849 = tpu.vector_load %arg11[%get3A_847, %get3A_848] {strides = array<i32>} : memref<6x16xf32, #tpu.memory_space<vmem>>, vector<1x16xf32>,
      %get3A_850 = vector.shape_cast %get3A_849 : vector<1x16xf32> to vector<16xf32>
      %add3A_851 = arith.addf %get3A_819, %get3A_850 : vector<16xf32>
      %get3A_852 = arith.constant 5 : i32
      %get3A_853 = arith.index_cast %get3A_852 : i32 to index
      %get3A_854 = arith.constant 0 : index
      %get3A_855 = tpu.vector_load %arg11[%get3A_853, %get3A_854] {strides = array<i32>} : memref<6x16xf32, #tpu.memory_space<vmem>>, vector<1x16xf32>,
      %get3A_856 = vector.shape_cast %get3A_855 : vector<1x16xf32> to vector<16xf32>
      %mul3A_857 = arith.mulf %add3A_851, %get3A_856 : vector<16xf32>
      %convert_element_type3A_858 = arith.fptosi %mul3A_857 : vector<16xf32> to vector<16xi32>
      %lt3A_859 = arith.constant 0 : i32
      %lt3A_860 = vector.broadcast %lt3A_859 : i32 to vector<16xi32>
      %lt3A_861 = arith.cmpi slt, %convert_element_type3A_832, %lt3A_860 : vector<16xi32>
      %lt3A_862 = arith.constant 0 : i32
      %lt3A_863 = vector.broadcast %lt3A_862 : i32 to vector<16xi32>
      %lt3A_864 = arith.cmpi slt, %convert_element_type3A_845, %lt3A_863 : vector<16xi32>
      %or3A_865 = arith.ori %lt3A_861, %lt3A_864 : vector<16xi1>
      %lt3A_866 = arith.constant 0 : i32
      %lt3A_867 = vector.broadcast %lt3A_866 : i32 to vector<16xi32>
      %lt3A_868 = arith.cmpi slt, %convert_element_type3A_858, %lt3A_867 : vector<16xi32>
      %or3A_869 = arith.ori %or3A_865, %lt3A_868 : vector<16xi1>
      %gt3A_870 = arith.constant 511 : i32
      %gt3A_871 = vector.broadcast %gt3A_870 : i32 to vector<16xi32>
      %gt3A_872 = arith.cmpi sgt, %convert_element_type3A_832, %gt3A_871 : vector<16xi32>
      %or3A_873 = arith.ori %or3A_869, %gt3A_872 : vector<16xi1>
      %gt3A_874 = arith.constant 511 : i32
      %gt3A_875 = vector.broadcast %gt3A_874 : i32 to vector<16xi32>
      %gt3A_876 = arith.cmpi sgt, %convert_element_type3A_845, %gt3A_875 : vector<16xi32>
      %or3A_877 = arith.ori %or3A_873, %gt3A_876 : vector<16xi1>
      %gt3A_878 = arith.constant 255 : i32
      %gt3A_879 = vector.broadcast %gt3A_878 : i32 to vector<16xi32>
      %gt3A_880 = arith.cmpi sgt, %convert_element_type3A_858, %gt3A_879 : vector<16xi32>
      %or3A_881 = arith.ori %or3A_877, %gt3A_880 : vector<16xi1>
      %mul3A_882 = arith.constant 131072 : i32
      %mul3A_883 = vector.broadcast %mul3A_882 : i32 to vector<16xi32>
      %mul3A_884 = arith.muli %convert_element_type3A_832, %mul3A_883 : vector<16xi32>
      %shift_right_arithmetic3A_885 = arith.constant 3 : i32
      %shift_right_arithmetic3A_886 = vector.broadcast %shift_right_arithmetic3A_885 : i32 to vector<16xi32>
      %shift_right_arithmetic3A_887 = arith.shrsi %convert_element_type3A_845, %shift_right_arithmetic3A_886 : vector<16xi32>
      %mul3A_888 = arith.constant 2048 : i32
      %mul3A_889 = vector.broadcast %mul3A_888 : i32 to vector<16xi32>
      %mul3A_890 = arith.muli %shift_right_arithmetic3A_887, %mul3A_889 : vector<16xi32>
      %add3A_891 = arith.addi %mul3A_884, %mul3A_890 : vector<16xi32>
      %shift_right_arithmetic3A_892 = arith.constant 7 : i32
      %shift_right_arithmetic3A_893 = vector.broadcast %shift_right_arithmetic3A_892 : i32 to vector<16xi32>
      %shift_right_arithmetic3A_894 = arith.shrsi %convert_element_type3A_858, %shift_right_arithmetic3A_893 : vector<16xi32>
      %mul3A_895 = arith.constant 1024 : i32
      %mul3A_896 = vector.broadcast %mul3A_895 : i32 to vector<16xi32>
      %mul3A_897 = arith.muli %shift_right_arithmetic3A_894, %mul3A_896 : vector<16xi32>
      %add3A_898 = arith.addi %add3A_891, %mul3A_897 : vector<16xi32>
      %and3A_899 = arith.constant 7 : i32
      %and3A_900 = vector.broadcast %and3A_899 : i32 to vector<16xi32>
      %and3A_901 = arith.andi %convert_element_type3A_845, %and3A_900 : vector<16xi32>
      %mul3A_902 = arith.constant 128 : i32
      %mul3A_903 = vector.broadcast %mul3A_902 : i32 to vector<16xi32>
      %mul3A_904 = arith.muli %and3A_901, %mul3A_903 : vector<16xi32>
      %add3A_905 = arith.addi %add3A_898, %mul3A_904 : vector<16xi32>
      %and3A_906 = arith.constant 127 : i32
      %and3A_907 = vector.broadcast %and3A_906 : i32 to vector<16xi32>
      %and3A_908 = arith.andi %convert_element_type3A_858, %and3A_907 : vector<16xi32>
      %add3A_909 = arith.addi %add3A_905, %and3A_908 : vector<16xi32>
      %jit3A_910 = arith.constant 0 : i32
      %broadcast_in_dim3A_911 = vector.broadcast %jit3A_910 : i32 to vector<16xi32>
      %select_n3A_912 = arith.select %or3A_881, %broadcast_in_dim3A_911, %add3A_909 : vector<16xi1>, vector<16xi32>
      %swap3A_913 = arith.index_cast %add3A_810 : i32 to index
      %swap3A_914 = tpu.vector_load %arg12[%swap3A_913] {strides = array<i32>} : memref<8192xi32, #tpu.memory_space<vmem>>, vector<16xi32>,
      %swap3A_915 = vector.shape_cast %swap3A_914 : vector<16xi32> to vector<16xi32>
      %swap3A_916 = vector.shape_cast %select_n3A_912 : vector<16xi32> to vector<16xi32>
      tpu.vector_store %arg12[%swap3A_913], %swap3A_916 {strides = array<i32>} : memref<8192xi32, #tpu.memory_space<vmem>>, vector<16xi32>,
      %jit3A_917 = arith.constant 0.000000e+00 : f32
      %jit3A_918 = arith.constant 1.000000e+00 : f32
      %broadcast_in_dim3A_919 = vector.broadcast %jit3A_917 : f32 to vector<16xf32>
      %broadcast_in_dim3A_920 = vector.broadcast %jit3A_918 : f32 to vector<16xf32>
      %select_n3A_921 = arith.select %or3A_881, %broadcast_in_dim3A_919, %broadcast_in_dim3A_920 : vector<16xi1>, vector<16xf32>
      %swap3A_922 = arith.index_cast %add3A_810 : i32 to index
      %swap3A_923 = tpu.vector_load %arg13[%swap3A_922] {strides = array<i32>} : memref<8192xf32, #tpu.memory_space<vmem>>, vector<16xf32>,
      %swap3A_924 = vector.shape_cast %swap3A_923 : vector<16xf32> to vector<16xf32>
      %swap3A_925 = vector.shape_cast %select_n3A_921 : vector<16xf32> to vector<16xf32>
      tpu.vector_store %arg13[%swap3A_922], %swap3A_925 {strides = array<i32>} : memref<8192xf32, #tpu.memory_space<vmem>>, vector<16xf32>,
      %mul3A_926 = arith.constant 128 : i32
      %mul3A_927 = arith.muli %scan3A_102, %mul3A_926 : i32
      %add3A_928 = arith.constant 112 : i32
      %add3A_929 = arith.addi %mul3A_927, %add3A_928 : i32
      %get3A_930 = arith.index_cast %add3A_929 : i32 to index
      %get3A_931 = tpu.vector_load %arg8[%get3A_930] {strides = array<i32>} : memref<8192xf32, #tpu.memory_space<vmem>>, vector<16xf32>,
      %get3A_932 = vector.shape_cast %get3A_931 : vector<16xf32> to vector<16xf32>
      %get3A_933 = arith.index_cast %add3A_929 : i32 to index
      %get3A_934 = tpu.vector_load %arg9[%get3A_933] {strides = array<i32>} : memref<8192xf32, #tpu.memory_space<vmem>>, vector<16xf32>,
      %get3A_935 = vector.shape_cast %get3A_934 : vector<16xf32> to vector<16xf32>
      %get3A_936 = arith.index_cast %add3A_929 : i32 to index
      %get3A_937 = tpu.vector_load %arg10[%get3A_936] {strides = array<i32>} : memref<8192xf32, #tpu.memory_space<vmem>>, vector<16xf32>,
      %get3A_938 = vector.shape_cast %get3A_937 : vector<16xf32> to vector<16xf32>
      %get3A_939 = arith.constant 0 : i32
      %get3A_940 = arith.index_cast %get3A_939 : i32 to index
      %get3A_941 = arith.constant 0 : index
      %get3A_942 = tpu.vector_load %arg11[%get3A_940, %get3A_941] {strides = array<i32>} : memref<6x16xf32, #tpu.memory_space<vmem>>, vector<1x16xf32>,
      %get3A_943 = vector.shape_cast %get3A_942 : vector<1x16xf32> to vector<16xf32>
      %add3A_944 = arith.addf %get3A_932, %get3A_943 : vector<16xf32>
      %get3A_945 = arith.constant 3 : i32
      %get3A_946 = arith.index_cast %get3A_945 : i32 to index
      %get3A_947 = arith.constant 0 : index
      %get3A_948 = tpu.vector_load %arg11[%get3A_946, %get3A_947] {strides = array<i32>} : memref<6x16xf32, #tpu.memory_space<vmem>>, vector<1x16xf32>,
      %get3A_949 = vector.shape_cast %get3A_948 : vector<1x16xf32> to vector<16xf32>
      %mul3A_950 = arith.mulf %add3A_944, %get3A_949 : vector<16xf32>
      %convert_element_type3A_951 = arith.fptosi %mul3A_950 : vector<16xf32> to vector<16xi32>
      %get3A_952 = arith.constant 1 : i32
      %get3A_953 = arith.index_cast %get3A_952 : i32 to index
      %get3A_954 = arith.constant 0 : index
      %get3A_955 = tpu.vector_load %arg11[%get3A_953, %get3A_954] {strides = array<i32>} : memref<6x16xf32, #tpu.memory_space<vmem>>, vector<1x16xf32>,
      %get3A_956 = vector.shape_cast %get3A_955 : vector<1x16xf32> to vector<16xf32>
      %add3A_957 = arith.addf %get3A_935, %get3A_956 : vector<16xf32>
      %get3A_958 = arith.constant 4 : i32
      %get3A_959 = arith.index_cast %get3A_958 : i32 to index
      %get3A_960 = arith.constant 0 : index
      %get3A_961 = tpu.vector_load %arg11[%get3A_959, %get3A_960] {strides = array<i32>} : memref<6x16xf32, #tpu.memory_space<vmem>>, vector<1x16xf32>,
      %get3A_962 = vector.shape_cast %get3A_961 : vector<1x16xf32> to vector<16xf32>
      %mul3A_963 = arith.mulf %add3A_957, %get3A_962 : vector<16xf32>
      %convert_element_type3A_964 = arith.fptosi %mul3A_963 : vector<16xf32> to vector<16xi32>
      %get3A_965 = arith.constant 2 : i32
      %get3A_966 = arith.index_cast %get3A_965 : i32 to index
      %get3A_967 = arith.constant 0 : index
      %get3A_968 = tpu.vector_load %arg11[%get3A_966, %get3A_967] {strides = array<i32>} : memref<6x16xf32, #tpu.memory_space<vmem>>, vector<1x16xf32>,
      %get3A_969 = vector.shape_cast %get3A_968 : vector<1x16xf32> to vector<16xf32>
      %add3A_970 = arith.addf %get3A_938, %get3A_969 : vector<16xf32>
      %get3A_971 = arith.constant 5 : i32
      %get3A_972 = arith.index_cast %get3A_971 : i32 to index
      %get3A_973 = arith.constant 0 : index
      %get3A_974 = tpu.vector_load %arg11[%get3A_972, %get3A_973] {strides = array<i32>} : memref<6x16xf32, #tpu.memory_space<vmem>>, vector<1x16xf32>,
      %get3A_975 = vector.shape_cast %get3A_974 : vector<1x16xf32> to vector<16xf32>
      %mul3A_976 = arith.mulf %add3A_970, %get3A_975 : vector<16xf32>
      %convert_element_type3A_977 = arith.fptosi %mul3A_976 : vector<16xf32> to vector<16xi32>
      %lt3A_978 = arith.constant 0 : i32
      %lt3A_979 = vector.broadcast %lt3A_978 : i32 to vector<16xi32>
      %lt3A_980 = arith.cmpi slt, %convert_element_type3A_951, %lt3A_979 : vector<16xi32>
      %lt3A_981 = arith.constant 0 : i32
      %lt3A_982 = vector.broadcast %lt3A_981 : i32 to vector<16xi32>
      %lt3A_983 = arith.cmpi slt, %convert_element_type3A_964, %lt3A_982 : vector<16xi32>
      %or3A_984 = arith.ori %lt3A_980, %lt3A_983 : vector<16xi1>
      %lt3A_985 = arith.constant 0 : i32
      %lt3A_986 = vector.broadcast %lt3A_985 : i32 to vector<16xi32>
      %lt3A_987 = arith.cmpi slt, %convert_element_type3A_977, %lt3A_986 : vector<16xi32>
      %or3A_988 = arith.ori %or3A_984, %lt3A_987 : vector<16xi1>
      %gt3A_989 = arith.constant 511 : i32
      %gt3A_990 = vector.broadcast %gt3A_989 : i32 to vector<16xi32>
      %gt3A_991 = arith.cmpi sgt, %convert_element_type3A_951, %gt3A_990 : vector<16xi32>
      %or3A_992 = arith.ori %or3A_988, %gt3A_991 : vector<16xi1>
      %gt3A_993 = arith.constant 511 : i32
      %gt3A_994 = vector.broadcast %gt3A_993 : i32 to vector<16xi32>
      %gt3A_995 = arith.cmpi sgt, %convert_element_type3A_964, %gt3A_994 : vector<16xi32>
      %or3A_996 = arith.ori %or3A_992, %gt3A_995 : vector<16xi1>
      %gt3A_997 = arith.constant 255 : i32
      %gt3A_998 = vector.broadcast %gt3A_997 : i32 to vector<16xi32>
      %gt3A_999 = arith.cmpi sgt, %convert_element_type3A_977, %gt3A_998 : vector<16xi32>
      %or3A_1000 = arith.ori %or3A_996, %gt3A_999 : vector<16xi1>
      %mul3A_1001 = arith.constant 131072 : i32
      %mul3A_1002 = vector.broadcast %mul3A_1001 : i32 to vector<16xi32>
      %mul3A_1003 = arith.muli %convert_element_type3A_951, %mul3A_1002 : vector<16xi32>
      %shift_right_arithmetic3A_1004 = arith.constant 3 : i32
      %shift_right_arithmetic3A_1005 = vector.broadcast %shift_right_arithmetic3A_1004 : i32 to vector<16xi32>
      %shift_right_arithmetic3A_1006 = arith.shrsi %convert_element_type3A_964, %shift_right_arithmetic3A_1005 : vector<16xi32>
      %mul3A_1007 = arith.constant 2048 : i32
      %mul3A_1008 = vector.broadcast %mul3A_1007 : i32 to vector<16xi32>
      %mul3A_1009 = arith.muli %shift_right_arithmetic3A_1006, %mul3A_1008 : vector<16xi32>
      %add3A_1010 = arith.addi %mul3A_1003, %mul3A_1009 : vector<16xi32>
      %shift_right_arithmetic3A_1011 = arith.constant 7 : i32
      %shift_right_arithmetic3A_1012 = vector.broadcast %shift_right_arithmetic3A_1011 : i32 to vector<16xi32>
      %shift_right_arithmetic3A_1013 = arith.shrsi %convert_element_type3A_977, %shift_right_arithmetic3A_1012 : vector<16xi32>
      %mul3A_1014 = arith.constant 1024 : i32
      %mul3A_1015 = vector.broadcast %mul3A_1014 : i32 to vector<16xi32>
      %mul3A_1016 = arith.muli %shift_right_arithmetic3A_1013, %mul3A_1015 : vector<16xi32>
      %add3A_1017 = arith.addi %add3A_1010, %mul3A_1016 : vector<16xi32>
      %and3A_1018 = arith.constant 7 : i32
      %and3A_1019 = vector.broadcast %and3A_1018 : i32 to vector<16xi32>
      %and3A_1020 = arith.andi %convert_element_type3A_964, %and3A_1019 : vector<16xi32>
      %mul3A_1021 = arith.constant 128 : i32
      %mul3A_1022 = vector.broadcast %mul3A_1021 : i32 to vector<16xi32>
      %mul3A_1023 = arith.muli %and3A_1020, %mul3A_1022 : vector<16xi32>
      %add3A_1024 = arith.addi %add3A_1017, %mul3A_1023 : vector<16xi32>
      %and3A_1025 = arith.constant 127 : i32
      %and3A_1026 = vector.broadcast %and3A_1025 : i32 to vector<16xi32>
      %and3A_1027 = arith.andi %convert_element_type3A_977, %and3A_1026 : vector<16xi32>
      %add3A_1028 = arith.addi %add3A_1024, %and3A_1027 : vector<16xi32>
      %jit3A_1029 = arith.constant 0 : i32
      %broadcast_in_dim3A_1030 = vector.broadcast %jit3A_1029 : i32 to vector<16xi32>
      %select_n3A_1031 = arith.select %or3A_1000, %broadcast_in_dim3A_1030, %add3A_1028 : vector<16xi1>, vector<16xi32>
      %swap3A_1032 = arith.index_cast %add3A_929 : i32 to index
      %swap3A_1033 = tpu.vector_load %arg12[%swap3A_1032] {strides = array<i32>} : memref<8192xi32, #tpu.memory_space<vmem>>, vector<16xi32>,
      %swap3A_1034 = vector.shape_cast %swap3A_1033 : vector<16xi32> to vector<16xi32>
      %swap3A_1035 = vector.shape_cast %select_n3A_1031 : vector<16xi32> to vector<16xi32>
      tpu.vector_store %arg12[%swap3A_1032], %swap3A_1035 {strides = array<i32>} : memref<8192xi32, #tpu.memory_space<vmem>>, vector<16xi32>,
      %jit3A_1036 = arith.constant 0.000000e+00 : f32
      %jit3A_1037 = arith.constant 1.000000e+00 : f32
      %broadcast_in_dim3A_1038 = vector.broadcast %jit3A_1036 : f32 to vector<16xf32>
      %broadcast_in_dim3A_1039 = vector.broadcast %jit3A_1037 : f32 to vector<16xf32>
      %select_n3A_1040 = arith.select %or3A_1000, %broadcast_in_dim3A_1038, %broadcast_in_dim3A_1039 : vector<16xi1>, vector<16xf32>
      %swap3A_1041 = arith.index_cast %add3A_929 : i32 to index
      %swap3A_1042 = tpu.vector_load %arg13[%swap3A_1041] {strides = array<i32>} : memref<8192xf32, #tpu.memory_space<vmem>>, vector<16xf32>,
      %swap3A_1043 = vector.shape_cast %swap3A_1042 : vector<16xf32> to vector<16xf32>
      %swap3A_1044 = vector.shape_cast %select_n3A_1040 : vector<16xf32> to vector<16xf32>
      tpu.vector_store %arg13[%swap3A_1041], %swap3A_1044 {strides = array<i32>} : memref<8192xf32, #tpu.memory_space<vmem>>, vector<16xf32>,
      %mul3A_1045 = arith.constant 128 : i32
      %mul3A_1046 = arith.muli %scan3A_102, %mul3A_1045 : i32
      %dma_start3A = tpu.memref_slice %arg14[%mul3A_1046] : memref<8192xf32, #tpu.memory_space<vmem>> -> memref<128xf32, #tpu.memory_space<vmem>>
      %dma_start3A_1047 = tpu.memref_slice %arg12[%mul3A_1046] : memref<8192xi32, #tpu.memory_space<vmem>> -> memref<128xi32, #tpu.memory_space<vmem>>
      %dma_start3A_1048 = arith.constant 0 : i32
      %dma_start3A_1049 = tpu.memref_slice %arg6[%dma_start3A_1048] : memref<67108864xf32, #tpu.memory_space<hbm>> -> memref<67108864xf32, #tpu.memory_space<hbm>>
      tpu.enqueue_indirect_dma source(%dma_start3A_1049 : memref<67108864xf32, #tpu.memory_space<hbm>>) target(%dma_start3A : memref<128xf32, #tpu.memory_space<vmem>>) offsets(%dma_start3A_1047 : memref<128xi32, #tpu.memory_space<vmem>>) semaphore(%arg18 : memref<!tpu.dma_semaphore, #tpu.memory_space<semaphore_mem>>)
      %scan3A_1050 = arith.constant 0 : i32
      scf.yield %scan3A_1050 : i32
    }
    %scan3A_10 = arith.constant 64 : i32
    %add3A_11 = arith.constant 8192 : i32
    %add3A_12 = arith.addi %mul3A_2, %add3A_11 : i32
    "tpu.region"() ({
      %run_scoped3A = tpu.sem_alloc : memref<!tpu.dma_semaphore, #tpu.memory_space<semaphore_mem>>
      %dma_start3A = tpu.memref_slice %arg2[%add3A_12] : memref<1048576xf32, #tpu.memory_space<hbm>> -> memref<8192xf32, #tpu.memory_space<hbm>>
      %dma_start3A_102 = tpu.memref_slice %arg2[%add3A_12] : memref<1048576xf32, #tpu.memory_space<hbm>> -> memref<8192xf32, #tpu.memory_space<hbm>>
      tpu.enqueue_dma source(%dma_start3A_102 : memref<8192xf32, #tpu.memory_space<hbm>>) target(%arg8 : memref<8192xf32, #tpu.memory_space<vmem>>) target_semaphore(%run_scoped3A : memref<!tpu.dma_semaphore, #tpu.memory_space<semaphore_mem>>)
      %dma_wait3A = tpu.memref_slice %arg2[%add3A_12] : memref<1048576xf32, #tpu.memory_space<hbm>> -> memref<8192xf32, #tpu.memory_space<hbm>>
      %dma_wait3A_103 = tpu.memref_slice %arg2[%add3A_12] : memref<1048576xf32, #tpu.memory_space<hbm>> -> memref<8192xf32, #tpu.memory_space<hbm>>
      tpu.wait_dma2 semaphore(%run_scoped3A : memref<!tpu.dma_semaphore, #tpu.memory_space<semaphore_mem>>) src(%dma_wait3A_103 : memref<8192xf32, #tpu.memory_space<hbm>>) dst(%arg8 : memref<8192xf32, #tpu.memory_space<vmem>>)
      tpu.yield
    }) : () -> ()
    "tpu.region"() ({
      %run_scoped3A = tpu.sem_alloc : memref<!tpu.dma_semaphore, #tpu.memory_space<semaphore_mem>>
      %dma_start3A = tpu.memref_slice %arg3[%add3A_12] : memref<1048576xf32, #tpu.memory_space<hbm>> -> memref<8192xf32, #tpu.memory_space<hbm>>
      %dma_start3A_102 = tpu.memref_slice %arg3[%add3A_12] : memref<1048576xf32, #tpu.memory_space<hbm>> -> memref<8192xf32, #tpu.memory_space<hbm>>
      tpu.enqueue_dma source(%dma_start3A_102 : memref<8192xf32, #tpu.memory_space<hbm>>) target(%arg9 : memref<8192xf32, #tpu.memory_space<vmem>>) target_semaphore(%run_scoped3A : memref<!tpu.dma_semaphore, #tpu.memory_space<semaphore_mem>>)
      %dma_wait3A = tpu.memref_slice %arg3[%add3A_12] : memref<1048576xf32, #tpu.memory_space<hbm>> -> memref<8192xf32, #tpu.memory_space<hbm>>
      %dma_wait3A_103 = tpu.memref_slice %arg3[%add3A_12] : memref<1048576xf32, #tpu.memory_space<hbm>> -> memref<8192xf32, #tpu.memory_space<hbm>>
      tpu.wait_dma2 semaphore(%run_scoped3A : memref<!tpu.dma_semaphore, #tpu.memory_space<semaphore_mem>>) src(%dma_wait3A_103 : memref<8192xf32, #tpu.memory_space<hbm>>) dst(%arg9 : memref<8192xf32, #tpu.memory_space<vmem>>)
      tpu.yield
    }) : () -> ()
    "tpu.region"() ({
      %run_scoped3A = tpu.sem_alloc : memref<!tpu.dma_semaphore, #tpu.memory_space<semaphore_mem>>
      %dma_start3A = tpu.memref_slice %arg4[%add3A_12] : memref<1048576xf32, #tpu.memory_space<hbm>> -> memref<8192xf32, #tpu.memory_space<hbm>>
      %dma_start3A_102 = tpu.memref_slice %arg4[%add3A_12] : memref<1048576xf32, #tpu.memory_space<hbm>> -> memref<8192xf32, #tpu.memory_space<hbm>>
      tpu.enqueue_dma source(%dma_start3A_102 : memref<8192xf32, #tpu.memory_space<hbm>>) target(%arg10 : memref<8192xf32, #tpu.memory_space<vmem>>) target_semaphore(%run_scoped3A : memref<!tpu.dma_semaphore, #tpu.memory_space<semaphore_mem>>)
      %dma_wait3A = tpu.memref_slice %arg4[%add3A_12] : memref<1048576xf32, #tpu.memory_space<hbm>> -> memref<8192xf32, #tpu.memory_space<hbm>>
      %dma_wait3A_103 = tpu.memref_slice %arg4[%add3A_12] : memref<1048576xf32, #tpu.memory_space<hbm>> -> memref<8192xf32, #tpu.memory_space<hbm>>
      tpu.wait_dma2 semaphore(%run_scoped3A : memref<!tpu.dma_semaphore, #tpu.memory_space<semaphore_mem>>) src(%dma_wait3A_103 : memref<8192xf32, #tpu.memory_space<hbm>>) dst(%arg10 : memref<8192xf32, #tpu.memory_space<vmem>>)
      tpu.yield
    }) : () -> ()
    %scan3A_13 = arith.constant 0 : i32
    %scan3A_14 = arith.constant 0 : i32
    %scan3A_15 = arith.constant 64 : i32
    %scan3A_16 = arith.addi %scan3A_14, %scan3A_15 : i32
    %scan3A_17 = arith.constant 1 : i32
    %scan3A_18 = scf.for %scan3A_102 = %scan3A_14 to %scan3A_16 step %scan3A_17 iter_args(%scan3A_103 = %scan3A_13) -> (i32)  : i32 {
      %mul3A_104 = arith.constant 128 : i32
      %mul3A_105 = arith.muli %scan3A_102, %mul3A_104 : i32
      %add3A_106 = arith.constant 0 : i32
      %add3A_107 = arith.addi %mul3A_105, %add3A_106 : i32
      %get3A = arith.index_cast %add3A_107 : i32 to index
      %get3A_108 = tpu.vector_load %arg8[%get3A] {strides = array<i32>} : memref<8192xf32, #tpu.memory_space<vmem>>, vector<16xf32>,
      %get3A_109 = vector.shape_cast %get3A_108 : vector<16xf32> to vector<16xf32>
      %get3A_110 = arith.index_cast %add3A_107 : i32 to index
      %get3A_111 = tpu.vector_load %arg9[%get3A_110] {strides = array<i32>} : memref<8192xf32, #tpu.memory_space<vmem>>, vector<16xf32>,
      %get3A_112 = vector.shape_cast %get3A_111 : vector<16xf32> to vector<16xf32>
      %get3A_113 = arith.index_cast %add3A_107 : i32 to index
      %get3A_114 = tpu.vector_load %arg10[%get3A_113] {strides = array<i32>} : memref<8192xf32, #tpu.memory_space<vmem>>, vector<16xf32>,
      %get3A_115 = vector.shape_cast %get3A_114 : vector<16xf32> to vector<16xf32>
      %get3A_116 = arith.constant 0 : i32
      %get3A_117 = arith.index_cast %get3A_116 : i32 to index
      %get3A_118 = arith.constant 0 : index
      %get3A_119 = tpu.vector_load %arg11[%get3A_117, %get3A_118] {strides = array<i32>} : memref<6x16xf32, #tpu.memory_space<vmem>>, vector<1x16xf32>,
      %get3A_120 = vector.shape_cast %get3A_119 : vector<1x16xf32> to vector<16xf32>
      %add3A_121 = arith.addf %get3A_109, %get3A_120 : vector<16xf32>
      %get3A_122 = arith.constant 3 : i32
      %get3A_123 = arith.index_cast %get3A_122 : i32 to index
      %get3A_124 = arith.constant 0 : index
      %get3A_125 = tpu.vector_load %arg11[%get3A_123, %get3A_124] {strides = array<i32>} : memref<6x16xf32, #tpu.memory_space<vmem>>, vector<1x16xf32>,
      %get3A_126 = vector.shape_cast %get3A_125 : vector<1x16xf32> to vector<16xf32>
      %mul3A_127 = arith.mulf %add3A_121, %get3A_126 : vector<16xf32>
      %convert_element_type3A = arith.fptosi %mul3A_127 : vector<16xf32> to vector<16xi32>
      %get3A_128 = arith.constant 1 : i32
      %get3A_129 = arith.index_cast %get3A_128 : i32 to index
      %get3A_130 = arith.constant 0 : index
      %get3A_131 = tpu.vector_load %arg11[%get3A_129, %get3A_130] {strides = array<i32>} : memref<6x16xf32, #tpu.memory_space<vmem>>, vector<1x16xf32>,
      %get3A_132 = vector.shape_cast %get3A_131 : vector<1x16xf32> to vector<16xf32>
      %add3A_133 = arith.addf %get3A_112, %get3A_132 : vector<16xf32>
      %get3A_134 = arith.constant 4 : i32
      %get3A_135 = arith.index_cast %get3A_134 : i32 to index
      %get3A_136 = arith.constant 0 : index
      %get3A_137 = tpu.vector_load %arg11[%get3A_135, %get3A_136] {strides = array<i32>} : memref<6x16xf32, #tpu.memory_space<vmem>>, vector<1x16xf32>,
      %get3A_138 = vector.shape_cast %get3A_137 : vector<1x16xf32> to vector<16xf32>
      %mul3A_139 = arith.mulf %add3A_133, %get3A_138 : vector<16xf32>
      %convert_element_type3A_140 = arith.fptosi %mul3A_139 : vector<16xf32> to vector<16xi32>
      %get3A_141 = arith.constant 2 : i32
      %get3A_142 = arith.index_cast %get3A_141 : i32 to index
      %get3A_143 = arith.constant 0 : index
      %get3A_144 = tpu.vector_load %arg11[%get3A_142, %get3A_143] {strides = array<i32>} : memref<6x16xf32, #tpu.memory_space<vmem>>, vector<1x16xf32>,
      %get3A_145 = vector.shape_cast %get3A_144 : vector<1x16xf32> to vector<16xf32>
      %add3A_146 = arith.addf %get3A_115, %get3A_145 : vector<16xf32>
      %get3A_147 = arith.constant 5 : i32
      %get3A_148 = arith.index_cast %get3A_147 : i32 to index
      %get3A_149 = arith.constant 0 : index
      %get3A_150 = tpu.vector_load %arg11[%get3A_148, %get3A_149] {strides = array<i32>} : memref<6x16xf32, #tpu.memory_space<vmem>>, vector<1x16xf32>,
      %get3A_151 = vector.shape_cast %get3A_150 : vector<1x16xf32> to vector<16xf32>
      %mul3A_152 = arith.mulf %add3A_146, %get3A_151 : vector<16xf32>
      %convert_element_type3A_153 = arith.fptosi %mul3A_152 : vector<16xf32> to vector<16xi32>
      %lt3A = arith.constant 0 : i32
      %lt3A_154 = vector.broadcast %lt3A : i32 to vector<16xi32>
      %lt3A_155 = arith.cmpi slt, %convert_element_type3A, %lt3A_154 : vector<16xi32>
      %lt3A_156 = arith.constant 0 : i32
      %lt3A_157 = vector.broadcast %lt3A_156 : i32 to vector<16xi32>
      %lt3A_158 = arith.cmpi slt, %convert_element_type3A_140, %lt3A_157 : vector<16xi32>
      %or3A = arith.ori %lt3A_155, %lt3A_158 : vector<16xi1>
      %lt3A_159 = arith.constant 0 : i32
      %lt3A_160 = vector.broadcast %lt3A_159 : i32 to vector<16xi32>
      %lt3A_161 = arith.cmpi slt, %convert_element_type3A_153, %lt3A_160 : vector<16xi32>
      %or3A_162 = arith.ori %or3A, %lt3A_161 : vector<16xi1>
      %gt3A = arith.constant 511 : i32
      %gt3A_163 = vector.broadcast %gt3A : i32 to vector<16xi32>
      %gt3A_164 = arith.cmpi sgt, %convert_element_type3A, %gt3A_163 : vector<16xi32>
      %or3A_165 = arith.ori %or3A_162, %gt3A_164 : vector<16xi1>
      %gt3A_166 = arith.constant 511 : i32
      %gt3A_167 = vector.broadcast %gt3A_166 : i32 to vector<16xi32>
      %gt3A_168 = arith.cmpi sgt, %convert_element_type3A_140, %gt3A_167 : vector<16xi32>
      %or3A_169 = arith.ori %or3A_165, %gt3A_168 : vector<16xi1>
      %gt3A_170 = arith.constant 255 : i32
      %gt3A_171 = vector.broadcast %gt3A_170 : i32 to vector<16xi32>
      %gt3A_172 = arith.cmpi sgt, %convert_element_type3A_153, %gt3A_171 : vector<16xi32>
      %or3A_173 = arith.ori %or3A_169, %gt3A_172 : vector<16xi1>
      %mul3A_174 = arith.constant 131072 : i32
      %mul3A_175 = vector.broadcast %mul3A_174 : i32 to vector<16xi32>
      %mul3A_176 = arith.muli %convert_element_type3A, %mul3A_175 : vector<16xi32>
      %shift_right_arithmetic3A = arith.constant 3 : i32
      %shift_right_arithmetic3A_177 = vector.broadcast %shift_right_arithmetic3A : i32 to vector<16xi32>
      %shift_right_arithmetic3A_178 = arith.shrsi %convert_element_type3A_140, %shift_right_arithmetic3A_177 : vector<16xi32>
      %mul3A_179 = arith.constant 2048 : i32
      %mul3A_180 = vector.broadcast %mul3A_179 : i32 to vector<16xi32>
      %mul3A_181 = arith.muli %shift_right_arithmetic3A_178, %mul3A_180 : vector<16xi32>
      %add3A_182 = arith.addi %mul3A_176, %mul3A_181 : vector<16xi32>
      %shift_right_arithmetic3A_183 = arith.constant 7 : i32
      %shift_right_arithmetic3A_184 = vector.broadcast %shift_right_arithmetic3A_183 : i32 to vector<16xi32>
      %shift_right_arithmetic3A_185 = arith.shrsi %convert_element_type3A_153, %shift_right_arithmetic3A_184 : vector<16xi32>
      %mul3A_186 = arith.constant 1024 : i32
      %mul3A_187 = vector.broadcast %mul3A_186 : i32 to vector<16xi32>
      %mul3A_188 = arith.muli %shift_right_arithmetic3A_185, %mul3A_187 : vector<16xi32>
      %add3A_189 = arith.addi %add3A_182, %mul3A_188 : vector<16xi32>
      %and3A = arith.constant 7 : i32
      %and3A_190 = vector.broadcast %and3A : i32 to vector<16xi32>
      %and3A_191 = arith.andi %convert_element_type3A_140, %and3A_190 : vector<16xi32>
      %mul3A_192 = arith.constant 128 : i32
      %mul3A_193 = vector.broadcast %mul3A_192 : i32 to vector<16xi32>
      %mul3A_194 = arith.muli %and3A_191, %mul3A_193 : vector<16xi32>
      %add3A_195 = arith.addi %add3A_189, %mul3A_194 : vector<16xi32>
      %and3A_196 = arith.constant 127 : i32
      %and3A_197 = vector.broadcast %and3A_196 : i32 to vector<16xi32>
      %and3A_198 = arith.andi %convert_element_type3A_153, %and3A_197 : vector<16xi32>
      %add3A_199 = arith.addi %add3A_195, %and3A_198 : vector<16xi32>
      %jit3A = arith.constant 0 : i32
      %broadcast_in_dim3A = vector.broadcast %jit3A : i32 to vector<16xi32>
      %select_n3A = arith.select %or3A_173, %broadcast_in_dim3A, %add3A_199 : vector<16xi1>, vector<16xi32>
      %swap3A = arith.index_cast %add3A_107 : i32 to index
      %swap3A_200 = tpu.vector_load %arg15[%swap3A] {strides = array<i32>} : memref<8192xi32, #tpu.memory_space<vmem>>, vector<16xi32>,
      %swap3A_201 = vector.shape_cast %swap3A_200 : vector<16xi32> to vector<16xi32>
      %swap3A_202 = vector.shape_cast %select_n3A : vector<16xi32> to vector<16xi32>
      tpu.vector_store %arg15[%swap3A], %swap3A_202 {strides = array<i32>} : memref<8192xi32, #tpu.memory_space<vmem>>, vector<16xi32>,
      %jit3A_203 = arith.constant 0.000000e+00 : f32
      %jit3A_204 = arith.constant 1.000000e+00 : f32
      %broadcast_in_dim3A_205 = vector.broadcast %jit3A_203 : f32 to vector<16xf32>
      %broadcast_in_dim3A_206 = vector.broadcast %jit3A_204 : f32 to vector<16xf32>
      %select_n3A_207 = arith.select %or3A_173, %broadcast_in_dim3A_205, %broadcast_in_dim3A_206 : vector<16xi1>, vector<16xf32>
      %swap3A_208 = arith.index_cast %add3A_107 : i32 to index
      %swap3A_209 = tpu.vector_load %arg16[%swap3A_208] {strides = array<i32>} : memref<8192xf32, #tpu.memory_space<vmem>>, vector<16xf32>,
      %swap3A_210 = vector.shape_cast %swap3A_209 : vector<16xf32> to vector<16xf32>
      %swap3A_211 = vector.shape_cast %select_n3A_207 : vector<16xf32> to vector<16xf32>
      tpu.vector_store %arg16[%swap3A_208], %swap3A_211 {strides = array<i32>} : memref<8192xf32, #tpu.memory_space<vmem>>, vector<16xf32>,
      %mul3A_212 = arith.constant 128 : i32
      %mul3A_213 = arith.muli %scan3A_102, %mul3A_212 : i32
      %add3A_214 = arith.constant 16 : i32
      %add3A_215 = arith.addi %mul3A_213, %add3A_214 : i32
      %get3A_216 = arith.index_cast %add3A_215 : i32 to index
      %get3A_217 = tpu.vector_load %arg8[%get3A_216] {strides = array<i32>} : memref<8192xf32, #tpu.memory_space<vmem>>, vector<16xf32>,
      %get3A_218 = vector.shape_cast %get3A_217 : vector<16xf32> to vector<16xf32>
      %get3A_219 = arith.index_cast %add3A_215 : i32 to index
      %get3A_220 = tpu.vector_load %arg9[%get3A_219] {strides = array<i32>} : memref<8192xf32, #tpu.memory_space<vmem>>, vector<16xf32>,
      %get3A_221 = vector.shape_cast %get3A_220 : vector<16xf32> to vector<16xf32>
      %get3A_222 = arith.index_cast %add3A_215 : i32 to index
      %get3A_223 = tpu.vector_load %arg10[%get3A_222] {strides = array<i32>} : memref<8192xf32, #tpu.memory_space<vmem>>, vector<16xf32>,
      %get3A_224 = vector.shape_cast %get3A_223 : vector<16xf32> to vector<16xf32>
      %get3A_225 = arith.constant 0 : i32
      %get3A_226 = arith.index_cast %get3A_225 : i32 to index
      %get3A_227 = arith.constant 0 : index
      %get3A_228 = tpu.vector_load %arg11[%get3A_226, %get3A_227] {strides = array<i32>} : memref<6x16xf32, #tpu.memory_space<vmem>>, vector<1x16xf32>,
      %get3A_229 = vector.shape_cast %get3A_228 : vector<1x16xf32> to vector<16xf32>
      %add3A_230 = arith.addf %get3A_218, %get3A_229 : vector<16xf32>
      %get3A_231 = arith.constant 3 : i32
      %get3A_232 = arith.index_cast %get3A_231 : i32 to index
      %get3A_233 = arith.constant 0 : index
      %get3A_234 = tpu.vector_load %arg11[%get3A_232, %get3A_233] {strides = array<i32>} : memref<6x16xf32, #tpu.memory_space<vmem>>, vector<1x16xf32>,
      %get3A_235 = vector.shape_cast %get3A_234 : vector<1x16xf32> to vector<16xf32>
      %mul3A_236 = arith.mulf %add3A_230, %get3A_235 : vector<16xf32>
      %convert_element_type3A_237 = arith.fptosi %mul3A_236 : vector<16xf32> to vector<16xi32>
      %get3A_238 = arith.constant 1 : i32
      %get3A_239 = arith.index_cast %get3A_238 : i32 to index
      %get3A_240 = arith.constant 0 : index
      %get3A_241 = tpu.vector_load %arg11[%get3A_239, %get3A_240] {strides = array<i32>} : memref<6x16xf32, #tpu.memory_space<vmem>>, vector<1x16xf32>,
      %get3A_242 = vector.shape_cast %get3A_241 : vector<1x16xf32> to vector<16xf32>
      %add3A_243 = arith.addf %get3A_221, %get3A_242 : vector<16xf32>
      %get3A_244 = arith.constant 4 : i32
      %get3A_245 = arith.index_cast %get3A_244 : i32 to index
      %get3A_246 = arith.constant 0 : index
      %get3A_247 = tpu.vector_load %arg11[%get3A_245, %get3A_246] {strides = array<i32>} : memref<6x16xf32, #tpu.memory_space<vmem>>, vector<1x16xf32>,
      %get3A_248 = vector.shape_cast %get3A_247 : vector<1x16xf32> to vector<16xf32>
      %mul3A_249 = arith.mulf %add3A_243, %get3A_248 : vector<16xf32>
      %convert_element_type3A_250 = arith.fptosi %mul3A_249 : vector<16xf32> to vector<16xi32>
      %get3A_251 = arith.constant 2 : i32
      %get3A_252 = arith.index_cast %get3A_251 : i32 to index
      %get3A_253 = arith.constant 0 : index
      %get3A_254 = tpu.vector_load %arg11[%get3A_252, %get3A_253] {strides = array<i32>} : memref<6x16xf32, #tpu.memory_space<vmem>>, vector<1x16xf32>,
      %get3A_255 = vector.shape_cast %get3A_254 : vector<1x16xf32> to vector<16xf32>
      %add3A_256 = arith.addf %get3A_224, %get3A_255 : vector<16xf32>
      %get3A_257 = arith.constant 5 : i32
      %get3A_258 = arith.index_cast %get3A_257 : i32 to index
      %get3A_259 = arith.constant 0 : index
      %get3A_260 = tpu.vector_load %arg11[%get3A_258, %get3A_259] {strides = array<i32>} : memref<6x16xf32, #tpu.memory_space<vmem>>, vector<1x16xf32>,
      %get3A_261 = vector.shape_cast %get3A_260 : vector<1x16xf32> to vector<16xf32>
      %mul3A_262 = arith.mulf %add3A_256, %get3A_261 : vector<16xf32>
      %convert_element_type3A_263 = arith.fptosi %mul3A_262 : vector<16xf32> to vector<16xi32>
      %lt3A_264 = arith.constant 0 : i32
      %lt3A_265 = vector.broadcast %lt3A_264 : i32 to vector<16xi32>
      %lt3A_266 = arith.cmpi slt, %convert_element_type3A_237, %lt3A_265 : vector<16xi32>
      %lt3A_267 = arith.constant 0 : i32
      %lt3A_268 = vector.broadcast %lt3A_267 : i32 to vector<16xi32>
      %lt3A_269 = arith.cmpi slt, %convert_element_type3A_250, %lt3A_268 : vector<16xi32>
      %or3A_270 = arith.ori %lt3A_266, %lt3A_269 : vector<16xi1>
      %lt3A_271 = arith.constant 0 : i32
      %lt3A_272 = vector.broadcast %lt3A_271 : i32 to vector<16xi32>
      %lt3A_273 = arith.cmpi slt, %convert_element_type3A_263, %lt3A_272 : vector<16xi32>
      %or3A_274 = arith.ori %or3A_270, %lt3A_273 : vector<16xi1>
      %gt3A_275 = arith.constant 511 : i32
      %gt3A_276 = vector.broadcast %gt3A_275 : i32 to vector<16xi32>
      %gt3A_277 = arith.cmpi sgt, %convert_element_type3A_237, %gt3A_276 : vector<16xi32>
      %or3A_278 = arith.ori %or3A_274, %gt3A_277 : vector<16xi1>
      %gt3A_279 = arith.constant 511 : i32
      %gt3A_280 = vector.broadcast %gt3A_279 : i32 to vector<16xi32>
      %gt3A_281 = arith.cmpi sgt, %convert_element_type3A_250, %gt3A_280 : vector<16xi32>
      %or3A_282 = arith.ori %or3A_278, %gt3A_281 : vector<16xi1>
      %gt3A_283 = arith.constant 255 : i32
      %gt3A_284 = vector.broadcast %gt3A_283 : i32 to vector<16xi32>
      %gt3A_285 = arith.cmpi sgt, %convert_element_type3A_263, %gt3A_284 : vector<16xi32>
      %or3A_286 = arith.ori %or3A_282, %gt3A_285 : vector<16xi1>
      %mul3A_287 = arith.constant 131072 : i32
      %mul3A_288 = vector.broadcast %mul3A_287 : i32 to vector<16xi32>
      %mul3A_289 = arith.muli %convert_element_type3A_237, %mul3A_288 : vector<16xi32>
      %shift_right_arithmetic3A_290 = arith.constant 3 : i32
      %shift_right_arithmetic3A_291 = vector.broadcast %shift_right_arithmetic3A_290 : i32 to vector<16xi32>
      %shift_right_arithmetic3A_292 = arith.shrsi %convert_element_type3A_250, %shift_right_arithmetic3A_291 : vector<16xi32>
      %mul3A_293 = arith.constant 2048 : i32
      %mul3A_294 = vector.broadcast %mul3A_293 : i32 to vector<16xi32>
      %mul3A_295 = arith.muli %shift_right_arithmetic3A_292, %mul3A_294 : vector<16xi32>
      %add3A_296 = arith.addi %mul3A_289, %mul3A_295 : vector<16xi32>
      %shift_right_arithmetic3A_297 = arith.constant 7 : i32
      %shift_right_arithmetic3A_298 = vector.broadcast %shift_right_arithmetic3A_297 : i32 to vector<16xi32>
      %shift_right_arithmetic3A_299 = arith.shrsi %convert_element_type3A_263, %shift_right_arithmetic3A_298 : vector<16xi32>
      %mul3A_300 = arith.constant 1024 : i32
      %mul3A_301 = vector.broadcast %mul3A_300 : i32 to vector<16xi32>
      %mul3A_302 = arith.muli %shift_right_arithmetic3A_299, %mul3A_301 : vector<16xi32>
      %add3A_303 = arith.addi %add3A_296, %mul3A_302 : vector<16xi32>
      %and3A_304 = arith.constant 7 : i32
      %and3A_305 = vector.broadcast %and3A_304 : i32 to vector<16xi32>
      %and3A_306 = arith.andi %convert_element_type3A_250, %and3A_305 : vector<16xi32>
      %mul3A_307 = arith.constant 128 : i32
      %mul3A_308 = vector.broadcast %mul3A_307 : i32 to vector<16xi32>
      %mul3A_309 = arith.muli %and3A_306, %mul3A_308 : vector<16xi32>
      %add3A_310 = arith.addi %add3A_303, %mul3A_309 : vector<16xi32>
      %and3A_311 = arith.constant 127 : i32
      %and3A_312 = vector.broadcast %and3A_311 : i32 to vector<16xi32>
      %and3A_313 = arith.andi %convert_element_type3A_263, %and3A_312 : vector<16xi32>
      %add3A_314 = arith.addi %add3A_310, %and3A_313 : vector<16xi32>
      %jit3A_315 = arith.constant 0 : i32
      %broadcast_in_dim3A_316 = vector.broadcast %jit3A_315 : i32 to vector<16xi32>
      %select_n3A_317 = arith.select %or3A_286, %broadcast_in_dim3A_316, %add3A_314 : vector<16xi1>, vector<16xi32>
      %swap3A_318 = arith.index_cast %add3A_215 : i32 to index
      %swap3A_319 = tpu.vector_load %arg15[%swap3A_318] {strides = array<i32>} : memref<8192xi32, #tpu.memory_space<vmem>>, vector<16xi32>,
      %swap3A_320 = vector.shape_cast %swap3A_319 : vector<16xi32> to vector<16xi32>
      %swap3A_321 = vector.shape_cast %select_n3A_317 : vector<16xi32> to vector<16xi32>
      tpu.vector_store %arg15[%swap3A_318], %swap3A_321 {strides = array<i32>} : memref<8192xi32, #tpu.memory_space<vmem>>, vector<16xi32>,
      %jit3A_322 = arith.constant 0.000000e+00 : f32
      %jit3A_323 = arith.constant 1.000000e+00 : f32
      %broadcast_in_dim3A_324 = vector.broadcast %jit3A_322 : f32 to vector<16xf32>
      %broadcast_in_dim3A_325 = vector.broadcast %jit3A_323 : f32 to vector<16xf32>
      %select_n3A_326 = arith.select %or3A_286, %broadcast_in_dim3A_324, %broadcast_in_dim3A_325 : vector<16xi1>, vector<16xf32>
      %swap3A_327 = arith.index_cast %add3A_215 : i32 to index
      %swap3A_328 = tpu.vector_load %arg16[%swap3A_327] {strides = array<i32>} : memref<8192xf32, #tpu.memory_space<vmem>>, vector<16xf32>,
      %swap3A_329 = vector.shape_cast %swap3A_328 : vector<16xf32> to vector<16xf32>
      %swap3A_330 = vector.shape_cast %select_n3A_326 : vector<16xf32> to vector<16xf32>
      tpu.vector_store %arg16[%swap3A_327], %swap3A_330 {strides = array<i32>} : memref<8192xf32, #tpu.memory_space<vmem>>, vector<16xf32>,
      %mul3A_331 = arith.constant 128 : i32
      %mul3A_332 = arith.muli %scan3A_102, %mul3A_331 : i32
      %add3A_333 = arith.constant 32 : i32
      %add3A_334 = arith.addi %mul3A_332, %add3A_333 : i32
      %get3A_335 = arith.index_cast %add3A_334 : i32 to index
      %get3A_336 = tpu.vector_load %arg8[%get3A_335] {strides = array<i32>} : memref<8192xf32, #tpu.memory_space<vmem>>, vector<16xf32>,
      %get3A_337 = vector.shape_cast %get3A_336 : vector<16xf32> to vector<16xf32>
      %get3A_338 = arith.index_cast %add3A_334 : i32 to index
      %get3A_339 = tpu.vector_load %arg9[%get3A_338] {strides = array<i32>} : memref<8192xf32, #tpu.memory_space<vmem>>, vector<16xf32>,
      %get3A_340 = vector.shape_cast %get3A_339 : vector<16xf32> to vector<16xf32>
      %get3A_341 = arith.index_cast %add3A_334 : i32 to index
      %get3A_342 = tpu.vector_load %arg10[%get3A_341] {strides = array<i32>} : memref<8192xf32, #tpu.memory_space<vmem>>, vector<16xf32>,
      %get3A_343 = vector.shape_cast %get3A_342 : vector<16xf32> to vector<16xf32>
      %get3A_344 = arith.constant 0 : i32
      %get3A_345 = arith.index_cast %get3A_344 : i32 to index
      %get3A_346 = arith.constant 0 : index
      %get3A_347 = tpu.vector_load %arg11[%get3A_345, %get3A_346] {strides = array<i32>} : memref<6x16xf32, #tpu.memory_space<vmem>>, vector<1x16xf32>,
      %get3A_348 = vector.shape_cast %get3A_347 : vector<1x16xf32> to vector<16xf32>
      %add3A_349 = arith.addf %get3A_337, %get3A_348 : vector<16xf32>
      %get3A_350 = arith.constant 3 : i32
      %get3A_351 = arith.index_cast %get3A_350 : i32 to index
      %get3A_352 = arith.constant 0 : index
      %get3A_353 = tpu.vector_load %arg11[%get3A_351, %get3A_352] {strides = array<i32>} : memref<6x16xf32, #tpu.memory_space<vmem>>, vector<1x16xf32>,
      %get3A_354 = vector.shape_cast %get3A_353 : vector<1x16xf32> to vector<16xf32>
      %mul3A_355 = arith.mulf %add3A_349, %get3A_354 : vector<16xf32>
      %convert_element_type3A_356 = arith.fptosi %mul3A_355 : vector<16xf32> to vector<16xi32>
      %get3A_357 = arith.constant 1 : i32
      %get3A_358 = arith.index_cast %get3A_357 : i32 to index
      %get3A_359 = arith.constant 0 : index
      %get3A_360 = tpu.vector_load %arg11[%get3A_358, %get3A_359] {strides = array<i32>} : memref<6x16xf32, #tpu.memory_space<vmem>>, vector<1x16xf32>,
      %get3A_361 = vector.shape_cast %get3A_360 : vector<1x16xf32> to vector<16xf32>
      %add3A_362 = arith.addf %get3A_340, %get3A_361 : vector<16xf32>
      %get3A_363 = arith.constant 4 : i32
      %get3A_364 = arith.index_cast %get3A_363 : i32 to index
      %get3A_365 = arith.constant 0 : index
      %get3A_366 = tpu.vector_load %arg11[%get3A_364, %get3A_365] {strides = array<i32>} : memref<6x16xf32, #tpu.memory_space<vmem>>, vector<1x16xf32>,
      %get3A_367 = vector.shape_cast %get3A_366 : vector<1x16xf32> to vector<16xf32>
      %mul3A_368 = arith.mulf %add3A_362, %get3A_367 : vector<16xf32>
      %convert_element_type3A_369 = arith.fptosi %mul3A_368 : vector<16xf32> to vector<16xi32>
      %get3A_370 = arith.constant 2 : i32
      %get3A_371 = arith.index_cast %get3A_370 : i32 to index
      %get3A_372 = arith.constant 0 : index
      %get3A_373 = tpu.vector_load %arg11[%get3A_371, %get3A_372] {strides = array<i32>} : memref<6x16xf32, #tpu.memory_space<vmem>>, vector<1x16xf32>,
      %get3A_374 = vector.shape_cast %get3A_373 : vector<1x16xf32> to vector<16xf32>
      %add3A_375 = arith.addf %get3A_343, %get3A_374 : vector<16xf32>
      %get3A_376 = arith.constant 5 : i32
      %get3A_377 = arith.index_cast %get3A_376 : i32 to index
      %get3A_378 = arith.constant 0 : index
      %get3A_379 = tpu.vector_load %arg11[%get3A_377, %get3A_378] {strides = array<i32>} : memref<6x16xf32, #tpu.memory_space<vmem>>, vector<1x16xf32>,
      %get3A_380 = vector.shape_cast %get3A_379 : vector<1x16xf32> to vector<16xf32>
      %mul3A_381 = arith.mulf %add3A_375, %get3A_380 : vector<16xf32>
      %convert_element_type3A_382 = arith.fptosi %mul3A_381 : vector<16xf32> to vector<16xi32>
      %lt3A_383 = arith.constant 0 : i32
      %lt3A_384 = vector.broadcast %lt3A_383 : i32 to vector<16xi32>
      %lt3A_385 = arith.cmpi slt, %convert_element_type3A_356, %lt3A_384 : vector<16xi32>
      %lt3A_386 = arith.constant 0 : i32
      %lt3A_387 = vector.broadcast %lt3A_386 : i32 to vector<16xi32>
      %lt3A_388 = arith.cmpi slt, %convert_element_type3A_369, %lt3A_387 : vector<16xi32>
      %or3A_389 = arith.ori %lt3A_385, %lt3A_388 : vector<16xi1>
      %lt3A_390 = arith.constant 0 : i32
      %lt3A_391 = vector.broadcast %lt3A_390 : i32 to vector<16xi32>
      %lt3A_392 = arith.cmpi slt, %convert_element_type3A_382, %lt3A_391 : vector<16xi32>
      %or3A_393 = arith.ori %or3A_389, %lt3A_392 : vector<16xi1>
      %gt3A_394 = arith.constant 511 : i32
      %gt3A_395 = vector.broadcast %gt3A_394 : i32 to vector<16xi32>
      %gt3A_396 = arith.cmpi sgt, %convert_element_type3A_356, %gt3A_395 : vector<16xi32>
      %or3A_397 = arith.ori %or3A_393, %gt3A_396 : vector<16xi1>
      %gt3A_398 = arith.constant 511 : i32
      %gt3A_399 = vector.broadcast %gt3A_398 : i32 to vector<16xi32>
      %gt3A_400 = arith.cmpi sgt, %convert_element_type3A_369, %gt3A_399 : vector<16xi32>
      %or3A_401 = arith.ori %or3A_397, %gt3A_400 : vector<16xi1>
      %gt3A_402 = arith.constant 255 : i32
      %gt3A_403 = vector.broadcast %gt3A_402 : i32 to vector<16xi32>
      %gt3A_404 = arith.cmpi sgt, %convert_element_type3A_382, %gt3A_403 : vector<16xi32>
      %or3A_405 = arith.ori %or3A_401, %gt3A_404 : vector<16xi1>
      %mul3A_406 = arith.constant 131072 : i32
      %mul3A_407 = vector.broadcast %mul3A_406 : i32 to vector<16xi32>
      %mul3A_408 = arith.muli %convert_element_type3A_356, %mul3A_407 : vector<16xi32>
      %shift_right_arithmetic3A_409 = arith.constant 3 : i32
      %shift_right_arithmetic3A_410 = vector.broadcast %shift_right_arithmetic3A_409 : i32 to vector<16xi32>
      %shift_right_arithmetic3A_411 = arith.shrsi %convert_element_type3A_369, %shift_right_arithmetic3A_410 : vector<16xi32>
      %mul3A_412 = arith.constant 2048 : i32
      %mul3A_413 = vector.broadcast %mul3A_412 : i32 to vector<16xi32>
      %mul3A_414 = arith.muli %shift_right_arithmetic3A_411, %mul3A_413 : vector<16xi32>
      %add3A_415 = arith.addi %mul3A_408, %mul3A_414 : vector<16xi32>
      %shift_right_arithmetic3A_416 = arith.constant 7 : i32
      %shift_right_arithmetic3A_417 = vector.broadcast %shift_right_arithmetic3A_416 : i32 to vector<16xi32>
      %shift_right_arithmetic3A_418 = arith.shrsi %convert_element_type3A_382, %shift_right_arithmetic3A_417 : vector<16xi32>
      %mul3A_419 = arith.constant 1024 : i32
      %mul3A_420 = vector.broadcast %mul3A_419 : i32 to vector<16xi32>
      %mul3A_421 = arith.muli %shift_right_arithmetic3A_418, %mul3A_420 : vector<16xi32>
      %add3A_422 = arith.addi %add3A_415, %mul3A_421 : vector<16xi32>
      %and3A_423 = arith.constant 7 : i32
      %and3A_424 = vector.broadcast %and3A_423 : i32 to vector<16xi32>
      %and3A_425 = arith.andi %convert_element_type3A_369, %and3A_424 : vector<16xi32>
      %mul3A_426 = arith.constant 128 : i32
      %mul3A_427 = vector.broadcast %mul3A_426 : i32 to vector<16xi32>
      %mul3A_428 = arith.muli %and3A_425, %mul3A_427 : vector<16xi32>
      %add3A_429 = arith.addi %add3A_422, %mul3A_428 : vector<16xi32>
      %and3A_430 = arith.constant 127 : i32
      %and3A_431 = vector.broadcast %and3A_430 : i32 to vector<16xi32>
      %and3A_432 = arith.andi %convert_element_type3A_382, %and3A_431 : vector<16xi32>
      %add3A_433 = arith.addi %add3A_429, %and3A_432 : vector<16xi32>
      %jit3A_434 = arith.constant 0 : i32
      %broadcast_in_dim3A_435 = vector.broadcast %jit3A_434 : i32 to vector<16xi32>
      %select_n3A_436 = arith.select %or3A_405, %broadcast_in_dim3A_435, %add3A_433 : vector<16xi1>, vector<16xi32>
      %swap3A_437 = arith.index_cast %add3A_334 : i32 to index
      %swap3A_438 = tpu.vector_load %arg15[%swap3A_437] {strides = array<i32>} : memref<8192xi32, #tpu.memory_space<vmem>>, vector<16xi32>,
      %swap3A_439 = vector.shape_cast %swap3A_438 : vector<16xi32> to vector<16xi32>
      %swap3A_440 = vector.shape_cast %select_n3A_436 : vector<16xi32> to vector<16xi32>
      tpu.vector_store %arg15[%swap3A_437], %swap3A_440 {strides = array<i32>} : memref<8192xi32, #tpu.memory_space<vmem>>, vector<16xi32>,
      %jit3A_441 = arith.constant 0.000000e+00 : f32
      %jit3A_442 = arith.constant 1.000000e+00 : f32
      %broadcast_in_dim3A_443 = vector.broadcast %jit3A_441 : f32 to vector<16xf32>
      %broadcast_in_dim3A_444 = vector.broadcast %jit3A_442 : f32 to vector<16xf32>
      %select_n3A_445 = arith.select %or3A_405, %broadcast_in_dim3A_443, %broadcast_in_dim3A_444 : vector<16xi1>, vector<16xf32>
      %swap3A_446 = arith.index_cast %add3A_334 : i32 to index
      %swap3A_447 = tpu.vector_load %arg16[%swap3A_446] {strides = array<i32>} : memref<8192xf32, #tpu.memory_space<vmem>>, vector<16xf32>,
      %swap3A_448 = vector.shape_cast %swap3A_447 : vector<16xf32> to vector<16xf32>
      %swap3A_449 = vector.shape_cast %select_n3A_445 : vector<16xf32> to vector<16xf32>
      tpu.vector_store %arg16[%swap3A_446], %swap3A_449 {strides = array<i32>} : memref<8192xf32, #tpu.memory_space<vmem>>, vector<16xf32>,
      %mul3A_450 = arith.constant 128 : i32
      %mul3A_451 = arith.muli %scan3A_102, %mul3A_450 : i32
      %add3A_452 = arith.constant 48 : i32
      %add3A_453 = arith.addi %mul3A_451, %add3A_452 : i32
      %get3A_454 = arith.index_cast %add3A_453 : i32 to index
      %get3A_455 = tpu.vector_load %arg8[%get3A_454] {strides = array<i32>} : memref<8192xf32, #tpu.memory_space<vmem>>, vector<16xf32>,
      %get3A_456 = vector.shape_cast %get3A_455 : vector<16xf32> to vector<16xf32>
      %get3A_457 = arith.index_cast %add3A_453 : i32 to index
      %get3A_458 = tpu.vector_load %arg9[%get3A_457] {strides = array<i32>} : memref<8192xf32, #tpu.memory_space<vmem>>, vector<16xf32>,
      %get3A_459 = vector.shape_cast %get3A_458 : vector<16xf32> to vector<16xf32>
      %get3A_460 = arith.index_cast %add3A_453 : i32 to index
      %get3A_461 = tpu.vector_load %arg10[%get3A_460] {strides = array<i32>} : memref<8192xf32, #tpu.memory_space<vmem>>, vector<16xf32>,
      %get3A_462 = vector.shape_cast %get3A_461 : vector<16xf32> to vector<16xf32>
      %get3A_463 = arith.constant 0 : i32
      %get3A_464 = arith.index_cast %get3A_463 : i32 to index
      %get3A_465 = arith.constant 0 : index
      %get3A_466 = tpu.vector_load %arg11[%get3A_464, %get3A_465] {strides = array<i32>} : memref<6x16xf32, #tpu.memory_space<vmem>>, vector<1x16xf32>,
      %get3A_467 = vector.shape_cast %get3A_466 : vector<1x16xf32> to vector<16xf32>
      %add3A_468 = arith.addf %get3A_456, %get3A_467 : vector<16xf32>
      %get3A_469 = arith.constant 3 : i32
      %get3A_470 = arith.index_cast %get3A_469 : i32 to index
      %get3A_471 = arith.constant 0 : index
      %get3A_472 = tpu.vector_load %arg11[%get3A_470, %get3A_471] {strides = array<i32>} : memref<6x16xf32, #tpu.memory_space<vmem>>, vector<1x16xf32>,
      %get3A_473 = vector.shape_cast %get3A_472 : vector<1x16xf32> to vector<16xf32>
      %mul3A_474 = arith.mulf %add3A_468, %get3A_473 : vector<16xf32>
      %convert_element_type3A_475 = arith.fptosi %mul3A_474 : vector<16xf32> to vector<16xi32>
      %get3A_476 = arith.constant 1 : i32
      %get3A_477 = arith.index_cast %get3A_476 : i32 to index
      %get3A_478 = arith.constant 0 : index
      %get3A_479 = tpu.vector_load %arg11[%get3A_477, %get3A_478] {strides = array<i32>} : memref<6x16xf32, #tpu.memory_space<vmem>>, vector<1x16xf32>,
      %get3A_480 = vector.shape_cast %get3A_479 : vector<1x16xf32> to vector<16xf32>
      %add3A_481 = arith.addf %get3A_459, %get3A_480 : vector<16xf32>
      %get3A_482 = arith.constant 4 : i32
      %get3A_483 = arith.index_cast %get3A_482 : i32 to index
      %get3A_484 = arith.constant 0 : index
      %get3A_485 = tpu.vector_load %arg11[%get3A_483, %get3A_484] {strides = array<i32>} : memref<6x16xf32, #tpu.memory_space<vmem>>, vector<1x16xf32>,
      %get3A_486 = vector.shape_cast %get3A_485 : vector<1x16xf32> to vector<16xf32>
      %mul3A_487 = arith.mulf %add3A_481, %get3A_486 : vector<16xf32>
      %convert_element_type3A_488 = arith.fptosi %mul3A_487 : vector<16xf32> to vector<16xi32>
      %get3A_489 = arith.constant 2 : i32
      %get3A_490 = arith.index_cast %get3A_489 : i32 to index
      %get3A_491 = arith.constant 0 : index
      %get3A_492 = tpu.vector_load %arg11[%get3A_490, %get3A_491] {strides = array<i32>} : memref<6x16xf32, #tpu.memory_space<vmem>>, vector<1x16xf32>,
      %get3A_493 = vector.shape_cast %get3A_492 : vector<1x16xf32> to vector<16xf32>
      %add3A_494 = arith.addf %get3A_462, %get3A_493 : vector<16xf32>
      %get3A_495 = arith.constant 5 : i32
      %get3A_496 = arith.index_cast %get3A_495 : i32 to index
      %get3A_497 = arith.constant 0 : index
      %get3A_498 = tpu.vector_load %arg11[%get3A_496, %get3A_497] {strides = array<i32>} : memref<6x16xf32, #tpu.memory_space<vmem>>, vector<1x16xf32>,
      %get3A_499 = vector.shape_cast %get3A_498 : vector<1x16xf32> to vector<16xf32>
      %mul3A_500 = arith.mulf %add3A_494, %get3A_499 : vector<16xf32>
      %convert_element_type3A_501 = arith.fptosi %mul3A_500 : vector<16xf32> to vector<16xi32>
      %lt3A_502 = arith.constant 0 : i32
      %lt3A_503 = vector.broadcast %lt3A_502 : i32 to vector<16xi32>
      %lt3A_504 = arith.cmpi slt, %convert_element_type3A_475, %lt3A_503 : vector<16xi32>
      %lt3A_505 = arith.constant 0 : i32
      %lt3A_506 = vector.broadcast %lt3A_505 : i32 to vector<16xi32>
      %lt3A_507 = arith.cmpi slt, %convert_element_type3A_488, %lt3A_506 : vector<16xi32>
      %or3A_508 = arith.ori %lt3A_504, %lt3A_507 : vector<16xi1>
      %lt3A_509 = arith.constant 0 : i32
      %lt3A_510 = vector.broadcast %lt3A_509 : i32 to vector<16xi32>
      %lt3A_511 = arith.cmpi slt, %convert_element_type3A_501, %lt3A_510 : vector<16xi32>
      %or3A_512 = arith.ori %or3A_508, %lt3A_511 : vector<16xi1>
      %gt3A_513 = arith.constant 511 : i32
      %gt3A_514 = vector.broadcast %gt3A_513 : i32 to vector<16xi32>
      %gt3A_515 = arith.cmpi sgt, %convert_element_type3A_475, %gt3A_514 : vector<16xi32>
      %or3A_516 = arith.ori %or3A_512, %gt3A_515 : vector<16xi1>
      %gt3A_517 = arith.constant 511 : i32
      %gt3A_518 = vector.broadcast %gt3A_517 : i32 to vector<16xi32>
      %gt3A_519 = arith.cmpi sgt, %convert_element_type3A_488, %gt3A_518 : vector<16xi32>
      %or3A_520 = arith.ori %or3A_516, %gt3A_519 : vector<16xi1>
      %gt3A_521 = arith.constant 255 : i32
      %gt3A_522 = vector.broadcast %gt3A_521 : i32 to vector<16xi32>
      %gt3A_523 = arith.cmpi sgt, %convert_element_type3A_501, %gt3A_522 : vector<16xi32>
      %or3A_524 = arith.ori %or3A_520, %gt3A_523 : vector<16xi1>
      %mul3A_525 = arith.constant 131072 : i32
      %mul3A_526 = vector.broadcast %mul3A_525 : i32 to vector<16xi32>
      %mul3A_527 = arith.muli %convert_element_type3A_475, %mul3A_526 : vector<16xi32>
      %shift_right_arithmetic3A_528 = arith.constant 3 : i32
      %shift_right_arithmetic3A_529 = vector.broadcast %shift_right_arithmetic3A_528 : i32 to vector<16xi32>
      %shift_right_arithmetic3A_530 = arith.shrsi %convert_element_type3A_488, %shift_right_arithmetic3A_529 : vector<16xi32>
      %mul3A_531 = arith.constant 2048 : i32
      %mul3A_532 = vector.broadcast %mul3A_531 : i32 to vector<16xi32>
      %mul3A_533 = arith.muli %shift_right_arithmetic3A_530, %mul3A_532 : vector<16xi32>
      %add3A_534 = arith.addi %mul3A_527, %mul3A_533 : vector<16xi32>
      %shift_right_arithmetic3A_535 = arith.constant 7 : i32
      %shift_right_arithmetic3A_536 = vector.broadcast %shift_right_arithmetic3A_535 : i32 to vector<16xi32>
      %shift_right_arithmetic3A_537 = arith.shrsi %convert_element_type3A_501, %shift_right_arithmetic3A_536 : vector<16xi32>
      %mul3A_538 = arith.constant 1024 : i32
      %mul3A_539 = vector.broadcast %mul3A_538 : i32 to vector<16xi32>
      %mul3A_540 = arith.muli %shift_right_arithmetic3A_537, %mul3A_539 : vector<16xi32>
      %add3A_541 = arith.addi %add3A_534, %mul3A_540 : vector<16xi32>
      %and3A_542 = arith.constant 7 : i32
      %and3A_543 = vector.broadcast %and3A_542 : i32 to vector<16xi32>
      %and3A_544 = arith.andi %convert_element_type3A_488, %and3A_543 : vector<16xi32>
      %mul3A_545 = arith.constant 128 : i32
      %mul3A_546 = vector.broadcast %mul3A_545 : i32 to vector<16xi32>
      %mul3A_547 = arith.muli %and3A_544, %mul3A_546 : vector<16xi32>
      %add3A_548 = arith.addi %add3A_541, %mul3A_547 : vector<16xi32>
      %and3A_549 = arith.constant 127 : i32
      %and3A_550 = vector.broadcast %and3A_549 : i32 to vector<16xi32>
      %and3A_551 = arith.andi %convert_element_type3A_501, %and3A_550 : vector<16xi32>
      %add3A_552 = arith.addi %add3A_548, %and3A_551 : vector<16xi32>
      %jit3A_553 = arith.constant 0 : i32
      %broadcast_in_dim3A_554 = vector.broadcast %jit3A_553 : i32 to vector<16xi32>
      %select_n3A_555 = arith.select %or3A_524, %broadcast_in_dim3A_554, %add3A_552 : vector<16xi1>, vector<16xi32>
      %swap3A_556 = arith.index_cast %add3A_453 : i32 to index
      %swap3A_557 = tpu.vector_load %arg15[%swap3A_556] {strides = array<i32>} : memref<8192xi32, #tpu.memory_space<vmem>>, vector<16xi32>,
      %swap3A_558 = vector.shape_cast %swap3A_557 : vector<16xi32> to vector<16xi32>
      %swap3A_559 = vector.shape_cast %select_n3A_555 : vector<16xi32> to vector<16xi32>
      tpu.vector_store %arg15[%swap3A_556], %swap3A_559 {strides = array<i32>} : memref<8192xi32, #tpu.memory_space<vmem>>, vector<16xi32>,
      %jit3A_560 = arith.constant 0.000000e+00 : f32
      %jit3A_561 = arith.constant 1.000000e+00 : f32
      %broadcast_in_dim3A_562 = vector.broadcast %jit3A_560 : f32 to vector<16xf32>
      %broadcast_in_dim3A_563 = vector.broadcast %jit3A_561 : f32 to vector<16xf32>
      %select_n3A_564 = arith.select %or3A_524, %broadcast_in_dim3A_562, %broadcast_in_dim3A_563 : vector<16xi1>, vector<16xf32>
      %swap3A_565 = arith.index_cast %add3A_453 : i32 to index
      %swap3A_566 = tpu.vector_load %arg16[%swap3A_565] {strides = array<i32>} : memref<8192xf32, #tpu.memory_space<vmem>>, vector<16xf32>,
      %swap3A_567 = vector.shape_cast %swap3A_566 : vector<16xf32> to vector<16xf32>
      %swap3A_568 = vector.shape_cast %select_n3A_564 : vector<16xf32> to vector<16xf32>
      tpu.vector_store %arg16[%swap3A_565], %swap3A_568 {strides = array<i32>} : memref<8192xf32, #tpu.memory_space<vmem>>, vector<16xf32>,
      %mul3A_569 = arith.constant 128 : i32
      %mul3A_570 = arith.muli %scan3A_102, %mul3A_569 : i32
      %add3A_571 = arith.constant 64 : i32
      %add3A_572 = arith.addi %mul3A_570, %add3A_571 : i32
      %get3A_573 = arith.index_cast %add3A_572 : i32 to index
      %get3A_574 = tpu.vector_load %arg8[%get3A_573] {strides = array<i32>} : memref<8192xf32, #tpu.memory_space<vmem>>, vector<16xf32>,
      %get3A_575 = vector.shape_cast %get3A_574 : vector<16xf32> to vector<16xf32>
      %get3A_576 = arith.index_cast %add3A_572 : i32 to index
      %get3A_577 = tpu.vector_load %arg9[%get3A_576] {strides = array<i32>} : memref<8192xf32, #tpu.memory_space<vmem>>, vector<16xf32>,
      %get3A_578 = vector.shape_cast %get3A_577 : vector<16xf32> to vector<16xf32>
      %get3A_579 = arith.index_cast %add3A_572 : i32 to index
      %get3A_580 = tpu.vector_load %arg10[%get3A_579] {strides = array<i32>} : memref<8192xf32, #tpu.memory_space<vmem>>, vector<16xf32>,
      %get3A_581 = vector.shape_cast %get3A_580 : vector<16xf32> to vector<16xf32>
      %get3A_582 = arith.constant 0 : i32
      %get3A_583 = arith.index_cast %get3A_582 : i32 to index
      %get3A_584 = arith.constant 0 : index
      %get3A_585 = tpu.vector_load %arg11[%get3A_583, %get3A_584] {strides = array<i32>} : memref<6x16xf32, #tpu.memory_space<vmem>>, vector<1x16xf32>,
      %get3A_586 = vector.shape_cast %get3A_585 : vector<1x16xf32> to vector<16xf32>
      %add3A_587 = arith.addf %get3A_575, %get3A_586 : vector<16xf32>
      %get3A_588 = arith.constant 3 : i32
      %get3A_589 = arith.index_cast %get3A_588 : i32 to index
      %get3A_590 = arith.constant 0 : index
      %get3A_591 = tpu.vector_load %arg11[%get3A_589, %get3A_590] {strides = array<i32>} : memref<6x16xf32, #tpu.memory_space<vmem>>, vector<1x16xf32>,
      %get3A_592 = vector.shape_cast %get3A_591 : vector<1x16xf32> to vector<16xf32>
      %mul3A_593 = arith.mulf %add3A_587, %get3A_592 : vector<16xf32>
      %convert_element_type3A_594 = arith.fptosi %mul3A_593 : vector<16xf32> to vector<16xi32>
      %get3A_595 = arith.constant 1 : i32
      %get3A_596 = arith.index_cast %get3A_595 : i32 to index
      %get3A_597 = arith.constant 0 : index
      %get3A_598 = tpu.vector_load %arg11[%get3A_596, %get3A_597] {strides = array<i32>} : memref<6x16xf32, #tpu.memory_space<vmem>>, vector<1x16xf32>,
      %get3A_599 = vector.shape_cast %get3A_598 : vector<1x16xf32> to vector<16xf32>
      %add3A_600 = arith.addf %get3A_578, %get3A_599 : vector<16xf32>
      %get3A_601 = arith.constant 4 : i32
      %get3A_602 = arith.index_cast %get3A_601 : i32 to index
      %get3A_603 = arith.constant 0 : index
      %get3A_604 = tpu.vector_load %arg11[%get3A_602, %get3A_603] {strides = array<i32>} : memref<6x16xf32, #tpu.memory_space<vmem>>, vector<1x16xf32>,
      %get3A_605 = vector.shape_cast %get3A_604 : vector<1x16xf32> to vector<16xf32>
      %mul3A_606 = arith.mulf %add3A_600, %get3A_605 : vector<16xf32>
      %convert_element_type3A_607 = arith.fptosi %mul3A_606 : vector<16xf32> to vector<16xi32>
      %get3A_608 = arith.constant 2 : i32
      %get3A_609 = arith.index_cast %get3A_608 : i32 to index
      %get3A_610 = arith.constant 0 : index
      %get3A_611 = tpu.vector_load %arg11[%get3A_609, %get3A_610] {strides = array<i32>} : memref<6x16xf32, #tpu.memory_space<vmem>>, vector<1x16xf32>,
      %get3A_612 = vector.shape_cast %get3A_611 : vector<1x16xf32> to vector<16xf32>
      %add3A_613 = arith.addf %get3A_581, %get3A_612 : vector<16xf32>
      %get3A_614 = arith.constant 5 : i32
      %get3A_615 = arith.index_cast %get3A_614 : i32 to index
      %get3A_616 = arith.constant 0 : index
      %get3A_617 = tpu.vector_load %arg11[%get3A_615, %get3A_616] {strides = array<i32>} : memref<6x16xf32, #tpu.memory_space<vmem>>, vector<1x16xf32>,
      %get3A_618 = vector.shape_cast %get3A_617 : vector<1x16xf32> to vector<16xf32>
      %mul3A_619 = arith.mulf %add3A_613, %get3A_618 : vector<16xf32>
      %convert_element_type3A_620 = arith.fptosi %mul3A_619 : vector<16xf32> to vector<16xi32>
      %lt3A_621 = arith.constant 0 : i32
      %lt3A_622 = vector.broadcast %lt3A_621 : i32 to vector<16xi32>
      %lt3A_623 = arith.cmpi slt, %convert_element_type3A_594, %lt3A_622 : vector<16xi32>
      %lt3A_624 = arith.constant 0 : i32
      %lt3A_625 = vector.broadcast %lt3A_624 : i32 to vector<16xi32>
      %lt3A_626 = arith.cmpi slt, %convert_element_type3A_607, %lt3A_625 : vector<16xi32>
      %or3A_627 = arith.ori %lt3A_623, %lt3A_626 : vector<16xi1>
      %lt3A_628 = arith.constant 0 : i32
      %lt3A_629 = vector.broadcast %lt3A_628 : i32 to vector<16xi32>
      %lt3A_630 = arith.cmpi slt, %convert_element_type3A_620, %lt3A_629 : vector<16xi32>
      %or3A_631 = arith.ori %or3A_627, %lt3A_630 : vector<16xi1>
      %gt3A_632 = arith.constant 511 : i32
      %gt3A_633 = vector.broadcast %gt3A_632 : i32 to vector<16xi32>
      %gt3A_634 = arith.cmpi sgt, %convert_element_type3A_594, %gt3A_633 : vector<16xi32>
      %or3A_635 = arith.ori %or3A_631, %gt3A_634 : vector<16xi1>
      %gt3A_636 = arith.constant 511 : i32
      %gt3A_637 = vector.broadcast %gt3A_636 : i32 to vector<16xi32>
      %gt3A_638 = arith.cmpi sgt, %convert_element_type3A_607, %gt3A_637 : vector<16xi32>
      %or3A_639 = arith.ori %or3A_635, %gt3A_638 : vector<16xi1>
      %gt3A_640 = arith.constant 255 : i32
      %gt3A_641 = vector.broadcast %gt3A_640 : i32 to vector<16xi32>
      %gt3A_642 = arith.cmpi sgt, %convert_element_type3A_620, %gt3A_641 : vector<16xi32>
      %or3A_643 = arith.ori %or3A_639, %gt3A_642 : vector<16xi1>
      %mul3A_644 = arith.constant 131072 : i32
      %mul3A_645 = vector.broadcast %mul3A_644 : i32 to vector<16xi32>
      %mul3A_646 = arith.muli %convert_element_type3A_594, %mul3A_645 : vector<16xi32>
      %shift_right_arithmetic3A_647 = arith.constant 3 : i32
      %shift_right_arithmetic3A_648 = vector.broadcast %shift_right_arithmetic3A_647 : i32 to vector<16xi32>
      %shift_right_arithmetic3A_649 = arith.shrsi %convert_element_type3A_607, %shift_right_arithmetic3A_648 : vector<16xi32>
      %mul3A_650 = arith.constant 2048 : i32
      %mul3A_651 = vector.broadcast %mul3A_650 : i32 to vector<16xi32>
      %mul3A_652 = arith.muli %shift_right_arithmetic3A_649, %mul3A_651 : vector<16xi32>
      %add3A_653 = arith.addi %mul3A_646, %mul3A_652 : vector<16xi32>
      %shift_right_arithmetic3A_654 = arith.constant 7 : i32
      %shift_right_arithmetic3A_655 = vector.broadcast %shift_right_arithmetic3A_654 : i32 to vector<16xi32>
      %shift_right_arithmetic3A_656 = arith.shrsi %convert_element_type3A_620, %shift_right_arithmetic3A_655 : vector<16xi32>
      %mul3A_657 = arith.constant 1024 : i32
      %mul3A_658 = vector.broadcast %mul3A_657 : i32 to vector<16xi32>
      %mul3A_659 = arith.muli %shift_right_arithmetic3A_656, %mul3A_658 : vector<16xi32>
      %add3A_660 = arith.addi %add3A_653, %mul3A_659 : vector<16xi32>
      %and3A_661 = arith.constant 7 : i32
      %and3A_662 = vector.broadcast %and3A_661 : i32 to vector<16xi32>
      %and3A_663 = arith.andi %convert_element_type3A_607, %and3A_662 : vector<16xi32>
      %mul3A_664 = arith.constant 128 : i32
      %mul3A_665 = vector.broadcast %mul3A_664 : i32 to vector<16xi32>
      %mul3A_666 = arith.muli %and3A_663, %mul3A_665 : vector<16xi32>
      %add3A_667 = arith.addi %add3A_660, %mul3A_666 : vector<16xi32>
      %and3A_668 = arith.constant 127 : i32
      %and3A_669 = vector.broadcast %and3A_668 : i32 to vector<16xi32>
      %and3A_670 = arith.andi %convert_element_type3A_620, %and3A_669 : vector<16xi32>
      %add3A_671 = arith.addi %add3A_667, %and3A_670 : vector<16xi32>
      %jit3A_672 = arith.constant 0 : i32
      %broadcast_in_dim3A_673 = vector.broadcast %jit3A_672 : i32 to vector<16xi32>
      %select_n3A_674 = arith.select %or3A_643, %broadcast_in_dim3A_673, %add3A_671 : vector<16xi1>, vector<16xi32>
      %swap3A_675 = arith.index_cast %add3A_572 : i32 to index
      %swap3A_676 = tpu.vector_load %arg15[%swap3A_675] {strides = array<i32>} : memref<8192xi32, #tpu.memory_space<vmem>>, vector<16xi32>,
      %swap3A_677 = vector.shape_cast %swap3A_676 : vector<16xi32> to vector<16xi32>
      %swap3A_678 = vector.shape_cast %select_n3A_674 : vector<16xi32> to vector<16xi32>
      tpu.vector_store %arg15[%swap3A_675], %swap3A_678 {strides = array<i32>} : memref<8192xi32, #tpu.memory_space<vmem>>, vector<16xi32>,
      %jit3A_679 = arith.constant 0.000000e+00 : f32
      %jit3A_680 = arith.constant 1.000000e+00 : f32
      %broadcast_in_dim3A_681 = vector.broadcast %jit3A_679 : f32 to vector<16xf32>
      %broadcast_in_dim3A_682 = vector.broadcast %jit3A_680 : f32 to vector<16xf32>
      %select_n3A_683 = arith.select %or3A_643, %broadcast_in_dim3A_681, %broadcast_in_dim3A_682 : vector<16xi1>, vector<16xf32>
      %swap3A_684 = arith.index_cast %add3A_572 : i32 to index
      %swap3A_685 = tpu.vector_load %arg16[%swap3A_684] {strides = array<i32>} : memref<8192xf32, #tpu.memory_space<vmem>>, vector<16xf32>,
      %swap3A_686 = vector.shape_cast %swap3A_685 : vector<16xf32> to vector<16xf32>
      %swap3A_687 = vector.shape_cast %select_n3A_683 : vector<16xf32> to vector<16xf32>
      tpu.vector_store %arg16[%swap3A_684], %swap3A_687 {strides = array<i32>} : memref<8192xf32, #tpu.memory_space<vmem>>, vector<16xf32>,
      %mul3A_688 = arith.constant 128 : i32
      %mul3A_689 = arith.muli %scan3A_102, %mul3A_688 : i32
      %add3A_690 = arith.constant 80 : i32
      %add3A_691 = arith.addi %mul3A_689, %add3A_690 : i32
      %get3A_692 = arith.index_cast %add3A_691 : i32 to index
      %get3A_693 = tpu.vector_load %arg8[%get3A_692] {strides = array<i32>} : memref<8192xf32, #tpu.memory_space<vmem>>, vector<16xf32>,
      %get3A_694 = vector.shape_cast %get3A_693 : vector<16xf32> to vector<16xf32>
      %get3A_695 = arith.index_cast %add3A_691 : i32 to index
      %get3A_696 = tpu.vector_load %arg9[%get3A_695] {strides = array<i32>} : memref<8192xf32, #tpu.memory_space<vmem>>, vector<16xf32>,
      %get3A_697 = vector.shape_cast %get3A_696 : vector<16xf32> to vector<16xf32>
      %get3A_698 = arith.index_cast %add3A_691 : i32 to index
      %get3A_699 = tpu.vector_load %arg10[%get3A_698] {strides = array<i32>} : memref<8192xf32, #tpu.memory_space<vmem>>, vector<16xf32>,
      %get3A_700 = vector.shape_cast %get3A_699 : vector<16xf32> to vector<16xf32>
      %get3A_701 = arith.constant 0 : i32
      %get3A_702 = arith.index_cast %get3A_701 : i32 to index
      %get3A_703 = arith.constant 0 : index
      %get3A_704 = tpu.vector_load %arg11[%get3A_702, %get3A_703] {strides = array<i32>} : memref<6x16xf32, #tpu.memory_space<vmem>>, vector<1x16xf32>,
      %get3A_705 = vector.shape_cast %get3A_704 : vector<1x16xf32> to vector<16xf32>
      %add3A_706 = arith.addf %get3A_694, %get3A_705 : vector<16xf32>
      %get3A_707 = arith.constant 3 : i32
      %get3A_708 = arith.index_cast %get3A_707 : i32 to index
      %get3A_709 = arith.constant 0 : index
      %get3A_710 = tpu.vector_load %arg11[%get3A_708, %get3A_709] {strides = array<i32>} : memref<6x16xf32, #tpu.memory_space<vmem>>, vector<1x16xf32>,
      %get3A_711 = vector.shape_cast %get3A_710 : vector<1x16xf32> to vector<16xf32>
      %mul3A_712 = arith.mulf %add3A_706, %get3A_711 : vector<16xf32>
      %convert_element_type3A_713 = arith.fptosi %mul3A_712 : vector<16xf32> to vector<16xi32>
      %get3A_714 = arith.constant 1 : i32
      %get3A_715 = arith.index_cast %get3A_714 : i32 to index
      %get3A_716 = arith.constant 0 : index
      %get3A_717 = tpu.vector_load %arg11[%get3A_715, %get3A_716] {strides = array<i32>} : memref<6x16xf32, #tpu.memory_space<vmem>>, vector<1x16xf32>,
      %get3A_718 = vector.shape_cast %get3A_717 : vector<1x16xf32> to vector<16xf32>
      %add3A_719 = arith.addf %get3A_697, %get3A_718 : vector<16xf32>
      %get3A_720 = arith.constant 4 : i32
      %get3A_721 = arith.index_cast %get3A_720 : i32 to index
      %get3A_722 = arith.constant 0 : index
      %get3A_723 = tpu.vector_load %arg11[%get3A_721, %get3A_722] {strides = array<i32>} : memref<6x16xf32, #tpu.memory_space<vmem>>, vector<1x16xf32>,
      %get3A_724 = vector.shape_cast %get3A_723 : vector<1x16xf32> to vector<16xf32>
      %mul3A_725 = arith.mulf %add3A_719, %get3A_724 : vector<16xf32>
      %convert_element_type3A_726 = arith.fptosi %mul3A_725 : vector<16xf32> to vector<16xi32>
      %get3A_727 = arith.constant 2 : i32
      %get3A_728 = arith.index_cast %get3A_727 : i32 to index
      %get3A_729 = arith.constant 0 : index
      %get3A_730 = tpu.vector_load %arg11[%get3A_728, %get3A_729] {strides = array<i32>} : memref<6x16xf32, #tpu.memory_space<vmem>>, vector<1x16xf32>,
      %get3A_731 = vector.shape_cast %get3A_730 : vector<1x16xf32> to vector<16xf32>
      %add3A_732 = arith.addf %get3A_700, %get3A_731 : vector<16xf32>
      %get3A_733 = arith.constant 5 : i32
      %get3A_734 = arith.index_cast %get3A_733 : i32 to index
      %get3A_735 = arith.constant 0 : index
      %get3A_736 = tpu.vector_load %arg11[%get3A_734, %get3A_735] {strides = array<i32>} : memref<6x16xf32, #tpu.memory_space<vmem>>, vector<1x16xf32>,
      %get3A_737 = vector.shape_cast %get3A_736 : vector<1x16xf32> to vector<16xf32>
      %mul3A_738 = arith.mulf %add3A_732, %get3A_737 : vector<16xf32>
      %convert_element_type3A_739 = arith.fptosi %mul3A_738 : vector<16xf32> to vector<16xi32>
      %lt3A_740 = arith.constant 0 : i32
      %lt3A_741 = vector.broadcast %lt3A_740 : i32 to vector<16xi32>
      %lt3A_742 = arith.cmpi slt, %convert_element_type3A_713, %lt3A_741 : vector<16xi32>
      %lt3A_743 = arith.constant 0 : i32
      %lt3A_744 = vector.broadcast %lt3A_743 : i32 to vector<16xi32>
      %lt3A_745 = arith.cmpi slt, %convert_element_type3A_726, %lt3A_744 : vector<16xi32>
      %or3A_746 = arith.ori %lt3A_742, %lt3A_745 : vector<16xi1>
      %lt3A_747 = arith.constant 0 : i32
      %lt3A_748 = vector.broadcast %lt3A_747 : i32 to vector<16xi32>
      %lt3A_749 = arith.cmpi slt, %convert_element_type3A_739, %lt3A_748 : vector<16xi32>
      %or3A_750 = arith.ori %or3A_746, %lt3A_749 : vector<16xi1>
      %gt3A_751 = arith.constant 511 : i32
      %gt3A_752 = vector.broadcast %gt3A_751 : i32 to vector<16xi32>
      %gt3A_753 = arith.cmpi sgt, %convert_element_type3A_713, %gt3A_752 : vector<16xi32>
      %or3A_754 = arith.ori %or3A_750, %gt3A_753 : vector<16xi1>
      %gt3A_755 = arith.constant 511 : i32
      %gt3A_756 = vector.broadcast %gt3A_755 : i32 to vector<16xi32>
      %gt3A_757 = arith.cmpi sgt, %convert_element_type3A_726, %gt3A_756 : vector<16xi32>
      %or3A_758 = arith.ori %or3A_754, %gt3A_757 : vector<16xi1>
      %gt3A_759 = arith.constant 255 : i32
      %gt3A_760 = vector.broadcast %gt3A_759 : i32 to vector<16xi32>
      %gt3A_761 = arith.cmpi sgt, %convert_element_type3A_739, %gt3A_760 : vector<16xi32>
      %or3A_762 = arith.ori %or3A_758, %gt3A_761 : vector<16xi1>
      %mul3A_763 = arith.constant 131072 : i32
      %mul3A_764 = vector.broadcast %mul3A_763 : i32 to vector<16xi32>
      %mul3A_765 = arith.muli %convert_element_type3A_713, %mul3A_764 : vector<16xi32>
      %shift_right_arithmetic3A_766 = arith.constant 3 : i32
      %shift_right_arithmetic3A_767 = vector.broadcast %shift_right_arithmetic3A_766 : i32 to vector<16xi32>
      %shift_right_arithmetic3A_768 = arith.shrsi %convert_element_type3A_726, %shift_right_arithmetic3A_767 : vector<16xi32>
      %mul3A_769 = arith.constant 2048 : i32
      %mul3A_770 = vector.broadcast %mul3A_769 : i32 to vector<16xi32>
      %mul3A_771 = arith.muli %shift_right_arithmetic3A_768, %mul3A_770 : vector<16xi32>
      %add3A_772 = arith.addi %mul3A_765, %mul3A_771 : vector<16xi32>
      %shift_right_arithmetic3A_773 = arith.constant 7 : i32
      %shift_right_arithmetic3A_774 = vector.broadcast %shift_right_arithmetic3A_773 : i32 to vector<16xi32>
      %shift_right_arithmetic3A_775 = arith.shrsi %convert_element_type3A_739, %shift_right_arithmetic3A_774 : vector<16xi32>
      %mul3A_776 = arith.constant 1024 : i32
      %mul3A_777 = vector.broadcast %mul3A_776 : i32 to vector<16xi32>
      %mul3A_778 = arith.muli %shift_right_arithmetic3A_775, %mul3A_777 : vector<16xi32>
      %add3A_779 = arith.addi %add3A_772, %mul3A_778 : vector<16xi32>
      %and3A_780 = arith.constant 7 : i32
      %and3A_781 = vector.broadcast %and3A_780 : i32 to vector<16xi32>
      %and3A_782 = arith.andi %convert_element_type3A_726, %and3A_781 : vector<16xi32>
      %mul3A_783 = arith.constant 128 : i32
      %mul3A_784 = vector.broadcast %mul3A_783 : i32 to vector<16xi32>
      %mul3A_785 = arith.muli %and3A_782, %mul3A_784 : vector<16xi32>
      %add3A_786 = arith.addi %add3A_779, %mul3A_785 : vector<16xi32>
      %and3A_787 = arith.constant 127 : i32
      %and3A_788 = vector.broadcast %and3A_787 : i32 to vector<16xi32>
      %and3A_789 = arith.andi %convert_element_type3A_739, %and3A_788 : vector<16xi32>
      %add3A_790 = arith.addi %add3A_786, %and3A_789 : vector<16xi32>
      %jit3A_791 = arith.constant 0 : i32
      %broadcast_in_dim3A_792 = vector.broadcast %jit3A_791 : i32 to vector<16xi32>
      %select_n3A_793 = arith.select %or3A_762, %broadcast_in_dim3A_792, %add3A_790 : vector<16xi1>, vector<16xi32>
      %swap3A_794 = arith.index_cast %add3A_691 : i32 to index
      %swap3A_795 = tpu.vector_load %arg15[%swap3A_794] {strides = array<i32>} : memref<8192xi32, #tpu.memory_space<vmem>>, vector<16xi32>,
      %swap3A_796 = vector.shape_cast %swap3A_795 : vector<16xi32> to vector<16xi32>
      %swap3A_797 = vector.shape_cast %select_n3A_793 : vector<16xi32> to vector<16xi32>
      tpu.vector_store %arg15[%swap3A_794], %swap3A_797 {strides = array<i32>} : memref<8192xi32, #tpu.memory_space<vmem>>, vector<16xi32>,
      %jit3A_798 = arith.constant 0.000000e+00 : f32
      %jit3A_799 = arith.constant 1.000000e+00 : f32
      %broadcast_in_dim3A_800 = vector.broadcast %jit3A_798 : f32 to vector<16xf32>
      %broadcast_in_dim3A_801 = vector.broadcast %jit3A_799 : f32 to vector<16xf32>
      %select_n3A_802 = arith.select %or3A_762, %broadcast_in_dim3A_800, %broadcast_in_dim3A_801 : vector<16xi1>, vector<16xf32>
      %swap3A_803 = arith.index_cast %add3A_691 : i32 to index
      %swap3A_804 = tpu.vector_load %arg16[%swap3A_803] {strides = array<i32>} : memref<8192xf32, #tpu.memory_space<vmem>>, vector<16xf32>,
      %swap3A_805 = vector.shape_cast %swap3A_804 : vector<16xf32> to vector<16xf32>
      %swap3A_806 = vector.shape_cast %select_n3A_802 : vector<16xf32> to vector<16xf32>
      tpu.vector_store %arg16[%swap3A_803], %swap3A_806 {strides = array<i32>} : memref<8192xf32, #tpu.memory_space<vmem>>, vector<16xf32>,
      %mul3A_807 = arith.constant 128 : i32
      %mul3A_808 = arith.muli %scan3A_102, %mul3A_807 : i32
      %add3A_809 = arith.constant 96 : i32
      %add3A_810 = arith.addi %mul3A_808, %add3A_809 : i32
      %get3A_811 = arith.index_cast %add3A_810 : i32 to index
      %get3A_812 = tpu.vector_load %arg8[%get3A_811] {strides = array<i32>} : memref<8192xf32, #tpu.memory_space<vmem>>, vector<16xf32>,
      %get3A_813 = vector.shape_cast %get3A_812 : vector<16xf32> to vector<16xf32>
      %get3A_814 = arith.index_cast %add3A_810 : i32 to index
      %get3A_815 = tpu.vector_load %arg9[%get3A_814] {strides = array<i32>} : memref<8192xf32, #tpu.memory_space<vmem>>, vector<16xf32>,
      %get3A_816 = vector.shape_cast %get3A_815 : vector<16xf32> to vector<16xf32>
      %get3A_817 = arith.index_cast %add3A_810 : i32 to index
      %get3A_818 = tpu.vector_load %arg10[%get3A_817] {strides = array<i32>} : memref<8192xf32, #tpu.memory_space<vmem>>, vector<16xf32>,
      %get3A_819 = vector.shape_cast %get3A_818 : vector<16xf32> to vector<16xf32>
      %get3A_820 = arith.constant 0 : i32
      %get3A_821 = arith.index_cast %get3A_820 : i32 to index
      %get3A_822 = arith.constant 0 : index
      %get3A_823 = tpu.vector_load %arg11[%get3A_821, %get3A_822] {strides = array<i32>} : memref<6x16xf32, #tpu.memory_space<vmem>>, vector<1x16xf32>,
      %get3A_824 = vector.shape_cast %get3A_823 : vector<1x16xf32> to vector<16xf32>
      %add3A_825 = arith.addf %get3A_813, %get3A_824 : vector<16xf32>
      %get3A_826 = arith.constant 3 : i32
      %get3A_827 = arith.index_cast %get3A_826 : i32 to index
      %get3A_828 = arith.constant 0 : index
      %get3A_829 = tpu.vector_load %arg11[%get3A_827, %get3A_828] {strides = array<i32>} : memref<6x16xf32, #tpu.memory_space<vmem>>, vector<1x16xf32>,
      %get3A_830 = vector.shape_cast %get3A_829 : vector<1x16xf32> to vector<16xf32>
      %mul3A_831 = arith.mulf %add3A_825, %get3A_830 : vector<16xf32>
      %convert_element_type3A_832 = arith.fptosi %mul3A_831 : vector<16xf32> to vector<16xi32>
      %get3A_833 = arith.constant 1 : i32
      %get3A_834 = arith.index_cast %get3A_833 : i32 to index
      %get3A_835 = arith.constant 0 : index
      %get3A_836 = tpu.vector_load %arg11[%get3A_834, %get3A_835] {strides = array<i32>} : memref<6x16xf32, #tpu.memory_space<vmem>>, vector<1x16xf32>,
      %get3A_837 = vector.shape_cast %get3A_836 : vector<1x16xf32> to vector<16xf32>
      %add3A_838 = arith.addf %get3A_816, %get3A_837 : vector<16xf32>
      %get3A_839 = arith.constant 4 : i32
      %get3A_840 = arith.index_cast %get3A_839 : i32 to index
      %get3A_841 = arith.constant 0 : index
      %get3A_842 = tpu.vector_load %arg11[%get3A_840, %get3A_841] {strides = array<i32>} : memref<6x16xf32, #tpu.memory_space<vmem>>, vector<1x16xf32>,
      %get3A_843 = vector.shape_cast %get3A_842 : vector<1x16xf32> to vector<16xf32>
      %mul3A_844 = arith.mulf %add3A_838, %get3A_843 : vector<16xf32>
      %convert_element_type3A_845 = arith.fptosi %mul3A_844 : vector<16xf32> to vector<16xi32>
      %get3A_846 = arith.constant 2 : i32
      %get3A_847 = arith.index_cast %get3A_846 : i32 to index
      %get3A_848 = arith.constant 0 : index
      %get3A_849 = tpu.vector_load %arg11[%get3A_847, %get3A_848] {strides = array<i32>} : memref<6x16xf32, #tpu.memory_space<vmem>>, vector<1x16xf32>,
      %get3A_850 = vector.shape_cast %get3A_849 : vector<1x16xf32> to vector<16xf32>
      %add3A_851 = arith.addf %get3A_819, %get3A_850 : vector<16xf32>
      %get3A_852 = arith.constant 5 : i32
      %get3A_853 = arith.index_cast %get3A_852 : i32 to index
      %get3A_854 = arith.constant 0 : index
      %get3A_855 = tpu.vector_load %arg11[%get3A_853, %get3A_854] {strides = array<i32>} : memref<6x16xf32, #tpu.memory_space<vmem>>, vector<1x16xf32>,
      %get3A_856 = vector.shape_cast %get3A_855 : vector<1x16xf32> to vector<16xf32>
      %mul3A_857 = arith.mulf %add3A_851, %get3A_856 : vector<16xf32>
      %convert_element_type3A_858 = arith.fptosi %mul3A_857 : vector<16xf32> to vector<16xi32>
      %lt3A_859 = arith.constant 0 : i32
      %lt3A_860 = vector.broadcast %lt3A_859 : i32 to vector<16xi32>
      %lt3A_861 = arith.cmpi slt, %convert_element_type3A_832, %lt3A_860 : vector<16xi32>
      %lt3A_862 = arith.constant 0 : i32
      %lt3A_863 = vector.broadcast %lt3A_862 : i32 to vector<16xi32>
      %lt3A_864 = arith.cmpi slt, %convert_element_type3A_845, %lt3A_863 : vector<16xi32>
      %or3A_865 = arith.ori %lt3A_861, %lt3A_864 : vector<16xi1>
      %lt3A_866 = arith.constant 0 : i32
      %lt3A_867 = vector.broadcast %lt3A_866 : i32 to vector<16xi32>
      %lt3A_868 = arith.cmpi slt, %convert_element_type3A_858, %lt3A_867 : vector<16xi32>
      %or3A_869 = arith.ori %or3A_865, %lt3A_868 : vector<16xi1>
      %gt3A_870 = arith.constant 511 : i32
      %gt3A_871 = vector.broadcast %gt3A_870 : i32 to vector<16xi32>
      %gt3A_872 = arith.cmpi sgt, %convert_element_type3A_832, %gt3A_871 : vector<16xi32>
      %or3A_873 = arith.ori %or3A_869, %gt3A_872 : vector<16xi1>
      %gt3A_874 = arith.constant 511 : i32
      %gt3A_875 = vector.broadcast %gt3A_874 : i32 to vector<16xi32>
      %gt3A_876 = arith.cmpi sgt, %convert_element_type3A_845, %gt3A_875 : vector<16xi32>
      %or3A_877 = arith.ori %or3A_873, %gt3A_876 : vector<16xi1>
      %gt3A_878 = arith.constant 255 : i32
      %gt3A_879 = vector.broadcast %gt3A_878 : i32 to vector<16xi32>
      %gt3A_880 = arith.cmpi sgt, %convert_element_type3A_858, %gt3A_879 : vector<16xi32>
      %or3A_881 = arith.ori %or3A_877, %gt3A_880 : vector<16xi1>
      %mul3A_882 = arith.constant 131072 : i32
      %mul3A_883 = vector.broadcast %mul3A_882 : i32 to vector<16xi32>
      %mul3A_884 = arith.muli %convert_element_type3A_832, %mul3A_883 : vector<16xi32>
      %shift_right_arithmetic3A_885 = arith.constant 3 : i32
      %shift_right_arithmetic3A_886 = vector.broadcast %shift_right_arithmetic3A_885 : i32 to vector<16xi32>
      %shift_right_arithmetic3A_887 = arith.shrsi %convert_element_type3A_845, %shift_right_arithmetic3A_886 : vector<16xi32>
      %mul3A_888 = arith.constant 2048 : i32
      %mul3A_889 = vector.broadcast %mul3A_888 : i32 to vector<16xi32>
      %mul3A_890 = arith.muli %shift_right_arithmetic3A_887, %mul3A_889 : vector<16xi32>
      %add3A_891 = arith.addi %mul3A_884, %mul3A_890 : vector<16xi32>
      %shift_right_arithmetic3A_892 = arith.constant 7 : i32
      %shift_right_arithmetic3A_893 = vector.broadcast %shift_right_arithmetic3A_892 : i32 to vector<16xi32>
      %shift_right_arithmetic3A_894 = arith.shrsi %convert_element_type3A_858, %shift_right_arithmetic3A_893 : vector<16xi32>
      %mul3A_895 = arith.constant 1024 : i32
      %mul3A_896 = vector.broadcast %mul3A_895 : i32 to vector<16xi32>
      %mul3A_897 = arith.muli %shift_right_arithmetic3A_894, %mul3A_896 : vector<16xi32>
      %add3A_898 = arith.addi %add3A_891, %mul3A_897 : vector<16xi32>
      %and3A_899 = arith.constant 7 : i32
      %and3A_900 = vector.broadcast %and3A_899 : i32 to vector<16xi32>
      %and3A_901 = arith.andi %convert_element_type3A_845, %and3A_900 : vector<16xi32>
      %mul3A_902 = arith.constant 128 : i32
      %mul3A_903 = vector.broadcast %mul3A_902 : i32 to vector<16xi32>
      %mul3A_904 = arith.muli %and3A_901, %mul3A_903 : vector<16xi32>
      %add3A_905 = arith.addi %add3A_898, %mul3A_904 : vector<16xi32>
      %and3A_906 = arith.constant 127 : i32
      %and3A_907 = vector.broadcast %and3A_906 : i32 to vector<16xi32>
      %and3A_908 = arith.andi %convert_element_type3A_858, %and3A_907 : vector<16xi32>
      %add3A_909 = arith.addi %add3A_905, %and3A_908 : vector<16xi32>
      %jit3A_910 = arith.constant 0 : i32
      %broadcast_in_dim3A_911 = vector.broadcast %jit3A_910 : i32 to vector<16xi32>
      %select_n3A_912 = arith.select %or3A_881, %broadcast_in_dim3A_911, %add3A_909 : vector<16xi1>, vector<16xi32>
      %swap3A_913 = arith.index_cast %add3A_810 : i32 to index
      %swap3A_914 = tpu.vector_load %arg15[%swap3A_913] {strides = array<i32>} : memref<8192xi32, #tpu.memory_space<vmem>>, vector<16xi32>,
      %swap3A_915 = vector.shape_cast %swap3A_914 : vector<16xi32> to vector<16xi32>
      %swap3A_916 = vector.shape_cast %select_n3A_912 : vector<16xi32> to vector<16xi32>
      tpu.vector_store %arg15[%swap3A_913], %swap3A_916 {strides = array<i32>} : memref<8192xi32, #tpu.memory_space<vmem>>, vector<16xi32>,
      %jit3A_917 = arith.constant 0.000000e+00 : f32
      %jit3A_918 = arith.constant 1.000000e+00 : f32
      %broadcast_in_dim3A_919 = vector.broadcast %jit3A_917 : f32 to vector<16xf32>
      %broadcast_in_dim3A_920 = vector.broadcast %jit3A_918 : f32 to vector<16xf32>
      %select_n3A_921 = arith.select %or3A_881, %broadcast_in_dim3A_919, %broadcast_in_dim3A_920 : vector<16xi1>, vector<16xf32>
      %swap3A_922 = arith.index_cast %add3A_810 : i32 to index
      %swap3A_923 = tpu.vector_load %arg16[%swap3A_922] {strides = array<i32>} : memref<8192xf32, #tpu.memory_space<vmem>>, vector<16xf32>,
      %swap3A_924 = vector.shape_cast %swap3A_923 : vector<16xf32> to vector<16xf32>
      %swap3A_925 = vector.shape_cast %select_n3A_921 : vector<16xf32> to vector<16xf32>
      tpu.vector_store %arg16[%swap3A_922], %swap3A_925 {strides = array<i32>} : memref<8192xf32, #tpu.memory_space<vmem>>, vector<16xf32>,
      %mul3A_926 = arith.constant 128 : i32
      %mul3A_927 = arith.muli %scan3A_102, %mul3A_926 : i32
      %add3A_928 = arith.constant 112 : i32
      %add3A_929 = arith.addi %mul3A_927, %add3A_928 : i32
      %get3A_930 = arith.index_cast %add3A_929 : i32 to index
      %get3A_931 = tpu.vector_load %arg8[%get3A_930] {strides = array<i32>} : memref<8192xf32, #tpu.memory_space<vmem>>, vector<16xf32>,
      %get3A_932 = vector.shape_cast %get3A_931 : vector<16xf32> to vector<16xf32>
      %get3A_933 = arith.index_cast %add3A_929 : i32 to index
      %get3A_934 = tpu.vector_load %arg9[%get3A_933] {strides = array<i32>} : memref<8192xf32, #tpu.memory_space<vmem>>, vector<16xf32>,
      %get3A_935 = vector.shape_cast %get3A_934 : vector<16xf32> to vector<16xf32>
      %get3A_936 = arith.index_cast %add3A_929 : i32 to index
      %get3A_937 = tpu.vector_load %arg10[%get3A_936] {strides = array<i32>} : memref<8192xf32, #tpu.memory_space<vmem>>, vector<16xf32>,
      %get3A_938 = vector.shape_cast %get3A_937 : vector<16xf32> to vector<16xf32>
      %get3A_939 = arith.constant 0 : i32
      %get3A_940 = arith.index_cast %get3A_939 : i32 to index
      %get3A_941 = arith.constant 0 : index
      %get3A_942 = tpu.vector_load %arg11[%get3A_940, %get3A_941] {strides = array<i32>} : memref<6x16xf32, #tpu.memory_space<vmem>>, vector<1x16xf32>,
      %get3A_943 = vector.shape_cast %get3A_942 : vector<1x16xf32> to vector<16xf32>
      %add3A_944 = arith.addf %get3A_932, %get3A_943 : vector<16xf32>
      %get3A_945 = arith.constant 3 : i32
      %get3A_946 = arith.index_cast %get3A_945 : i32 to index
      %get3A_947 = arith.constant 0 : index
      %get3A_948 = tpu.vector_load %arg11[%get3A_946, %get3A_947] {strides = array<i32>} : memref<6x16xf32, #tpu.memory_space<vmem>>, vector<1x16xf32>,
      %get3A_949 = vector.shape_cast %get3A_948 : vector<1x16xf32> to vector<16xf32>
      %mul3A_950 = arith.mulf %add3A_944, %get3A_949 : vector<16xf32>
      %convert_element_type3A_951 = arith.fptosi %mul3A_950 : vector<16xf32> to vector<16xi32>
      %get3A_952 = arith.constant 1 : i32
      %get3A_953 = arith.index_cast %get3A_952 : i32 to index
      %get3A_954 = arith.constant 0 : index
      %get3A_955 = tpu.vector_load %arg11[%get3A_953, %get3A_954] {strides = array<i32>} : memref<6x16xf32, #tpu.memory_space<vmem>>, vector<1x16xf32>,
      %get3A_956 = vector.shape_cast %get3A_955 : vector<1x16xf32> to vector<16xf32>
      %add3A_957 = arith.addf %get3A_935, %get3A_956 : vector<16xf32>
      %get3A_958 = arith.constant 4 : i32
      %get3A_959 = arith.index_cast %get3A_958 : i32 to index
      %get3A_960 = arith.constant 0 : index
      %get3A_961 = tpu.vector_load %arg11[%get3A_959, %get3A_960] {strides = array<i32>} : memref<6x16xf32, #tpu.memory_space<vmem>>, vector<1x16xf32>,
      %get3A_962 = vector.shape_cast %get3A_961 : vector<1x16xf32> to vector<16xf32>
      %mul3A_963 = arith.mulf %add3A_957, %get3A_962 : vector<16xf32>
      %convert_element_type3A_964 = arith.fptosi %mul3A_963 : vector<16xf32> to vector<16xi32>
      %get3A_965 = arith.constant 2 : i32
      %get3A_966 = arith.index_cast %get3A_965 : i32 to index
      %get3A_967 = arith.constant 0 : index
      %get3A_968 = tpu.vector_load %arg11[%get3A_966, %get3A_967] {strides = array<i32>} : memref<6x16xf32, #tpu.memory_space<vmem>>, vector<1x16xf32>,
      %get3A_969 = vector.shape_cast %get3A_968 : vector<1x16xf32> to vector<16xf32>
      %add3A_970 = arith.addf %get3A_938, %get3A_969 : vector<16xf32>
      %get3A_971 = arith.constant 5 : i32
      %get3A_972 = arith.index_cast %get3A_971 : i32 to index
      %get3A_973 = arith.constant 0 : index
      %get3A_974 = tpu.vector_load %arg11[%get3A_972, %get3A_973] {strides = array<i32>} : memref<6x16xf32, #tpu.memory_space<vmem>>, vector<1x16xf32>,
      %get3A_975 = vector.shape_cast %get3A_974 : vector<1x16xf32> to vector<16xf32>
      %mul3A_976 = arith.mulf %add3A_970, %get3A_975 : vector<16xf32>
      %convert_element_type3A_977 = arith.fptosi %mul3A_976 : vector<16xf32> to vector<16xi32>
      %lt3A_978 = arith.constant 0 : i32
      %lt3A_979 = vector.broadcast %lt3A_978 : i32 to vector<16xi32>
      %lt3A_980 = arith.cmpi slt, %convert_element_type3A_951, %lt3A_979 : vector<16xi32>
      %lt3A_981 = arith.constant 0 : i32
      %lt3A_982 = vector.broadcast %lt3A_981 : i32 to vector<16xi32>
      %lt3A_983 = arith.cmpi slt, %convert_element_type3A_964, %lt3A_982 : vector<16xi32>
      %or3A_984 = arith.ori %lt3A_980, %lt3A_983 : vector<16xi1>
      %lt3A_985 = arith.constant 0 : i32
      %lt3A_986 = vector.broadcast %lt3A_985 : i32 to vector<16xi32>
      %lt3A_987 = arith.cmpi slt, %convert_element_type3A_977, %lt3A_986 : vector<16xi32>
      %or3A_988 = arith.ori %or3A_984, %lt3A_987 : vector<16xi1>
      %gt3A_989 = arith.constant 511 : i32
      %gt3A_990 = vector.broadcast %gt3A_989 : i32 to vector<16xi32>
      %gt3A_991 = arith.cmpi sgt, %convert_element_type3A_951, %gt3A_990 : vector<16xi32>
      %or3A_992 = arith.ori %or3A_988, %gt3A_991 : vector<16xi1>
      %gt3A_993 = arith.constant 511 : i32
      %gt3A_994 = vector.broadcast %gt3A_993 : i32 to vector<16xi32>
      %gt3A_995 = arith.cmpi sgt, %convert_element_type3A_964, %gt3A_994 : vector<16xi32>
      %or3A_996 = arith.ori %or3A_992, %gt3A_995 : vector<16xi1>
      %gt3A_997 = arith.constant 255 : i32
      %gt3A_998 = vector.broadcast %gt3A_997 : i32 to vector<16xi32>
      %gt3A_999 = arith.cmpi sgt, %convert_element_type3A_977, %gt3A_998 : vector<16xi32>
      %or3A_1000 = arith.ori %or3A_996, %gt3A_999 : vector<16xi1>
      %mul3A_1001 = arith.constant 131072 : i32
      %mul3A_1002 = vector.broadcast %mul3A_1001 : i32 to vector<16xi32>
      %mul3A_1003 = arith.muli %convert_element_type3A_951, %mul3A_1002 : vector<16xi32>
      %shift_right_arithmetic3A_1004 = arith.constant 3 : i32
      %shift_right_arithmetic3A_1005 = vector.broadcast %shift_right_arithmetic3A_1004 : i32 to vector<16xi32>
      %shift_right_arithmetic3A_1006 = arith.shrsi %convert_element_type3A_964, %shift_right_arithmetic3A_1005 : vector<16xi32>
      %mul3A_1007 = arith.constant 2048 : i32
      %mul3A_1008 = vector.broadcast %mul3A_1007 : i32 to vector<16xi32>
      %mul3A_1009 = arith.muli %shift_right_arithmetic3A_1006, %mul3A_1008 : vector<16xi32>
      %add3A_1010 = arith.addi %mul3A_1003, %mul3A_1009 : vector<16xi32>
      %shift_right_arithmetic3A_1011 = arith.constant 7 : i32
      %shift_right_arithmetic3A_1012 = vector.broadcast %shift_right_arithmetic3A_1011 : i32 to vector<16xi32>
      %shift_right_arithmetic3A_1013 = arith.shrsi %convert_element_type3A_977, %shift_right_arithmetic3A_1012 : vector<16xi32>
      %mul3A_1014 = arith.constant 1024 : i32
      %mul3A_1015 = vector.broadcast %mul3A_1014 : i32 to vector<16xi32>
      %mul3A_1016 = arith.muli %shift_right_arithmetic3A_1013, %mul3A_1015 : vector<16xi32>
      %add3A_1017 = arith.addi %add3A_1010, %mul3A_1016 : vector<16xi32>
      %and3A_1018 = arith.constant 7 : i32
      %and3A_1019 = vector.broadcast %and3A_1018 : i32 to vector<16xi32>
      %and3A_1020 = arith.andi %convert_element_type3A_964, %and3A_1019 : vector<16xi32>
      %mul3A_1021 = arith.constant 128 : i32
      %mul3A_1022 = vector.broadcast %mul3A_1021 : i32 to vector<16xi32>
      %mul3A_1023 = arith.muli %and3A_1020, %mul3A_1022 : vector<16xi32>
      %add3A_1024 = arith.addi %add3A_1017, %mul3A_1023 : vector<16xi32>
      %and3A_1025 = arith.constant 127 : i32
      %and3A_1026 = vector.broadcast %and3A_1025 : i32 to vector<16xi32>
      %and3A_1027 = arith.andi %convert_element_type3A_977, %and3A_1026 : vector<16xi32>
      %add3A_1028 = arith.addi %add3A_1024, %and3A_1027 : vector<16xi32>
      %jit3A_1029 = arith.constant 0 : i32
      %broadcast_in_dim3A_1030 = vector.broadcast %jit3A_1029 : i32 to vector<16xi32>
      %select_n3A_1031 = arith.select %or3A_1000, %broadcast_in_dim3A_1030, %add3A_1028 : vector<16xi1>, vector<16xi32>
      %swap3A_1032 = arith.index_cast %add3A_929 : i32 to index
      %swap3A_1033 = tpu.vector_load %arg15[%swap3A_1032] {strides = array<i32>} : memref<8192xi32, #tpu.memory_space<vmem>>, vector<16xi32>,
      %swap3A_1034 = vector.shape_cast %swap3A_1033 : vector<16xi32> to vector<16xi32>
      %swap3A_1035 = vector.shape_cast %select_n3A_1031 : vector<16xi32> to vector<16xi32>
      tpu.vector_store %arg15[%swap3A_1032], %swap3A_1035 {strides = array<i32>} : memref<8192xi32, #tpu.memory_space<vmem>>, vector<16xi32>,
      %jit3A_1036 = arith.constant 0.000000e+00 : f32
      %jit3A_1037 = arith.constant 1.000000e+00 : f32
      %broadcast_in_dim3A_1038 = vector.broadcast %jit3A_1036 : f32 to vector<16xf32>
      %broadcast_in_dim3A_1039 = vector.broadcast %jit3A_1037 : f32 to vector<16xf32>
      %select_n3A_1040 = arith.select %or3A_1000, %broadcast_in_dim3A_1038, %broadcast_in_dim3A_1039 : vector<16xi1>, vector<16xf32>
      %swap3A_1041 = arith.index_cast %add3A_929 : i32 to index
      %swap3A_1042 = tpu.vector_load %arg16[%swap3A_1041] {strides = array<i32>} : memref<8192xf32, #tpu.memory_space<vmem>>, vector<16xf32>,
      %swap3A_1043 = vector.shape_cast %swap3A_1042 : vector<16xf32> to vector<16xf32>
      %swap3A_1044 = vector.shape_cast %select_n3A_1040 : vector<16xf32> to vector<16xf32>
      tpu.vector_store %arg16[%swap3A_1041], %swap3A_1044 {strides = array<i32>} : memref<8192xf32, #tpu.memory_space<vmem>>, vector<16xf32>,
      %mul3A_1045 = arith.constant 128 : i32
      %mul3A_1046 = arith.muli %scan3A_102, %mul3A_1045 : i32
      %dma_start3A = tpu.memref_slice %arg17[%mul3A_1046] : memref<8192xf32, #tpu.memory_space<vmem>> -> memref<128xf32, #tpu.memory_space<vmem>>
      %dma_start3A_1047 = tpu.memref_slice %arg15[%mul3A_1046] : memref<8192xi32, #tpu.memory_space<vmem>> -> memref<128xi32, #tpu.memory_space<vmem>>
      %dma_start3A_1048 = arith.constant 0 : i32
      %dma_start3A_1049 = tpu.memref_slice %arg6[%dma_start3A_1048] : memref<67108864xf32, #tpu.memory_space<hbm>> -> memref<67108864xf32, #tpu.memory_space<hbm>>
      tpu.enqueue_indirect_dma source(%dma_start3A_1049 : memref<67108864xf32, #tpu.memory_space<hbm>>) target(%dma_start3A : memref<128xf32, #tpu.memory_space<vmem>>) offsets(%dma_start3A_1047 : memref<128xi32, #tpu.memory_space<vmem>>) semaphore(%arg19 : memref<!tpu.dma_semaphore, #tpu.memory_space<semaphore_mem>>)
      %scan3A_1050 = arith.constant 0 : i32
      scf.yield %scan3A_1050 : i32
    }
    %scan3A_19 = arith.constant 64 : i32
    %add3A_20 = arith.constant 0 : i32
    %add3A_21 = arith.addi %mul3A_2, %add3A_20 : i32
    %scan3A_22 = arith.constant 0 : i32
    %scan3A_23 = arith.constant 0 : i32
    %scan3A_24 = arith.constant 64 : i32
    %scan3A_25 = arith.addi %scan3A_23, %scan3A_24 : i32
    %scan3A_26 = arith.constant 1 : i32
    %scan3A_27 = scf.for %scan3A_102 = %scan3A_23 to %scan3A_25 step %scan3A_26 iter_args(%scan3A_103 = %scan3A_22) -> (i32)  : i32 {
      %mul3A_104 = arith.constant 128 : i32
      %mul3A_105 = arith.muli %scan3A_102, %mul3A_104 : i32
      %dma_wait3A = tpu.memref_slice %arg14[%mul3A_105] : memref<8192xf32, #tpu.memory_space<vmem>> -> memref<128xf32, #tpu.memory_space<vmem>>
      %dma_wait3A_106 = tpu.memref_slice %arg12[%mul3A_105] : memref<8192xi32, #tpu.memory_space<vmem>> -> memref<128xi32, #tpu.memory_space<vmem>>
      %dma_wait3A_107 = arith.constant 0 : i32
      %dma_wait3A_108 = tpu.memref_slice %arg6[%dma_wait3A_107] : memref<67108864xf32, #tpu.memory_space<hbm>> -> memref<67108864xf32, #tpu.memory_space<hbm>>
      tpu.wait_indirect_dma semaphore(%arg18 : memref<!tpu.dma_semaphore, #tpu.memory_space<semaphore_mem>>) src(%dma_wait3A_108 : memref<67108864xf32, #tpu.memory_space<hbm>>) dst(%dma_wait3A : memref<128xf32, #tpu.memory_space<vmem>>)
      %scan3A_109 = arith.constant 0 : i32
      scf.yield %scan3A_109 : i32
    }
    %scan3A_28 = arith.constant 64 : i32
    %scan3A_29 = arith.constant 0 : i32
    %scan3A_30 = arith.constant 0 : i32
    %scan3A_31 = arith.constant 64 : i32
    %scan3A_32 = arith.addi %scan3A_30, %scan3A_31 : i32
    %scan3A_33 = arith.constant 1 : i32
    %scan3A_34 = scf.for %scan3A_102 = %scan3A_30 to %scan3A_32 step %scan3A_33 iter_args(%scan3A_103 = %scan3A_29) -> (i32)  : i32 {
      %mul3A_104 = arith.constant 128 : i32
      %mul3A_105 = arith.muli %scan3A_102, %mul3A_104 : i32
      %add3A_106 = arith.constant 0 : i32
      %add3A_107 = arith.addi %mul3A_105, %add3A_106 : i32
      %get3A = arith.index_cast %add3A_107 : i32 to index
      %get3A_108 = tpu.vector_load %arg14[%get3A] {strides = array<i32>} : memref<8192xf32, #tpu.memory_space<vmem>>, vector<16xf32>,
      %get3A_109 = vector.shape_cast %get3A_108 : vector<16xf32> to vector<16xf32>
      %max3A = arith.constant -1.000000e+03 : f32
      %max3A_110 = vector.broadcast %max3A : f32 to vector<16xf32>
      %max3A_111 = arith.maximumf %get3A_109, %max3A_110 : vector<16xf32>
      %mul3A_112 = arith.constant 1.000000e-03 : f32
      %mul3A_113 = vector.broadcast %mul3A_112 : f32 to vector<16xf32>
      %mul3A_114 = arith.mulf %max3A_111, %mul3A_113 : vector<16xf32>
      %add3A_115 = arith.constant 1.000000e+00 : f32
      %add3A_116 = vector.broadcast %add3A_115 : f32 to vector<16xf32>
      %add3A_117 = arith.addf %mul3A_114, %add3A_116 : vector<16xf32>
      %mul3A_118 = arith.constant 8.000000e-02 : f32
      %mul3A_119 = vector.broadcast %mul3A_118 : f32 to vector<16xf32>
      %mul3A_120 = arith.mulf %add3A_117, %mul3A_119 : vector<16xf32>
      %get3A_121 = arith.index_cast %add3A_107 : i32 to index
      %get3A_122 = tpu.vector_load %arg13[%get3A_121] {strides = array<i32>} : memref<8192xf32, #tpu.memory_space<vmem>>, vector<16xf32>,
      %get3A_123 = vector.shape_cast %get3A_122 : vector<16xf32> to vector<16xf32>
      %mul3A_124 = arith.mulf %mul3A_120, %get3A_123 : vector<16xf32>
      %swap3A = arith.index_cast %add3A_107 : i32 to index
      %swap3A_125 = tpu.vector_load %arg14[%swap3A] {strides = array<i32>} : memref<8192xf32, #tpu.memory_space<vmem>>, vector<16xf32>,
      %swap3A_126 = vector.shape_cast %swap3A_125 : vector<16xf32> to vector<16xf32>
      %swap3A_127 = vector.shape_cast %mul3A_124 : vector<16xf32> to vector<16xf32>
      tpu.vector_store %arg14[%swap3A], %swap3A_127 {strides = array<i32>} : memref<8192xf32, #tpu.memory_space<vmem>>, vector<16xf32>,
      %mul3A_128 = arith.constant 128 : i32
      %mul3A_129 = arith.muli %scan3A_102, %mul3A_128 : i32
      %add3A_130 = arith.constant 16 : i32
      %add3A_131 = arith.addi %mul3A_129, %add3A_130 : i32
      %get3A_132 = arith.index_cast %add3A_131 : i32 to index
      %get3A_133 = tpu.vector_load %arg14[%get3A_132] {strides = array<i32>} : memref<8192xf32, #tpu.memory_space<vmem>>, vector<16xf32>,
      %get3A_134 = vector.shape_cast %get3A_133 : vector<16xf32> to vector<16xf32>
      %max3A_135 = arith.constant -1.000000e+03 : f32
      %max3A_136 = vector.broadcast %max3A_135 : f32 to vector<16xf32>
      %max3A_137 = arith.maximumf %get3A_134, %max3A_136 : vector<16xf32>
      %mul3A_138 = arith.constant 1.000000e-03 : f32
      %mul3A_139 = vector.broadcast %mul3A_138 : f32 to vector<16xf32>
      %mul3A_140 = arith.mulf %max3A_137, %mul3A_139 : vector<16xf32>
      %add3A_141 = arith.constant 1.000000e+00 : f32
      %add3A_142 = vector.broadcast %add3A_141 : f32 to vector<16xf32>
      %add3A_143 = arith.addf %mul3A_140, %add3A_142 : vector<16xf32>
      %mul3A_144 = arith.constant 8.000000e-02 : f32
      %mul3A_145 = vector.broadcast %mul3A_144 : f32 to vector<16xf32>
      %mul3A_146 = arith.mulf %add3A_143, %mul3A_145 : vector<16xf32>
      %get3A_147 = arith.index_cast %add3A_131 : i32 to index
      %get3A_148 = tpu.vector_load %arg13[%get3A_147] {strides = array<i32>} : memref<8192xf32, #tpu.memory_space<vmem>>, vector<16xf32>,
      %get3A_149 = vector.shape_cast %get3A_148 : vector<16xf32> to vector<16xf32>
      %mul3A_150 = arith.mulf %mul3A_146, %get3A_149 : vector<16xf32>
      %swap3A_151 = arith.index_cast %add3A_131 : i32 to index
      %swap3A_152 = tpu.vector_load %arg14[%swap3A_151] {strides = array<i32>} : memref<8192xf32, #tpu.memory_space<vmem>>, vector<16xf32>,
      %swap3A_153 = vector.shape_cast %swap3A_152 : vector<16xf32> to vector<16xf32>
      %swap3A_154 = vector.shape_cast %mul3A_150 : vector<16xf32> to vector<16xf32>
      tpu.vector_store %arg14[%swap3A_151], %swap3A_154 {strides = array<i32>} : memref<8192xf32, #tpu.memory_space<vmem>>, vector<16xf32>,
      %mul3A_155 = arith.constant 128 : i32
      %mul3A_156 = arith.muli %scan3A_102, %mul3A_155 : i32
      %add3A_157 = arith.constant 32 : i32
      %add3A_158 = arith.addi %mul3A_156, %add3A_157 : i32
      %get3A_159 = arith.index_cast %add3A_158 : i32 to index
      %get3A_160 = tpu.vector_load %arg14[%get3A_159] {strides = array<i32>} : memref<8192xf32, #tpu.memory_space<vmem>>, vector<16xf32>,
      %get3A_161 = vector.shape_cast %get3A_160 : vector<16xf32> to vector<16xf32>
      %max3A_162 = arith.constant -1.000000e+03 : f32
      %max3A_163 = vector.broadcast %max3A_162 : f32 to vector<16xf32>
      %max3A_164 = arith.maximumf %get3A_161, %max3A_163 : vector<16xf32>
      %mul3A_165 = arith.constant 1.000000e-03 : f32
      %mul3A_166 = vector.broadcast %mul3A_165 : f32 to vector<16xf32>
      %mul3A_167 = arith.mulf %max3A_164, %mul3A_166 : vector<16xf32>
      %add3A_168 = arith.constant 1.000000e+00 : f32
      %add3A_169 = vector.broadcast %add3A_168 : f32 to vector<16xf32>
      %add3A_170 = arith.addf %mul3A_167, %add3A_169 : vector<16xf32>
      %mul3A_171 = arith.constant 8.000000e-02 : f32
      %mul3A_172 = vector.broadcast %mul3A_171 : f32 to vector<16xf32>
      %mul3A_173 = arith.mulf %add3A_170, %mul3A_172 : vector<16xf32>
      %get3A_174 = arith.index_cast %add3A_158 : i32 to index
      %get3A_175 = tpu.vector_load %arg13[%get3A_174] {strides = array<i32>} : memref<8192xf32, #tpu.memory_space<vmem>>, vector<16xf32>,
      %get3A_176 = vector.shape_cast %get3A_175 : vector<16xf32> to vector<16xf32>
      %mul3A_177 = arith.mulf %mul3A_173, %get3A_176 : vector<16xf32>
      %swap3A_178 = arith.index_cast %add3A_158 : i32 to index
      %swap3A_179 = tpu.vector_load %arg14[%swap3A_178] {strides = array<i32>} : memref<8192xf32, #tpu.memory_space<vmem>>, vector<16xf32>,
      %swap3A_180 = vector.shape_cast %swap3A_179 : vector<16xf32> to vector<16xf32>
      %swap3A_181 = vector.shape_cast %mul3A_177 : vector<16xf32> to vector<16xf32>
      tpu.vector_store %arg14[%swap3A_178], %swap3A_181 {strides = array<i32>} : memref<8192xf32, #tpu.memory_space<vmem>>, vector<16xf32>,
      %mul3A_182 = arith.constant 128 : i32
      %mul3A_183 = arith.muli %scan3A_102, %mul3A_182 : i32
      %add3A_184 = arith.constant 48 : i32
      %add3A_185 = arith.addi %mul3A_183, %add3A_184 : i32
      %get3A_186 = arith.index_cast %add3A_185 : i32 to index
      %get3A_187 = tpu.vector_load %arg14[%get3A_186] {strides = array<i32>} : memref<8192xf32, #tpu.memory_space<vmem>>, vector<16xf32>,
      %get3A_188 = vector.shape_cast %get3A_187 : vector<16xf32> to vector<16xf32>
      %max3A_189 = arith.constant -1.000000e+03 : f32
      %max3A_190 = vector.broadcast %max3A_189 : f32 to vector<16xf32>
      %max3A_191 = arith.maximumf %get3A_188, %max3A_190 : vector<16xf32>
      %mul3A_192 = arith.constant 1.000000e-03 : f32
      %mul3A_193 = vector.broadcast %mul3A_192 : f32 to vector<16xf32>
      %mul3A_194 = arith.mulf %max3A_191, %mul3A_193 : vector<16xf32>
      %add3A_195 = arith.constant 1.000000e+00 : f32
      %add3A_196 = vector.broadcast %add3A_195 : f32 to vector<16xf32>
      %add3A_197 = arith.addf %mul3A_194, %add3A_196 : vector<16xf32>
      %mul3A_198 = arith.constant 8.000000e-02 : f32
      %mul3A_199 = vector.broadcast %mul3A_198 : f32 to vector<16xf32>
      %mul3A_200 = arith.mulf %add3A_197, %mul3A_199 : vector<16xf32>
      %get3A_201 = arith.index_cast %add3A_185 : i32 to index
      %get3A_202 = tpu.vector_load %arg13[%get3A_201] {strides = array<i32>} : memref<8192xf32, #tpu.memory_space<vmem>>, vector<16xf32>,
      %get3A_203 = vector.shape_cast %get3A_202 : vector<16xf32> to vector<16xf32>
      %mul3A_204 = arith.mulf %mul3A_200, %get3A_203 : vector<16xf32>
      %swap3A_205 = arith.index_cast %add3A_185 : i32 to index
      %swap3A_206 = tpu.vector_load %arg14[%swap3A_205] {strides = array<i32>} : memref<8192xf32, #tpu.memory_space<vmem>>, vector<16xf32>,
      %swap3A_207 = vector.shape_cast %swap3A_206 : vector<16xf32> to vector<16xf32>
      %swap3A_208 = vector.shape_cast %mul3A_204 : vector<16xf32> to vector<16xf32>
      tpu.vector_store %arg14[%swap3A_205], %swap3A_208 {strides = array<i32>} : memref<8192xf32, #tpu.memory_space<vmem>>, vector<16xf32>,
      %mul3A_209 = arith.constant 128 : i32
      %mul3A_210 = arith.muli %scan3A_102, %mul3A_209 : i32
      %add3A_211 = arith.constant 64 : i32
      %add3A_212 = arith.addi %mul3A_210, %add3A_211 : i32
      %get3A_213 = arith.index_cast %add3A_212 : i32 to index
      %get3A_214 = tpu.vector_load %arg14[%get3A_213] {strides = array<i32>} : memref<8192xf32, #tpu.memory_space<vmem>>, vector<16xf32>,
      %get3A_215 = vector.shape_cast %get3A_214 : vector<16xf32> to vector<16xf32>
      %max3A_216 = arith.constant -1.000000e+03 : f32
      %max3A_217 = vector.broadcast %max3A_216 : f32 to vector<16xf32>
      %max3A_218 = arith.maximumf %get3A_215, %max3A_217 : vector<16xf32>
      %mul3A_219 = arith.constant 1.000000e-03 : f32
      %mul3A_220 = vector.broadcast %mul3A_219 : f32 to vector<16xf32>
      %mul3A_221 = arith.mulf %max3A_218, %mul3A_220 : vector<16xf32>
      %add3A_222 = arith.constant 1.000000e+00 : f32
      %add3A_223 = vector.broadcast %add3A_222 : f32 to vector<16xf32>
      %add3A_224 = arith.addf %mul3A_221, %add3A_223 : vector<16xf32>
      %mul3A_225 = arith.constant 8.000000e-02 : f32
      %mul3A_226 = vector.broadcast %mul3A_225 : f32 to vector<16xf32>
      %mul3A_227 = arith.mulf %add3A_224, %mul3A_226 : vector<16xf32>
      %get3A_228 = arith.index_cast %add3A_212 : i32 to index
      %get3A_229 = tpu.vector_load %arg13[%get3A_228] {strides = array<i32>} : memref<8192xf32, #tpu.memory_space<vmem>>, vector<16xf32>,
      %get3A_230 = vector.shape_cast %get3A_229 : vector<16xf32> to vector<16xf32>
      %mul3A_231 = arith.mulf %mul3A_227, %get3A_230 : vector<16xf32>
      %swap3A_232 = arith.index_cast %add3A_212 : i32 to index
      %swap3A_233 = tpu.vector_load %arg14[%swap3A_232] {strides = array<i32>} : memref<8192xf32, #tpu.memory_space<vmem>>, vector<16xf32>,
      %swap3A_234 = vector.shape_cast %swap3A_233 : vector<16xf32> to vector<16xf32>
      %swap3A_235 = vector.shape_cast %mul3A_231 : vector<16xf32> to vector<16xf32>
      tpu.vector_store %arg14[%swap3A_232], %swap3A_235 {strides = array<i32>} : memref<8192xf32, #tpu.memory_space<vmem>>, vector<16xf32>,
      %mul3A_236 = arith.constant 128 : i32
      %mul3A_237 = arith.muli %scan3A_102, %mul3A_236 : i32
      %add3A_238 = arith.constant 80 : i32
      %add3A_239 = arith.addi %mul3A_237, %add3A_238 : i32
      %get3A_240 = arith.index_cast %add3A_239 : i32 to index
      %get3A_241 = tpu.vector_load %arg14[%get3A_240] {strides = array<i32>} : memref<8192xf32, #tpu.memory_space<vmem>>, vector<16xf32>,
      %get3A_242 = vector.shape_cast %get3A_241 : vector<16xf32> to vector<16xf32>
      %max3A_243 = arith.constant -1.000000e+03 : f32
      %max3A_244 = vector.broadcast %max3A_243 : f32 to vector<16xf32>
      %max3A_245 = arith.maximumf %get3A_242, %max3A_244 : vector<16xf32>
      %mul3A_246 = arith.constant 1.000000e-03 : f32
      %mul3A_247 = vector.broadcast %mul3A_246 : f32 to vector<16xf32>
      %mul3A_248 = arith.mulf %max3A_245, %mul3A_247 : vector<16xf32>
      %add3A_249 = arith.constant 1.000000e+00 : f32
      %add3A_250 = vector.broadcast %add3A_249 : f32 to vector<16xf32>
      %add3A_251 = arith.addf %mul3A_248, %add3A_250 : vector<16xf32>
      %mul3A_252 = arith.constant 8.000000e-02 : f32
      %mul3A_253 = vector.broadcast %mul3A_252 : f32 to vector<16xf32>
      %mul3A_254 = arith.mulf %add3A_251, %mul3A_253 : vector<16xf32>
      %get3A_255 = arith.index_cast %add3A_239 : i32 to index
      %get3A_256 = tpu.vector_load %arg13[%get3A_255] {strides = array<i32>} : memref<8192xf32, #tpu.memory_space<vmem>>, vector<16xf32>,
      %get3A_257 = vector.shape_cast %get3A_256 : vector<16xf32> to vector<16xf32>
      %mul3A_258 = arith.mulf %mul3A_254, %get3A_257 : vector<16xf32>
      %swap3A_259 = arith.index_cast %add3A_239 : i32 to index
      %swap3A_260 = tpu.vector_load %arg14[%swap3A_259] {strides = array<i32>} : memref<8192xf32, #tpu.memory_space<vmem>>, vector<16xf32>,
      %swap3A_261 = vector.shape_cast %swap3A_260 : vector<16xf32> to vector<16xf32>
      %swap3A_262 = vector.shape_cast %mul3A_258 : vector<16xf32> to vector<16xf32>
      tpu.vector_store %arg14[%swap3A_259], %swap3A_262 {strides = array<i32>} : memref<8192xf32, #tpu.memory_space<vmem>>, vector<16xf32>,
      %mul3A_263 = arith.constant 128 : i32
      %mul3A_264 = arith.muli %scan3A_102, %mul3A_263 : i32
      %add3A_265 = arith.constant 96 : i32
      %add3A_266 = arith.addi %mul3A_264, %add3A_265 : i32
      %get3A_267 = arith.index_cast %add3A_266 : i32 to index
      %get3A_268 = tpu.vector_load %arg14[%get3A_267] {strides = array<i32>} : memref<8192xf32, #tpu.memory_space<vmem>>, vector<16xf32>,
      %get3A_269 = vector.shape_cast %get3A_268 : vector<16xf32> to vector<16xf32>
      %max3A_270 = arith.constant -1.000000e+03 : f32
      %max3A_271 = vector.broadcast %max3A_270 : f32 to vector<16xf32>
      %max3A_272 = arith.maximumf %get3A_269, %max3A_271 : vector<16xf32>
      %mul3A_273 = arith.constant 1.000000e-03 : f32
      %mul3A_274 = vector.broadcast %mul3A_273 : f32 to vector<16xf32>
      %mul3A_275 = arith.mulf %max3A_272, %mul3A_274 : vector<16xf32>
      %add3A_276 = arith.constant 1.000000e+00 : f32
      %add3A_277 = vector.broadcast %add3A_276 : f32 to vector<16xf32>
      %add3A_278 = arith.addf %mul3A_275, %add3A_277 : vector<16xf32>
      %mul3A_279 = arith.constant 8.000000e-02 : f32
      %mul3A_280 = vector.broadcast %mul3A_279 : f32 to vector<16xf32>
      %mul3A_281 = arith.mulf %add3A_278, %mul3A_280 : vector<16xf32>
      %get3A_282 = arith.index_cast %add3A_266 : i32 to index
      %get3A_283 = tpu.vector_load %arg13[%get3A_282] {strides = array<i32>} : memref<8192xf32, #tpu.memory_space<vmem>>, vector<16xf32>,
      %get3A_284 = vector.shape_cast %get3A_283 : vector<16xf32> to vector<16xf32>
      %mul3A_285 = arith.mulf %mul3A_281, %get3A_284 : vector<16xf32>
      %swap3A_286 = arith.index_cast %add3A_266 : i32 to index
      %swap3A_287 = tpu.vector_load %arg14[%swap3A_286] {strides = array<i32>} : memref<8192xf32, #tpu.memory_space<vmem>>, vector<16xf32>,
      %swap3A_288 = vector.shape_cast %swap3A_287 : vector<16xf32> to vector<16xf32>
      %swap3A_289 = vector.shape_cast %mul3A_285 : vector<16xf32> to vector<16xf32>
      tpu.vector_store %arg14[%swap3A_286], %swap3A_289 {strides = array<i32>} : memref<8192xf32, #tpu.memory_space<vmem>>, vector<16xf32>,
      %mul3A_290 = arith.constant 128 : i32
      %mul3A_291 = arith.muli %scan3A_102, %mul3A_290 : i32
      %add3A_292 = arith.constant 112 : i32
      %add3A_293 = arith.addi %mul3A_291, %add3A_292 : i32
      %get3A_294 = arith.index_cast %add3A_293 : i32 to index
      %get3A_295 = tpu.vector_load %arg14[%get3A_294] {strides = array<i32>} : memref<8192xf32, #tpu.memory_space<vmem>>, vector<16xf32>,
      %get3A_296 = vector.shape_cast %get3A_295 : vector<16xf32> to vector<16xf32>
      %max3A_297 = arith.constant -1.000000e+03 : f32
      %max3A_298 = vector.broadcast %max3A_297 : f32 to vector<16xf32>
      %max3A_299 = arith.maximumf %get3A_296, %max3A_298 : vector<16xf32>
      %mul3A_300 = arith.constant 1.000000e-03 : f32
      %mul3A_301 = vector.broadcast %mul3A_300 : f32 to vector<16xf32>
      %mul3A_302 = arith.mulf %max3A_299, %mul3A_301 : vector<16xf32>
      %add3A_303 = arith.constant 1.000000e+00 : f32
      %add3A_304 = vector.broadcast %add3A_303 : f32 to vector<16xf32>
      %add3A_305 = arith.addf %mul3A_302, %add3A_304 : vector<16xf32>
      %mul3A_306 = arith.constant 8.000000e-02 : f32
      %mul3A_307 = vector.broadcast %mul3A_306 : f32 to vector<16xf32>
      %mul3A_308 = arith.mulf %add3A_305, %mul3A_307 : vector<16xf32>
      %get3A_309 = arith.index_cast %add3A_293 : i32 to index
      %get3A_310 = tpu.vector_load %arg13[%get3A_309] {strides = array<i32>} : memref<8192xf32, #tpu.memory_space<vmem>>, vector<16xf32>,
      %get3A_311 = vector.shape_cast %get3A_310 : vector<16xf32> to vector<16xf32>
      %mul3A_312 = arith.mulf %mul3A_308, %get3A_311 : vector<16xf32>
      %swap3A_313 = arith.index_cast %add3A_293 : i32 to index
      %swap3A_314 = tpu.vector_load %arg14[%swap3A_313] {strides = array<i32>} : memref<8192xf32, #tpu.memory_space<vmem>>, vector<16xf32>,
      %swap3A_315 = vector.shape_cast %swap3A_314 : vector<16xf32> to vector<16xf32>
      %swap3A_316 = vector.shape_cast %mul3A_312 : vector<16xf32> to vector<16xf32>
      tpu.vector_store %arg14[%swap3A_313], %swap3A_316 {strides = array<i32>} : memref<8192xf32, #tpu.memory_space<vmem>>, vector<16xf32>,
      %scan3A_317 = arith.constant 0 : i32
      scf.yield %scan3A_317 : i32
    }
    %scan3A_35 = arith.constant 64 : i32
    "tpu.region"() ({
      %run_scoped3A = tpu.sem_alloc : memref<!tpu.dma_semaphore, #tpu.memory_space<semaphore_mem>>
      %dma_start3A = tpu.memref_slice %arg7[%add3A_21] : memref<1048576xf32, #tpu.memory_space<hbm>> -> memref<8192xf32, #tpu.memory_space<hbm>>
      %dma_start3A_102 = tpu.memref_slice %arg7[%add3A_21] : memref<1048576xf32, #tpu.memory_space<hbm>> -> memref<8192xf32, #tpu.memory_space<hbm>>
      tpu.enqueue_dma source(%arg14 : memref<8192xf32, #tpu.memory_space<vmem>>) target(%dma_start3A_102 : memref<8192xf32, #tpu.memory_space<hbm>>) target_semaphore(%run_scoped3A : memref<!tpu.dma_semaphore, #tpu.memory_space<semaphore_mem>>)
      %dma_wait3A = tpu.memref_slice %arg7[%add3A_21] : memref<1048576xf32, #tpu.memory_space<hbm>> -> memref<8192xf32, #tpu.memory_space<hbm>>
      %dma_wait3A_103 = tpu.memref_slice %arg7[%add3A_21] : memref<1048576xf32, #tpu.memory_space<hbm>> -> memref<8192xf32, #tpu.memory_space<hbm>>
      tpu.wait_dma2 semaphore(%run_scoped3A : memref<!tpu.dma_semaphore, #tpu.memory_space<semaphore_mem>>) src(%arg14 : memref<8192xf32, #tpu.memory_space<vmem>>) dst(%dma_wait3A_103 : memref<8192xf32, #tpu.memory_space<hbm>>)
      tpu.yield
    }) : () -> ()
    %add3A_36 = arith.constant 16384 : i32
    %add3A_37 = arith.addi %mul3A_2, %add3A_36 : i32
    "tpu.region"() ({
      %run_scoped3A = tpu.sem_alloc : memref<!tpu.dma_semaphore, #tpu.memory_space<semaphore_mem>>
      %dma_start3A = tpu.memref_slice %arg2[%add3A_37] : memref<1048576xf32, #tpu.memory_space<hbm>> -> memref<8192xf32, #tpu.memory_space<hbm>>
      %dma_start3A_102 = tpu.memref_slice %arg2[%add3A_37] : memref<1048576xf32, #tpu.memory_space<hbm>> -> memref<8192xf32, #tpu.memory_space<hbm>>
      tpu.enqueue_dma source(%dma_start3A_102 : memref<8192xf32, #tpu.memory_space<hbm>>) target(%arg8 : memref<8192xf32, #tpu.memory_space<vmem>>) target_semaphore(%run_scoped3A : memref<!tpu.dma_semaphore, #tpu.memory_space<semaphore_mem>>)
      %dma_wait3A = tpu.memref_slice %arg2[%add3A_37] : memref<1048576xf32, #tpu.memory_space<hbm>> -> memref<8192xf32, #tpu.memory_space<hbm>>
      %dma_wait3A_103 = tpu.memref_slice %arg2[%add3A_37] : memref<1048576xf32, #tpu.memory_space<hbm>> -> memref<8192xf32, #tpu.memory_space<hbm>>
      tpu.wait_dma2 semaphore(%run_scoped3A : memref<!tpu.dma_semaphore, #tpu.memory_space<semaphore_mem>>) src(%dma_wait3A_103 : memref<8192xf32, #tpu.memory_space<hbm>>) dst(%arg8 : memref<8192xf32, #tpu.memory_space<vmem>>)
      tpu.yield
    }) : () -> ()
    "tpu.region"() ({
      %run_scoped3A = tpu.sem_alloc : memref<!tpu.dma_semaphore, #tpu.memory_space<semaphore_mem>>
      %dma_start3A = tpu.memref_slice %arg3[%add3A_37] : memref<1048576xf32, #tpu.memory_space<hbm>> -> memref<8192xf32, #tpu.memory_space<hbm>>
      %dma_start3A_102 = tpu.memref_slice %arg3[%add3A_37] : memref<1048576xf32, #tpu.memory_space<hbm>> -> memref<8192xf32, #tpu.memory_space<hbm>>
      tpu.enqueue_dma source(%dma_start3A_102 : memref<8192xf32, #tpu.memory_space<hbm>>) target(%arg9 : memref<8192xf32, #tpu.memory_space<vmem>>) target_semaphore(%run_scoped3A : memref<!tpu.dma_semaphore, #tpu.memory_space<semaphore_mem>>)
      %dma_wait3A = tpu.memref_slice %arg3[%add3A_37] : memref<1048576xf32, #tpu.memory_space<hbm>> -> memref<8192xf32, #tpu.memory_space<hbm>>
      %dma_wait3A_103 = tpu.memref_slice %arg3[%add3A_37] : memref<1048576xf32, #tpu.memory_space<hbm>> -> memref<8192xf32, #tpu.memory_space<hbm>>
      tpu.wait_dma2 semaphore(%run_scoped3A : memref<!tpu.dma_semaphore, #tpu.memory_space<semaphore_mem>>) src(%dma_wait3A_103 : memref<8192xf32, #tpu.memory_space<hbm>>) dst(%arg9 : memref<8192xf32, #tpu.memory_space<vmem>>)
      tpu.yield
    }) : () -> ()
    "tpu.region"() ({
      %run_scoped3A = tpu.sem_alloc : memref<!tpu.dma_semaphore, #tpu.memory_space<semaphore_mem>>
      %dma_start3A = tpu.memref_slice %arg4[%add3A_37] : memref<1048576xf32, #tpu.memory_space<hbm>> -> memref<8192xf32, #tpu.memory_space<hbm>>
      %dma_start3A_102 = tpu.memref_slice %arg4[%add3A_37] : memref<1048576xf32, #tpu.memory_space<hbm>> -> memref<8192xf32, #tpu.memory_space<hbm>>
      tpu.enqueue_dma source(%dma_start3A_102 : memref<8192xf32, #tpu.memory_space<hbm>>) target(%arg10 : memref<8192xf32, #tpu.memory_space<vmem>>) target_semaphore(%run_scoped3A : memref<!tpu.dma_semaphore, #tpu.memory_space<semaphore_mem>>)
      %dma_wait3A = tpu.memref_slice %arg4[%add3A_37] : memref<1048576xf32, #tpu.memory_space<hbm>> -> memref<8192xf32, #tpu.memory_space<hbm>>
      %dma_wait3A_103 = tpu.memref_slice %arg4[%add3A_37] : memref<1048576xf32, #tpu.memory_space<hbm>> -> memref<8192xf32, #tpu.memory_space<hbm>>
      tpu.wait_dma2 semaphore(%run_scoped3A : memref<!tpu.dma_semaphore, #tpu.memory_space<semaphore_mem>>) src(%dma_wait3A_103 : memref<8192xf32, #tpu.memory_space<hbm>>) dst(%arg10 : memref<8192xf32, #tpu.memory_space<vmem>>)
      tpu.yield
    }) : () -> ()
    %scan3A_38 = arith.constant 0 : i32
    %scan3A_39 = arith.constant 0 : i32
    %scan3A_40 = arith.constant 64 : i32
    %scan3A_41 = arith.addi %scan3A_39, %scan3A_40 : i32
    %scan3A_42 = arith.constant 1 : i32
    %scan3A_43 = scf.for %scan3A_102 = %scan3A_39 to %scan3A_41 step %scan3A_42 iter_args(%scan3A_103 = %scan3A_38) -> (i32)  : i32 {
      %mul3A_104 = arith.constant 128 : i32
      %mul3A_105 = arith.muli %scan3A_102, %mul3A_104 : i32
      %add3A_106 = arith.constant 0 : i32
      %add3A_107 = arith.addi %mul3A_105, %add3A_106 : i32
      %get3A = arith.index_cast %add3A_107 : i32 to index
      %get3A_108 = tpu.vector_load %arg8[%get3A] {strides = array<i32>} : memref<8192xf32, #tpu.memory_space<vmem>>, vector<16xf32>,
      %get3A_109 = vector.shape_cast %get3A_108 : vector<16xf32> to vector<16xf32>
      %get3A_110 = arith.index_cast %add3A_107 : i32 to index
      %get3A_111 = tpu.vector_load %arg9[%get3A_110] {strides = array<i32>} : memref<8192xf32, #tpu.memory_space<vmem>>, vector<16xf32>,
      %get3A_112 = vector.shape_cast %get3A_111 : vector<16xf32> to vector<16xf32>
      %get3A_113 = arith.index_cast %add3A_107 : i32 to index
      %get3A_114 = tpu.vector_load %arg10[%get3A_113] {strides = array<i32>} : memref<8192xf32, #tpu.memory_space<vmem>>, vector<16xf32>,
      %get3A_115 = vector.shape_cast %get3A_114 : vector<16xf32> to vector<16xf32>
      %get3A_116 = arith.constant 0 : i32
      %get3A_117 = arith.index_cast %get3A_116 : i32 to index
      %get3A_118 = arith.constant 0 : index
      %get3A_119 = tpu.vector_load %arg11[%get3A_117, %get3A_118] {strides = array<i32>} : memref<6x16xf32, #tpu.memory_space<vmem>>, vector<1x16xf32>,
      %get3A_120 = vector.shape_cast %get3A_119 : vector<1x16xf32> to vector<16xf32>
      %add3A_121 = arith.addf %get3A_109, %get3A_120 : vector<16xf32>
      %get3A_122 = arith.constant 3 : i32
      %get3A_123 = arith.index_cast %get3A_122 : i32 to index
      %get3A_124 = arith.constant 0 : index
      %get3A_125 = tpu.vector_load %arg11[%get3A_123, %get3A_124] {strides = array<i32>} : memref<6x16xf32, #tpu.memory_space<vmem>>, vector<1x16xf32>,
      %get3A_126 = vector.shape_cast %get3A_125 : vector<1x16xf32> to vector<16xf32>
      %mul3A_127 = arith.mulf %add3A_121, %get3A_126 : vector<16xf32>
      %convert_element_type3A = arith.fptosi %mul3A_127 : vector<16xf32> to vector<16xi32>
      %get3A_128 = arith.constant 1 : i32
      %get3A_129 = arith.index_cast %get3A_128 : i32 to index
      %get3A_130 = arith.constant 0 : index
      %get3A_131 = tpu.vector_load %arg11[%get3A_129, %get3A_130] {strides = array<i32>} : memref<6x16xf32, #tpu.memory_space<vmem>>, vector<1x16xf32>,
      %get3A_132 = vector.shape_cast %get3A_131 : vector<1x16xf32> to vector<16xf32>
      %add3A_133 = arith.addf %get3A_112, %get3A_132 : vector<16xf32>
      %get3A_134 = arith.constant 4 : i32
      %get3A_135 = arith.index_cast %get3A_134 : i32 to index
      %get3A_136 = arith.constant 0 : index
      %get3A_137 = tpu.vector_load %arg11[%get3A_135, %get3A_136] {strides = array<i32>} : memref<6x16xf32, #tpu.memory_space<vmem>>, vector<1x16xf32>,
      %get3A_138 = vector.shape_cast %get3A_137 : vector<1x16xf32> to vector<16xf32>
      %mul3A_139 = arith.mulf %add3A_133, %get3A_138 : vector<16xf32>
      %convert_element_type3A_140 = arith.fptosi %mul3A_139 : vector<16xf32> to vector<16xi32>
      %get3A_141 = arith.constant 2 : i32
      %get3A_142 = arith.index_cast %get3A_141 : i32 to index
      %get3A_143 = arith.constant 0 : index
      %get3A_144 = tpu.vector_load %arg11[%get3A_142, %get3A_143] {strides = array<i32>} : memref<6x16xf32, #tpu.memory_space<vmem>>, vector<1x16xf32>,
      %get3A_145 = vector.shape_cast %get3A_144 : vector<1x16xf32> to vector<16xf32>
      %add3A_146 = arith.addf %get3A_115, %get3A_145 : vector<16xf32>
      %get3A_147 = arith.constant 5 : i32
      %get3A_148 = arith.index_cast %get3A_147 : i32 to index
      %get3A_149 = arith.constant 0 : index
      %get3A_150 = tpu.vector_load %arg11[%get3A_148, %get3A_149] {strides = array<i32>} : memref<6x16xf32, #tpu.memory_space<vmem>>, vector<1x16xf32>,
      %get3A_151 = vector.shape_cast %get3A_150 : vector<1x16xf32> to vector<16xf32>
      %mul3A_152 = arith.mulf %add3A_146, %get3A_151 : vector<16xf32>
      %convert_element_type3A_153 = arith.fptosi %mul3A_152 : vector<16xf32> to vector<16xi32>
      %lt3A = arith.constant 0 : i32
      %lt3A_154 = vector.broadcast %lt3A : i32 to vector<16xi32>
      %lt3A_155 = arith.cmpi slt, %convert_element_type3A, %lt3A_154 : vector<16xi32>
      %lt3A_156 = arith.constant 0 : i32
      %lt3A_157 = vector.broadcast %lt3A_156 : i32 to vector<16xi32>
      %lt3A_158 = arith.cmpi slt, %convert_element_type3A_140, %lt3A_157 : vector<16xi32>
      %or3A = arith.ori %lt3A_155, %lt3A_158 : vector<16xi1>
      %lt3A_159 = arith.constant 0 : i32
      %lt3A_160 = vector.broadcast %lt3A_159 : i32 to vector<16xi32>
      %lt3A_161 = arith.cmpi slt, %convert_element_type3A_153, %lt3A_160 : vector<16xi32>
      %or3A_162 = arith.ori %or3A, %lt3A_161 : vector<16xi1>
      %gt3A = arith.constant 511 : i32
      %gt3A_163 = vector.broadcast %gt3A : i32 to vector<16xi32>
      %gt3A_164 = arith.cmpi sgt, %convert_element_type3A, %gt3A_163 : vector<16xi32>
      %or3A_165 = arith.ori %or3A_162, %gt3A_164 : vector<16xi1>
      %gt3A_166 = arith.constant 511 : i32
      %gt3A_167 = vector.broadcast %gt3A_166 : i32 to vector<16xi32>
      %gt3A_168 = arith.cmpi sgt, %convert_element_type3A_140, %gt3A_167 : vector<16xi32>
      %or3A_169 = arith.ori %or3A_165, %gt3A_168 : vector<16xi1>
      %gt3A_170 = arith.constant 255 : i32
      %gt3A_171 = vector.broadcast %gt3A_170 : i32 to vector<16xi32>
      %gt3A_172 = arith.cmpi sgt, %convert_element_type3A_153, %gt3A_171 : vector<16xi32>
      %or3A_173 = arith.ori %or3A_169, %gt3A_172 : vector<16xi1>
      %mul3A_174 = arith.constant 131072 : i32
      %mul3A_175 = vector.broadcast %mul3A_174 : i32 to vector<16xi32>
      %mul3A_176 = arith.muli %convert_element_type3A, %mul3A_175 : vector<16xi32>
      %shift_right_arithmetic3A = arith.constant 3 : i32
      %shift_right_arithmetic3A_177 = vector.broadcast %shift_right_arithmetic3A : i32 to vector<16xi32>
      %shift_right_arithmetic3A_178 = arith.shrsi %convert_element_type3A_140, %shift_right_arithmetic3A_177 : vector<16xi32>
      %mul3A_179 = arith.constant 2048 : i32
      %mul3A_180 = vector.broadcast %mul3A_179 : i32 to vector<16xi32>
      %mul3A_181 = arith.muli %shift_right_arithmetic3A_178, %mul3A_180 : vector<16xi32>
      %add3A_182 = arith.addi %mul3A_176, %mul3A_181 : vector<16xi32>
      %shift_right_arithmetic3A_183 = arith.constant 7 : i32
      %shift_right_arithmetic3A_184 = vector.broadcast %shift_right_arithmetic3A_183 : i32 to vector<16xi32>
      %shift_right_arithmetic3A_185 = arith.shrsi %convert_element_type3A_153, %shift_right_arithmetic3A_184 : vector<16xi32>
      %mul3A_186 = arith.constant 1024 : i32
      %mul3A_187 = vector.broadcast %mul3A_186 : i32 to vector<16xi32>
      %mul3A_188 = arith.muli %shift_right_arithmetic3A_185, %mul3A_187 : vector<16xi32>
      %add3A_189 = arith.addi %add3A_182, %mul3A_188 : vector<16xi32>
      %and3A = arith.constant 7 : i32
      %and3A_190 = vector.broadcast %and3A : i32 to vector<16xi32>
      %and3A_191 = arith.andi %convert_element_type3A_140, %and3A_190 : vector<16xi32>
      %mul3A_192 = arith.constant 128 : i32
      %mul3A_193 = vector.broadcast %mul3A_192 : i32 to vector<16xi32>
      %mul3A_194 = arith.muli %and3A_191, %mul3A_193 : vector<16xi32>
      %add3A_195 = arith.addi %add3A_189, %mul3A_194 : vector<16xi32>
      %and3A_196 = arith.constant 127 : i32
      %and3A_197 = vector.broadcast %and3A_196 : i32 to vector<16xi32>
      %and3A_198 = arith.andi %convert_element_type3A_153, %and3A_197 : vector<16xi32>
      %add3A_199 = arith.addi %add3A_195, %and3A_198 : vector<16xi32>
      %jit3A = arith.constant 0 : i32
      %broadcast_in_dim3A = vector.broadcast %jit3A : i32 to vector<16xi32>
      %select_n3A = arith.select %or3A_173, %broadcast_in_dim3A, %add3A_199 : vector<16xi1>, vector<16xi32>
      %swap3A = arith.index_cast %add3A_107 : i32 to index
      %swap3A_200 = tpu.vector_load %arg12[%swap3A] {strides = array<i32>} : memref<8192xi32, #tpu.memory_space<vmem>>, vector<16xi32>,
      %swap3A_201 = vector.shape_cast %swap3A_200 : vector<16xi32> to vector<16xi32>
      %swap3A_202 = vector.shape_cast %select_n3A : vector<16xi32> to vector<16xi32>
      tpu.vector_store %arg12[%swap3A], %swap3A_202 {strides = array<i32>} : memref<8192xi32, #tpu.memory_space<vmem>>, vector<16xi32>,
      %jit3A_203 = arith.constant 0.000000e+00 : f32
      %jit3A_204 = arith.constant 1.000000e+00 : f32
      %broadcast_in_dim3A_205 = vector.broadcast %jit3A_203 : f32 to vector<16xf32>
      %broadcast_in_dim3A_206 = vector.broadcast %jit3A_204 : f32 to vector<16xf32>
      %select_n3A_207 = arith.select %or3A_173, %broadcast_in_dim3A_205, %broadcast_in_dim3A_206 : vector<16xi1>, vector<16xf32>
      %swap3A_208 = arith.index_cast %add3A_107 : i32 to index
      %swap3A_209 = tpu.vector_load %arg13[%swap3A_208] {strides = array<i32>} : memref<8192xf32, #tpu.memory_space<vmem>>, vector<16xf32>,
      %swap3A_210 = vector.shape_cast %swap3A_209 : vector<16xf32> to vector<16xf32>
      %swap3A_211 = vector.shape_cast %select_n3A_207 : vector<16xf32> to vector<16xf32>
      tpu.vector_store %arg13[%swap3A_208], %swap3A_211 {strides = array<i32>} : memref<8192xf32, #tpu.memory_space<vmem>>, vector<16xf32>,
      %mul3A_212 = arith.constant 128 : i32
      %mul3A_213 = arith.muli %scan3A_102, %mul3A_212 : i32
      %add3A_214 = arith.constant 16 : i32
      %add3A_215 = arith.addi %mul3A_213, %add3A_214 : i32
      %get3A_216 = arith.index_cast %add3A_215 : i32 to index
      %get3A_217 = tpu.vector_load %arg8[%get3A_216] {strides = array<i32>} : memref<8192xf32, #tpu.memory_space<vmem>>, vector<16xf32>,
      %get3A_218 = vector.shape_cast %get3A_217 : vector<16xf32> to vector<16xf32>
      %get3A_219 = arith.index_cast %add3A_215 : i32 to index
      %get3A_220 = tpu.vector_load %arg9[%get3A_219] {strides = array<i32>} : memref<8192xf32, #tpu.memory_space<vmem>>, vector<16xf32>,
      %get3A_221 = vector.shape_cast %get3A_220 : vector<16xf32> to vector<16xf32>
      %get3A_222 = arith.index_cast %add3A_215 : i32 to index
      %get3A_223 = tpu.vector_load %arg10[%get3A_222] {strides = array<i32>} : memref<8192xf32, #tpu.memory_space<vmem>>, vector<16xf32>,
      %get3A_224 = vector.shape_cast %get3A_223 : vector<16xf32> to vector<16xf32>
      %get3A_225 = arith.constant 0 : i32
      %get3A_226 = arith.index_cast %get3A_225 : i32 to index
      %get3A_227 = arith.constant 0 : index
      %get3A_228 = tpu.vector_load %arg11[%get3A_226, %get3A_227] {strides = array<i32>} : memref<6x16xf32, #tpu.memory_space<vmem>>, vector<1x16xf32>,
      %get3A_229 = vector.shape_cast %get3A_228 : vector<1x16xf32> to vector<16xf32>
      %add3A_230 = arith.addf %get3A_218, %get3A_229 : vector<16xf32>
      %get3A_231 = arith.constant 3 : i32
      %get3A_232 = arith.index_cast %get3A_231 : i32 to index
      %get3A_233 = arith.constant 0 : index
      %get3A_234 = tpu.vector_load %arg11[%get3A_232, %get3A_233] {strides = array<i32>} : memref<6x16xf32, #tpu.memory_space<vmem>>, vector<1x16xf32>,
      %get3A_235 = vector.shape_cast %get3A_234 : vector<1x16xf32> to vector<16xf32>
      %mul3A_236 = arith.mulf %add3A_230, %get3A_235 : vector<16xf32>
      %convert_element_type3A_237 = arith.fptosi %mul3A_236 : vector<16xf32> to vector<16xi32>
      %get3A_238 = arith.constant 1 : i32
      %get3A_239 = arith.index_cast %get3A_238 : i32 to index
      %get3A_240 = arith.constant 0 : index
      %get3A_241 = tpu.vector_load %arg11[%get3A_239, %get3A_240] {strides = array<i32>} : memref<6x16xf32, #tpu.memory_space<vmem>>, vector<1x16xf32>,
      %get3A_242 = vector.shape_cast %get3A_241 : vector<1x16xf32> to vector<16xf32>
      %add3A_243 = arith.addf %get3A_221, %get3A_242 : vector<16xf32>
      %get3A_244 = arith.constant 4 : i32
      %get3A_245 = arith.index_cast %get3A_244 : i32 to index
      %get3A_246 = arith.constant 0 : index
      %get3A_247 = tpu.vector_load %arg11[%get3A_245, %get3A_246] {strides = array<i32>} : memref<6x16xf32, #tpu.memory_space<vmem>>, vector<1x16xf32>,
      %get3A_248 = vector.shape_cast %get3A_247 : vector<1x16xf32> to vector<16xf32>
      %mul3A_249 = arith.mulf %add3A_243, %get3A_248 : vector<16xf32>
      %convert_element_type3A_250 = arith.fptosi %mul3A_249 : vector<16xf32> to vector<16xi32>
      %get3A_251 = arith.constant 2 : i32
      %get3A_252 = arith.index_cast %get3A_251 : i32 to index
      %get3A_253 = arith.constant 0 : index
      %get3A_254 = tpu.vector_load %arg11[%get3A_252, %get3A_253] {strides = array<i32>} : memref<6x16xf32, #tpu.memory_space<vmem>>, vector<1x16xf32>,
      %get3A_255 = vector.shape_cast %get3A_254 : vector<1x16xf32> to vector<16xf32>
      %add3A_256 = arith.addf %get3A_224, %get3A_255 : vector<16xf32>
      %get3A_257 = arith.constant 5 : i32
      %get3A_258 = arith.index_cast %get3A_257 : i32 to index
      %get3A_259 = arith.constant 0 : index
      %get3A_260 = tpu.vector_load %arg11[%get3A_258, %get3A_259] {strides = array<i32>} : memref<6x16xf32, #tpu.memory_space<vmem>>, vector<1x16xf32>,
      %get3A_261 = vector.shape_cast %get3A_260 : vector<1x16xf32> to vector<16xf32>
      %mul3A_262 = arith.mulf %add3A_256, %get3A_261 : vector<16xf32>
      %convert_element_type3A_263 = arith.fptosi %mul3A_262 : vector<16xf32> to vector<16xi32>
      %lt3A_264 = arith.constant 0 : i32
      %lt3A_265 = vector.broadcast %lt3A_264 : i32 to vector<16xi32>
      %lt3A_266 = arith.cmpi slt, %convert_element_type3A_237, %lt3A_265 : vector<16xi32>
      %lt3A_267 = arith.constant 0 : i32
      %lt3A_268 = vector.broadcast %lt3A_267 : i32 to vector<16xi32>
      %lt3A_269 = arith.cmpi slt, %convert_element_type3A_250, %lt3A_268 : vector<16xi32>
      %or3A_270 = arith.ori %lt3A_266, %lt3A_269 : vector<16xi1>
      %lt3A_271 = arith.constant 0 : i32
      %lt3A_272 = vector.broadcast %lt3A_271 : i32 to vector<16xi32>
      %lt3A_273 = arith.cmpi slt, %convert_element_type3A_263, %lt3A_272 : vector<16xi32>
      %or3A_274 = arith.ori %or3A_270, %lt3A_273 : vector<16xi1>
      %gt3A_275 = arith.constant 511 : i32
      %gt3A_276 = vector.broadcast %gt3A_275 : i32 to vector<16xi32>
      %gt3A_277 = arith.cmpi sgt, %convert_element_type3A_237, %gt3A_276 : vector<16xi32>
      %or3A_278 = arith.ori %or3A_274, %gt3A_277 : vector<16xi1>
      %gt3A_279 = arith.constant 511 : i32
      %gt3A_280 = vector.broadcast %gt3A_279 : i32 to vector<16xi32>
      %gt3A_281 = arith.cmpi sgt, %convert_element_type3A_250, %gt3A_280 : vector<16xi32>
      %or3A_282 = arith.ori %or3A_278, %gt3A_281 : vector<16xi1>
      %gt3A_283 = arith.constant 255 : i32
      %gt3A_284 = vector.broadcast %gt3A_283 : i32 to vector<16xi32>
      %gt3A_285 = arith.cmpi sgt, %convert_element_type3A_263, %gt3A_284 : vector<16xi32>
      %or3A_286 = arith.ori %or3A_282, %gt3A_285 : vector<16xi1>
      %mul3A_287 = arith.constant 131072 : i32
      %mul3A_288 = vector.broadcast %mul3A_287 : i32 to vector<16xi32>
      %mul3A_289 = arith.muli %convert_element_type3A_237, %mul3A_288 : vector<16xi32>
      %shift_right_arithmetic3A_290 = arith.constant 3 : i32
      %shift_right_arithmetic3A_291 = vector.broadcast %shift_right_arithmetic3A_290 : i32 to vector<16xi32>
      %shift_right_arithmetic3A_292 = arith.shrsi %convert_element_type3A_250, %shift_right_arithmetic3A_291 : vector<16xi32>
      %mul3A_293 = arith.constant 2048 : i32
      %mul3A_294 = vector.broadcast %mul3A_293 : i32 to vector<16xi32>
      %mul3A_295 = arith.muli %shift_right_arithmetic3A_292, %mul3A_294 : vector<16xi32>
      %add3A_296 = arith.addi %mul3A_289, %mul3A_295 : vector<16xi32>
      %shift_right_arithmetic3A_297 = arith.constant 7 : i32
      %shift_right_arithmetic3A_298 = vector.broadcast %shift_right_arithmetic3A_297 : i32 to vector<16xi32>
      %shift_right_arithmetic3A_299 = arith.shrsi %convert_element_type3A_263, %shift_right_arithmetic3A_298 : vector<16xi32>
      %mul3A_300 = arith.constant 1024 : i32
      %mul3A_301 = vector.broadcast %mul3A_300 : i32 to vector<16xi32>
      %mul3A_302 = arith.muli %shift_right_arithmetic3A_299, %mul3A_301 : vector<16xi32>
      %add3A_303 = arith.addi %add3A_296, %mul3A_302 : vector<16xi32>
      %and3A_304 = arith.constant 7 : i32
      %and3A_305 = vector.broadcast %and3A_304 : i32 to vector<16xi32>
      %and3A_306 = arith.andi %convert_element_type3A_250, %and3A_305 : vector<16xi32>
      %mul3A_307 = arith.constant 128 : i32
      %mul3A_308 = vector.broadcast %mul3A_307 : i32 to vector<16xi32>
      %mul3A_309 = arith.muli %and3A_306, %mul3A_308 : vector<16xi32>
      %add3A_310 = arith.addi %add3A_303, %mul3A_309 : vector<16xi32>
      %and3A_311 = arith.constant 127 : i32
      %and3A_312 = vector.broadcast %and3A_311 : i32 to vector<16xi32>
      %and3A_313 = arith.andi %convert_element_type3A_263, %and3A_312 : vector<16xi32>
      %add3A_314 = arith.addi %add3A_310, %and3A_313 : vector<16xi32>
      %jit3A_315 = arith.constant 0 : i32
      %broadcast_in_dim3A_316 = vector.broadcast %jit3A_315 : i32 to vector<16xi32>
      %select_n3A_317 = arith.select %or3A_286, %broadcast_in_dim3A_316, %add3A_314 : vector<16xi1>, vector<16xi32>
      %swap3A_318 = arith.index_cast %add3A_215 : i32 to index
      %swap3A_319 = tpu.vector_load %arg12[%swap3A_318] {strides = array<i32>} : memref<8192xi32, #tpu.memory_space<vmem>>, vector<16xi32>,
      %swap3A_320 = vector.shape_cast %swap3A_319 : vector<16xi32> to vector<16xi32>
      %swap3A_321 = vector.shape_cast %select_n3A_317 : vector<16xi32> to vector<16xi32>
      tpu.vector_store %arg12[%swap3A_318], %swap3A_321 {strides = array<i32>} : memref<8192xi32, #tpu.memory_space<vmem>>, vector<16xi32>,
      %jit3A_322 = arith.constant 0.000000e+00 : f32
      %jit3A_323 = arith.constant 1.000000e+00 : f32
      %broadcast_in_dim3A_324 = vector.broadcast %jit3A_322 : f32 to vector<16xf32>
      %broadcast_in_dim3A_325 = vector.broadcast %jit3A_323 : f32 to vector<16xf32>
      %select_n3A_326 = arith.select %or3A_286, %broadcast_in_dim3A_324, %broadcast_in_dim3A_325 : vector<16xi1>, vector<16xf32>
      %swap3A_327 = arith.index_cast %add3A_215 : i32 to index
      %swap3A_328 = tpu.vector_load %arg13[%swap3A_327] {strides = array<i32>} : memref<8192xf32, #tpu.memory_space<vmem>>, vector<16xf32>,
      %swap3A_329 = vector.shape_cast %swap3A_328 : vector<16xf32> to vector<16xf32>
      %swap3A_330 = vector.shape_cast %select_n3A_326 : vector<16xf32> to vector<16xf32>
      tpu.vector_store %arg13[%swap3A_327], %swap3A_330 {strides = array<i32>} : memref<8192xf32, #tpu.memory_space<vmem>>, vector<16xf32>,
      %mul3A_331 = arith.constant 128 : i32
      %mul3A_332 = arith.muli %scan3A_102, %mul3A_331 : i32
      %add3A_333 = arith.constant 32 : i32
      %add3A_334 = arith.addi %mul3A_332, %add3A_333 : i32
      %get3A_335 = arith.index_cast %add3A_334 : i32 to index
      %get3A_336 = tpu.vector_load %arg8[%get3A_335] {strides = array<i32>} : memref<8192xf32, #tpu.memory_space<vmem>>, vector<16xf32>,
      %get3A_337 = vector.shape_cast %get3A_336 : vector<16xf32> to vector<16xf32>
      %get3A_338 = arith.index_cast %add3A_334 : i32 to index
      %get3A_339 = tpu.vector_load %arg9[%get3A_338] {strides = array<i32>} : memref<8192xf32, #tpu.memory_space<vmem>>, vector<16xf32>,
      %get3A_340 = vector.shape_cast %get3A_339 : vector<16xf32> to vector<16xf32>
      %get3A_341 = arith.index_cast %add3A_334 : i32 to index
      %get3A_342 = tpu.vector_load %arg10[%get3A_341] {strides = array<i32>} : memref<8192xf32, #tpu.memory_space<vmem>>, vector<16xf32>,
      %get3A_343 = vector.shape_cast %get3A_342 : vector<16xf32> to vector<16xf32>
      %get3A_344 = arith.constant 0 : i32
      %get3A_345 = arith.index_cast %get3A_344 : i32 to index
      %get3A_346 = arith.constant 0 : index
      %get3A_347 = tpu.vector_load %arg11[%get3A_345, %get3A_346] {strides = array<i32>} : memref<6x16xf32, #tpu.memory_space<vmem>>, vector<1x16xf32>,
      %get3A_348 = vector.shape_cast %get3A_347 : vector<1x16xf32> to vector<16xf32>
      %add3A_349 = arith.addf %get3A_337, %get3A_348 : vector<16xf32>
      %get3A_350 = arith.constant 3 : i32
      %get3A_351 = arith.index_cast %get3A_350 : i32 to index
      %get3A_352 = arith.constant 0 : index
      %get3A_353 = tpu.vector_load %arg11[%get3A_351, %get3A_352] {strides = array<i32>} : memref<6x16xf32, #tpu.memory_space<vmem>>, vector<1x16xf32>,
      %get3A_354 = vector.shape_cast %get3A_353 : vector<1x16xf32> to vector<16xf32>
      %mul3A_355 = arith.mulf %add3A_349, %get3A_354 : vector<16xf32>
      %convert_element_type3A_356 = arith.fptosi %mul3A_355 : vector<16xf32> to vector<16xi32>
      %get3A_357 = arith.constant 1 : i32
      %get3A_358 = arith.index_cast %get3A_357 : i32 to index
      %get3A_359 = arith.constant 0 : index
      %get3A_360 = tpu.vector_load %arg11[%get3A_358, %get3A_359] {strides = array<i32>} : memref<6x16xf32, #tpu.memory_space<vmem>>, vector<1x16xf32>,
      %get3A_361 = vector.shape_cast %get3A_360 : vector<1x16xf32> to vector<16xf32>
      %add3A_362 = arith.addf %get3A_340, %get3A_361 : vector<16xf32>
      %get3A_363 = arith.constant 4 : i32
      %get3A_364 = arith.index_cast %get3A_363 : i32 to index
      %get3A_365 = arith.constant 0 : index
      %get3A_366 = tpu.vector_load %arg11[%get3A_364, %get3A_365] {strides = array<i32>} : memref<6x16xf32, #tpu.memory_space<vmem>>, vector<1x16xf32>,
      %get3A_367 = vector.shape_cast %get3A_366 : vector<1x16xf32> to vector<16xf32>
      %mul3A_368 = arith.mulf %add3A_362, %get3A_367 : vector<16xf32>
      %convert_element_type3A_369 = arith.fptosi %mul3A_368 : vector<16xf32> to vector<16xi32>
      %get3A_370 = arith.constant 2 : i32
      %get3A_371 = arith.index_cast %get3A_370 : i32 to index
      %get3A_372 = arith.constant 0 : index
      %get3A_373 = tpu.vector_load %arg11[%get3A_371, %get3A_372] {strides = array<i32>} : memref<6x16xf32, #tpu.memory_space<vmem>>, vector<1x16xf32>,
      %get3A_374 = vector.shape_cast %get3A_373 : vector<1x16xf32> to vector<16xf32>
      %add3A_375 = arith.addf %get3A_343, %get3A_374 : vector<16xf32>
      %get3A_376 = arith.constant 5 : i32
      %get3A_377 = arith.index_cast %get3A_376 : i32 to index
      %get3A_378 = arith.constant 0 : index
      %get3A_379 = tpu.vector_load %arg11[%get3A_377, %get3A_378] {strides = array<i32>} : memref<6x16xf32, #tpu.memory_space<vmem>>, vector<1x16xf32>,
      %get3A_380 = vector.shape_cast %get3A_379 : vector<1x16xf32> to vector<16xf32>
      %mul3A_381 = arith.mulf %add3A_375, %get3A_380 : vector<16xf32>
      %convert_element_type3A_382 = arith.fptosi %mul3A_381 : vector<16xf32> to vector<16xi32>
      %lt3A_383 = arith.constant 0 : i32
      %lt3A_384 = vector.broadcast %lt3A_383 : i32 to vector<16xi32>
      %lt3A_385 = arith.cmpi slt, %convert_element_type3A_356, %lt3A_384 : vector<16xi32>
      %lt3A_386 = arith.constant 0 : i32
      %lt3A_387 = vector.broadcast %lt3A_386 : i32 to vector<16xi32>
      %lt3A_388 = arith.cmpi slt, %convert_element_type3A_369, %lt3A_387 : vector<16xi32>
      %or3A_389 = arith.ori %lt3A_385, %lt3A_388 : vector<16xi1>
      %lt3A_390 = arith.constant 0 : i32
      %lt3A_391 = vector.broadcast %lt3A_390 : i32 to vector<16xi32>
      %lt3A_392 = arith.cmpi slt, %convert_element_type3A_382, %lt3A_391 : vector<16xi32>
      %or3A_393 = arith.ori %or3A_389, %lt3A_392 : vector<16xi1>
      %gt3A_394 = arith.constant 511 : i32
      %gt3A_395 = vector.broadcast %gt3A_394 : i32 to vector<16xi32>
      %gt3A_396 = arith.cmpi sgt, %convert_element_type3A_356, %gt3A_395 : vector<16xi32>
      %or3A_397 = arith.ori %or3A_393, %gt3A_396 : vector<16xi1>
      %gt3A_398 = arith.constant 511 : i32
      %gt3A_399 = vector.broadcast %gt3A_398 : i32 to vector<16xi32>
      %gt3A_400 = arith.cmpi sgt, %convert_element_type3A_369, %gt3A_399 : vector<16xi32>
      %or3A_401 = arith.ori %or3A_397, %gt3A_400 : vector<16xi1>
      %gt3A_402 = arith.constant 255 : i32
      %gt3A_403 = vector.broadcast %gt3A_402 : i32 to vector<16xi32>
      %gt3A_404 = arith.cmpi sgt, %convert_element_type3A_382, %gt3A_403 : vector<16xi32>
      %or3A_405 = arith.ori %or3A_401, %gt3A_404 : vector<16xi1>
      %mul3A_406 = arith.constant 131072 : i32
      %mul3A_407 = vector.broadcast %mul3A_406 : i32 to vector<16xi32>
      %mul3A_408 = arith.muli %convert_element_type3A_356, %mul3A_407 : vector<16xi32>
      %shift_right_arithmetic3A_409 = arith.constant 3 : i32
      %shift_right_arithmetic3A_410 = vector.broadcast %shift_right_arithmetic3A_409 : i32 to vector<16xi32>
      %shift_right_arithmetic3A_411 = arith.shrsi %convert_element_type3A_369, %shift_right_arithmetic3A_410 : vector<16xi32>
      %mul3A_412 = arith.constant 2048 : i32
      %mul3A_413 = vector.broadcast %mul3A_412 : i32 to vector<16xi32>
      %mul3A_414 = arith.muli %shift_right_arithmetic3A_411, %mul3A_413 : vector<16xi32>
      %add3A_415 = arith.addi %mul3A_408, %mul3A_414 : vector<16xi32>
      %shift_right_arithmetic3A_416 = arith.constant 7 : i32
      %shift_right_arithmetic3A_417 = vector.broadcast %shift_right_arithmetic3A_416 : i32 to vector<16xi32>
      %shift_right_arithmetic3A_418 = arith.shrsi %convert_element_type3A_382, %shift_right_arithmetic3A_417 : vector<16xi32>
      %mul3A_419 = arith.constant 1024 : i32
      %mul3A_420 = vector.broadcast %mul3A_419 : i32 to vector<16xi32>
      %mul3A_421 = arith.muli %shift_right_arithmetic3A_418, %mul3A_420 : vector<16xi32>
      %add3A_422 = arith.addi %add3A_415, %mul3A_421 : vector<16xi32>
      %and3A_423 = arith.constant 7 : i32
      %and3A_424 = vector.broadcast %and3A_423 : i32 to vector<16xi32>
      %and3A_425 = arith.andi %convert_element_type3A_369, %and3A_424 : vector<16xi32>
      %mul3A_426 = arith.constant 128 : i32
      %mul3A_427 = vector.broadcast %mul3A_426 : i32 to vector<16xi32>
      %mul3A_428 = arith.muli %and3A_425, %mul3A_427 : vector<16xi32>
      %add3A_429 = arith.addi %add3A_422, %mul3A_428 : vector<16xi32>
      %and3A_430 = arith.constant 127 : i32
      %and3A_431 = vector.broadcast %and3A_430 : i32 to vector<16xi32>
      %and3A_432 = arith.andi %convert_element_type3A_382, %and3A_431 : vector<16xi32>
      %add3A_433 = arith.addi %add3A_429, %and3A_432 : vector<16xi32>
      %jit3A_434 = arith.constant 0 : i32
      %broadcast_in_dim3A_435 = vector.broadcast %jit3A_434 : i32 to vector<16xi32>
      %select_n3A_436 = arith.select %or3A_405, %broadcast_in_dim3A_435, %add3A_433 : vector<16xi1>, vector<16xi32>
      %swap3A_437 = arith.index_cast %add3A_334 : i32 to index
      %swap3A_438 = tpu.vector_load %arg12[%swap3A_437] {strides = array<i32>} : memref<8192xi32, #tpu.memory_space<vmem>>, vector<16xi32>,
      %swap3A_439 = vector.shape_cast %swap3A_438 : vector<16xi32> to vector<16xi32>
      %swap3A_440 = vector.shape_cast %select_n3A_436 : vector<16xi32> to vector<16xi32>
      tpu.vector_store %arg12[%swap3A_437], %swap3A_440 {strides = array<i32>} : memref<8192xi32, #tpu.memory_space<vmem>>, vector<16xi32>,
      %jit3A_441 = arith.constant 0.000000e+00 : f32
      %jit3A_442 = arith.constant 1.000000e+00 : f32
      %broadcast_in_dim3A_443 = vector.broadcast %jit3A_441 : f32 to vector<16xf32>
      %broadcast_in_dim3A_444 = vector.broadcast %jit3A_442 : f32 to vector<16xf32>
      %select_n3A_445 = arith.select %or3A_405, %broadcast_in_dim3A_443, %broadcast_in_dim3A_444 : vector<16xi1>, vector<16xf32>
      %swap3A_446 = arith.index_cast %add3A_334 : i32 to index
      %swap3A_447 = tpu.vector_load %arg13[%swap3A_446] {strides = array<i32>} : memref<8192xf32, #tpu.memory_space<vmem>>, vector<16xf32>,
      %swap3A_448 = vector.shape_cast %swap3A_447 : vector<16xf32> to vector<16xf32>
      %swap3A_449 = vector.shape_cast %select_n3A_445 : vector<16xf32> to vector<16xf32>
      tpu.vector_store %arg13[%swap3A_446], %swap3A_449 {strides = array<i32>} : memref<8192xf32, #tpu.memory_space<vmem>>, vector<16xf32>,
      %mul3A_450 = arith.constant 128 : i32
      %mul3A_451 = arith.muli %scan3A_102, %mul3A_450 : i32
      %add3A_452 = arith.constant 48 : i32
      %add3A_453 = arith.addi %mul3A_451, %add3A_452 : i32
      %get3A_454 = arith.index_cast %add3A_453 : i32 to index
      %get3A_455 = tpu.vector_load %arg8[%get3A_454] {strides = array<i32>} : memref<8192xf32, #tpu.memory_space<vmem>>, vector<16xf32>,
      %get3A_456 = vector.shape_cast %get3A_455 : vector<16xf32> to vector<16xf32>
      %get3A_457 = arith.index_cast %add3A_453 : i32 to index
      %get3A_458 = tpu.vector_load %arg9[%get3A_457] {strides = array<i32>} : memref<8192xf32, #tpu.memory_space<vmem>>, vector<16xf32>,
      %get3A_459 = vector.shape_cast %get3A_458 : vector<16xf32> to vector<16xf32>
      %get3A_460 = arith.index_cast %add3A_453 : i32 to index
      %get3A_461 = tpu.vector_load %arg10[%get3A_460] {strides = array<i32>} : memref<8192xf32, #tpu.memory_space<vmem>>, vector<16xf32>,
      %get3A_462 = vector.shape_cast %get3A_461 : vector<16xf32> to vector<16xf32>
      %get3A_463 = arith.constant 0 : i32
      %get3A_464 = arith.index_cast %get3A_463 : i32 to index
      %get3A_465 = arith.constant 0 : index
      %get3A_466 = tpu.vector_load %arg11[%get3A_464, %get3A_465] {strides = array<i32>} : memref<6x16xf32, #tpu.memory_space<vmem>>, vector<1x16xf32>,
      %get3A_467 = vector.shape_cast %get3A_466 : vector<1x16xf32> to vector<16xf32>
      %add3A_468 = arith.addf %get3A_456, %get3A_467 : vector<16xf32>
      %get3A_469 = arith.constant 3 : i32
      %get3A_470 = arith.index_cast %get3A_469 : i32 to index
      %get3A_471 = arith.constant 0 : index
      %get3A_472 = tpu.vector_load %arg11[%get3A_470, %get3A_471] {strides = array<i32>} : memref<6x16xf32, #tpu.memory_space<vmem>>, vector<1x16xf32>,
      %get3A_473 = vector.shape_cast %get3A_472 : vector<1x16xf32> to vector<16xf32>
      %mul3A_474 = arith.mulf %add3A_468, %get3A_473 : vector<16xf32>
      %convert_element_type3A_475 = arith.fptosi %mul3A_474 : vector<16xf32> to vector<16xi32>
      %get3A_476 = arith.constant 1 : i32
      %get3A_477 = arith.index_cast %get3A_476 : i32 to index
      %get3A_478 = arith.constant 0 : index
      %get3A_479 = tpu.vector_load %arg11[%get3A_477, %get3A_478] {strides = array<i32>} : memref<6x16xf32, #tpu.memory_space<vmem>>, vector<1x16xf32>,
      %get3A_480 = vector.shape_cast %get3A_479 : vector<1x16xf32> to vector<16xf32>
      %add3A_481 = arith.addf %get3A_459, %get3A_480 : vector<16xf32>
      %get3A_482 = arith.constant 4 : i32
      %get3A_483 = arith.index_cast %get3A_482 : i32 to index
      %get3A_484 = arith.constant 0 : index
      %get3A_485 = tpu.vector_load %arg11[%get3A_483, %get3A_484] {strides = array<i32>} : memref<6x16xf32, #tpu.memory_space<vmem>>, vector<1x16xf32>,
      %get3A_486 = vector.shape_cast %get3A_485 : vector<1x16xf32> to vector<16xf32>
      %mul3A_487 = arith.mulf %add3A_481, %get3A_486 : vector<16xf32>
      %convert_element_type3A_488 = arith.fptosi %mul3A_487 : vector<16xf32> to vector<16xi32>
      %get3A_489 = arith.constant 2 : i32
      %get3A_490 = arith.index_cast %get3A_489 : i32 to index
      %get3A_491 = arith.constant 0 : index
      %get3A_492 = tpu.vector_load %arg11[%get3A_490, %get3A_491] {strides = array<i32>} : memref<6x16xf32, #tpu.memory_space<vmem>>, vector<1x16xf32>,
      %get3A_493 = vector.shape_cast %get3A_492 : vector<1x16xf32> to vector<16xf32>
      %add3A_494 = arith.addf %get3A_462, %get3A_493 : vector<16xf32>
      %get3A_495 = arith.constant 5 : i32
      %get3A_496 = arith.index_cast %get3A_495 : i32 to index
      %get3A_497 = arith.constant 0 : index
      %get3A_498 = tpu.vector_load %arg11[%get3A_496, %get3A_497] {strides = array<i32>} : memref<6x16xf32, #tpu.memory_space<vmem>>, vector<1x16xf32>,
      %get3A_499 = vector.shape_cast %get3A_498 : vector<1x16xf32> to vector<16xf32>
      %mul3A_500 = arith.mulf %add3A_494, %get3A_499 : vector<16xf32>
      %convert_element_type3A_501 = arith.fptosi %mul3A_500 : vector<16xf32> to vector<16xi32>
      %lt3A_502 = arith.constant 0 : i32
      %lt3A_503 = vector.broadcast %lt3A_502 : i32 to vector<16xi32>
      %lt3A_504 = arith.cmpi slt, %convert_element_type3A_475, %lt3A_503 : vector<16xi32>
      %lt3A_505 = arith.constant 0 : i32
      %lt3A_506 = vector.broadcast %lt3A_505 : i32 to vector<16xi32>
      %lt3A_507 = arith.cmpi slt, %convert_element_type3A_488, %lt3A_506 : vector<16xi32>
      %or3A_508 = arith.ori %lt3A_504, %lt3A_507 : vector<16xi1>
      %lt3A_509 = arith.constant 0 : i32
      %lt3A_510 = vector.broadcast %lt3A_509 : i32 to vector<16xi32>
      %lt3A_511 = arith.cmpi slt, %convert_element_type3A_501, %lt3A_510 : vector<16xi32>
      %or3A_512 = arith.ori %or3A_508, %lt3A_511 : vector<16xi1>
      %gt3A_513 = arith.constant 511 : i32
      %gt3A_514 = vector.broadcast %gt3A_513 : i32 to vector<16xi32>
      %gt3A_515 = arith.cmpi sgt, %convert_element_type3A_475, %gt3A_514 : vector<16xi32>
      %or3A_516 = arith.ori %or3A_512, %gt3A_515 : vector<16xi1>
      %gt3A_517 = arith.constant 511 : i32
      %gt3A_518 = vector.broadcast %gt3A_517 : i32 to vector<16xi32>
      %gt3A_519 = arith.cmpi sgt, %convert_element_type3A_488, %gt3A_518 : vector<16xi32>
      %or3A_520 = arith.ori %or3A_516, %gt3A_519 : vector<16xi1>
      %gt3A_521 = arith.constant 255 : i32
      %gt3A_522 = vector.broadcast %gt3A_521 : i32 to vector<16xi32>
      %gt3A_523 = arith.cmpi sgt, %convert_element_type3A_501, %gt3A_522 : vector<16xi32>
      %or3A_524 = arith.ori %or3A_520, %gt3A_523 : vector<16xi1>
      %mul3A_525 = arith.constant 131072 : i32
      %mul3A_526 = vector.broadcast %mul3A_525 : i32 to vector<16xi32>
      %mul3A_527 = arith.muli %convert_element_type3A_475, %mul3A_526 : vector<16xi32>
      %shift_right_arithmetic3A_528 = arith.constant 3 : i32
      %shift_right_arithmetic3A_529 = vector.broadcast %shift_right_arithmetic3A_528 : i32 to vector<16xi32>
      %shift_right_arithmetic3A_530 = arith.shrsi %convert_element_type3A_488, %shift_right_arithmetic3A_529 : vector<16xi32>
      %mul3A_531 = arith.constant 2048 : i32
      %mul3A_532 = vector.broadcast %mul3A_531 : i32 to vector<16xi32>
      %mul3A_533 = arith.muli %shift_right_arithmetic3A_530, %mul3A_532 : vector<16xi32>
      %add3A_534 = arith.addi %mul3A_527, %mul3A_533 : vector<16xi32>
      %shift_right_arithmetic3A_535 = arith.constant 7 : i32
      %shift_right_arithmetic3A_536 = vector.broadcast %shift_right_arithmetic3A_535 : i32 to vector<16xi32>
      %shift_right_arithmetic3A_537 = arith.shrsi %convert_element_type3A_501, %shift_right_arithmetic3A_536 : vector<16xi32>
      %mul3A_538 = arith.constant 1024 : i32
      %mul3A_539 = vector.broadcast %mul3A_538 : i32 to vector<16xi32>
      %mul3A_540 = arith.muli %shift_right_arithmetic3A_537, %mul3A_539 : vector<16xi32>
      %add3A_541 = arith.addi %add3A_534, %mul3A_540 : vector<16xi32>
      %and3A_542 = arith.constant 7 : i32
      %and3A_543 = vector.broadcast %and3A_542 : i32 to vector<16xi32>
      %and3A_544 = arith.andi %convert_element_type3A_488, %and3A_543 : vector<16xi32>
      %mul3A_545 = arith.constant 128 : i32
      %mul3A_546 = vector.broadcast %mul3A_545 : i32 to vector<16xi32>
      %mul3A_547 = arith.muli %and3A_544, %mul3A_546 : vector<16xi32>
      %add3A_548 = arith.addi %add3A_541, %mul3A_547 : vector<16xi32>
      %and3A_549 = arith.constant 127 : i32
      %and3A_550 = vector.broadcast %and3A_549 : i32 to vector<16xi32>
      %and3A_551 = arith.andi %convert_element_type3A_501, %and3A_550 : vector<16xi32>
      %add3A_552 = arith.addi %add3A_548, %and3A_551 : vector<16xi32>
      %jit3A_553 = arith.constant 0 : i32
      %broadcast_in_dim3A_554 = vector.broadcast %jit3A_553 : i32 to vector<16xi32>
      %select_n3A_555 = arith.select %or3A_524, %broadcast_in_dim3A_554, %add3A_552 : vector<16xi1>, vector<16xi32>
      %swap3A_556 = arith.index_cast %add3A_453 : i32 to index
      %swap3A_557 = tpu.vector_load %arg12[%swap3A_556] {strides = array<i32>} : memref<8192xi32, #tpu.memory_space<vmem>>, vector<16xi32>,
      %swap3A_558 = vector.shape_cast %swap3A_557 : vector<16xi32> to vector<16xi32>
      %swap3A_559 = vector.shape_cast %select_n3A_555 : vector<16xi32> to vector<16xi32>
      tpu.vector_store %arg12[%swap3A_556], %swap3A_559 {strides = array<i32>} : memref<8192xi32, #tpu.memory_space<vmem>>, vector<16xi32>,
      %jit3A_560 = arith.constant 0.000000e+00 : f32
      %jit3A_561 = arith.constant 1.000000e+00 : f32
      %broadcast_in_dim3A_562 = vector.broadcast %jit3A_560 : f32 to vector<16xf32>
      %broadcast_in_dim3A_563 = vector.broadcast %jit3A_561 : f32 to vector<16xf32>
      %select_n3A_564 = arith.select %or3A_524, %broadcast_in_dim3A_562, %broadcast_in_dim3A_563 : vector<16xi1>, vector<16xf32>
      %swap3A_565 = arith.index_cast %add3A_453 : i32 to index
      %swap3A_566 = tpu.vector_load %arg13[%swap3A_565] {strides = array<i32>} : memref<8192xf32, #tpu.memory_space<vmem>>, vector<16xf32>,
      %swap3A_567 = vector.shape_cast %swap3A_566 : vector<16xf32> to vector<16xf32>
      %swap3A_568 = vector.shape_cast %select_n3A_564 : vector<16xf32> to vector<16xf32>
      tpu.vector_store %arg13[%swap3A_565], %swap3A_568 {strides = array<i32>} : memref<8192xf32, #tpu.memory_space<vmem>>, vector<16xf32>,
      %mul3A_569 = arith.constant 128 : i32
      %mul3A_570 = arith.muli %scan3A_102, %mul3A_569 : i32
      %add3A_571 = arith.constant 64 : i32
      %add3A_572 = arith.addi %mul3A_570, %add3A_571 : i32
      %get3A_573 = arith.index_cast %add3A_572 : i32 to index
      %get3A_574 = tpu.vector_load %arg8[%get3A_573] {strides = array<i32>} : memref<8192xf32, #tpu.memory_space<vmem>>, vector<16xf32>,
      %get3A_575 = vector.shape_cast %get3A_574 : vector<16xf32> to vector<16xf32>
      %get3A_576 = arith.index_cast %add3A_572 : i32 to index
      %get3A_577 = tpu.vector_load %arg9[%get3A_576] {strides = array<i32>} : memref<8192xf32, #tpu.memory_space<vmem>>, vector<16xf32>,
      %get3A_578 = vector.shape_cast %get3A_577 : vector<16xf32> to vector<16xf32>
      %get3A_579 = arith.index_cast %add3A_572 : i32 to index
      %get3A_580 = tpu.vector_load %arg10[%get3A_579] {strides = array<i32>} : memref<8192xf32, #tpu.memory_space<vmem>>, vector<16xf32>,
      %get3A_581 = vector.shape_cast %get3A_580 : vector<16xf32> to vector<16xf32>
      %get3A_582 = arith.constant 0 : i32
      %get3A_583 = arith.index_cast %get3A_582 : i32 to index
      %get3A_584 = arith.constant 0 : index
      %get3A_585 = tpu.vector_load %arg11[%get3A_583, %get3A_584] {strides = array<i32>} : memref<6x16xf32, #tpu.memory_space<vmem>>, vector<1x16xf32>,
      %get3A_586 = vector.shape_cast %get3A_585 : vector<1x16xf32> to vector<16xf32>
      %add3A_587 = arith.addf %get3A_575, %get3A_586 : vector<16xf32>
      %get3A_588 = arith.constant 3 : i32
      %get3A_589 = arith.index_cast %get3A_588 : i32 to index
      %get3A_590 = arith.constant 0 : index
      %get3A_591 = tpu.vector_load %arg11[%get3A_589, %get3A_590] {strides = array<i32>} : memref<6x16xf32, #tpu.memory_space<vmem>>, vector<1x16xf32>,
      %get3A_592 = vector.shape_cast %get3A_591 : vector<1x16xf32> to vector<16xf32>
      %mul3A_593 = arith.mulf %add3A_587, %get3A_592 : vector<16xf32>
      %convert_element_type3A_594 = arith.fptosi %mul3A_593 : vector<16xf32> to vector<16xi32>
      %get3A_595 = arith.constant 1 : i32
      %get3A_596 = arith.index_cast %get3A_595 : i32 to index
      %get3A_597 = arith.constant 0 : index
      %get3A_598 = tpu.vector_load %arg11[%get3A_596, %get3A_597] {strides = array<i32>} : memref<6x16xf32, #tpu.memory_space<vmem>>, vector<1x16xf32>,
      %get3A_599 = vector.shape_cast %get3A_598 : vector<1x16xf32> to vector<16xf32>
      %add3A_600 = arith.addf %get3A_578, %get3A_599 : vector<16xf32>
      %get3A_601 = arith.constant 4 : i32
      %get3A_602 = arith.index_cast %get3A_601 : i32 to index
      %get3A_603 = arith.constant 0 : index
      %get3A_604 = tpu.vector_load %arg11[%get3A_602, %get3A_603] {strides = array<i32>} : memref<6x16xf32, #tpu.memory_space<vmem>>, vector<1x16xf32>,
      %get3A_605 = vector.shape_cast %get3A_604 : vector<1x16xf32> to vector<16xf32>
      %mul3A_606 = arith.mulf %add3A_600, %get3A_605 : vector<16xf32>
      %convert_element_type3A_607 = arith.fptosi %mul3A_606 : vector<16xf32> to vector<16xi32>
      %get3A_608 = arith.constant 2 : i32
      %get3A_609 = arith.index_cast %get3A_608 : i32 to index
      %get3A_610 = arith.constant 0 : index
      %get3A_611 = tpu.vector_load %arg11[%get3A_609, %get3A_610] {strides = array<i32>} : memref<6x16xf32, #tpu.memory_space<vmem>>, vector<1x16xf32>,
      %get3A_612 = vector.shape_cast %get3A_611 : vector<1x16xf32> to vector<16xf32>
      %add3A_613 = arith.addf %get3A_581, %get3A_612 : vector<16xf32>
      %get3A_614 = arith.constant 5 : i32
      %get3A_615 = arith.index_cast %get3A_614 : i32 to index
      %get3A_616 = arith.constant 0 : index
      %get3A_617 = tpu.vector_load %arg11[%get3A_615, %get3A_616] {strides = array<i32>} : memref<6x16xf32, #tpu.memory_space<vmem>>, vector<1x16xf32>,
      %get3A_618 = vector.shape_cast %get3A_617 : vector<1x16xf32> to vector<16xf32>
      %mul3A_619 = arith.mulf %add3A_613, %get3A_618 : vector<16xf32>
      %convert_element_type3A_620 = arith.fptosi %mul3A_619 : vector<16xf32> to vector<16xi32>
      %lt3A_621 = arith.constant 0 : i32
      %lt3A_622 = vector.broadcast %lt3A_621 : i32 to vector<16xi32>
      %lt3A_623 = arith.cmpi slt, %convert_element_type3A_594, %lt3A_622 : vector<16xi32>
      %lt3A_624 = arith.constant 0 : i32
      %lt3A_625 = vector.broadcast %lt3A_624 : i32 to vector<16xi32>
      %lt3A_626 = arith.cmpi slt, %convert_element_type3A_607, %lt3A_625 : vector<16xi32>
      %or3A_627 = arith.ori %lt3A_623, %lt3A_626 : vector<16xi1>
      %lt3A_628 = arith.constant 0 : i32
      %lt3A_629 = vector.broadcast %lt3A_628 : i32 to vector<16xi32>
      %lt3A_630 = arith.cmpi slt, %convert_element_type3A_620, %lt3A_629 : vector<16xi32>
      %or3A_631 = arith.ori %or3A_627, %lt3A_630 : vector<16xi1>
      %gt3A_632 = arith.constant 511 : i32
      %gt3A_633 = vector.broadcast %gt3A_632 : i32 to vector<16xi32>
      %gt3A_634 = arith.cmpi sgt, %convert_element_type3A_594, %gt3A_633 : vector<16xi32>
      %or3A_635 = arith.ori %or3A_631, %gt3A_634 : vector<16xi1>
      %gt3A_636 = arith.constant 511 : i32
      %gt3A_637 = vector.broadcast %gt3A_636 : i32 to vector<16xi32>
      %gt3A_638 = arith.cmpi sgt, %convert_element_type3A_607, %gt3A_637 : vector<16xi32>
      %or3A_639 = arith.ori %or3A_635, %gt3A_638 : vector<16xi1>
      %gt3A_640 = arith.constant 255 : i32
      %gt3A_641 = vector.broadcast %gt3A_640 : i32 to vector<16xi32>
      %gt3A_642 = arith.cmpi sgt, %convert_element_type3A_620, %gt3A_641 : vector<16xi32>
      %or3A_643 = arith.ori %or3A_639, %gt3A_642 : vector<16xi1>
      %mul3A_644 = arith.constant 131072 : i32
      %mul3A_645 = vector.broadcast %mul3A_644 : i32 to vector<16xi32>
      %mul3A_646 = arith.muli %convert_element_type3A_594, %mul3A_645 : vector<16xi32>
      %shift_right_arithmetic3A_647 = arith.constant 3 : i32
      %shift_right_arithmetic3A_648 = vector.broadcast %shift_right_arithmetic3A_647 : i32 to vector<16xi32>
      %shift_right_arithmetic3A_649 = arith.shrsi %convert_element_type3A_607, %shift_right_arithmetic3A_648 : vector<16xi32>
      %mul3A_650 = arith.constant 2048 : i32
      %mul3A_651 = vector.broadcast %mul3A_650 : i32 to vector<16xi32>
      %mul3A_652 = arith.muli %shift_right_arithmetic3A_649, %mul3A_651 : vector<16xi32>
      %add3A_653 = arith.addi %mul3A_646, %mul3A_652 : vector<16xi32>
      %shift_right_arithmetic3A_654 = arith.constant 7 : i32
      %shift_right_arithmetic3A_655 = vector.broadcast %shift_right_arithmetic3A_654 : i32 to vector<16xi32>
      %shift_right_arithmetic3A_656 = arith.shrsi %convert_element_type3A_620, %shift_right_arithmetic3A_655 : vector<16xi32>
      %mul3A_657 = arith.constant 1024 : i32
      %mul3A_658 = vector.broadcast %mul3A_657 : i32 to vector<16xi32>
      %mul3A_659 = arith.muli %shift_right_arithmetic3A_656, %mul3A_658 : vector<16xi32>
      %add3A_660 = arith.addi %add3A_653, %mul3A_659 : vector<16xi32>
      %and3A_661 = arith.constant 7 : i32
      %and3A_662 = vector.broadcast %and3A_661 : i32 to vector<16xi32>
      %and3A_663 = arith.andi %convert_element_type3A_607, %and3A_662 : vector<16xi32>
      %mul3A_664 = arith.constant 128 : i32
      %mul3A_665 = vector.broadcast %mul3A_664 : i32 to vector<16xi32>
      %mul3A_666 = arith.muli %and3A_663, %mul3A_665 : vector<16xi32>
      %add3A_667 = arith.addi %add3A_660, %mul3A_666 : vector<16xi32>
      %and3A_668 = arith.constant 127 : i32
      %and3A_669 = vector.broadcast %and3A_668 : i32 to vector<16xi32>
      %and3A_670 = arith.andi %convert_element_type3A_620, %and3A_669 : vector<16xi32>
      %add3A_671 = arith.addi %add3A_667, %and3A_670 : vector<16xi32>
      %jit3A_672 = arith.constant 0 : i32
      %broadcast_in_dim3A_673 = vector.broadcast %jit3A_672 : i32 to vector<16xi32>
      %select_n3A_674 = arith.select %or3A_643, %broadcast_in_dim3A_673, %add3A_671 : vector<16xi1>, vector<16xi32>
      %swap3A_675 = arith.index_cast %add3A_572 : i32 to index
      %swap3A_676 = tpu.vector_load %arg12[%swap3A_675] {strides = array<i32>} : memref<8192xi32, #tpu.memory_space<vmem>>, vector<16xi32>,
      %swap3A_677 = vector.shape_cast %swap3A_676 : vector<16xi32> to vector<16xi32>
      %swap3A_678 = vector.shape_cast %select_n3A_674 : vector<16xi32> to vector<16xi32>
      tpu.vector_store %arg12[%swap3A_675], %swap3A_678 {strides = array<i32>} : memref<8192xi32, #tpu.memory_space<vmem>>, vector<16xi32>,
      %jit3A_679 = arith.constant 0.000000e+00 : f32
      %jit3A_680 = arith.constant 1.000000e+00 : f32
      %broadcast_in_dim3A_681 = vector.broadcast %jit3A_679 : f32 to vector<16xf32>
      %broadcast_in_dim3A_682 = vector.broadcast %jit3A_680 : f32 to vector<16xf32>
      %select_n3A_683 = arith.select %or3A_643, %broadcast_in_dim3A_681, %broadcast_in_dim3A_682 : vector<16xi1>, vector<16xf32>
      %swap3A_684 = arith.index_cast %add3A_572 : i32 to index
      %swap3A_685 = tpu.vector_load %arg13[%swap3A_684] {strides = array<i32>} : memref<8192xf32, #tpu.memory_space<vmem>>, vector<16xf32>,
      %swap3A_686 = vector.shape_cast %swap3A_685 : vector<16xf32> to vector<16xf32>
      %swap3A_687 = vector.shape_cast %select_n3A_683 : vector<16xf32> to vector<16xf32>
      tpu.vector_store %arg13[%swap3A_684], %swap3A_687 {strides = array<i32>} : memref<8192xf32, #tpu.memory_space<vmem>>, vector<16xf32>,
      %mul3A_688 = arith.constant 128 : i32
      %mul3A_689 = arith.muli %scan3A_102, %mul3A_688 : i32
      %add3A_690 = arith.constant 80 : i32
      %add3A_691 = arith.addi %mul3A_689, %add3A_690 : i32
      %get3A_692 = arith.index_cast %add3A_691 : i32 to index
      %get3A_693 = tpu.vector_load %arg8[%get3A_692] {strides = array<i32>} : memref<8192xf32, #tpu.memory_space<vmem>>, vector<16xf32>,
      %get3A_694 = vector.shape_cast %get3A_693 : vector<16xf32> to vector<16xf32>
      %get3A_695 = arith.index_cast %add3A_691 : i32 to index
      %get3A_696 = tpu.vector_load %arg9[%get3A_695] {strides = array<i32>} : memref<8192xf32, #tpu.memory_space<vmem>>, vector<16xf32>,
      %get3A_697 = vector.shape_cast %get3A_696 : vector<16xf32> to vector<16xf32>
      %get3A_698 = arith.index_cast %add3A_691 : i32 to index
      %get3A_699 = tpu.vector_load %arg10[%get3A_698] {strides = array<i32>} : memref<8192xf32, #tpu.memory_space<vmem>>, vector<16xf32>,
      %get3A_700 = vector.shape_cast %get3A_699 : vector<16xf32> to vector<16xf32>
      %get3A_701 = arith.constant 0 : i32
      %get3A_702 = arith.index_cast %get3A_701 : i32 to index
      %get3A_703 = arith.constant 0 : index
      %get3A_704 = tpu.vector_load %arg11[%get3A_702, %get3A_703] {strides = array<i32>} : memref<6x16xf32, #tpu.memory_space<vmem>>, vector<1x16xf32>,
      %get3A_705 = vector.shape_cast %get3A_704 : vector<1x16xf32> to vector<16xf32>
      %add3A_706 = arith.addf %get3A_694, %get3A_705 : vector<16xf32>
      %get3A_707 = arith.constant 3 : i32
      %get3A_708 = arith.index_cast %get3A_707 : i32 to index
      %get3A_709 = arith.constant 0 : index
      %get3A_710 = tpu.vector_load %arg11[%get3A_708, %get3A_709] {strides = array<i32>} : memref<6x16xf32, #tpu.memory_space<vmem>>, vector<1x16xf32>,
      %get3A_711 = vector.shape_cast %get3A_710 : vector<1x16xf32> to vector<16xf32>
      %mul3A_712 = arith.mulf %add3A_706, %get3A_711 : vector<16xf32>
      %convert_element_type3A_713 = arith.fptosi %mul3A_712 : vector<16xf32> to vector<16xi32>
      %get3A_714 = arith.constant 1 : i32
      %get3A_715 = arith.index_cast %get3A_714 : i32 to index
      %get3A_716 = arith.constant 0 : index
      %get3A_717 = tpu.vector_load %arg11[%get3A_715, %get3A_716] {strides = array<i32>} : memref<6x16xf32, #tpu.memory_space<vmem>>, vector<1x16xf32>,
      %get3A_718 = vector.shape_cast %get3A_717 : vector<1x16xf32> to vector<16xf32>
      %add3A_719 = arith.addf %get3A_697, %get3A_718 : vector<16xf32>
      %get3A_720 = arith.constant 4 : i32
      %get3A_721 = arith.index_cast %get3A_720 : i32 to index
      %get3A_722 = arith.constant 0 : index
      %get3A_723 = tpu.vector_load %arg11[%get3A_721, %get3A_722] {strides = array<i32>} : memref<6x16xf32, #tpu.memory_space<vmem>>, vector<1x16xf32>,
      %get3A_724 = vector.shape_cast %get3A_723 : vector<1x16xf32> to vector<16xf32>
      %mul3A_725 = arith.mulf %add3A_719, %get3A_724 : vector<16xf32>
      %convert_element_type3A_726 = arith.fptosi %mul3A_725 : vector<16xf32> to vector<16xi32>
      %get3A_727 = arith.constant 2 : i32
      %get3A_728 = arith.index_cast %get3A_727 : i32 to index
      %get3A_729 = arith.constant 0 : index
      %get3A_730 = tpu.vector_load %arg11[%get3A_728, %get3A_729] {strides = array<i32>} : memref<6x16xf32, #tpu.memory_space<vmem>>, vector<1x16xf32>,
      %get3A_731 = vector.shape_cast %get3A_730 : vector<1x16xf32> to vector<16xf32>
      %add3A_732 = arith.addf %get3A_700, %get3A_731 : vector<16xf32>
      %get3A_733 = arith.constant 5 : i32
      %get3A_734 = arith.index_cast %get3A_733 : i32 to index
      %get3A_735 = arith.constant 0 : index
      %get3A_736 = tpu.vector_load %arg11[%get3A_734, %get3A_735] {strides = array<i32>} : memref<6x16xf32, #tpu.memory_space<vmem>>, vector<1x16xf32>,
      %get3A_737 = vector.shape_cast %get3A_736 : vector<1x16xf32> to vector<16xf32>
      %mul3A_738 = arith.mulf %add3A_732, %get3A_737 : vector<16xf32>
      %convert_element_type3A_739 = arith.fptosi %mul3A_738 : vector<16xf32> to vector<16xi32>
      %lt3A_740 = arith.constant 0 : i32
      %lt3A_741 = vector.broadcast %lt3A_740 : i32 to vector<16xi32>
      %lt3A_742 = arith.cmpi slt, %convert_element_type3A_713, %lt3A_741 : vector<16xi32>
      %lt3A_743 = arith.constant 0 : i32
      %lt3A_744 = vector.broadcast %lt3A_743 : i32 to vector<16xi32>
      %lt3A_745 = arith.cmpi slt, %convert_element_type3A_726, %lt3A_744 : vector<16xi32>
      %or3A_746 = arith.ori %lt3A_742, %lt3A_745 : vector<16xi1>
      %lt3A_747 = arith.constant 0 : i32
      %lt3A_748 = vector.broadcast %lt3A_747 : i32 to vector<16xi32>
      %lt3A_749 = arith.cmpi slt, %convert_element_type3A_739, %lt3A_748 : vector<16xi32>
      %or3A_750 = arith.ori %or3A_746, %lt3A_749 : vector<16xi1>
      %gt3A_751 = arith.constant 511 : i32
      %gt3A_752 = vector.broadcast %gt3A_751 : i32 to vector<16xi32>
      %gt3A_753 = arith.cmpi sgt, %convert_element_type3A_713, %gt3A_752 : vector<16xi32>
      %or3A_754 = arith.ori %or3A_750, %gt3A_753 : vector<16xi1>
      %gt3A_755 = arith.constant 511 : i32
      %gt3A_756 = vector.broadcast %gt3A_755 : i32 to vector<16xi32>
      %gt3A_757 = arith.cmpi sgt, %convert_element_type3A_726, %gt3A_756 : vector<16xi32>
      %or3A_758 = arith.ori %or3A_754, %gt3A_757 : vector<16xi1>
      %gt3A_759 = arith.constant 255 : i32
      %gt3A_760 = vector.broadcast %gt3A_759 : i32 to vector<16xi32>
      %gt3A_761 = arith.cmpi sgt, %convert_element_type3A_739, %gt3A_760 : vector<16xi32>
      %or3A_762 = arith.ori %or3A_758, %gt3A_761 : vector<16xi1>
      %mul3A_763 = arith.constant 131072 : i32
      %mul3A_764 = vector.broadcast %mul3A_763 : i32 to vector<16xi32>
      %mul3A_765 = arith.muli %convert_element_type3A_713, %mul3A_764 : vector<16xi32>
      %shift_right_arithmetic3A_766 = arith.constant 3 : i32
      %shift_right_arithmetic3A_767 = vector.broadcast %shift_right_arithmetic3A_766 : i32 to vector<16xi32>
      %shift_right_arithmetic3A_768 = arith.shrsi %convert_element_type3A_726, %shift_right_arithmetic3A_767 : vector<16xi32>
      %mul3A_769 = arith.constant 2048 : i32
      %mul3A_770 = vector.broadcast %mul3A_769 : i32 to vector<16xi32>
      %mul3A_771 = arith.muli %shift_right_arithmetic3A_768, %mul3A_770 : vector<16xi32>
      %add3A_772 = arith.addi %mul3A_765, %mul3A_771 : vector<16xi32>
      %shift_right_arithmetic3A_773 = arith.constant 7 : i32
      %shift_right_arithmetic3A_774 = vector.broadcast %shift_right_arithmetic3A_773 : i32 to vector<16xi32>
      %shift_right_arithmetic3A_775 = arith.shrsi %convert_element_type3A_739, %shift_right_arithmetic3A_774 : vector<16xi32>
      %mul3A_776 = arith.constant 1024 : i32
      %mul3A_777 = vector.broadcast %mul3A_776 : i32 to vector<16xi32>
      %mul3A_778 = arith.muli %shift_right_arithmetic3A_775, %mul3A_777 : vector<16xi32>
      %add3A_779 = arith.addi %add3A_772, %mul3A_778 : vector<16xi32>
      %and3A_780 = arith.constant 7 : i32
      %and3A_781 = vector.broadcast %and3A_780 : i32 to vector<16xi32>
      %and3A_782 = arith.andi %convert_element_type3A_726, %and3A_781 : vector<16xi32>
      %mul3A_783 = arith.constant 128 : i32
      %mul3A_784 = vector.broadcast %mul3A_783 : i32 to vector<16xi32>
      %mul3A_785 = arith.muli %and3A_782, %mul3A_784 : vector<16xi32>
      %add3A_786 = arith.addi %add3A_779, %mul3A_785 : vector<16xi32>
      %and3A_787 = arith.constant 127 : i32
      %and3A_788 = vector.broadcast %and3A_787 : i32 to vector<16xi32>
      %and3A_789 = arith.andi %convert_element_type3A_739, %and3A_788 : vector<16xi32>
      %add3A_790 = arith.addi %add3A_786, %and3A_789 : vector<16xi32>
      %jit3A_791 = arith.constant 0 : i32
      %broadcast_in_dim3A_792 = vector.broadcast %jit3A_791 : i32 to vector<16xi32>
      %select_n3A_793 = arith.select %or3A_762, %broadcast_in_dim3A_792, %add3A_790 : vector<16xi1>, vector<16xi32>
      %swap3A_794 = arith.index_cast %add3A_691 : i32 to index
      %swap3A_795 = tpu.vector_load %arg12[%swap3A_794] {strides = array<i32>} : memref<8192xi32, #tpu.memory_space<vmem>>, vector<16xi32>,
      %swap3A_796 = vector.shape_cast %swap3A_795 : vector<16xi32> to vector<16xi32>
      %swap3A_797 = vector.shape_cast %select_n3A_793 : vector<16xi32> to vector<16xi32>
      tpu.vector_store %arg12[%swap3A_794], %swap3A_797 {strides = array<i32>} : memref<8192xi32, #tpu.memory_space<vmem>>, vector<16xi32>,
      %jit3A_798 = arith.constant 0.000000e+00 : f32
      %jit3A_799 = arith.constant 1.000000e+00 : f32
      %broadcast_in_dim3A_800 = vector.broadcast %jit3A_798 : f32 to vector<16xf32>
      %broadcast_in_dim3A_801 = vector.broadcast %jit3A_799 : f32 to vector<16xf32>
      %select_n3A_802 = arith.select %or3A_762, %broadcast_in_dim3A_800, %broadcast_in_dim3A_801 : vector<16xi1>, vector<16xf32>
      %swap3A_803 = arith.index_cast %add3A_691 : i32 to index
      %swap3A_804 = tpu.vector_load %arg13[%swap3A_803] {strides = array<i32>} : memref<8192xf32, #tpu.memory_space<vmem>>, vector<16xf32>,
      %swap3A_805 = vector.shape_cast %swap3A_804 : vector<16xf32> to vector<16xf32>
      %swap3A_806 = vector.shape_cast %select_n3A_802 : vector<16xf32> to vector<16xf32>
      tpu.vector_store %arg13[%swap3A_803], %swap3A_806 {strides = array<i32>} : memref<8192xf32, #tpu.memory_space<vmem>>, vector<16xf32>,
      %mul3A_807 = arith.constant 128 : i32
      %mul3A_808 = arith.muli %scan3A_102, %mul3A_807 : i32
      %add3A_809 = arith.constant 96 : i32
      %add3A_810 = arith.addi %mul3A_808, %add3A_809 : i32
      %get3A_811 = arith.index_cast %add3A_810 : i32 to index
      %get3A_812 = tpu.vector_load %arg8[%get3A_811] {strides = array<i32>} : memref<8192xf32, #tpu.memory_space<vmem>>, vector<16xf32>,
      %get3A_813 = vector.shape_cast %get3A_812 : vector<16xf32> to vector<16xf32>
      %get3A_814 = arith.index_cast %add3A_810 : i32 to index
      %get3A_815 = tpu.vector_load %arg9[%get3A_814] {strides = array<i32>} : memref<8192xf32, #tpu.memory_space<vmem>>, vector<16xf32>,
      %get3A_816 = vector.shape_cast %get3A_815 : vector<16xf32> to vector<16xf32>
      %get3A_817 = arith.index_cast %add3A_810 : i32 to index
      %get3A_818 = tpu.vector_load %arg10[%get3A_817] {strides = array<i32>} : memref<8192xf32, #tpu.memory_space<vmem>>, vector<16xf32>,
      %get3A_819 = vector.shape_cast %get3A_818 : vector<16xf32> to vector<16xf32>
      %get3A_820 = arith.constant 0 : i32
      %get3A_821 = arith.index_cast %get3A_820 : i32 to index
      %get3A_822 = arith.constant 0 : index
      %get3A_823 = tpu.vector_load %arg11[%get3A_821, %get3A_822] {strides = array<i32>} : memref<6x16xf32, #tpu.memory_space<vmem>>, vector<1x16xf32>,
      %get3A_824 = vector.shape_cast %get3A_823 : vector<1x16xf32> to vector<16xf32>
      %add3A_825 = arith.addf %get3A_813, %get3A_824 : vector<16xf32>
      %get3A_826 = arith.constant 3 : i32
      %get3A_827 = arith.index_cast %get3A_826 : i32 to index
      %get3A_828 = arith.constant 0 : index
      %get3A_829 = tpu.vector_load %arg11[%get3A_827, %get3A_828] {strides = array<i32>} : memref<6x16xf32, #tpu.memory_space<vmem>>, vector<1x16xf32>,
      %get3A_830 = vector.shape_cast %get3A_829 : vector<1x16xf32> to vector<16xf32>
      %mul3A_831 = arith.mulf %add3A_825, %get3A_830 : vector<16xf32>
      %convert_element_type3A_832 = arith.fptosi %mul3A_831 : vector<16xf32> to vector<16xi32>
      %get3A_833 = arith.constant 1 : i32
      %get3A_834 = arith.index_cast %get3A_833 : i32 to index
      %get3A_835 = arith.constant 0 : index
      %get3A_836 = tpu.vector_load %arg11[%get3A_834, %get3A_835] {strides = array<i32>} : memref<6x16xf32, #tpu.memory_space<vmem>>, vector<1x16xf32>,
      %get3A_837 = vector.shape_cast %get3A_836 : vector<1x16xf32> to vector<16xf32>
      %add3A_838 = arith.addf %get3A_816, %get3A_837 : vector<16xf32>
      %get3A_839 = arith.constant 4 : i32
      %get3A_840 = arith.index_cast %get3A_839 : i32 to index
      %get3A_841 = arith.constant 0 : index
      %get3A_842 = tpu.vector_load %arg11[%get3A_840, %get3A_841] {strides = array<i32>} : memref<6x16xf32, #tpu.memory_space<vmem>>, vector<1x16xf32>,
      %get3A_843 = vector.shape_cast %get3A_842 : vector<1x16xf32> to vector<16xf32>
      %mul3A_844 = arith.mulf %add3A_838, %get3A_843 : vector<16xf32>
      %convert_element_type3A_845 = arith.fptosi %mul3A_844 : vector<16xf32> to vector<16xi32>
      %get3A_846 = arith.constant 2 : i32
      %get3A_847 = arith.index_cast %get3A_846 : i32 to index
      %get3A_848 = arith.constant 0 : index
      %get3A_849 = tpu.vector_load %arg11[%get3A_847, %get3A_848] {strides = array<i32>} : memref<6x16xf32, #tpu.memory_space<vmem>>, vector<1x16xf32>,
      %get3A_850 = vector.shape_cast %get3A_849 : vector<1x16xf32> to vector<16xf32>
      %add3A_851 = arith.addf %get3A_819, %get3A_850 : vector<16xf32>
      %get3A_852 = arith.constant 5 : i32
      %get3A_853 = arith.index_cast %get3A_852 : i32 to index
      %get3A_854 = arith.constant 0 : index
      %get3A_855 = tpu.vector_load %arg11[%get3A_853, %get3A_854] {strides = array<i32>} : memref<6x16xf32, #tpu.memory_space<vmem>>, vector<1x16xf32>,
      %get3A_856 = vector.shape_cast %get3A_855 : vector<1x16xf32> to vector<16xf32>
      %mul3A_857 = arith.mulf %add3A_851, %get3A_856 : vector<16xf32>
      %convert_element_type3A_858 = arith.fptosi %mul3A_857 : vector<16xf32> to vector<16xi32>
      %lt3A_859 = arith.constant 0 : i32
      %lt3A_860 = vector.broadcast %lt3A_859 : i32 to vector<16xi32>
      %lt3A_861 = arith.cmpi slt, %convert_element_type3A_832, %lt3A_860 : vector<16xi32>
      %lt3A_862 = arith.constant 0 : i32
      %lt3A_863 = vector.broadcast %lt3A_862 : i32 to vector<16xi32>
      %lt3A_864 = arith.cmpi slt, %convert_element_type3A_845, %lt3A_863 : vector<16xi32>
      %or3A_865 = arith.ori %lt3A_861, %lt3A_864 : vector<16xi1>
      %lt3A_866 = arith.constant 0 : i32
      %lt3A_867 = vector.broadcast %lt3A_866 : i32 to vector<16xi32>
      %lt3A_868 = arith.cmpi slt, %convert_element_type3A_858, %lt3A_867 : vector<16xi32>
      %or3A_869 = arith.ori %or3A_865, %lt3A_868 : vector<16xi1>
      %gt3A_870 = arith.constant 511 : i32
      %gt3A_871 = vector.broadcast %gt3A_870 : i32 to vector<16xi32>
      %gt3A_872 = arith.cmpi sgt, %convert_element_type3A_832, %gt3A_871 : vector<16xi32>
      %or3A_873 = arith.ori %or3A_869, %gt3A_872 : vector<16xi1>
      %gt3A_874 = arith.constant 511 : i32
      %gt3A_875 = vector.broadcast %gt3A_874 : i32 to vector<16xi32>
      %gt3A_876 = arith.cmpi sgt, %convert_element_type3A_845, %gt3A_875 : vector<16xi32>
      %or3A_877 = arith.ori %or3A_873, %gt3A_876 : vector<16xi1>
      %gt3A_878 = arith.constant 255 : i32
      %gt3A_879 = vector.broadcast %gt3A_878 : i32 to vector<16xi32>
      %gt3A_880 = arith.cmpi sgt, %convert_element_type3A_858, %gt3A_879 : vector<16xi32>
      %or3A_881 = arith.ori %or3A_877, %gt3A_880 : vector<16xi1>
      %mul3A_882 = arith.constant 131072 : i32
      %mul3A_883 = vector.broadcast %mul3A_882 : i32 to vector<16xi32>
      %mul3A_884 = arith.muli %convert_element_type3A_832, %mul3A_883 : vector<16xi32>
      %shift_right_arithmetic3A_885 = arith.constant 3 : i32
      %shift_right_arithmetic3A_886 = vector.broadcast %shift_right_arithmetic3A_885 : i32 to vector<16xi32>
      %shift_right_arithmetic3A_887 = arith.shrsi %convert_element_type3A_845, %shift_right_arithmetic3A_886 : vector<16xi32>
      %mul3A_888 = arith.constant 2048 : i32
      %mul3A_889 = vector.broadcast %mul3A_888 : i32 to vector<16xi32>
      %mul3A_890 = arith.muli %shift_right_arithmetic3A_887, %mul3A_889 : vector<16xi32>
      %add3A_891 = arith.addi %mul3A_884, %mul3A_890 : vector<16xi32>
      %shift_right_arithmetic3A_892 = arith.constant 7 : i32
      %shift_right_arithmetic3A_893 = vector.broadcast %shift_right_arithmetic3A_892 : i32 to vector<16xi32>
      %shift_right_arithmetic3A_894 = arith.shrsi %convert_element_type3A_858, %shift_right_arithmetic3A_893 : vector<16xi32>
      %mul3A_895 = arith.constant 1024 : i32
      %mul3A_896 = vector.broadcast %mul3A_895 : i32 to vector<16xi32>
      %mul3A_897 = arith.muli %shift_right_arithmetic3A_894, %mul3A_896 : vector<16xi32>
      %add3A_898 = arith.addi %add3A_891, %mul3A_897 : vector<16xi32>
      %and3A_899 = arith.constant 7 : i32
      %and3A_900 = vector.broadcast %and3A_899 : i32 to vector<16xi32>
      %and3A_901 = arith.andi %convert_element_type3A_845, %and3A_900 : vector<16xi32>
      %mul3A_902 = arith.constant 128 : i32
      %mul3A_903 = vector.broadcast %mul3A_902 : i32 to vector<16xi32>
      %mul3A_904 = arith.muli %and3A_901, %mul3A_903 : vector<16xi32>
      %add3A_905 = arith.addi %add3A_898, %mul3A_904 : vector<16xi32>
      %and3A_906 = arith.constant 127 : i32
      %and3A_907 = vector.broadcast %and3A_906 : i32 to vector<16xi32>
      %and3A_908 = arith.andi %convert_element_type3A_858, %and3A_907 : vector<16xi32>
      %add3A_909 = arith.addi %add3A_905, %and3A_908 : vector<16xi32>
      %jit3A_910 = arith.constant 0 : i32
      %broadcast_in_dim3A_911 = vector.broadcast %jit3A_910 : i32 to vector<16xi32>
      %select_n3A_912 = arith.select %or3A_881, %broadcast_in_dim3A_911, %add3A_909 : vector<16xi1>, vector<16xi32>
      %swap3A_913 = arith.index_cast %add3A_810 : i32 to index
      %swap3A_914 = tpu.vector_load %arg12[%swap3A_913] {strides = array<i32>} : memref<8192xi32, #tpu.memory_space<vmem>>, vector<16xi32>,
      %swap3A_915 = vector.shape_cast %swap3A_914 : vector<16xi32> to vector<16xi32>
      %swap3A_916 = vector.shape_cast %select_n3A_912 : vector<16xi32> to vector<16xi32>
      tpu.vector_store %arg12[%swap3A_913], %swap3A_916 {strides = array<i32>} : memref<8192xi32, #tpu.memory_space<vmem>>, vector<16xi32>,
      %jit3A_917 = arith.constant 0.000000e+00 : f32
      %jit3A_918 = arith.constant 1.000000e+00 : f32
      %broadcast_in_dim3A_919 = vector.broadcast %jit3A_917 : f32 to vector<16xf32>
      %broadcast_in_dim3A_920 = vector.broadcast %jit3A_918 : f32 to vector<16xf32>
      %select_n3A_921 = arith.select %or3A_881, %broadcast_in_dim3A_919, %broadcast_in_dim3A_920 : vector<16xi1>, vector<16xf32>
      %swap3A_922 = arith.index_cast %add3A_810 : i32 to index
      %swap3A_923 = tpu.vector_load %arg13[%swap3A_922] {strides = array<i32>} : memref<8192xf32, #tpu.memory_space<vmem>>, vector<16xf32>,
      %swap3A_924 = vector.shape_cast %swap3A_923 : vector<16xf32> to vector<16xf32>
      %swap3A_925 = vector.shape_cast %select_n3A_921 : vector<16xf32> to vector<16xf32>
      tpu.vector_store %arg13[%swap3A_922], %swap3A_925 {strides = array<i32>} : memref<8192xf32, #tpu.memory_space<vmem>>, vector<16xf32>,
      %mul3A_926 = arith.constant 128 : i32
      %mul3A_927 = arith.muli %scan3A_102, %mul3A_926 : i32
      %add3A_928 = arith.constant 112 : i32
      %add3A_929 = arith.addi %mul3A_927, %add3A_928 : i32
      %get3A_930 = arith.index_cast %add3A_929 : i32 to index
      %get3A_931 = tpu.vector_load %arg8[%get3A_930] {strides = array<i32>} : memref<8192xf32, #tpu.memory_space<vmem>>, vector<16xf32>,
      %get3A_932 = vector.shape_cast %get3A_931 : vector<16xf32> to vector<16xf32>
      %get3A_933 = arith.index_cast %add3A_929 : i32 to index
      %get3A_934 = tpu.vector_load %arg9[%get3A_933] {strides = array<i32>} : memref<8192xf32, #tpu.memory_space<vmem>>, vector<16xf32>,
      %get3A_935 = vector.shape_cast %get3A_934 : vector<16xf32> to vector<16xf32>
      %get3A_936 = arith.index_cast %add3A_929 : i32 to index
      %get3A_937 = tpu.vector_load %arg10[%get3A_936] {strides = array<i32>} : memref<8192xf32, #tpu.memory_space<vmem>>, vector<16xf32>,
      %get3A_938 = vector.shape_cast %get3A_937 : vector<16xf32> to vector<16xf32>
      %get3A_939 = arith.constant 0 : i32
      %get3A_940 = arith.index_cast %get3A_939 : i32 to index
      %get3A_941 = arith.constant 0 : index
      %get3A_942 = tpu.vector_load %arg11[%get3A_940, %get3A_941] {strides = array<i32>} : memref<6x16xf32, #tpu.memory_space<vmem>>, vector<1x16xf32>,
      %get3A_943 = vector.shape_cast %get3A_942 : vector<1x16xf32> to vector<16xf32>
      %add3A_944 = arith.addf %get3A_932, %get3A_943 : vector<16xf32>
      %get3A_945 = arith.constant 3 : i32
      %get3A_946 = arith.index_cast %get3A_945 : i32 to index
      %get3A_947 = arith.constant 0 : index
      %get3A_948 = tpu.vector_load %arg11[%get3A_946, %get3A_947] {strides = array<i32>} : memref<6x16xf32, #tpu.memory_space<vmem>>, vector<1x16xf32>,
      %get3A_949 = vector.shape_cast %get3A_948 : vector<1x16xf32> to vector<16xf32>
      %mul3A_950 = arith.mulf %add3A_944, %get3A_949 : vector<16xf32>
      %convert_element_type3A_951 = arith.fptosi %mul3A_950 : vector<16xf32> to vector<16xi32>
      %get3A_952 = arith.constant 1 : i32
      %get3A_953 = arith.index_cast %get3A_952 : i32 to index
      %get3A_954 = arith.constant 0 : index
      %get3A_955 = tpu.vector_load %arg11[%get3A_953, %get3A_954] {strides = array<i32>} : memref<6x16xf32, #tpu.memory_space<vmem>>, vector<1x16xf32>,
      %get3A_956 = vector.shape_cast %get3A_955 : vector<1x16xf32> to vector<16xf32>
      %add3A_957 = arith.addf %get3A_935, %get3A_956 : vector<16xf32>
      %get3A_958 = arith.constant 4 : i32
      %get3A_959 = arith.index_cast %get3A_958 : i32 to index
      %get3A_960 = arith.constant 0 : index
      %get3A_961 = tpu.vector_load %arg11[%get3A_959, %get3A_960] {strides = array<i32>} : memref<6x16xf32, #tpu.memory_space<vmem>>, vector<1x16xf32>,
      %get3A_962 = vector.shape_cast %get3A_961 : vector<1x16xf32> to vector<16xf32>
      %mul3A_963 = arith.mulf %add3A_957, %get3A_962 : vector<16xf32>
      %convert_element_type3A_964 = arith.fptosi %mul3A_963 : vector<16xf32> to vector<16xi32>
      %get3A_965 = arith.constant 2 : i32
      %get3A_966 = arith.index_cast %get3A_965 : i32 to index
      %get3A_967 = arith.constant 0 : index
      %get3A_968 = tpu.vector_load %arg11[%get3A_966, %get3A_967] {strides = array<i32>} : memref<6x16xf32, #tpu.memory_space<vmem>>, vector<1x16xf32>,
      %get3A_969 = vector.shape_cast %get3A_968 : vector<1x16xf32> to vector<16xf32>
      %add3A_970 = arith.addf %get3A_938, %get3A_969 : vector<16xf32>
      %get3A_971 = arith.constant 5 : i32
      %get3A_972 = arith.index_cast %get3A_971 : i32 to index
      %get3A_973 = arith.constant 0 : index
      %get3A_974 = tpu.vector_load %arg11[%get3A_972, %get3A_973] {strides = array<i32>} : memref<6x16xf32, #tpu.memory_space<vmem>>, vector<1x16xf32>,
      %get3A_975 = vector.shape_cast %get3A_974 : vector<1x16xf32> to vector<16xf32>
      %mul3A_976 = arith.mulf %add3A_970, %get3A_975 : vector<16xf32>
      %convert_element_type3A_977 = arith.fptosi %mul3A_976 : vector<16xf32> to vector<16xi32>
      %lt3A_978 = arith.constant 0 : i32
      %lt3A_979 = vector.broadcast %lt3A_978 : i32 to vector<16xi32>
      %lt3A_980 = arith.cmpi slt, %convert_element_type3A_951, %lt3A_979 : vector<16xi32>
      %lt3A_981 = arith.constant 0 : i32
      %lt3A_982 = vector.broadcast %lt3A_981 : i32 to vector<16xi32>
      %lt3A_983 = arith.cmpi slt, %convert_element_type3A_964, %lt3A_982 : vector<16xi32>
      %or3A_984 = arith.ori %lt3A_980, %lt3A_983 : vector<16xi1>
      %lt3A_985 = arith.constant 0 : i32
      %lt3A_986 = vector.broadcast %lt3A_985 : i32 to vector<16xi32>
      %lt3A_987 = arith.cmpi slt, %convert_element_type3A_977, %lt3A_986 : vector<16xi32>
      %or3A_988 = arith.ori %or3A_984, %lt3A_987 : vector<16xi1>
      %gt3A_989 = arith.constant 511 : i32
      %gt3A_990 = vector.broadcast %gt3A_989 : i32 to vector<16xi32>
      %gt3A_991 = arith.cmpi sgt, %convert_element_type3A_951, %gt3A_990 : vector<16xi32>
      %or3A_992 = arith.ori %or3A_988, %gt3A_991 : vector<16xi1>
      %gt3A_993 = arith.constant 511 : i32
      %gt3A_994 = vector.broadcast %gt3A_993 : i32 to vector<16xi32>
      %gt3A_995 = arith.cmpi sgt, %convert_element_type3A_964, %gt3A_994 : vector<16xi32>
      %or3A_996 = arith.ori %or3A_992, %gt3A_995 : vector<16xi1>
      %gt3A_997 = arith.constant 255 : i32
      %gt3A_998 = vector.broadcast %gt3A_997 : i32 to vector<16xi32>
      %gt3A_999 = arith.cmpi sgt, %convert_element_type3A_977, %gt3A_998 : vector<16xi32>
      %or3A_1000 = arith.ori %or3A_996, %gt3A_999 : vector<16xi1>
      %mul3A_1001 = arith.constant 131072 : i32
      %mul3A_1002 = vector.broadcast %mul3A_1001 : i32 to vector<16xi32>
      %mul3A_1003 = arith.muli %convert_element_type3A_951, %mul3A_1002 : vector<16xi32>
      %shift_right_arithmetic3A_1004 = arith.constant 3 : i32
      %shift_right_arithmetic3A_1005 = vector.broadcast %shift_right_arithmetic3A_1004 : i32 to vector<16xi32>
      %shift_right_arithmetic3A_1006 = arith.shrsi %convert_element_type3A_964, %shift_right_arithmetic3A_1005 : vector<16xi32>
      %mul3A_1007 = arith.constant 2048 : i32
      %mul3A_1008 = vector.broadcast %mul3A_1007 : i32 to vector<16xi32>
      %mul3A_1009 = arith.muli %shift_right_arithmetic3A_1006, %mul3A_1008 : vector<16xi32>
      %add3A_1010 = arith.addi %mul3A_1003, %mul3A_1009 : vector<16xi32>
      %shift_right_arithmetic3A_1011 = arith.constant 7 : i32
      %shift_right_arithmetic3A_1012 = vector.broadcast %shift_right_arithmetic3A_1011 : i32 to vector<16xi32>
      %shift_right_arithmetic3A_1013 = arith.shrsi %convert_element_type3A_977, %shift_right_arithmetic3A_1012 : vector<16xi32>
      %mul3A_1014 = arith.constant 1024 : i32
      %mul3A_1015 = vector.broadcast %mul3A_1014 : i32 to vector<16xi32>
      %mul3A_1016 = arith.muli %shift_right_arithmetic3A_1013, %mul3A_1015 : vector<16xi32>
      %add3A_1017 = arith.addi %add3A_1010, %mul3A_1016 : vector<16xi32>
      %and3A_1018 = arith.constant 7 : i32
      %and3A_1019 = vector.broadcast %and3A_1018 : i32 to vector<16xi32>
      %and3A_1020 = arith.andi %convert_element_type3A_964, %and3A_1019 : vector<16xi32>
      %mul3A_1021 = arith.constant 128 : i32
      %mul3A_1022 = vector.broadcast %mul3A_1021 : i32 to vector<16xi32>
      %mul3A_1023 = arith.muli %and3A_1020, %mul3A_1022 : vector<16xi32>
      %add3A_1024 = arith.addi %add3A_1017, %mul3A_1023 : vector<16xi32>
      %and3A_1025 = arith.constant 127 : i32
      %and3A_1026 = vector.broadcast %and3A_1025 : i32 to vector<16xi32>
      %and3A_1027 = arith.andi %convert_element_type3A_977, %and3A_1026 : vector<16xi32>
      %add3A_1028 = arith.addi %add3A_1024, %and3A_1027 : vector<16xi32>
      %jit3A_1029 = arith.constant 0 : i32
      %broadcast_in_dim3A_1030 = vector.broadcast %jit3A_1029 : i32 to vector<16xi32>
      %select_n3A_1031 = arith.select %or3A_1000, %broadcast_in_dim3A_1030, %add3A_1028 : vector<16xi1>, vector<16xi32>
      %swap3A_1032 = arith.index_cast %add3A_929 : i32 to index
      %swap3A_1033 = tpu.vector_load %arg12[%swap3A_1032] {strides = array<i32>} : memref<8192xi32, #tpu.memory_space<vmem>>, vector<16xi32>,
      %swap3A_1034 = vector.shape_cast %swap3A_1033 : vector<16xi32> to vector<16xi32>
      %swap3A_1035 = vector.shape_cast %select_n3A_1031 : vector<16xi32> to vector<16xi32>
      tpu.vector_store %arg12[%swap3A_1032], %swap3A_1035 {strides = array<i32>} : memref<8192xi32, #tpu.memory_space<vmem>>, vector<16xi32>,
      %jit3A_1036 = arith.constant 0.000000e+00 : f32
      %jit3A_1037 = arith.constant 1.000000e+00 : f32
      %broadcast_in_dim3A_1038 = vector.broadcast %jit3A_1036 : f32 to vector<16xf32>
      %broadcast_in_dim3A_1039 = vector.broadcast %jit3A_1037 : f32 to vector<16xf32>
      %select_n3A_1040 = arith.select %or3A_1000, %broadcast_in_dim3A_1038, %broadcast_in_dim3A_1039 : vector<16xi1>, vector<16xf32>
      %swap3A_1041 = arith.index_cast %add3A_929 : i32 to index
      %swap3A_1042 = tpu.vector_load %arg13[%swap3A_1041] {strides = array<i32>} : memref<8192xf32, #tpu.memory_space<vmem>>, vector<16xf32>,
      %swap3A_1043 = vector.shape_cast %swap3A_1042 : vector<16xf32> to vector<16xf32>
      %swap3A_1044 = vector.shape_cast %select_n3A_1040 : vector<16xf32> to vector<16xf32>
      tpu.vector_store %arg13[%swap3A_1041], %swap3A_1044 {strides = array<i32>} : memref<8192xf32, #tpu.memory_space<vmem>>, vector<16xf32>,
      %mul3A_1045 = arith.constant 128 : i32
      %mul3A_1046 = arith.muli %scan3A_102, %mul3A_1045 : i32
      %dma_start3A = tpu.memref_slice %arg14[%mul3A_1046] : memref<8192xf32, #tpu.memory_space<vmem>> -> memref<128xf32, #tpu.memory_space<vmem>>
      %dma_start3A_1047 = tpu.memref_slice %arg12[%mul3A_1046] : memref<8192xi32, #tpu.memory_space<vmem>> -> memref<128xi32, #tpu.memory_space<vmem>>
      %dma_start3A_1048 = arith.constant 0 : i32
      %dma_start3A_1049 = tpu.memref_slice %arg6[%dma_start3A_1048] : memref<67108864xf32, #tpu.memory_space<hbm>> -> memref<67108864xf32, #tpu.memory_space<hbm>>
      tpu.enqueue_indirect_dma source(%dma_start3A_1049 : memref<67108864xf32, #tpu.memory_space<hbm>>) target(%dma_start3A : memref<128xf32, #tpu.memory_space<vmem>>) offsets(%dma_start3A_1047 : memref<128xi32, #tpu.memory_space<vmem>>) semaphore(%arg18 : memref<!tpu.dma_semaphore, #tpu.memory_space<semaphore_mem>>)
      %scan3A_1050 = arith.constant 0 : i32
      scf.yield %scan3A_1050 : i32
    }
    %scan3A_44 = arith.constant 64 : i32
    %add3A_45 = arith.constant 8192 : i32
    %add3A_46 = arith.addi %mul3A_2, %add3A_45 : i32
    %scan3A_47 = arith.constant 0 : i32
    %scan3A_48 = arith.constant 0 : i32
    %scan3A_49 = arith.constant 64 : i32
    %scan3A_50 = arith.addi %scan3A_48, %scan3A_49 : i32
    %scan3A_51 = arith.constant 1 : i32
    %scan3A_52 = scf.for %scan3A_102 = %scan3A_48 to %scan3A_50 step %scan3A_51 iter_args(%scan3A_103 = %scan3A_47) -> (i32)  : i32 {
      %mul3A_104 = arith.constant 128 : i32
      %mul3A_105 = arith.muli %scan3A_102, %mul3A_104 : i32
      %dma_wait3A = tpu.memref_slice %arg17[%mul3A_105] : memref<8192xf32, #tpu.memory_space<vmem>> -> memref<128xf32, #tpu.memory_space<vmem>>
      %dma_wait3A_106 = tpu.memref_slice %arg15[%mul3A_105] : memref<8192xi32, #tpu.memory_space<vmem>> -> memref<128xi32, #tpu.memory_space<vmem>>
      %dma_wait3A_107 = arith.constant 0 : i32
      %dma_wait3A_108 = tpu.memref_slice %arg6[%dma_wait3A_107] : memref<67108864xf32, #tpu.memory_space<hbm>> -> memref<67108864xf32, #tpu.memory_space<hbm>>
      tpu.wait_indirect_dma semaphore(%arg19 : memref<!tpu.dma_semaphore, #tpu.memory_space<semaphore_mem>>) src(%dma_wait3A_108 : memref<67108864xf32, #tpu.memory_space<hbm>>) dst(%dma_wait3A : memref<128xf32, #tpu.memory_space<vmem>>)
      %scan3A_109 = arith.constant 0 : i32
      scf.yield %scan3A_109 : i32
    }
    %scan3A_53 = arith.constant 64 : i32
    %scan3A_54 = arith.constant 0 : i32
    %scan3A_55 = arith.constant 0 : i32
    %scan3A_56 = arith.constant 64 : i32
    %scan3A_57 = arith.addi %scan3A_55, %scan3A_56 : i32
    %scan3A_58 = arith.constant 1 : i32
    %scan3A_59 = scf.for %scan3A_102 = %scan3A_55 to %scan3A_57 step %scan3A_58 iter_args(%scan3A_103 = %scan3A_54) -> (i32)  : i32 {
      %mul3A_104 = arith.constant 128 : i32
      %mul3A_105 = arith.muli %scan3A_102, %mul3A_104 : i32
      %add3A_106 = arith.constant 0 : i32
      %add3A_107 = arith.addi %mul3A_105, %add3A_106 : i32
      %get3A = arith.index_cast %add3A_107 : i32 to index
      %get3A_108 = tpu.vector_load %arg17[%get3A] {strides = array<i32>} : memref<8192xf32, #tpu.memory_space<vmem>>, vector<16xf32>,
      %get3A_109 = vector.shape_cast %get3A_108 : vector<16xf32> to vector<16xf32>
      %max3A = arith.constant -1.000000e+03 : f32
      %max3A_110 = vector.broadcast %max3A : f32 to vector<16xf32>
      %max3A_111 = arith.maximumf %get3A_109, %max3A_110 : vector<16xf32>
      %mul3A_112 = arith.constant 1.000000e-03 : f32
      %mul3A_113 = vector.broadcast %mul3A_112 : f32 to vector<16xf32>
      %mul3A_114 = arith.mulf %max3A_111, %mul3A_113 : vector<16xf32>
      %add3A_115 = arith.constant 1.000000e+00 : f32
      %add3A_116 = vector.broadcast %add3A_115 : f32 to vector<16xf32>
      %add3A_117 = arith.addf %mul3A_114, %add3A_116 : vector<16xf32>
      %mul3A_118 = arith.constant 8.000000e-02 : f32
      %mul3A_119 = vector.broadcast %mul3A_118 : f32 to vector<16xf32>
      %mul3A_120 = arith.mulf %add3A_117, %mul3A_119 : vector<16xf32>
      %get3A_121 = arith.index_cast %add3A_107 : i32 to index
      %get3A_122 = tpu.vector_load %arg16[%get3A_121] {strides = array<i32>} : memref<8192xf32, #tpu.memory_space<vmem>>, vector<16xf32>,
      %get3A_123 = vector.shape_cast %get3A_122 : vector<16xf32> to vector<16xf32>
      %mul3A_124 = arith.mulf %mul3A_120, %get3A_123 : vector<16xf32>
      %swap3A = arith.index_cast %add3A_107 : i32 to index
      %swap3A_125 = tpu.vector_load %arg17[%swap3A] {strides = array<i32>} : memref<8192xf32, #tpu.memory_space<vmem>>, vector<16xf32>,
      %swap3A_126 = vector.shape_cast %swap3A_125 : vector<16xf32> to vector<16xf32>
      %swap3A_127 = vector.shape_cast %mul3A_124 : vector<16xf32> to vector<16xf32>
      tpu.vector_store %arg17[%swap3A], %swap3A_127 {strides = array<i32>} : memref<8192xf32, #tpu.memory_space<vmem>>, vector<16xf32>,
      %mul3A_128 = arith.constant 128 : i32
      %mul3A_129 = arith.muli %scan3A_102, %mul3A_128 : i32
      %add3A_130 = arith.constant 16 : i32
      %add3A_131 = arith.addi %mul3A_129, %add3A_130 : i32
      %get3A_132 = arith.index_cast %add3A_131 : i32 to index
      %get3A_133 = tpu.vector_load %arg17[%get3A_132] {strides = array<i32>} : memref<8192xf32, #tpu.memory_space<vmem>>, vector<16xf32>,
      %get3A_134 = vector.shape_cast %get3A_133 : vector<16xf32> to vector<16xf32>
      %max3A_135 = arith.constant -1.000000e+03 : f32
      %max3A_136 = vector.broadcast %max3A_135 : f32 to vector<16xf32>
      %max3A_137 = arith.maximumf %get3A_134, %max3A_136 : vector<16xf32>
      %mul3A_138 = arith.constant 1.000000e-03 : f32
      %mul3A_139 = vector.broadcast %mul3A_138 : f32 to vector<16xf32>
      %mul3A_140 = arith.mulf %max3A_137, %mul3A_139 : vector<16xf32>
      %add3A_141 = arith.constant 1.000000e+00 : f32
      %add3A_142 = vector.broadcast %add3A_141 : f32 to vector<16xf32>
      %add3A_143 = arith.addf %mul3A_140, %add3A_142 : vector<16xf32>
      %mul3A_144 = arith.constant 8.000000e-02 : f32
      %mul3A_145 = vector.broadcast %mul3A_144 : f32 to vector<16xf32>
      %mul3A_146 = arith.mulf %add3A_143, %mul3A_145 : vector<16xf32>
      %get3A_147 = arith.index_cast %add3A_131 : i32 to index
      %get3A_148 = tpu.vector_load %arg16[%get3A_147] {strides = array<i32>} : memref<8192xf32, #tpu.memory_space<vmem>>, vector<16xf32>,
      %get3A_149 = vector.shape_cast %get3A_148 : vector<16xf32> to vector<16xf32>
      %mul3A_150 = arith.mulf %mul3A_146, %get3A_149 : vector<16xf32>
      %swap3A_151 = arith.index_cast %add3A_131 : i32 to index
      %swap3A_152 = tpu.vector_load %arg17[%swap3A_151] {strides = array<i32>} : memref<8192xf32, #tpu.memory_space<vmem>>, vector<16xf32>,
      %swap3A_153 = vector.shape_cast %swap3A_152 : vector<16xf32> to vector<16xf32>
      %swap3A_154 = vector.shape_cast %mul3A_150 : vector<16xf32> to vector<16xf32>
      tpu.vector_store %arg17[%swap3A_151], %swap3A_154 {strides = array<i32>} : memref<8192xf32, #tpu.memory_space<vmem>>, vector<16xf32>,
      %mul3A_155 = arith.constant 128 : i32
      %mul3A_156 = arith.muli %scan3A_102, %mul3A_155 : i32
      %add3A_157 = arith.constant 32 : i32
      %add3A_158 = arith.addi %mul3A_156, %add3A_157 : i32
      %get3A_159 = arith.index_cast %add3A_158 : i32 to index
      %get3A_160 = tpu.vector_load %arg17[%get3A_159] {strides = array<i32>} : memref<8192xf32, #tpu.memory_space<vmem>>, vector<16xf32>,
      %get3A_161 = vector.shape_cast %get3A_160 : vector<16xf32> to vector<16xf32>
      %max3A_162 = arith.constant -1.000000e+03 : f32
      %max3A_163 = vector.broadcast %max3A_162 : f32 to vector<16xf32>
      %max3A_164 = arith.maximumf %get3A_161, %max3A_163 : vector<16xf32>
      %mul3A_165 = arith.constant 1.000000e-03 : f32
      %mul3A_166 = vector.broadcast %mul3A_165 : f32 to vector<16xf32>
      %mul3A_167 = arith.mulf %max3A_164, %mul3A_166 : vector<16xf32>
      %add3A_168 = arith.constant 1.000000e+00 : f32
      %add3A_169 = vector.broadcast %add3A_168 : f32 to vector<16xf32>
      %add3A_170 = arith.addf %mul3A_167, %add3A_169 : vector<16xf32>
      %mul3A_171 = arith.constant 8.000000e-02 : f32
      %mul3A_172 = vector.broadcast %mul3A_171 : f32 to vector<16xf32>
      %mul3A_173 = arith.mulf %add3A_170, %mul3A_172 : vector<16xf32>
      %get3A_174 = arith.index_cast %add3A_158 : i32 to index
      %get3A_175 = tpu.vector_load %arg16[%get3A_174] {strides = array<i32>} : memref<8192xf32, #tpu.memory_space<vmem>>, vector<16xf32>,
      %get3A_176 = vector.shape_cast %get3A_175 : vector<16xf32> to vector<16xf32>
      %mul3A_177 = arith.mulf %mul3A_173, %get3A_176 : vector<16xf32>
      %swap3A_178 = arith.index_cast %add3A_158 : i32 to index
      %swap3A_179 = tpu.vector_load %arg17[%swap3A_178] {strides = array<i32>} : memref<8192xf32, #tpu.memory_space<vmem>>, vector<16xf32>,
      %swap3A_180 = vector.shape_cast %swap3A_179 : vector<16xf32> to vector<16xf32>
      %swap3A_181 = vector.shape_cast %mul3A_177 : vector<16xf32> to vector<16xf32>
      tpu.vector_store %arg17[%swap3A_178], %swap3A_181 {strides = array<i32>} : memref<8192xf32, #tpu.memory_space<vmem>>, vector<16xf32>,
      %mul3A_182 = arith.constant 128 : i32
      %mul3A_183 = arith.muli %scan3A_102, %mul3A_182 : i32
      %add3A_184 = arith.constant 48 : i32
      %add3A_185 = arith.addi %mul3A_183, %add3A_184 : i32
      %get3A_186 = arith.index_cast %add3A_185 : i32 to index
      %get3A_187 = tpu.vector_load %arg17[%get3A_186] {strides = array<i32>} : memref<8192xf32, #tpu.memory_space<vmem>>, vector<16xf32>,
      %get3A_188 = vector.shape_cast %get3A_187 : vector<16xf32> to vector<16xf32>
      %max3A_189 = arith.constant -1.000000e+03 : f32
      %max3A_190 = vector.broadcast %max3A_189 : f32 to vector<16xf32>
      %max3A_191 = arith.maximumf %get3A_188, %max3A_190 : vector<16xf32>
      %mul3A_192 = arith.constant 1.000000e-03 : f32
      %mul3A_193 = vector.broadcast %mul3A_192 : f32 to vector<16xf32>
      %mul3A_194 = arith.mulf %max3A_191, %mul3A_193 : vector<16xf32>
      %add3A_195 = arith.constant 1.000000e+00 : f32
      %add3A_196 = vector.broadcast %add3A_195 : f32 to vector<16xf32>
      %add3A_197 = arith.addf %mul3A_194, %add3A_196 : vector<16xf32>
      %mul3A_198 = arith.constant 8.000000e-02 : f32
      %mul3A_199 = vector.broadcast %mul3A_198 : f32 to vector<16xf32>
      %mul3A_200 = arith.mulf %add3A_197, %mul3A_199 : vector<16xf32>
      %get3A_201 = arith.index_cast %add3A_185 : i32 to index
      %get3A_202 = tpu.vector_load %arg16[%get3A_201] {strides = array<i32>} : memref<8192xf32, #tpu.memory_space<vmem>>, vector<16xf32>,
      %get3A_203 = vector.shape_cast %get3A_202 : vector<16xf32> to vector<16xf32>
      %mul3A_204 = arith.mulf %mul3A_200, %get3A_203 : vector<16xf32>
      %swap3A_205 = arith.index_cast %add3A_185 : i32 to index
      %swap3A_206 = tpu.vector_load %arg17[%swap3A_205] {strides = array<i32>} : memref<8192xf32, #tpu.memory_space<vmem>>, vector<16xf32>,
      %swap3A_207 = vector.shape_cast %swap3A_206 : vector<16xf32> to vector<16xf32>
      %swap3A_208 = vector.shape_cast %mul3A_204 : vector<16xf32> to vector<16xf32>
      tpu.vector_store %arg17[%swap3A_205], %swap3A_208 {strides = array<i32>} : memref<8192xf32, #tpu.memory_space<vmem>>, vector<16xf32>,
      %mul3A_209 = arith.constant 128 : i32
      %mul3A_210 = arith.muli %scan3A_102, %mul3A_209 : i32
      %add3A_211 = arith.constant 64 : i32
      %add3A_212 = arith.addi %mul3A_210, %add3A_211 : i32
      %get3A_213 = arith.index_cast %add3A_212 : i32 to index
      %get3A_214 = tpu.vector_load %arg17[%get3A_213] {strides = array<i32>} : memref<8192xf32, #tpu.memory_space<vmem>>, vector<16xf32>,
      %get3A_215 = vector.shape_cast %get3A_214 : vector<16xf32> to vector<16xf32>
      %max3A_216 = arith.constant -1.000000e+03 : f32
      %max3A_217 = vector.broadcast %max3A_216 : f32 to vector<16xf32>
      %max3A_218 = arith.maximumf %get3A_215, %max3A_217 : vector<16xf32>
      %mul3A_219 = arith.constant 1.000000e-03 : f32
      %mul3A_220 = vector.broadcast %mul3A_219 : f32 to vector<16xf32>
      %mul3A_221 = arith.mulf %max3A_218, %mul3A_220 : vector<16xf32>
      %add3A_222 = arith.constant 1.000000e+00 : f32
      %add3A_223 = vector.broadcast %add3A_222 : f32 to vector<16xf32>
      %add3A_224 = arith.addf %mul3A_221, %add3A_223 : vector<16xf32>
      %mul3A_225 = arith.constant 8.000000e-02 : f32
      %mul3A_226 = vector.broadcast %mul3A_225 : f32 to vector<16xf32>
      %mul3A_227 = arith.mulf %add3A_224, %mul3A_226 : vector<16xf32>
      %get3A_228 = arith.index_cast %add3A_212 : i32 to index
      %get3A_229 = tpu.vector_load %arg16[%get3A_228] {strides = array<i32>} : memref<8192xf32, #tpu.memory_space<vmem>>, vector<16xf32>,
      %get3A_230 = vector.shape_cast %get3A_229 : vector<16xf32> to vector<16xf32>
      %mul3A_231 = arith.mulf %mul3A_227, %get3A_230 : vector<16xf32>
      %swap3A_232 = arith.index_cast %add3A_212 : i32 to index
      %swap3A_233 = tpu.vector_load %arg17[%swap3A_232] {strides = array<i32>} : memref<8192xf32, #tpu.memory_space<vmem>>, vector<16xf32>,
      %swap3A_234 = vector.shape_cast %swap3A_233 : vector<16xf32> to vector<16xf32>
      %swap3A_235 = vector.shape_cast %mul3A_231 : vector<16xf32> to vector<16xf32>
      tpu.vector_store %arg17[%swap3A_232], %swap3A_235 {strides = array<i32>} : memref<8192xf32, #tpu.memory_space<vmem>>, vector<16xf32>,
      %mul3A_236 = arith.constant 128 : i32
      %mul3A_237 = arith.muli %scan3A_102, %mul3A_236 : i32
      %add3A_238 = arith.constant 80 : i32
      %add3A_239 = arith.addi %mul3A_237, %add3A_238 : i32
      %get3A_240 = arith.index_cast %add3A_239 : i32 to index
      %get3A_241 = tpu.vector_load %arg17[%get3A_240] {strides = array<i32>} : memref<8192xf32, #tpu.memory_space<vmem>>, vector<16xf32>,
      %get3A_242 = vector.shape_cast %get3A_241 : vector<16xf32> to vector<16xf32>
      %max3A_243 = arith.constant -1.000000e+03 : f32
      %max3A_244 = vector.broadcast %max3A_243 : f32 to vector<16xf32>
      %max3A_245 = arith.maximumf %get3A_242, %max3A_244 : vector<16xf32>
      %mul3A_246 = arith.constant 1.000000e-03 : f32
      %mul3A_247 = vector.broadcast %mul3A_246 : f32 to vector<16xf32>
      %mul3A_248 = arith.mulf %max3A_245, %mul3A_247 : vector<16xf32>
      %add3A_249 = arith.constant 1.000000e+00 : f32
      %add3A_250 = vector.broadcast %add3A_249 : f32 to vector<16xf32>
      %add3A_251 = arith.addf %mul3A_248, %add3A_250 : vector<16xf32>
      %mul3A_252 = arith.constant 8.000000e-02 : f32
      %mul3A_253 = vector.broadcast %mul3A_252 : f32 to vector<16xf32>
      %mul3A_254 = arith.mulf %add3A_251, %mul3A_253 : vector<16xf32>
      %get3A_255 = arith.index_cast %add3A_239 : i32 to index
      %get3A_256 = tpu.vector_load %arg16[%get3A_255] {strides = array<i32>} : memref<8192xf32, #tpu.memory_space<vmem>>, vector<16xf32>,
      %get3A_257 = vector.shape_cast %get3A_256 : vector<16xf32> to vector<16xf32>
      %mul3A_258 = arith.mulf %mul3A_254, %get3A_257 : vector<16xf32>
      %swap3A_259 = arith.index_cast %add3A_239 : i32 to index
      %swap3A_260 = tpu.vector_load %arg17[%swap3A_259] {strides = array<i32>} : memref<8192xf32, #tpu.memory_space<vmem>>, vector<16xf32>,
      %swap3A_261 = vector.shape_cast %swap3A_260 : vector<16xf32> to vector<16xf32>
      %swap3A_262 = vector.shape_cast %mul3A_258 : vector<16xf32> to vector<16xf32>
      tpu.vector_store %arg17[%swap3A_259], %swap3A_262 {strides = array<i32>} : memref<8192xf32, #tpu.memory_space<vmem>>, vector<16xf32>,
      %mul3A_263 = arith.constant 128 : i32
      %mul3A_264 = arith.muli %scan3A_102, %mul3A_263 : i32
      %add3A_265 = arith.constant 96 : i32
      %add3A_266 = arith.addi %mul3A_264, %add3A_265 : i32
      %get3A_267 = arith.index_cast %add3A_266 : i32 to index
      %get3A_268 = tpu.vector_load %arg17[%get3A_267] {strides = array<i32>} : memref<8192xf32, #tpu.memory_space<vmem>>, vector<16xf32>,
      %get3A_269 = vector.shape_cast %get3A_268 : vector<16xf32> to vector<16xf32>
      %max3A_270 = arith.constant -1.000000e+03 : f32
      %max3A_271 = vector.broadcast %max3A_270 : f32 to vector<16xf32>
      %max3A_272 = arith.maximumf %get3A_269, %max3A_271 : vector<16xf32>
      %mul3A_273 = arith.constant 1.000000e-03 : f32
      %mul3A_274 = vector.broadcast %mul3A_273 : f32 to vector<16xf32>
      %mul3A_275 = arith.mulf %max3A_272, %mul3A_274 : vector<16xf32>
      %add3A_276 = arith.constant 1.000000e+00 : f32
      %add3A_277 = vector.broadcast %add3A_276 : f32 to vector<16xf32>
      %add3A_278 = arith.addf %mul3A_275, %add3A_277 : vector<16xf32>
      %mul3A_279 = arith.constant 8.000000e-02 : f32
      %mul3A_280 = vector.broadcast %mul3A_279 : f32 to vector<16xf32>
      %mul3A_281 = arith.mulf %add3A_278, %mul3A_280 : vector<16xf32>
      %get3A_282 = arith.index_cast %add3A_266 : i32 to index
      %get3A_283 = tpu.vector_load %arg16[%get3A_282] {strides = array<i32>} : memref<8192xf32, #tpu.memory_space<vmem>>, vector<16xf32>,
      %get3A_284 = vector.shape_cast %get3A_283 : vector<16xf32> to vector<16xf32>
      %mul3A_285 = arith.mulf %mul3A_281, %get3A_284 : vector<16xf32>
      %swap3A_286 = arith.index_cast %add3A_266 : i32 to index
      %swap3A_287 = tpu.vector_load %arg17[%swap3A_286] {strides = array<i32>} : memref<8192xf32, #tpu.memory_space<vmem>>, vector<16xf32>,
      %swap3A_288 = vector.shape_cast %swap3A_287 : vector<16xf32> to vector<16xf32>
      %swap3A_289 = vector.shape_cast %mul3A_285 : vector<16xf32> to vector<16xf32>
      tpu.vector_store %arg17[%swap3A_286], %swap3A_289 {strides = array<i32>} : memref<8192xf32, #tpu.memory_space<vmem>>, vector<16xf32>,
      %mul3A_290 = arith.constant 128 : i32
      %mul3A_291 = arith.muli %scan3A_102, %mul3A_290 : i32
      %add3A_292 = arith.constant 112 : i32
      %add3A_293 = arith.addi %mul3A_291, %add3A_292 : i32
      %get3A_294 = arith.index_cast %add3A_293 : i32 to index
      %get3A_295 = tpu.vector_load %arg17[%get3A_294] {strides = array<i32>} : memref<8192xf32, #tpu.memory_space<vmem>>, vector<16xf32>,
      %get3A_296 = vector.shape_cast %get3A_295 : vector<16xf32> to vector<16xf32>
      %max3A_297 = arith.constant -1.000000e+03 : f32
      %max3A_298 = vector.broadcast %max3A_297 : f32 to vector<16xf32>
      %max3A_299 = arith.maximumf %get3A_296, %max3A_298 : vector<16xf32>
      %mul3A_300 = arith.constant 1.000000e-03 : f32
      %mul3A_301 = vector.broadcast %mul3A_300 : f32 to vector<16xf32>
      %mul3A_302 = arith.mulf %max3A_299, %mul3A_301 : vector<16xf32>
      %add3A_303 = arith.constant 1.000000e+00 : f32
      %add3A_304 = vector.broadcast %add3A_303 : f32 to vector<16xf32>
      %add3A_305 = arith.addf %mul3A_302, %add3A_304 : vector<16xf32>
      %mul3A_306 = arith.constant 8.000000e-02 : f32
      %mul3A_307 = vector.broadcast %mul3A_306 : f32 to vector<16xf32>
      %mul3A_308 = arith.mulf %add3A_305, %mul3A_307 : vector<16xf32>
      %get3A_309 = arith.index_cast %add3A_293 : i32 to index
      %get3A_310 = tpu.vector_load %arg16[%get3A_309] {strides = array<i32>} : memref<8192xf32, #tpu.memory_space<vmem>>, vector<16xf32>,
      %get3A_311 = vector.shape_cast %get3A_310 : vector<16xf32> to vector<16xf32>
      %mul3A_312 = arith.mulf %mul3A_308, %get3A_311 : vector<16xf32>
      %swap3A_313 = arith.index_cast %add3A_293 : i32 to index
      %swap3A_314 = tpu.vector_load %arg17[%swap3A_313] {strides = array<i32>} : memref<8192xf32, #tpu.memory_space<vmem>>, vector<16xf32>,
      %swap3A_315 = vector.shape_cast %swap3A_314 : vector<16xf32> to vector<16xf32>
      %swap3A_316 = vector.shape_cast %mul3A_312 : vector<16xf32> to vector<16xf32>
      tpu.vector_store %arg17[%swap3A_313], %swap3A_316 {strides = array<i32>} : memref<8192xf32, #tpu.memory_space<vmem>>, vector<16xf32>,
      %scan3A_317 = arith.constant 0 : i32
      scf.yield %scan3A_317 : i32
    }
    %scan3A_60 = arith.constant 64 : i32
    "tpu.region"() ({
      %run_scoped3A = tpu.sem_alloc : memref<!tpu.dma_semaphore, #tpu.memory_space<semaphore_mem>>
      %dma_start3A = tpu.memref_slice %arg7[%add3A_46] : memref<1048576xf32, #tpu.memory_space<hbm>> -> memref<8192xf32, #tpu.memory_space<hbm>>
      %dma_start3A_102 = tpu.memref_slice %arg7[%add3A_46] : memref<1048576xf32, #tpu.memory_space<hbm>> -> memref<8192xf32, #tpu.memory_space<hbm>>
      tpu.enqueue_dma source(%arg17 : memref<8192xf32, #tpu.memory_space<vmem>>) target(%dma_start3A_102 : memref<8192xf32, #tpu.memory_space<hbm>>) target_semaphore(%run_scoped3A : memref<!tpu.dma_semaphore, #tpu.memory_space<semaphore_mem>>)
      %dma_wait3A = tpu.memref_slice %arg7[%add3A_46] : memref<1048576xf32, #tpu.memory_space<hbm>> -> memref<8192xf32, #tpu.memory_space<hbm>>
      %dma_wait3A_103 = tpu.memref_slice %arg7[%add3A_46] : memref<1048576xf32, #tpu.memory_space<hbm>> -> memref<8192xf32, #tpu.memory_space<hbm>>
      tpu.wait_dma2 semaphore(%run_scoped3A : memref<!tpu.dma_semaphore, #tpu.memory_space<semaphore_mem>>) src(%arg17 : memref<8192xf32, #tpu.memory_space<vmem>>) dst(%dma_wait3A_103 : memref<8192xf32, #tpu.memory_space<hbm>>)
      tpu.yield
    }) : () -> ()
    %add3A_61 = arith.constant 24576 : i32
    %add3A_62 = arith.addi %mul3A_2, %add3A_61 : i32
    "tpu.region"() ({
      %run_scoped3A = tpu.sem_alloc : memref<!tpu.dma_semaphore, #tpu.memory_space<semaphore_mem>>
      %dma_start3A = tpu.memref_slice %arg2[%add3A_62] : memref<1048576xf32, #tpu.memory_space<hbm>> -> memref<8192xf32, #tpu.memory_space<hbm>>
      %dma_start3A_102 = tpu.memref_slice %arg2[%add3A_62] : memref<1048576xf32, #tpu.memory_space<hbm>> -> memref<8192xf32, #tpu.memory_space<hbm>>
      tpu.enqueue_dma source(%dma_start3A_102 : memref<8192xf32, #tpu.memory_space<hbm>>) target(%arg8 : memref<8192xf32, #tpu.memory_space<vmem>>) target_semaphore(%run_scoped3A : memref<!tpu.dma_semaphore, #tpu.memory_space<semaphore_mem>>)
      %dma_wait3A = tpu.memref_slice %arg2[%add3A_62] : memref<1048576xf32, #tpu.memory_space<hbm>> -> memref<8192xf32, #tpu.memory_space<hbm>>
      %dma_wait3A_103 = tpu.memref_slice %arg2[%add3A_62] : memref<1048576xf32, #tpu.memory_space<hbm>> -> memref<8192xf32, #tpu.memory_space<hbm>>
      tpu.wait_dma2 semaphore(%run_scoped3A : memref<!tpu.dma_semaphore, #tpu.memory_space<semaphore_mem>>) src(%dma_wait3A_103 : memref<8192xf32, #tpu.memory_space<hbm>>) dst(%arg8 : memref<8192xf32, #tpu.memory_space<vmem>>)
      tpu.yield
    }) : () -> ()
    "tpu.region"() ({
      %run_scoped3A = tpu.sem_alloc : memref<!tpu.dma_semaphore, #tpu.memory_space<semaphore_mem>>
      %dma_start3A = tpu.memref_slice %arg3[%add3A_62] : memref<1048576xf32, #tpu.memory_space<hbm>> -> memref<8192xf32, #tpu.memory_space<hbm>>
      %dma_start3A_102 = tpu.memref_slice %arg3[%add3A_62] : memref<1048576xf32, #tpu.memory_space<hbm>> -> memref<8192xf32, #tpu.memory_space<hbm>>
      tpu.enqueue_dma source(%dma_start3A_102 : memref<8192xf32, #tpu.memory_space<hbm>>) target(%arg9 : memref<8192xf32, #tpu.memory_space<vmem>>) target_semaphore(%run_scoped3A : memref<!tpu.dma_semaphore, #tpu.memory_space<semaphore_mem>>)
      %dma_wait3A = tpu.memref_slice %arg3[%add3A_62] : memref<1048576xf32, #tpu.memory_space<hbm>> -> memref<8192xf32, #tpu.memory_space<hbm>>
      %dma_wait3A_103 = tpu.memref_slice %arg3[%add3A_62] : memref<1048576xf32, #tpu.memory_space<hbm>> -> memref<8192xf32, #tpu.memory_space<hbm>>
      tpu.wait_dma2 semaphore(%run_scoped3A : memref<!tpu.dma_semaphore, #tpu.memory_space<semaphore_mem>>) src(%dma_wait3A_103 : memref<8192xf32, #tpu.memory_space<hbm>>) dst(%arg9 : memref<8192xf32, #tpu.memory_space<vmem>>)
      tpu.yield
    }) : () -> ()
    "tpu.region"() ({
      %run_scoped3A = tpu.sem_alloc : memref<!tpu.dma_semaphore, #tpu.memory_space<semaphore_mem>>
      %dma_start3A = tpu.memref_slice %arg4[%add3A_62] : memref<1048576xf32, #tpu.memory_space<hbm>> -> memref<8192xf32, #tpu.memory_space<hbm>>
      %dma_start3A_102 = tpu.memref_slice %arg4[%add3A_62] : memref<1048576xf32, #tpu.memory_space<hbm>> -> memref<8192xf32, #tpu.memory_space<hbm>>
      tpu.enqueue_dma source(%dma_start3A_102 : memref<8192xf32, #tpu.memory_space<hbm>>) target(%arg10 : memref<8192xf32, #tpu.memory_space<vmem>>) target_semaphore(%run_scoped3A : memref<!tpu.dma_semaphore, #tpu.memory_space<semaphore_mem>>)
      %dma_wait3A = tpu.memref_slice %arg4[%add3A_62] : memref<1048576xf32, #tpu.memory_space<hbm>> -> memref<8192xf32, #tpu.memory_space<hbm>>
      %dma_wait3A_103 = tpu.memref_slice %arg4[%add3A_62] : memref<1048576xf32, #tpu.memory_space<hbm>> -> memref<8192xf32, #tpu.memory_space<hbm>>
      tpu.wait_dma2 semaphore(%run_scoped3A : memref<!tpu.dma_semaphore, #tpu.memory_space<semaphore_mem>>) src(%dma_wait3A_103 : memref<8192xf32, #tpu.memory_space<hbm>>) dst(%arg10 : memref<8192xf32, #tpu.memory_space<vmem>>)
      tpu.yield
    }) : () -> ()
    %scan3A_63 = arith.constant 0 : i32
    %scan3A_64 = arith.constant 0 : i32
    %scan3A_65 = arith.constant 64 : i32
    %scan3A_66 = arith.addi %scan3A_64, %scan3A_65 : i32
    %scan3A_67 = arith.constant 1 : i32
    %scan3A_68 = scf.for %scan3A_102 = %scan3A_64 to %scan3A_66 step %scan3A_67 iter_args(%scan3A_103 = %scan3A_63) -> (i32)  : i32 {
      %mul3A_104 = arith.constant 128 : i32
      %mul3A_105 = arith.muli %scan3A_102, %mul3A_104 : i32
      %add3A_106 = arith.constant 0 : i32
      %add3A_107 = arith.addi %mul3A_105, %add3A_106 : i32
      %get3A = arith.index_cast %add3A_107 : i32 to index
      %get3A_108 = tpu.vector_load %arg8[%get3A] {strides = array<i32>} : memref<8192xf32, #tpu.memory_space<vmem>>, vector<16xf32>,
      %get3A_109 = vector.shape_cast %get3A_108 : vector<16xf32> to vector<16xf32>
      %get3A_110 = arith.index_cast %add3A_107 : i32 to index
      %get3A_111 = tpu.vector_load %arg9[%get3A_110] {strides = array<i32>} : memref<8192xf32, #tpu.memory_space<vmem>>, vector<16xf32>,
      %get3A_112 = vector.shape_cast %get3A_111 : vector<16xf32> to vector<16xf32>
      %get3A_113 = arith.index_cast %add3A_107 : i32 to index
      %get3A_114 = tpu.vector_load %arg10[%get3A_113] {strides = array<i32>} : memref<8192xf32, #tpu.memory_space<vmem>>, vector<16xf32>,
      %get3A_115 = vector.shape_cast %get3A_114 : vector<16xf32> to vector<16xf32>
      %get3A_116 = arith.constant 0 : i32
      %get3A_117 = arith.index_cast %get3A_116 : i32 to index
      %get3A_118 = arith.constant 0 : index
      %get3A_119 = tpu.vector_load %arg11[%get3A_117, %get3A_118] {strides = array<i32>} : memref<6x16xf32, #tpu.memory_space<vmem>>, vector<1x16xf32>,
      %get3A_120 = vector.shape_cast %get3A_119 : vector<1x16xf32> to vector<16xf32>
      %add3A_121 = arith.addf %get3A_109, %get3A_120 : vector<16xf32>
      %get3A_122 = arith.constant 3 : i32
      %get3A_123 = arith.index_cast %get3A_122 : i32 to index
      %get3A_124 = arith.constant 0 : index
      %get3A_125 = tpu.vector_load %arg11[%get3A_123, %get3A_124] {strides = array<i32>} : memref<6x16xf32, #tpu.memory_space<vmem>>, vector<1x16xf32>,
      %get3A_126 = vector.shape_cast %get3A_125 : vector<1x16xf32> to vector<16xf32>
      %mul3A_127 = arith.mulf %add3A_121, %get3A_126 : vector<16xf32>
      %convert_element_type3A = arith.fptosi %mul3A_127 : vector<16xf32> to vector<16xi32>
      %get3A_128 = arith.constant 1 : i32
      %get3A_129 = arith.index_cast %get3A_128 : i32 to index
      %get3A_130 = arith.constant 0 : index
      %get3A_131 = tpu.vector_load %arg11[%get3A_129, %get3A_130] {strides = array<i32>} : memref<6x16xf32, #tpu.memory_space<vmem>>, vector<1x16xf32>,
      %get3A_132 = vector.shape_cast %get3A_131 : vector<1x16xf32> to vector<16xf32>
      %add3A_133 = arith.addf %get3A_112, %get3A_132 : vector<16xf32>
      %get3A_134 = arith.constant 4 : i32
      %get3A_135 = arith.index_cast %get3A_134 : i32 to index
      %get3A_136 = arith.constant 0 : index
      %get3A_137 = tpu.vector_load %arg11[%get3A_135, %get3A_136] {strides = array<i32>} : memref<6x16xf32, #tpu.memory_space<vmem>>, vector<1x16xf32>,
      %get3A_138 = vector.shape_cast %get3A_137 : vector<1x16xf32> to vector<16xf32>
      %mul3A_139 = arith.mulf %add3A_133, %get3A_138 : vector<16xf32>
      %convert_element_type3A_140 = arith.fptosi %mul3A_139 : vector<16xf32> to vector<16xi32>
      %get3A_141 = arith.constant 2 : i32
      %get3A_142 = arith.index_cast %get3A_141 : i32 to index
      %get3A_143 = arith.constant 0 : index
      %get3A_144 = tpu.vector_load %arg11[%get3A_142, %get3A_143] {strides = array<i32>} : memref<6x16xf32, #tpu.memory_space<vmem>>, vector<1x16xf32>,
      %get3A_145 = vector.shape_cast %get3A_144 : vector<1x16xf32> to vector<16xf32>
      %add3A_146 = arith.addf %get3A_115, %get3A_145 : vector<16xf32>
      %get3A_147 = arith.constant 5 : i32
      %get3A_148 = arith.index_cast %get3A_147 : i32 to index
      %get3A_149 = arith.constant 0 : index
      %get3A_150 = tpu.vector_load %arg11[%get3A_148, %get3A_149] {strides = array<i32>} : memref<6x16xf32, #tpu.memory_space<vmem>>, vector<1x16xf32>,
      %get3A_151 = vector.shape_cast %get3A_150 : vector<1x16xf32> to vector<16xf32>
      %mul3A_152 = arith.mulf %add3A_146, %get3A_151 : vector<16xf32>
      %convert_element_type3A_153 = arith.fptosi %mul3A_152 : vector<16xf32> to vector<16xi32>
      %lt3A = arith.constant 0 : i32
      %lt3A_154 = vector.broadcast %lt3A : i32 to vector<16xi32>
      %lt3A_155 = arith.cmpi slt, %convert_element_type3A, %lt3A_154 : vector<16xi32>
      %lt3A_156 = arith.constant 0 : i32
      %lt3A_157 = vector.broadcast %lt3A_156 : i32 to vector<16xi32>
      %lt3A_158 = arith.cmpi slt, %convert_element_type3A_140, %lt3A_157 : vector<16xi32>
      %or3A = arith.ori %lt3A_155, %lt3A_158 : vector<16xi1>
      %lt3A_159 = arith.constant 0 : i32
      %lt3A_160 = vector.broadcast %lt3A_159 : i32 to vector<16xi32>
      %lt3A_161 = arith.cmpi slt, %convert_element_type3A_153, %lt3A_160 : vector<16xi32>
      %or3A_162 = arith.ori %or3A, %lt3A_161 : vector<16xi1>
      %gt3A = arith.constant 511 : i32
      %gt3A_163 = vector.broadcast %gt3A : i32 to vector<16xi32>
      %gt3A_164 = arith.cmpi sgt, %convert_element_type3A, %gt3A_163 : vector<16xi32>
      %or3A_165 = arith.ori %or3A_162, %gt3A_164 : vector<16xi1>
      %gt3A_166 = arith.constant 511 : i32
      %gt3A_167 = vector.broadcast %gt3A_166 : i32 to vector<16xi32>
      %gt3A_168 = arith.cmpi sgt, %convert_element_type3A_140, %gt3A_167 : vector<16xi32>
      %or3A_169 = arith.ori %or3A_165, %gt3A_168 : vector<16xi1>
      %gt3A_170 = arith.constant 255 : i32
      %gt3A_171 = vector.broadcast %gt3A_170 : i32 to vector<16xi32>
      %gt3A_172 = arith.cmpi sgt, %convert_element_type3A_153, %gt3A_171 : vector<16xi32>
      %or3A_173 = arith.ori %or3A_169, %gt3A_172 : vector<16xi1>
      %mul3A_174 = arith.constant 131072 : i32
      %mul3A_175 = vector.broadcast %mul3A_174 : i32 to vector<16xi32>
      %mul3A_176 = arith.muli %convert_element_type3A, %mul3A_175 : vector<16xi32>
      %shift_right_arithmetic3A = arith.constant 3 : i32
      %shift_right_arithmetic3A_177 = vector.broadcast %shift_right_arithmetic3A : i32 to vector<16xi32>
      %shift_right_arithmetic3A_178 = arith.shrsi %convert_element_type3A_140, %shift_right_arithmetic3A_177 : vector<16xi32>
      %mul3A_179 = arith.constant 2048 : i32
      %mul3A_180 = vector.broadcast %mul3A_179 : i32 to vector<16xi32>
      %mul3A_181 = arith.muli %shift_right_arithmetic3A_178, %mul3A_180 : vector<16xi32>
      %add3A_182 = arith.addi %mul3A_176, %mul3A_181 : vector<16xi32>
      %shift_right_arithmetic3A_183 = arith.constant 7 : i32
      %shift_right_arithmetic3A_184 = vector.broadcast %shift_right_arithmetic3A_183 : i32 to vector<16xi32>
      %shift_right_arithmetic3A_185 = arith.shrsi %convert_element_type3A_153, %shift_right_arithmetic3A_184 : vector<16xi32>
      %mul3A_186 = arith.constant 1024 : i32
      %mul3A_187 = vector.broadcast %mul3A_186 : i32 to vector<16xi32>
      %mul3A_188 = arith.muli %shift_right_arithmetic3A_185, %mul3A_187 : vector<16xi32>
      %add3A_189 = arith.addi %add3A_182, %mul3A_188 : vector<16xi32>
      %and3A = arith.constant 7 : i32
      %and3A_190 = vector.broadcast %and3A : i32 to vector<16xi32>
      %and3A_191 = arith.andi %convert_element_type3A_140, %and3A_190 : vector<16xi32>
      %mul3A_192 = arith.constant 128 : i32
      %mul3A_193 = vector.broadcast %mul3A_192 : i32 to vector<16xi32>
      %mul3A_194 = arith.muli %and3A_191, %mul3A_193 : vector<16xi32>
      %add3A_195 = arith.addi %add3A_189, %mul3A_194 : vector<16xi32>
      %and3A_196 = arith.constant 127 : i32
      %and3A_197 = vector.broadcast %and3A_196 : i32 to vector<16xi32>
      %and3A_198 = arith.andi %convert_element_type3A_153, %and3A_197 : vector<16xi32>
      %add3A_199 = arith.addi %add3A_195, %and3A_198 : vector<16xi32>
      %jit3A = arith.constant 0 : i32
      %broadcast_in_dim3A = vector.broadcast %jit3A : i32 to vector<16xi32>
      %select_n3A = arith.select %or3A_173, %broadcast_in_dim3A, %add3A_199 : vector<16xi1>, vector<16xi32>
      %swap3A = arith.index_cast %add3A_107 : i32 to index
      %swap3A_200 = tpu.vector_load %arg15[%swap3A] {strides = array<i32>} : memref<8192xi32, #tpu.memory_space<vmem>>, vector<16xi32>,
      %swap3A_201 = vector.shape_cast %swap3A_200 : vector<16xi32> to vector<16xi32>
      %swap3A_202 = vector.shape_cast %select_n3A : vector<16xi32> to vector<16xi32>
      tpu.vector_store %arg15[%swap3A], %swap3A_202 {strides = array<i32>} : memref<8192xi32, #tpu.memory_space<vmem>>, vector<16xi32>,
      %jit3A_203 = arith.constant 0.000000e+00 : f32
      %jit3A_204 = arith.constant 1.000000e+00 : f32
      %broadcast_in_dim3A_205 = vector.broadcast %jit3A_203 : f32 to vector<16xf32>
      %broadcast_in_dim3A_206 = vector.broadcast %jit3A_204 : f32 to vector<16xf32>
      %select_n3A_207 = arith.select %or3A_173, %broadcast_in_dim3A_205, %broadcast_in_dim3A_206 : vector<16xi1>, vector<16xf32>
      %swap3A_208 = arith.index_cast %add3A_107 : i32 to index
      %swap3A_209 = tpu.vector_load %arg16[%swap3A_208] {strides = array<i32>} : memref<8192xf32, #tpu.memory_space<vmem>>, vector<16xf32>,
      %swap3A_210 = vector.shape_cast %swap3A_209 : vector<16xf32> to vector<16xf32>
      %swap3A_211 = vector.shape_cast %select_n3A_207 : vector<16xf32> to vector<16xf32>
      tpu.vector_store %arg16[%swap3A_208], %swap3A_211 {strides = array<i32>} : memref<8192xf32, #tpu.memory_space<vmem>>, vector<16xf32>,
      %mul3A_212 = arith.constant 128 : i32
      %mul3A_213 = arith.muli %scan3A_102, %mul3A_212 : i32
      %add3A_214 = arith.constant 16 : i32
      %add3A_215 = arith.addi %mul3A_213, %add3A_214 : i32
      %get3A_216 = arith.index_cast %add3A_215 : i32 to index
      %get3A_217 = tpu.vector_load %arg8[%get3A_216] {strides = array<i32>} : memref<8192xf32, #tpu.memory_space<vmem>>, vector<16xf32>,
      %get3A_218 = vector.shape_cast %get3A_217 : vector<16xf32> to vector<16xf32>
      %get3A_219 = arith.index_cast %add3A_215 : i32 to index
      %get3A_220 = tpu.vector_load %arg9[%get3A_219] {strides = array<i32>} : memref<8192xf32, #tpu.memory_space<vmem>>, vector<16xf32>,
      %get3A_221 = vector.shape_cast %get3A_220 : vector<16xf32> to vector<16xf32>
      %get3A_222 = arith.index_cast %add3A_215 : i32 to index
      %get3A_223 = tpu.vector_load %arg10[%get3A_222] {strides = array<i32>} : memref<8192xf32, #tpu.memory_space<vmem>>, vector<16xf32>,
      %get3A_224 = vector.shape_cast %get3A_223 : vector<16xf32> to vector<16xf32>
      %get3A_225 = arith.constant 0 : i32
      %get3A_226 = arith.index_cast %get3A_225 : i32 to index
      %get3A_227 = arith.constant 0 : index
      %get3A_228 = tpu.vector_load %arg11[%get3A_226, %get3A_227] {strides = array<i32>} : memref<6x16xf32, #tpu.memory_space<vmem>>, vector<1x16xf32>,
      %get3A_229 = vector.shape_cast %get3A_228 : vector<1x16xf32> to vector<16xf32>
      %add3A_230 = arith.addf %get3A_218, %get3A_229 : vector<16xf32>
      %get3A_231 = arith.constant 3 : i32
      %get3A_232 = arith.index_cast %get3A_231 : i32 to index
      %get3A_233 = arith.constant 0 : index
      %get3A_234 = tpu.vector_load %arg11[%get3A_232, %get3A_233] {strides = array<i32>} : memref<6x16xf32, #tpu.memory_space<vmem>>, vector<1x16xf32>,
      %get3A_235 = vector.shape_cast %get3A_234 : vector<1x16xf32> to vector<16xf32>
      %mul3A_236 = arith.mulf %add3A_230, %get3A_235 : vector<16xf32>
      %convert_element_type3A_237 = arith.fptosi %mul3A_236 : vector<16xf32> to vector<16xi32>
      %get3A_238 = arith.constant 1 : i32
      %get3A_239 = arith.index_cast %get3A_238 : i32 to index
      %get3A_240 = arith.constant 0 : index
      %get3A_241 = tpu.vector_load %arg11[%get3A_239, %get3A_240] {strides = array<i32>} : memref<6x16xf32, #tpu.memory_space<vmem>>, vector<1x16xf32>,
      %get3A_242 = vector.shape_cast %get3A_241 : vector<1x16xf32> to vector<16xf32>
      %add3A_243 = arith.addf %get3A_221, %get3A_242 : vector<16xf32>
      %get3A_244 = arith.constant 4 : i32
      %get3A_245 = arith.index_cast %get3A_244 : i32 to index
      %get3A_246 = arith.constant 0 : index
      %get3A_247 = tpu.vector_load %arg11[%get3A_245, %get3A_246] {strides = array<i32>} : memref<6x16xf32, #tpu.memory_space<vmem>>, vector<1x16xf32>,
      %get3A_248 = vector.shape_cast %get3A_247 : vector<1x16xf32> to vector<16xf32>
      %mul3A_249 = arith.mulf %add3A_243, %get3A_248 : vector<16xf32>
      %convert_element_type3A_250 = arith.fptosi %mul3A_249 : vector<16xf32> to vector<16xi32>
      %get3A_251 = arith.constant 2 : i32
      %get3A_252 = arith.index_cast %get3A_251 : i32 to index
      %get3A_253 = arith.constant 0 : index
      %get3A_254 = tpu.vector_load %arg11[%get3A_252, %get3A_253] {strides = array<i32>} : memref<6x16xf32, #tpu.memory_space<vmem>>, vector<1x16xf32>,
      %get3A_255 = vector.shape_cast %get3A_254 : vector<1x16xf32> to vector<16xf32>
      %add3A_256 = arith.addf %get3A_224, %get3A_255 : vector<16xf32>
      %get3A_257 = arith.constant 5 : i32
      %get3A_258 = arith.index_cast %get3A_257 : i32 to index
      %get3A_259 = arith.constant 0 : index
      %get3A_260 = tpu.vector_load %arg11[%get3A_258, %get3A_259] {strides = array<i32>} : memref<6x16xf32, #tpu.memory_space<vmem>>, vector<1x16xf32>,
      %get3A_261 = vector.shape_cast %get3A_260 : vector<1x16xf32> to vector<16xf32>
      %mul3A_262 = arith.mulf %add3A_256, %get3A_261 : vector<16xf32>
      %convert_element_type3A_263 = arith.fptosi %mul3A_262 : vector<16xf32> to vector<16xi32>
      %lt3A_264 = arith.constant 0 : i32
      %lt3A_265 = vector.broadcast %lt3A_264 : i32 to vector<16xi32>
      %lt3A_266 = arith.cmpi slt, %convert_element_type3A_237, %lt3A_265 : vector<16xi32>
      %lt3A_267 = arith.constant 0 : i32
      %lt3A_268 = vector.broadcast %lt3A_267 : i32 to vector<16xi32>
      %lt3A_269 = arith.cmpi slt, %convert_element_type3A_250, %lt3A_268 : vector<16xi32>
      %or3A_270 = arith.ori %lt3A_266, %lt3A_269 : vector<16xi1>
      %lt3A_271 = arith.constant 0 : i32
      %lt3A_272 = vector.broadcast %lt3A_271 : i32 to vector<16xi32>
      %lt3A_273 = arith.cmpi slt, %convert_element_type3A_263, %lt3A_272 : vector<16xi32>
      %or3A_274 = arith.ori %or3A_270, %lt3A_273 : vector<16xi1>
      %gt3A_275 = arith.constant 511 : i32
      %gt3A_276 = vector.broadcast %gt3A_275 : i32 to vector<16xi32>
      %gt3A_277 = arith.cmpi sgt, %convert_element_type3A_237, %gt3A_276 : vector<16xi32>
      %or3A_278 = arith.ori %or3A_274, %gt3A_277 : vector<16xi1>
      %gt3A_279 = arith.constant 511 : i32
      %gt3A_280 = vector.broadcast %gt3A_279 : i32 to vector<16xi32>
      %gt3A_281 = arith.cmpi sgt, %convert_element_type3A_250, %gt3A_280 : vector<16xi32>
      %or3A_282 = arith.ori %or3A_278, %gt3A_281 : vector<16xi1>
      %gt3A_283 = arith.constant 255 : i32
      %gt3A_284 = vector.broadcast %gt3A_283 : i32 to vector<16xi32>
      %gt3A_285 = arith.cmpi sgt, %convert_element_type3A_263, %gt3A_284 : vector<16xi32>
      %or3A_286 = arith.ori %or3A_282, %gt3A_285 : vector<16xi1>
      %mul3A_287 = arith.constant 131072 : i32
      %mul3A_288 = vector.broadcast %mul3A_287 : i32 to vector<16xi32>
      %mul3A_289 = arith.muli %convert_element_type3A_237, %mul3A_288 : vector<16xi32>
      %shift_right_arithmetic3A_290 = arith.constant 3 : i32
      %shift_right_arithmetic3A_291 = vector.broadcast %shift_right_arithmetic3A_290 : i32 to vector<16xi32>
      %shift_right_arithmetic3A_292 = arith.shrsi %convert_element_type3A_250, %shift_right_arithmetic3A_291 : vector<16xi32>
      %mul3A_293 = arith.constant 2048 : i32
      %mul3A_294 = vector.broadcast %mul3A_293 : i32 to vector<16xi32>
      %mul3A_295 = arith.muli %shift_right_arithmetic3A_292, %mul3A_294 : vector<16xi32>
      %add3A_296 = arith.addi %mul3A_289, %mul3A_295 : vector<16xi32>
      %shift_right_arithmetic3A_297 = arith.constant 7 : i32
      %shift_right_arithmetic3A_298 = vector.broadcast %shift_right_arithmetic3A_297 : i32 to vector<16xi32>
      %shift_right_arithmetic3A_299 = arith.shrsi %convert_element_type3A_263, %shift_right_arithmetic3A_298 : vector<16xi32>
      %mul3A_300 = arith.constant 1024 : i32
      %mul3A_301 = vector.broadcast %mul3A_300 : i32 to vector<16xi32>
      %mul3A_302 = arith.muli %shift_right_arithmetic3A_299, %mul3A_301 : vector<16xi32>
      %add3A_303 = arith.addi %add3A_296, %mul3A_302 : vector<16xi32>
      %and3A_304 = arith.constant 7 : i32
      %and3A_305 = vector.broadcast %and3A_304 : i32 to vector<16xi32>
      %and3A_306 = arith.andi %convert_element_type3A_250, %and3A_305 : vector<16xi32>
      %mul3A_307 = arith.constant 128 : i32
      %mul3A_308 = vector.broadcast %mul3A_307 : i32 to vector<16xi32>
      %mul3A_309 = arith.muli %and3A_306, %mul3A_308 : vector<16xi32>
      %add3A_310 = arith.addi %add3A_303, %mul3A_309 : vector<16xi32>
      %and3A_311 = arith.constant 127 : i32
      %and3A_312 = vector.broadcast %and3A_311 : i32 to vector<16xi32>
      %and3A_313 = arith.andi %convert_element_type3A_263, %and3A_312 : vector<16xi32>
      %add3A_314 = arith.addi %add3A_310, %and3A_313 : vector<16xi32>
      %jit3A_315 = arith.constant 0 : i32
      %broadcast_in_dim3A_316 = vector.broadcast %jit3A_315 : i32 to vector<16xi32>
      %select_n3A_317 = arith.select %or3A_286, %broadcast_in_dim3A_316, %add3A_314 : vector<16xi1>, vector<16xi32>
      %swap3A_318 = arith.index_cast %add3A_215 : i32 to index
      %swap3A_319 = tpu.vector_load %arg15[%swap3A_318] {strides = array<i32>} : memref<8192xi32, #tpu.memory_space<vmem>>, vector<16xi32>,
      %swap3A_320 = vector.shape_cast %swap3A_319 : vector<16xi32> to vector<16xi32>
      %swap3A_321 = vector.shape_cast %select_n3A_317 : vector<16xi32> to vector<16xi32>
      tpu.vector_store %arg15[%swap3A_318], %swap3A_321 {strides = array<i32>} : memref<8192xi32, #tpu.memory_space<vmem>>, vector<16xi32>,
      %jit3A_322 = arith.constant 0.000000e+00 : f32
      %jit3A_323 = arith.constant 1.000000e+00 : f32
      %broadcast_in_dim3A_324 = vector.broadcast %jit3A_322 : f32 to vector<16xf32>
      %broadcast_in_dim3A_325 = vector.broadcast %jit3A_323 : f32 to vector<16xf32>
      %select_n3A_326 = arith.select %or3A_286, %broadcast_in_dim3A_324, %broadcast_in_dim3A_325 : vector<16xi1>, vector<16xf32>
      %swap3A_327 = arith.index_cast %add3A_215 : i32 to index
      %swap3A_328 = tpu.vector_load %arg16[%swap3A_327] {strides = array<i32>} : memref<8192xf32, #tpu.memory_space<vmem>>, vector<16xf32>,
      %swap3A_329 = vector.shape_cast %swap3A_328 : vector<16xf32> to vector<16xf32>
      %swap3A_330 = vector.shape_cast %select_n3A_326 : vector<16xf32> to vector<16xf32>
      tpu.vector_store %arg16[%swap3A_327], %swap3A_330 {strides = array<i32>} : memref<8192xf32, #tpu.memory_space<vmem>>, vector<16xf32>,
      %mul3A_331 = arith.constant 128 : i32
      %mul3A_332 = arith.muli %scan3A_102, %mul3A_331 : i32
      %add3A_333 = arith.constant 32 : i32
      %add3A_334 = arith.addi %mul3A_332, %add3A_333 : i32
      %get3A_335 = arith.index_cast %add3A_334 : i32 to index
      %get3A_336 = tpu.vector_load %arg8[%get3A_335] {strides = array<i32>} : memref<8192xf32, #tpu.memory_space<vmem>>, vector<16xf32>,
      %get3A_337 = vector.shape_cast %get3A_336 : vector<16xf32> to vector<16xf32>
      %get3A_338 = arith.index_cast %add3A_334 : i32 to index
      %get3A_339 = tpu.vector_load %arg9[%get3A_338] {strides = array<i32>} : memref<8192xf32, #tpu.memory_space<vmem>>, vector<16xf32>,
      %get3A_340 = vector.shape_cast %get3A_339 : vector<16xf32> to vector<16xf32>
      %get3A_341 = arith.index_cast %add3A_334 : i32 to index
      %get3A_342 = tpu.vector_load %arg10[%get3A_341] {strides = array<i32>} : memref<8192xf32, #tpu.memory_space<vmem>>, vector<16xf32>,
      %get3A_343 = vector.shape_cast %get3A_342 : vector<16xf32> to vector<16xf32>
      %get3A_344 = arith.constant 0 : i32
      %get3A_345 = arith.index_cast %get3A_344 : i32 to index
      %get3A_346 = arith.constant 0 : index
      %get3A_347 = tpu.vector_load %arg11[%get3A_345, %get3A_346] {strides = array<i32>} : memref<6x16xf32, #tpu.memory_space<vmem>>, vector<1x16xf32>,
      %get3A_348 = vector.shape_cast %get3A_347 : vector<1x16xf32> to vector<16xf32>
      %add3A_349 = arith.addf %get3A_337, %get3A_348 : vector<16xf32>
      %get3A_350 = arith.constant 3 : i32
      %get3A_351 = arith.index_cast %get3A_350 : i32 to index
      %get3A_352 = arith.constant 0 : index
      %get3A_353 = tpu.vector_load %arg11[%get3A_351, %get3A_352] {strides = array<i32>} : memref<6x16xf32, #tpu.memory_space<vmem>>, vector<1x16xf32>,
      %get3A_354 = vector.shape_cast %get3A_353 : vector<1x16xf32> to vector<16xf32>
      %mul3A_355 = arith.mulf %add3A_349, %get3A_354 : vector<16xf32>
      %convert_element_type3A_356 = arith.fptosi %mul3A_355 : vector<16xf32> to vector<16xi32>
      %get3A_357 = arith.constant 1 : i32
      %get3A_358 = arith.index_cast %get3A_357 : i32 to index
      %get3A_359 = arith.constant 0 : index
      %get3A_360 = tpu.vector_load %arg11[%get3A_358, %get3A_359] {strides = array<i32>} : memref<6x16xf32, #tpu.memory_space<vmem>>, vector<1x16xf32>,
      %get3A_361 = vector.shape_cast %get3A_360 : vector<1x16xf32> to vector<16xf32>
      %add3A_362 = arith.addf %get3A_340, %get3A_361 : vector<16xf32>
      %get3A_363 = arith.constant 4 : i32
      %get3A_364 = arith.index_cast %get3A_363 : i32 to index
      %get3A_365 = arith.constant 0 : index
      %get3A_366 = tpu.vector_load %arg11[%get3A_364, %get3A_365] {strides = array<i32>} : memref<6x16xf32, #tpu.memory_space<vmem>>, vector<1x16xf32>,
      %get3A_367 = vector.shape_cast %get3A_366 : vector<1x16xf32> to vector<16xf32>
      %mul3A_368 = arith.mulf %add3A_362, %get3A_367 : vector<16xf32>
      %convert_element_type3A_369 = arith.fptosi %mul3A_368 : vector<16xf32> to vector<16xi32>
      %get3A_370 = arith.constant 2 : i32
      %get3A_371 = arith.index_cast %get3A_370 : i32 to index
      %get3A_372 = arith.constant 0 : index
      %get3A_373 = tpu.vector_load %arg11[%get3A_371, %get3A_372] {strides = array<i32>} : memref<6x16xf32, #tpu.memory_space<vmem>>, vector<1x16xf32>,
      %get3A_374 = vector.shape_cast %get3A_373 : vector<1x16xf32> to vector<16xf32>
      %add3A_375 = arith.addf %get3A_343, %get3A_374 : vector<16xf32>
      %get3A_376 = arith.constant 5 : i32
      %get3A_377 = arith.index_cast %get3A_376 : i32 to index
      %get3A_378 = arith.constant 0 : index
      %get3A_379 = tpu.vector_load %arg11[%get3A_377, %get3A_378] {strides = array<i32>} : memref<6x16xf32, #tpu.memory_space<vmem>>, vector<1x16xf32>,
      %get3A_380 = vector.shape_cast %get3A_379 : vector<1x16xf32> to vector<16xf32>
      %mul3A_381 = arith.mulf %add3A_375, %get3A_380 : vector<16xf32>
      %convert_element_type3A_382 = arith.fptosi %mul3A_381 : vector<16xf32> to vector<16xi32>
      %lt3A_383 = arith.constant 0 : i32
      %lt3A_384 = vector.broadcast %lt3A_383 : i32 to vector<16xi32>
      %lt3A_385 = arith.cmpi slt, %convert_element_type3A_356, %lt3A_384 : vector<16xi32>
      %lt3A_386 = arith.constant 0 : i32
      %lt3A_387 = vector.broadcast %lt3A_386 : i32 to vector<16xi32>
      %lt3A_388 = arith.cmpi slt, %convert_element_type3A_369, %lt3A_387 : vector<16xi32>
      %or3A_389 = arith.ori %lt3A_385, %lt3A_388 : vector<16xi1>
      %lt3A_390 = arith.constant 0 : i32
      %lt3A_391 = vector.broadcast %lt3A_390 : i32 to vector<16xi32>
      %lt3A_392 = arith.cmpi slt, %convert_element_type3A_382, %lt3A_391 : vector<16xi32>
      %or3A_393 = arith.ori %or3A_389, %lt3A_392 : vector<16xi1>
      %gt3A_394 = arith.constant 511 : i32
      %gt3A_395 = vector.broadcast %gt3A_394 : i32 to vector<16xi32>
      %gt3A_396 = arith.cmpi sgt, %convert_element_type3A_356, %gt3A_395 : vector<16xi32>
      %or3A_397 = arith.ori %or3A_393, %gt3A_396 : vector<16xi1>
      %gt3A_398 = arith.constant 511 : i32
      %gt3A_399 = vector.broadcast %gt3A_398 : i32 to vector<16xi32>
      %gt3A_400 = arith.cmpi sgt, %convert_element_type3A_369, %gt3A_399 : vector<16xi32>
      %or3A_401 = arith.ori %or3A_397, %gt3A_400 : vector<16xi1>
      %gt3A_402 = arith.constant 255 : i32
      %gt3A_403 = vector.broadcast %gt3A_402 : i32 to vector<16xi32>
      %gt3A_404 = arith.cmpi sgt, %convert_element_type3A_382, %gt3A_403 : vector<16xi32>
      %or3A_405 = arith.ori %or3A_401, %gt3A_404 : vector<16xi1>
      %mul3A_406 = arith.constant 131072 : i32
      %mul3A_407 = vector.broadcast %mul3A_406 : i32 to vector<16xi32>
      %mul3A_408 = arith.muli %convert_element_type3A_356, %mul3A_407 : vector<16xi32>
      %shift_right_arithmetic3A_409 = arith.constant 3 : i32
      %shift_right_arithmetic3A_410 = vector.broadcast %shift_right_arithmetic3A_409 : i32 to vector<16xi32>
      %shift_right_arithmetic3A_411 = arith.shrsi %convert_element_type3A_369, %shift_right_arithmetic3A_410 : vector<16xi32>
      %mul3A_412 = arith.constant 2048 : i32
      %mul3A_413 = vector.broadcast %mul3A_412 : i32 to vector<16xi32>
      %mul3A_414 = arith.muli %shift_right_arithmetic3A_411, %mul3A_413 : vector<16xi32>
      %add3A_415 = arith.addi %mul3A_408, %mul3A_414 : vector<16xi32>
      %shift_right_arithmetic3A_416 = arith.constant 7 : i32
      %shift_right_arithmetic3A_417 = vector.broadcast %shift_right_arithmetic3A_416 : i32 to vector<16xi32>
      %shift_right_arithmetic3A_418 = arith.shrsi %convert_element_type3A_382, %shift_right_arithmetic3A_417 : vector<16xi32>
      %mul3A_419 = arith.constant 1024 : i32
      %mul3A_420 = vector.broadcast %mul3A_419 : i32 to vector<16xi32>
      %mul3A_421 = arith.muli %shift_right_arithmetic3A_418, %mul3A_420 : vector<16xi32>
      %add3A_422 = arith.addi %add3A_415, %mul3A_421 : vector<16xi32>
      %and3A_423 = arith.constant 7 : i32
      %and3A_424 = vector.broadcast %and3A_423 : i32 to vector<16xi32>
      %and3A_425 = arith.andi %convert_element_type3A_369, %and3A_424 : vector<16xi32>
      %mul3A_426 = arith.constant 128 : i32
      %mul3A_427 = vector.broadcast %mul3A_426 : i32 to vector<16xi32>
      %mul3A_428 = arith.muli %and3A_425, %mul3A_427 : vector<16xi32>
      %add3A_429 = arith.addi %add3A_422, %mul3A_428 : vector<16xi32>
      %and3A_430 = arith.constant 127 : i32
      %and3A_431 = vector.broadcast %and3A_430 : i32 to vector<16xi32>
      %and3A_432 = arith.andi %convert_element_type3A_382, %and3A_431 : vector<16xi32>
      %add3A_433 = arith.addi %add3A_429, %and3A_432 : vector<16xi32>
      %jit3A_434 = arith.constant 0 : i32
      %broadcast_in_dim3A_435 = vector.broadcast %jit3A_434 : i32 to vector<16xi32>
      %select_n3A_436 = arith.select %or3A_405, %broadcast_in_dim3A_435, %add3A_433 : vector<16xi1>, vector<16xi32>
      %swap3A_437 = arith.index_cast %add3A_334 : i32 to index
      %swap3A_438 = tpu.vector_load %arg15[%swap3A_437] {strides = array<i32>} : memref<8192xi32, #tpu.memory_space<vmem>>, vector<16xi32>,
      %swap3A_439 = vector.shape_cast %swap3A_438 : vector<16xi32> to vector<16xi32>
      %swap3A_440 = vector.shape_cast %select_n3A_436 : vector<16xi32> to vector<16xi32>
      tpu.vector_store %arg15[%swap3A_437], %swap3A_440 {strides = array<i32>} : memref<8192xi32, #tpu.memory_space<vmem>>, vector<16xi32>,
      %jit3A_441 = arith.constant 0.000000e+00 : f32
      %jit3A_442 = arith.constant 1.000000e+00 : f32
      %broadcast_in_dim3A_443 = vector.broadcast %jit3A_441 : f32 to vector<16xf32>
      %broadcast_in_dim3A_444 = vector.broadcast %jit3A_442 : f32 to vector<16xf32>
      %select_n3A_445 = arith.select %or3A_405, %broadcast_in_dim3A_443, %broadcast_in_dim3A_444 : vector<16xi1>, vector<16xf32>
      %swap3A_446 = arith.index_cast %add3A_334 : i32 to index
      %swap3A_447 = tpu.vector_load %arg16[%swap3A_446] {strides = array<i32>} : memref<8192xf32, #tpu.memory_space<vmem>>, vector<16xf32>,
      %swap3A_448 = vector.shape_cast %swap3A_447 : vector<16xf32> to vector<16xf32>
      %swap3A_449 = vector.shape_cast %select_n3A_445 : vector<16xf32> to vector<16xf32>
      tpu.vector_store %arg16[%swap3A_446], %swap3A_449 {strides = array<i32>} : memref<8192xf32, #tpu.memory_space<vmem>>, vector<16xf32>,
      %mul3A_450 = arith.constant 128 : i32
      %mul3A_451 = arith.muli %scan3A_102, %mul3A_450 : i32
      %add3A_452 = arith.constant 48 : i32
      %add3A_453 = arith.addi %mul3A_451, %add3A_452 : i32
      %get3A_454 = arith.index_cast %add3A_453 : i32 to index
      %get3A_455 = tpu.vector_load %arg8[%get3A_454] {strides = array<i32>} : memref<8192xf32, #tpu.memory_space<vmem>>, vector<16xf32>,
      %get3A_456 = vector.shape_cast %get3A_455 : vector<16xf32> to vector<16xf32>
      %get3A_457 = arith.index_cast %add3A_453 : i32 to index
      %get3A_458 = tpu.vector_load %arg9[%get3A_457] {strides = array<i32>} : memref<8192xf32, #tpu.memory_space<vmem>>, vector<16xf32>,
      %get3A_459 = vector.shape_cast %get3A_458 : vector<16xf32> to vector<16xf32>
      %get3A_460 = arith.index_cast %add3A_453 : i32 to index
      %get3A_461 = tpu.vector_load %arg10[%get3A_460] {strides = array<i32>} : memref<8192xf32, #tpu.memory_space<vmem>>, vector<16xf32>,
      %get3A_462 = vector.shape_cast %get3A_461 : vector<16xf32> to vector<16xf32>
      %get3A_463 = arith.constant 0 : i32
      %get3A_464 = arith.index_cast %get3A_463 : i32 to index
      %get3A_465 = arith.constant 0 : index
      %get3A_466 = tpu.vector_load %arg11[%get3A_464, %get3A_465] {strides = array<i32>} : memref<6x16xf32, #tpu.memory_space<vmem>>, vector<1x16xf32>,
      %get3A_467 = vector.shape_cast %get3A_466 : vector<1x16xf32> to vector<16xf32>
      %add3A_468 = arith.addf %get3A_456, %get3A_467 : vector<16xf32>
      %get3A_469 = arith.constant 3 : i32
      %get3A_470 = arith.index_cast %get3A_469 : i32 to index
      %get3A_471 = arith.constant 0 : index
      %get3A_472 = tpu.vector_load %arg11[%get3A_470, %get3A_471] {strides = array<i32>} : memref<6x16xf32, #tpu.memory_space<vmem>>, vector<1x16xf32>,
      %get3A_473 = vector.shape_cast %get3A_472 : vector<1x16xf32> to vector<16xf32>
      %mul3A_474 = arith.mulf %add3A_468, %get3A_473 : vector<16xf32>
      %convert_element_type3A_475 = arith.fptosi %mul3A_474 : vector<16xf32> to vector<16xi32>
      %get3A_476 = arith.constant 1 : i32
      %get3A_477 = arith.index_cast %get3A_476 : i32 to index
      %get3A_478 = arith.constant 0 : index
      %get3A_479 = tpu.vector_load %arg11[%get3A_477, %get3A_478] {strides = array<i32>} : memref<6x16xf32, #tpu.memory_space<vmem>>, vector<1x16xf32>,
      %get3A_480 = vector.shape_cast %get3A_479 : vector<1x16xf32> to vector<16xf32>
      %add3A_481 = arith.addf %get3A_459, %get3A_480 : vector<16xf32>
      %get3A_482 = arith.constant 4 : i32
      %get3A_483 = arith.index_cast %get3A_482 : i32 to index
      %get3A_484 = arith.constant 0 : index
      %get3A_485 = tpu.vector_load %arg11[%get3A_483, %get3A_484] {strides = array<i32>} : memref<6x16xf32, #tpu.memory_space<vmem>>, vector<1x16xf32>,
      %get3A_486 = vector.shape_cast %get3A_485 : vector<1x16xf32> to vector<16xf32>
      %mul3A_487 = arith.mulf %add3A_481, %get3A_486 : vector<16xf32>
      %convert_element_type3A_488 = arith.fptosi %mul3A_487 : vector<16xf32> to vector<16xi32>
      %get3A_489 = arith.constant 2 : i32
      %get3A_490 = arith.index_cast %get3A_489 : i32 to index
      %get3A_491 = arith.constant 0 : index
      %get3A_492 = tpu.vector_load %arg11[%get3A_490, %get3A_491] {strides = array<i32>} : memref<6x16xf32, #tpu.memory_space<vmem>>, vector<1x16xf32>,
      %get3A_493 = vector.shape_cast %get3A_492 : vector<1x16xf32> to vector<16xf32>
      %add3A_494 = arith.addf %get3A_462, %get3A_493 : vector<16xf32>
      %get3A_495 = arith.constant 5 : i32
      %get3A_496 = arith.index_cast %get3A_495 : i32 to index
      %get3A_497 = arith.constant 0 : index
      %get3A_498 = tpu.vector_load %arg11[%get3A_496, %get3A_497] {strides = array<i32>} : memref<6x16xf32, #tpu.memory_space<vmem>>, vector<1x16xf32>,
      %get3A_499 = vector.shape_cast %get3A_498 : vector<1x16xf32> to vector<16xf32>
      %mul3A_500 = arith.mulf %add3A_494, %get3A_499 : vector<16xf32>
      %convert_element_type3A_501 = arith.fptosi %mul3A_500 : vector<16xf32> to vector<16xi32>
      %lt3A_502 = arith.constant 0 : i32
      %lt3A_503 = vector.broadcast %lt3A_502 : i32 to vector<16xi32>
      %lt3A_504 = arith.cmpi slt, %convert_element_type3A_475, %lt3A_503 : vector<16xi32>
      %lt3A_505 = arith.constant 0 : i32
      %lt3A_506 = vector.broadcast %lt3A_505 : i32 to vector<16xi32>
      %lt3A_507 = arith.cmpi slt, %convert_element_type3A_488, %lt3A_506 : vector<16xi32>
      %or3A_508 = arith.ori %lt3A_504, %lt3A_507 : vector<16xi1>
      %lt3A_509 = arith.constant 0 : i32
      %lt3A_510 = vector.broadcast %lt3A_509 : i32 to vector<16xi32>
      %lt3A_511 = arith.cmpi slt, %convert_element_type3A_501, %lt3A_510 : vector<16xi32>
      %or3A_512 = arith.ori %or3A_508, %lt3A_511 : vector<16xi1>
      %gt3A_513 = arith.constant 511 : i32
      %gt3A_514 = vector.broadcast %gt3A_513 : i32 to vector<16xi32>
      %gt3A_515 = arith.cmpi sgt, %convert_element_type3A_475, %gt3A_514 : vector<16xi32>
      %or3A_516 = arith.ori %or3A_512, %gt3A_515 : vector<16xi1>
      %gt3A_517 = arith.constant 511 : i32
      %gt3A_518 = vector.broadcast %gt3A_517 : i32 to vector<16xi32>
      %gt3A_519 = arith.cmpi sgt, %convert_element_type3A_488, %gt3A_518 : vector<16xi32>
      %or3A_520 = arith.ori %or3A_516, %gt3A_519 : vector<16xi1>
      %gt3A_521 = arith.constant 255 : i32
      %gt3A_522 = vector.broadcast %gt3A_521 : i32 to vector<16xi32>
      %gt3A_523 = arith.cmpi sgt, %convert_element_type3A_501, %gt3A_522 : vector<16xi32>
      %or3A_524 = arith.ori %or3A_520, %gt3A_523 : vector<16xi1>
      %mul3A_525 = arith.constant 131072 : i32
      %mul3A_526 = vector.broadcast %mul3A_525 : i32 to vector<16xi32>
      %mul3A_527 = arith.muli %convert_element_type3A_475, %mul3A_526 : vector<16xi32>
      %shift_right_arithmetic3A_528 = arith.constant 3 : i32
      %shift_right_arithmetic3A_529 = vector.broadcast %shift_right_arithmetic3A_528 : i32 to vector<16xi32>
      %shift_right_arithmetic3A_530 = arith.shrsi %convert_element_type3A_488, %shift_right_arithmetic3A_529 : vector<16xi32>
      %mul3A_531 = arith.constant 2048 : i32
      %mul3A_532 = vector.broadcast %mul3A_531 : i32 to vector<16xi32>
      %mul3A_533 = arith.muli %shift_right_arithmetic3A_530, %mul3A_532 : vector<16xi32>
      %add3A_534 = arith.addi %mul3A_527, %mul3A_533 : vector<16xi32>
      %shift_right_arithmetic3A_535 = arith.constant 7 : i32
      %shift_right_arithmetic3A_536 = vector.broadcast %shift_right_arithmetic3A_535 : i32 to vector<16xi32>
      %shift_right_arithmetic3A_537 = arith.shrsi %convert_element_type3A_501, %shift_right_arithmetic3A_536 : vector<16xi32>
      %mul3A_538 = arith.constant 1024 : i32
      %mul3A_539 = vector.broadcast %mul3A_538 : i32 to vector<16xi32>
      %mul3A_540 = arith.muli %shift_right_arithmetic3A_537, %mul3A_539 : vector<16xi32>
      %add3A_541 = arith.addi %add3A_534, %mul3A_540 : vector<16xi32>
      %and3A_542 = arith.constant 7 : i32
      %and3A_543 = vector.broadcast %and3A_542 : i32 to vector<16xi32>
      %and3A_544 = arith.andi %convert_element_type3A_488, %and3A_543 : vector<16xi32>
      %mul3A_545 = arith.constant 128 : i32
      %mul3A_546 = vector.broadcast %mul3A_545 : i32 to vector<16xi32>
      %mul3A_547 = arith.muli %and3A_544, %mul3A_546 : vector<16xi32>
      %add3A_548 = arith.addi %add3A_541, %mul3A_547 : vector<16xi32>
      %and3A_549 = arith.constant 127 : i32
      %and3A_550 = vector.broadcast %and3A_549 : i32 to vector<16xi32>
      %and3A_551 = arith.andi %convert_element_type3A_501, %and3A_550 : vector<16xi32>
      %add3A_552 = arith.addi %add3A_548, %and3A_551 : vector<16xi32>
      %jit3A_553 = arith.constant 0 : i32
      %broadcast_in_dim3A_554 = vector.broadcast %jit3A_553 : i32 to vector<16xi32>
      %select_n3A_555 = arith.select %or3A_524, %broadcast_in_dim3A_554, %add3A_552 : vector<16xi1>, vector<16xi32>
      %swap3A_556 = arith.index_cast %add3A_453 : i32 to index
      %swap3A_557 = tpu.vector_load %arg15[%swap3A_556] {strides = array<i32>} : memref<8192xi32, #tpu.memory_space<vmem>>, vector<16xi32>,
      %swap3A_558 = vector.shape_cast %swap3A_557 : vector<16xi32> to vector<16xi32>
      %swap3A_559 = vector.shape_cast %select_n3A_555 : vector<16xi32> to vector<16xi32>
      tpu.vector_store %arg15[%swap3A_556], %swap3A_559 {strides = array<i32>} : memref<8192xi32, #tpu.memory_space<vmem>>, vector<16xi32>,
      %jit3A_560 = arith.constant 0.000000e+00 : f32
      %jit3A_561 = arith.constant 1.000000e+00 : f32
      %broadcast_in_dim3A_562 = vector.broadcast %jit3A_560 : f32 to vector<16xf32>
      %broadcast_in_dim3A_563 = vector.broadcast %jit3A_561 : f32 to vector<16xf32>
      %select_n3A_564 = arith.select %or3A_524, %broadcast_in_dim3A_562, %broadcast_in_dim3A_563 : vector<16xi1>, vector<16xf32>
      %swap3A_565 = arith.index_cast %add3A_453 : i32 to index
      %swap3A_566 = tpu.vector_load %arg16[%swap3A_565] {strides = array<i32>} : memref<8192xf32, #tpu.memory_space<vmem>>, vector<16xf32>,
      %swap3A_567 = vector.shape_cast %swap3A_566 : vector<16xf32> to vector<16xf32>
      %swap3A_568 = vector.shape_cast %select_n3A_564 : vector<16xf32> to vector<16xf32>
      tpu.vector_store %arg16[%swap3A_565], %swap3A_568 {strides = array<i32>} : memref<8192xf32, #tpu.memory_space<vmem>>, vector<16xf32>,
      %mul3A_569 = arith.constant 128 : i32
      %mul3A_570 = arith.muli %scan3A_102, %mul3A_569 : i32
      %add3A_571 = arith.constant 64 : i32
      %add3A_572 = arith.addi %mul3A_570, %add3A_571 : i32
      %get3A_573 = arith.index_cast %add3A_572 : i32 to index
      %get3A_574 = tpu.vector_load %arg8[%get3A_573] {strides = array<i32>} : memref<8192xf32, #tpu.memory_space<vmem>>, vector<16xf32>,
      %get3A_575 = vector.shape_cast %get3A_574 : vector<16xf32> to vector<16xf32>
      %get3A_576 = arith.index_cast %add3A_572 : i32 to index
      %get3A_577 = tpu.vector_load %arg9[%get3A_576] {strides = array<i32>} : memref<8192xf32, #tpu.memory_space<vmem>>, vector<16xf32>,
      %get3A_578 = vector.shape_cast %get3A_577 : vector<16xf32> to vector<16xf32>
      %get3A_579 = arith.index_cast %add3A_572 : i32 to index
      %get3A_580 = tpu.vector_load %arg10[%get3A_579] {strides = array<i32>} : memref<8192xf32, #tpu.memory_space<vmem>>, vector<16xf32>,
      %get3A_581 = vector.shape_cast %get3A_580 : vector<16xf32> to vector<16xf32>
      %get3A_582 = arith.constant 0 : i32
      %get3A_583 = arith.index_cast %get3A_582 : i32 to index
      %get3A_584 = arith.constant 0 : index
      %get3A_585 = tpu.vector_load %arg11[%get3A_583, %get3A_584] {strides = array<i32>} : memref<6x16xf32, #tpu.memory_space<vmem>>, vector<1x16xf32>,
      %get3A_586 = vector.shape_cast %get3A_585 : vector<1x16xf32> to vector<16xf32>
      %add3A_587 = arith.addf %get3A_575, %get3A_586 : vector<16xf32>
      %get3A_588 = arith.constant 3 : i32
      %get3A_589 = arith.index_cast %get3A_588 : i32 to index
      %get3A_590 = arith.constant 0 : index
      %get3A_591 = tpu.vector_load %arg11[%get3A_589, %get3A_590] {strides = array<i32>} : memref<6x16xf32, #tpu.memory_space<vmem>>, vector<1x16xf32>,
      %get3A_592 = vector.shape_cast %get3A_591 : vector<1x16xf32> to vector<16xf32>
      %mul3A_593 = arith.mulf %add3A_587, %get3A_592 : vector<16xf32>
      %convert_element_type3A_594 = arith.fptosi %mul3A_593 : vector<16xf32> to vector<16xi32>
      %get3A_595 = arith.constant 1 : i32
      %get3A_596 = arith.index_cast %get3A_595 : i32 to index
      %get3A_597 = arith.constant 0 : index
      %get3A_598 = tpu.vector_load %arg11[%get3A_596, %get3A_597] {strides = array<i32>} : memref<6x16xf32, #tpu.memory_space<vmem>>, vector<1x16xf32>,
      %get3A_599 = vector.shape_cast %get3A_598 : vector<1x16xf32> to vector<16xf32>
      %add3A_600 = arith.addf %get3A_578, %get3A_599 : vector<16xf32>
      %get3A_601 = arith.constant 4 : i32
      %get3A_602 = arith.index_cast %get3A_601 : i32 to index
      %get3A_603 = arith.constant 0 : index
      %get3A_604 = tpu.vector_load %arg11[%get3A_602, %get3A_603] {strides = array<i32>} : memref<6x16xf32, #tpu.memory_space<vmem>>, vector<1x16xf32>,
      %get3A_605 = vector.shape_cast %get3A_604 : vector<1x16xf32> to vector<16xf32>
      %mul3A_606 = arith.mulf %add3A_600, %get3A_605 : vector<16xf32>
      %convert_element_type3A_607 = arith.fptosi %mul3A_606 : vector<16xf32> to vector<16xi32>
      %get3A_608 = arith.constant 2 : i32
      %get3A_609 = arith.index_cast %get3A_608 : i32 to index
      %get3A_610 = arith.constant 0 : index
      %get3A_611 = tpu.vector_load %arg11[%get3A_609, %get3A_610] {strides = array<i32>} : memref<6x16xf32, #tpu.memory_space<vmem>>, vector<1x16xf32>,
      %get3A_612 = vector.shape_cast %get3A_611 : vector<1x16xf32> to vector<16xf32>
      %add3A_613 = arith.addf %get3A_581, %get3A_612 : vector<16xf32>
      %get3A_614 = arith.constant 5 : i32
      %get3A_615 = arith.index_cast %get3A_614 : i32 to index
      %get3A_616 = arith.constant 0 : index
      %get3A_617 = tpu.vector_load %arg11[%get3A_615, %get3A_616] {strides = array<i32>} : memref<6x16xf32, #tpu.memory_space<vmem>>, vector<1x16xf32>,
      %get3A_618 = vector.shape_cast %get3A_617 : vector<1x16xf32> to vector<16xf32>
      %mul3A_619 = arith.mulf %add3A_613, %get3A_618 : vector<16xf32>
      %convert_element_type3A_620 = arith.fptosi %mul3A_619 : vector<16xf32> to vector<16xi32>
      %lt3A_621 = arith.constant 0 : i32
      %lt3A_622 = vector.broadcast %lt3A_621 : i32 to vector<16xi32>
      %lt3A_623 = arith.cmpi slt, %convert_element_type3A_594, %lt3A_622 : vector<16xi32>
      %lt3A_624 = arith.constant 0 : i32
      %lt3A_625 = vector.broadcast %lt3A_624 : i32 to vector<16xi32>
      %lt3A_626 = arith.cmpi slt, %convert_element_type3A_607, %lt3A_625 : vector<16xi32>
      %or3A_627 = arith.ori %lt3A_623, %lt3A_626 : vector<16xi1>
      %lt3A_628 = arith.constant 0 : i32
      %lt3A_629 = vector.broadcast %lt3A_628 : i32 to vector<16xi32>
      %lt3A_630 = arith.cmpi slt, %convert_element_type3A_620, %lt3A_629 : vector<16xi32>
      %or3A_631 = arith.ori %or3A_627, %lt3A_630 : vector<16xi1>
      %gt3A_632 = arith.constant 511 : i32
      %gt3A_633 = vector.broadcast %gt3A_632 : i32 to vector<16xi32>
      %gt3A_634 = arith.cmpi sgt, %convert_element_type3A_594, %gt3A_633 : vector<16xi32>
      %or3A_635 = arith.ori %or3A_631, %gt3A_634 : vector<16xi1>
      %gt3A_636 = arith.constant 511 : i32
      %gt3A_637 = vector.broadcast %gt3A_636 : i32 to vector<16xi32>
      %gt3A_638 = arith.cmpi sgt, %convert_element_type3A_607, %gt3A_637 : vector<16xi32>
      %or3A_639 = arith.ori %or3A_635, %gt3A_638 : vector<16xi1>
      %gt3A_640 = arith.constant 255 : i32
      %gt3A_641 = vector.broadcast %gt3A_640 : i32 to vector<16xi32>
      %gt3A_642 = arith.cmpi sgt, %convert_element_type3A_620, %gt3A_641 : vector<16xi32>
      %or3A_643 = arith.ori %or3A_639, %gt3A_642 : vector<16xi1>
      %mul3A_644 = arith.constant 131072 : i32
      %mul3A_645 = vector.broadcast %mul3A_644 : i32 to vector<16xi32>
      %mul3A_646 = arith.muli %convert_element_type3A_594, %mul3A_645 : vector<16xi32>
      %shift_right_arithmetic3A_647 = arith.constant 3 : i32
      %shift_right_arithmetic3A_648 = vector.broadcast %shift_right_arithmetic3A_647 : i32 to vector<16xi32>
      %shift_right_arithmetic3A_649 = arith.shrsi %convert_element_type3A_607, %shift_right_arithmetic3A_648 : vector<16xi32>
      %mul3A_650 = arith.constant 2048 : i32
      %mul3A_651 = vector.broadcast %mul3A_650 : i32 to vector<16xi32>
      %mul3A_652 = arith.muli %shift_right_arithmetic3A_649, %mul3A_651 : vector<16xi32>
      %add3A_653 = arith.addi %mul3A_646, %mul3A_652 : vector<16xi32>
      %shift_right_arithmetic3A_654 = arith.constant 7 : i32
      %shift_right_arithmetic3A_655 = vector.broadcast %shift_right_arithmetic3A_654 : i32 to vector<16xi32>
      %shift_right_arithmetic3A_656 = arith.shrsi %convert_element_type3A_620, %shift_right_arithmetic3A_655 : vector<16xi32>
      %mul3A_657 = arith.constant 1024 : i32
      %mul3A_658 = vector.broadcast %mul3A_657 : i32 to vector<16xi32>
      %mul3A_659 = arith.muli %shift_right_arithmetic3A_656, %mul3A_658 : vector<16xi32>
      %add3A_660 = arith.addi %add3A_653, %mul3A_659 : vector<16xi32>
      %and3A_661 = arith.constant 7 : i32
      %and3A_662 = vector.broadcast %and3A_661 : i32 to vector<16xi32>
      %and3A_663 = arith.andi %convert_element_type3A_607, %and3A_662 : vector<16xi32>
      %mul3A_664 = arith.constant 128 : i32
      %mul3A_665 = vector.broadcast %mul3A_664 : i32 to vector<16xi32>
      %mul3A_666 = arith.muli %and3A_663, %mul3A_665 : vector<16xi32>
      %add3A_667 = arith.addi %add3A_660, %mul3A_666 : vector<16xi32>
      %and3A_668 = arith.constant 127 : i32
      %and3A_669 = vector.broadcast %and3A_668 : i32 to vector<16xi32>
      %and3A_670 = arith.andi %convert_element_type3A_620, %and3A_669 : vector<16xi32>
      %add3A_671 = arith.addi %add3A_667, %and3A_670 : vector<16xi32>
      %jit3A_672 = arith.constant 0 : i32
      %broadcast_in_dim3A_673 = vector.broadcast %jit3A_672 : i32 to vector<16xi32>
      %select_n3A_674 = arith.select %or3A_643, %broadcast_in_dim3A_673, %add3A_671 : vector<16xi1>, vector<16xi32>
      %swap3A_675 = arith.index_cast %add3A_572 : i32 to index
      %swap3A_676 = tpu.vector_load %arg15[%swap3A_675] {strides = array<i32>} : memref<8192xi32, #tpu.memory_space<vmem>>, vector<16xi32>,
      %swap3A_677 = vector.shape_cast %swap3A_676 : vector<16xi32> to vector<16xi32>
      %swap3A_678 = vector.shape_cast %select_n3A_674 : vector<16xi32> to vector<16xi32>
      tpu.vector_store %arg15[%swap3A_675], %swap3A_678 {strides = array<i32>} : memref<8192xi32, #tpu.memory_space<vmem>>, vector<16xi32>,
      %jit3A_679 = arith.constant 0.000000e+00 : f32
      %jit3A_680 = arith.constant 1.000000e+00 : f32
      %broadcast_in_dim3A_681 = vector.broadcast %jit3A_679 : f32 to vector<16xf32>
      %broadcast_in_dim3A_682 = vector.broadcast %jit3A_680 : f32 to vector<16xf32>
      %select_n3A_683 = arith.select %or3A_643, %broadcast_in_dim3A_681, %broadcast_in_dim3A_682 : vector<16xi1>, vector<16xf32>
      %swap3A_684 = arith.index_cast %add3A_572 : i32 to index
      %swap3A_685 = tpu.vector_load %arg16[%swap3A_684] {strides = array<i32>} : memref<8192xf32, #tpu.memory_space<vmem>>, vector<16xf32>,
      %swap3A_686 = vector.shape_cast %swap3A_685 : vector<16xf32> to vector<16xf32>
      %swap3A_687 = vector.shape_cast %select_n3A_683 : vector<16xf32> to vector<16xf32>
      tpu.vector_store %arg16[%swap3A_684], %swap3A_687 {strides = array<i32>} : memref<8192xf32, #tpu.memory_space<vmem>>, vector<16xf32>,
      %mul3A_688 = arith.constant 128 : i32
      %mul3A_689 = arith.muli %scan3A_102, %mul3A_688 : i32
      %add3A_690 = arith.constant 80 : i32
      %add3A_691 = arith.addi %mul3A_689, %add3A_690 : i32
      %get3A_692 = arith.index_cast %add3A_691 : i32 to index
      %get3A_693 = tpu.vector_load %arg8[%get3A_692] {strides = array<i32>} : memref<8192xf32, #tpu.memory_space<vmem>>, vector<16xf32>,
      %get3A_694 = vector.shape_cast %get3A_693 : vector<16xf32> to vector<16xf32>
      %get3A_695 = arith.index_cast %add3A_691 : i32 to index
      %get3A_696 = tpu.vector_load %arg9[%get3A_695] {strides = array<i32>} : memref<8192xf32, #tpu.memory_space<vmem>>, vector<16xf32>,
      %get3A_697 = vector.shape_cast %get3A_696 : vector<16xf32> to vector<16xf32>
      %get3A_698 = arith.index_cast %add3A_691 : i32 to index
      %get3A_699 = tpu.vector_load %arg10[%get3A_698] {strides = array<i32>} : memref<8192xf32, #tpu.memory_space<vmem>>, vector<16xf32>,
      %get3A_700 = vector.shape_cast %get3A_699 : vector<16xf32> to vector<16xf32>
      %get3A_701 = arith.constant 0 : i32
      %get3A_702 = arith.index_cast %get3A_701 : i32 to index
      %get3A_703 = arith.constant 0 : index
      %get3A_704 = tpu.vector_load %arg11[%get3A_702, %get3A_703] {strides = array<i32>} : memref<6x16xf32, #tpu.memory_space<vmem>>, vector<1x16xf32>,
      %get3A_705 = vector.shape_cast %get3A_704 : vector<1x16xf32> to vector<16xf32>
      %add3A_706 = arith.addf %get3A_694, %get3A_705 : vector<16xf32>
      %get3A_707 = arith.constant 3 : i32
      %get3A_708 = arith.index_cast %get3A_707 : i32 to index
      %get3A_709 = arith.constant 0 : index
      %get3A_710 = tpu.vector_load %arg11[%get3A_708, %get3A_709] {strides = array<i32>} : memref<6x16xf32, #tpu.memory_space<vmem>>, vector<1x16xf32>,
      %get3A_711 = vector.shape_cast %get3A_710 : vector<1x16xf32> to vector<16xf32>
      %mul3A_712 = arith.mulf %add3A_706, %get3A_711 : vector<16xf32>
      %convert_element_type3A_713 = arith.fptosi %mul3A_712 : vector<16xf32> to vector<16xi32>
      %get3A_714 = arith.constant 1 : i32
      %get3A_715 = arith.index_cast %get3A_714 : i32 to index
      %get3A_716 = arith.constant 0 : index
      %get3A_717 = tpu.vector_load %arg11[%get3A_715, %get3A_716] {strides = array<i32>} : memref<6x16xf32, #tpu.memory_space<vmem>>, vector<1x16xf32>,
      %get3A_718 = vector.shape_cast %get3A_717 : vector<1x16xf32> to vector<16xf32>
      %add3A_719 = arith.addf %get3A_697, %get3A_718 : vector<16xf32>
      %get3A_720 = arith.constant 4 : i32
      %get3A_721 = arith.index_cast %get3A_720 : i32 to index
      %get3A_722 = arith.constant 0 : index
      %get3A_723 = tpu.vector_load %arg11[%get3A_721, %get3A_722] {strides = array<i32>} : memref<6x16xf32, #tpu.memory_space<vmem>>, vector<1x16xf32>,
      %get3A_724 = vector.shape_cast %get3A_723 : vector<1x16xf32> to vector<16xf32>
      %mul3A_725 = arith.mulf %add3A_719, %get3A_724 : vector<16xf32>
      %convert_element_type3A_726 = arith.fptosi %mul3A_725 : vector<16xf32> to vector<16xi32>
      %get3A_727 = arith.constant 2 : i32
      %get3A_728 = arith.index_cast %get3A_727 : i32 to index
      %get3A_729 = arith.constant 0 : index
      %get3A_730 = tpu.vector_load %arg11[%get3A_728, %get3A_729] {strides = array<i32>} : memref<6x16xf32, #tpu.memory_space<vmem>>, vector<1x16xf32>,
      %get3A_731 = vector.shape_cast %get3A_730 : vector<1x16xf32> to vector<16xf32>
      %add3A_732 = arith.addf %get3A_700, %get3A_731 : vector<16xf32>
      %get3A_733 = arith.constant 5 : i32
      %get3A_734 = arith.index_cast %get3A_733 : i32 to index
      %get3A_735 = arith.constant 0 : index
      %get3A_736 = tpu.vector_load %arg11[%get3A_734, %get3A_735] {strides = array<i32>} : memref<6x16xf32, #tpu.memory_space<vmem>>, vector<1x16xf32>,
      %get3A_737 = vector.shape_cast %get3A_736 : vector<1x16xf32> to vector<16xf32>
      %mul3A_738 = arith.mulf %add3A_732, %get3A_737 : vector<16xf32>
      %convert_element_type3A_739 = arith.fptosi %mul3A_738 : vector<16xf32> to vector<16xi32>
      %lt3A_740 = arith.constant 0 : i32
      %lt3A_741 = vector.broadcast %lt3A_740 : i32 to vector<16xi32>
      %lt3A_742 = arith.cmpi slt, %convert_element_type3A_713, %lt3A_741 : vector<16xi32>
      %lt3A_743 = arith.constant 0 : i32
      %lt3A_744 = vector.broadcast %lt3A_743 : i32 to vector<16xi32>
      %lt3A_745 = arith.cmpi slt, %convert_element_type3A_726, %lt3A_744 : vector<16xi32>
      %or3A_746 = arith.ori %lt3A_742, %lt3A_745 : vector<16xi1>
      %lt3A_747 = arith.constant 0 : i32
      %lt3A_748 = vector.broadcast %lt3A_747 : i32 to vector<16xi32>
      %lt3A_749 = arith.cmpi slt, %convert_element_type3A_739, %lt3A_748 : vector<16xi32>
      %or3A_750 = arith.ori %or3A_746, %lt3A_749 : vector<16xi1>
      %gt3A_751 = arith.constant 511 : i32
      %gt3A_752 = vector.broadcast %gt3A_751 : i32 to vector<16xi32>
      %gt3A_753 = arith.cmpi sgt, %convert_element_type3A_713, %gt3A_752 : vector<16xi32>
      %or3A_754 = arith.ori %or3A_750, %gt3A_753 : vector<16xi1>
      %gt3A_755 = arith.constant 511 : i32
      %gt3A_756 = vector.broadcast %gt3A_755 : i32 to vector<16xi32>
      %gt3A_757 = arith.cmpi sgt, %convert_element_type3A_726, %gt3A_756 : vector<16xi32>
      %or3A_758 = arith.ori %or3A_754, %gt3A_757 : vector<16xi1>
      %gt3A_759 = arith.constant 255 : i32
      %gt3A_760 = vector.broadcast %gt3A_759 : i32 to vector<16xi32>
      %gt3A_761 = arith.cmpi sgt, %convert_element_type3A_739, %gt3A_760 : vector<16xi32>
      %or3A_762 = arith.ori %or3A_758, %gt3A_761 : vector<16xi1>
      %mul3A_763 = arith.constant 131072 : i32
      %mul3A_764 = vector.broadcast %mul3A_763 : i32 to vector<16xi32>
      %mul3A_765 = arith.muli %convert_element_type3A_713, %mul3A_764 : vector<16xi32>
      %shift_right_arithmetic3A_766 = arith.constant 3 : i32
      %shift_right_arithmetic3A_767 = vector.broadcast %shift_right_arithmetic3A_766 : i32 to vector<16xi32>
      %shift_right_arithmetic3A_768 = arith.shrsi %convert_element_type3A_726, %shift_right_arithmetic3A_767 : vector<16xi32>
      %mul3A_769 = arith.constant 2048 : i32
      %mul3A_770 = vector.broadcast %mul3A_769 : i32 to vector<16xi32>
      %mul3A_771 = arith.muli %shift_right_arithmetic3A_768, %mul3A_770 : vector<16xi32>
      %add3A_772 = arith.addi %mul3A_765, %mul3A_771 : vector<16xi32>
      %shift_right_arithmetic3A_773 = arith.constant 7 : i32
      %shift_right_arithmetic3A_774 = vector.broadcast %shift_right_arithmetic3A_773 : i32 to vector<16xi32>
      %shift_right_arithmetic3A_775 = arith.shrsi %convert_element_type3A_739, %shift_right_arithmetic3A_774 : vector<16xi32>
      %mul3A_776 = arith.constant 1024 : i32
      %mul3A_777 = vector.broadcast %mul3A_776 : i32 to vector<16xi32>
      %mul3A_778 = arith.muli %shift_right_arithmetic3A_775, %mul3A_777 : vector<16xi32>
      %add3A_779 = arith.addi %add3A_772, %mul3A_778 : vector<16xi32>
      %and3A_780 = arith.constant 7 : i32
      %and3A_781 = vector.broadcast %and3A_780 : i32 to vector<16xi32>
      %and3A_782 = arith.andi %convert_element_type3A_726, %and3A_781 : vector<16xi32>
      %mul3A_783 = arith.constant 128 : i32
      %mul3A_784 = vector.broadcast %mul3A_783 : i32 to vector<16xi32>
      %mul3A_785 = arith.muli %and3A_782, %mul3A_784 : vector<16xi32>
      %add3A_786 = arith.addi %add3A_779, %mul3A_785 : vector<16xi32>
      %and3A_787 = arith.constant 127 : i32
      %and3A_788 = vector.broadcast %and3A_787 : i32 to vector<16xi32>
      %and3A_789 = arith.andi %convert_element_type3A_739, %and3A_788 : vector<16xi32>
      %add3A_790 = arith.addi %add3A_786, %and3A_789 : vector<16xi32>
      %jit3A_791 = arith.constant 0 : i32
      %broadcast_in_dim3A_792 = vector.broadcast %jit3A_791 : i32 to vector<16xi32>
      %select_n3A_793 = arith.select %or3A_762, %broadcast_in_dim3A_792, %add3A_790 : vector<16xi1>, vector<16xi32>
      %swap3A_794 = arith.index_cast %add3A_691 : i32 to index
      %swap3A_795 = tpu.vector_load %arg15[%swap3A_794] {strides = array<i32>} : memref<8192xi32, #tpu.memory_space<vmem>>, vector<16xi32>,
      %swap3A_796 = vector.shape_cast %swap3A_795 : vector<16xi32> to vector<16xi32>
      %swap3A_797 = vector.shape_cast %select_n3A_793 : vector<16xi32> to vector<16xi32>
      tpu.vector_store %arg15[%swap3A_794], %swap3A_797 {strides = array<i32>} : memref<8192xi32, #tpu.memory_space<vmem>>, vector<16xi32>,
      %jit3A_798 = arith.constant 0.000000e+00 : f32
      %jit3A_799 = arith.constant 1.000000e+00 : f32
      %broadcast_in_dim3A_800 = vector.broadcast %jit3A_798 : f32 to vector<16xf32>
      %broadcast_in_dim3A_801 = vector.broadcast %jit3A_799 : f32 to vector<16xf32>
      %select_n3A_802 = arith.select %or3A_762, %broadcast_in_dim3A_800, %broadcast_in_dim3A_801 : vector<16xi1>, vector<16xf32>
      %swap3A_803 = arith.index_cast %add3A_691 : i32 to index
      %swap3A_804 = tpu.vector_load %arg16[%swap3A_803] {strides = array<i32>} : memref<8192xf32, #tpu.memory_space<vmem>>, vector<16xf32>,
      %swap3A_805 = vector.shape_cast %swap3A_804 : vector<16xf32> to vector<16xf32>
      %swap3A_806 = vector.shape_cast %select_n3A_802 : vector<16xf32> to vector<16xf32>
      tpu.vector_store %arg16[%swap3A_803], %swap3A_806 {strides = array<i32>} : memref<8192xf32, #tpu.memory_space<vmem>>, vector<16xf32>,
      %mul3A_807 = arith.constant 128 : i32
      %mul3A_808 = arith.muli %scan3A_102, %mul3A_807 : i32
      %add3A_809 = arith.constant 96 : i32
      %add3A_810 = arith.addi %mul3A_808, %add3A_809 : i32
      %get3A_811 = arith.index_cast %add3A_810 : i32 to index
      %get3A_812 = tpu.vector_load %arg8[%get3A_811] {strides = array<i32>} : memref<8192xf32, #tpu.memory_space<vmem>>, vector<16xf32>,
      %get3A_813 = vector.shape_cast %get3A_812 : vector<16xf32> to vector<16xf32>
      %get3A_814 = arith.index_cast %add3A_810 : i32 to index
      %get3A_815 = tpu.vector_load %arg9[%get3A_814] {strides = array<i32>} : memref<8192xf32, #tpu.memory_space<vmem>>, vector<16xf32>,
      %get3A_816 = vector.shape_cast %get3A_815 : vector<16xf32> to vector<16xf32>
      %get3A_817 = arith.index_cast %add3A_810 : i32 to index
      %get3A_818 = tpu.vector_load %arg10[%get3A_817] {strides = array<i32>} : memref<8192xf32, #tpu.memory_space<vmem>>, vector<16xf32>,
      %get3A_819 = vector.shape_cast %get3A_818 : vector<16xf32> to vector<16xf32>
      %get3A_820 = arith.constant 0 : i32
      %get3A_821 = arith.index_cast %get3A_820 : i32 to index
      %get3A_822 = arith.constant 0 : index
      %get3A_823 = tpu.vector_load %arg11[%get3A_821, %get3A_822] {strides = array<i32>} : memref<6x16xf32, #tpu.memory_space<vmem>>, vector<1x16xf32>,
      %get3A_824 = vector.shape_cast %get3A_823 : vector<1x16xf32> to vector<16xf32>
      %add3A_825 = arith.addf %get3A_813, %get3A_824 : vector<16xf32>
      %get3A_826 = arith.constant 3 : i32
      %get3A_827 = arith.index_cast %get3A_826 : i32 to index
      %get3A_828 = arith.constant 0 : index
      %get3A_829 = tpu.vector_load %arg11[%get3A_827, %get3A_828] {strides = array<i32>} : memref<6x16xf32, #tpu.memory_space<vmem>>, vector<1x16xf32>,
      %get3A_830 = vector.shape_cast %get3A_829 : vector<1x16xf32> to vector<16xf32>
      %mul3A_831 = arith.mulf %add3A_825, %get3A_830 : vector<16xf32>
      %convert_element_type3A_832 = arith.fptosi %mul3A_831 : vector<16xf32> to vector<16xi32>
      %get3A_833 = arith.constant 1 : i32
      %get3A_834 = arith.index_cast %get3A_833 : i32 to index
      %get3A_835 = arith.constant 0 : index
      %get3A_836 = tpu.vector_load %arg11[%get3A_834, %get3A_835] {strides = array<i32>} : memref<6x16xf32, #tpu.memory_space<vmem>>, vector<1x16xf32>,
      %get3A_837 = vector.shape_cast %get3A_836 : vector<1x16xf32> to vector<16xf32>
      %add3A_838 = arith.addf %get3A_816, %get3A_837 : vector<16xf32>
      %get3A_839 = arith.constant 4 : i32
      %get3A_840 = arith.index_cast %get3A_839 : i32 to index
      %get3A_841 = arith.constant 0 : index
      %get3A_842 = tpu.vector_load %arg11[%get3A_840, %get3A_841] {strides = array<i32>} : memref<6x16xf32, #tpu.memory_space<vmem>>, vector<1x16xf32>,
      %get3A_843 = vector.shape_cast %get3A_842 : vector<1x16xf32> to vector<16xf32>
      %mul3A_844 = arith.mulf %add3A_838, %get3A_843 : vector<16xf32>
      %convert_element_type3A_845 = arith.fptosi %mul3A_844 : vector<16xf32> to vector<16xi32>
      %get3A_846 = arith.constant 2 : i32
      %get3A_847 = arith.index_cast %get3A_846 : i32 to index
      %get3A_848 = arith.constant 0 : index
      %get3A_849 = tpu.vector_load %arg11[%get3A_847, %get3A_848] {strides = array<i32>} : memref<6x16xf32, #tpu.memory_space<vmem>>, vector<1x16xf32>,
      %get3A_850 = vector.shape_cast %get3A_849 : vector<1x16xf32> to vector<16xf32>
      %add3A_851 = arith.addf %get3A_819, %get3A_850 : vector<16xf32>
      %get3A_852 = arith.constant 5 : i32
      %get3A_853 = arith.index_cast %get3A_852 : i32 to index
      %get3A_854 = arith.constant 0 : index
      %get3A_855 = tpu.vector_load %arg11[%get3A_853, %get3A_854] {strides = array<i32>} : memref<6x16xf32, #tpu.memory_space<vmem>>, vector<1x16xf32>,
      %get3A_856 = vector.shape_cast %get3A_855 : vector<1x16xf32> to vector<16xf32>
      %mul3A_857 = arith.mulf %add3A_851, %get3A_856 : vector<16xf32>
      %convert_element_type3A_858 = arith.fptosi %mul3A_857 : vector<16xf32> to vector<16xi32>
      %lt3A_859 = arith.constant 0 : i32
      %lt3A_860 = vector.broadcast %lt3A_859 : i32 to vector<16xi32>
      %lt3A_861 = arith.cmpi slt, %convert_element_type3A_832, %lt3A_860 : vector<16xi32>
      %lt3A_862 = arith.constant 0 : i32
      %lt3A_863 = vector.broadcast %lt3A_862 : i32 to vector<16xi32>
      %lt3A_864 = arith.cmpi slt, %convert_element_type3A_845, %lt3A_863 : vector<16xi32>
      %or3A_865 = arith.ori %lt3A_861, %lt3A_864 : vector<16xi1>
      %lt3A_866 = arith.constant 0 : i32
      %lt3A_867 = vector.broadcast %lt3A_866 : i32 to vector<16xi32>
      %lt3A_868 = arith.cmpi slt, %convert_element_type3A_858, %lt3A_867 : vector<16xi32>
      %or3A_869 = arith.ori %or3A_865, %lt3A_868 : vector<16xi1>
      %gt3A_870 = arith.constant 511 : i32
      %gt3A_871 = vector.broadcast %gt3A_870 : i32 to vector<16xi32>
      %gt3A_872 = arith.cmpi sgt, %convert_element_type3A_832, %gt3A_871 : vector<16xi32>
      %or3A_873 = arith.ori %or3A_869, %gt3A_872 : vector<16xi1>
      %gt3A_874 = arith.constant 511 : i32
      %gt3A_875 = vector.broadcast %gt3A_874 : i32 to vector<16xi32>
      %gt3A_876 = arith.cmpi sgt, %convert_element_type3A_845, %gt3A_875 : vector<16xi32>
      %or3A_877 = arith.ori %or3A_873, %gt3A_876 : vector<16xi1>
      %gt3A_878 = arith.constant 255 : i32
      %gt3A_879 = vector.broadcast %gt3A_878 : i32 to vector<16xi32>
      %gt3A_880 = arith.cmpi sgt, %convert_element_type3A_858, %gt3A_879 : vector<16xi32>
      %or3A_881 = arith.ori %or3A_877, %gt3A_880 : vector<16xi1>
      %mul3A_882 = arith.constant 131072 : i32
      %mul3A_883 = vector.broadcast %mul3A_882 : i32 to vector<16xi32>
      %mul3A_884 = arith.muli %convert_element_type3A_832, %mul3A_883 : vector<16xi32>
      %shift_right_arithmetic3A_885 = arith.constant 3 : i32
      %shift_right_arithmetic3A_886 = vector.broadcast %shift_right_arithmetic3A_885 : i32 to vector<16xi32>
      %shift_right_arithmetic3A_887 = arith.shrsi %convert_element_type3A_845, %shift_right_arithmetic3A_886 : vector<16xi32>
      %mul3A_888 = arith.constant 2048 : i32
      %mul3A_889 = vector.broadcast %mul3A_888 : i32 to vector<16xi32>
      %mul3A_890 = arith.muli %shift_right_arithmetic3A_887, %mul3A_889 : vector<16xi32>
      %add3A_891 = arith.addi %mul3A_884, %mul3A_890 : vector<16xi32>
      %shift_right_arithmetic3A_892 = arith.constant 7 : i32
      %shift_right_arithmetic3A_893 = vector.broadcast %shift_right_arithmetic3A_892 : i32 to vector<16xi32>
      %shift_right_arithmetic3A_894 = arith.shrsi %convert_element_type3A_858, %shift_right_arithmetic3A_893 : vector<16xi32>
      %mul3A_895 = arith.constant 1024 : i32
      %mul3A_896 = vector.broadcast %mul3A_895 : i32 to vector<16xi32>
      %mul3A_897 = arith.muli %shift_right_arithmetic3A_894, %mul3A_896 : vector<16xi32>
      %add3A_898 = arith.addi %add3A_891, %mul3A_897 : vector<16xi32>
      %and3A_899 = arith.constant 7 : i32
      %and3A_900 = vector.broadcast %and3A_899 : i32 to vector<16xi32>
      %and3A_901 = arith.andi %convert_element_type3A_845, %and3A_900 : vector<16xi32>
      %mul3A_902 = arith.constant 128 : i32
      %mul3A_903 = vector.broadcast %mul3A_902 : i32 to vector<16xi32>
      %mul3A_904 = arith.muli %and3A_901, %mul3A_903 : vector<16xi32>
      %add3A_905 = arith.addi %add3A_898, %mul3A_904 : vector<16xi32>
      %and3A_906 = arith.constant 127 : i32
      %and3A_907 = vector.broadcast %and3A_906 : i32 to vector<16xi32>
      %and3A_908 = arith.andi %convert_element_type3A_858, %and3A_907 : vector<16xi32>
      %add3A_909 = arith.addi %add3A_905, %and3A_908 : vector<16xi32>
      %jit3A_910 = arith.constant 0 : i32
      %broadcast_in_dim3A_911 = vector.broadcast %jit3A_910 : i32 to vector<16xi32>
      %select_n3A_912 = arith.select %or3A_881, %broadcast_in_dim3A_911, %add3A_909 : vector<16xi1>, vector<16xi32>
      %swap3A_913 = arith.index_cast %add3A_810 : i32 to index
      %swap3A_914 = tpu.vector_load %arg15[%swap3A_913] {strides = array<i32>} : memref<8192xi32, #tpu.memory_space<vmem>>, vector<16xi32>,
      %swap3A_915 = vector.shape_cast %swap3A_914 : vector<16xi32> to vector<16xi32>
      %swap3A_916 = vector.shape_cast %select_n3A_912 : vector<16xi32> to vector<16xi32>
      tpu.vector_store %arg15[%swap3A_913], %swap3A_916 {strides = array<i32>} : memref<8192xi32, #tpu.memory_space<vmem>>, vector<16xi32>,
      %jit3A_917 = arith.constant 0.000000e+00 : f32
      %jit3A_918 = arith.constant 1.000000e+00 : f32
      %broadcast_in_dim3A_919 = vector.broadcast %jit3A_917 : f32 to vector<16xf32>
      %broadcast_in_dim3A_920 = vector.broadcast %jit3A_918 : f32 to vector<16xf32>
      %select_n3A_921 = arith.select %or3A_881, %broadcast_in_dim3A_919, %broadcast_in_dim3A_920 : vector<16xi1>, vector<16xf32>
      %swap3A_922 = arith.index_cast %add3A_810 : i32 to index
      %swap3A_923 = tpu.vector_load %arg16[%swap3A_922] {strides = array<i32>} : memref<8192xf32, #tpu.memory_space<vmem>>, vector<16xf32>,
      %swap3A_924 = vector.shape_cast %swap3A_923 : vector<16xf32> to vector<16xf32>
      %swap3A_925 = vector.shape_cast %select_n3A_921 : vector<16xf32> to vector<16xf32>
      tpu.vector_store %arg16[%swap3A_922], %swap3A_925 {strides = array<i32>} : memref<8192xf32, #tpu.memory_space<vmem>>, vector<16xf32>,
      %mul3A_926 = arith.constant 128 : i32
      %mul3A_927 = arith.muli %scan3A_102, %mul3A_926 : i32
      %add3A_928 = arith.constant 112 : i32
      %add3A_929 = arith.addi %mul3A_927, %add3A_928 : i32
      %get3A_930 = arith.index_cast %add3A_929 : i32 to index
      %get3A_931 = tpu.vector_load %arg8[%get3A_930] {strides = array<i32>} : memref<8192xf32, #tpu.memory_space<vmem>>, vector<16xf32>,
      %get3A_932 = vector.shape_cast %get3A_931 : vector<16xf32> to vector<16xf32>
      %get3A_933 = arith.index_cast %add3A_929 : i32 to index
      %get3A_934 = tpu.vector_load %arg9[%get3A_933] {strides = array<i32>} : memref<8192xf32, #tpu.memory_space<vmem>>, vector<16xf32>,
      %get3A_935 = vector.shape_cast %get3A_934 : vector<16xf32> to vector<16xf32>
      %get3A_936 = arith.index_cast %add3A_929 : i32 to index
      %get3A_937 = tpu.vector_load %arg10[%get3A_936] {strides = array<i32>} : memref<8192xf32, #tpu.memory_space<vmem>>, vector<16xf32>,
      %get3A_938 = vector.shape_cast %get3A_937 : vector<16xf32> to vector<16xf32>
      %get3A_939 = arith.constant 0 : i32
      %get3A_940 = arith.index_cast %get3A_939 : i32 to index
      %get3A_941 = arith.constant 0 : index
      %get3A_942 = tpu.vector_load %arg11[%get3A_940, %get3A_941] {strides = array<i32>} : memref<6x16xf32, #tpu.memory_space<vmem>>, vector<1x16xf32>,
      %get3A_943 = vector.shape_cast %get3A_942 : vector<1x16xf32> to vector<16xf32>
      %add3A_944 = arith.addf %get3A_932, %get3A_943 : vector<16xf32>
      %get3A_945 = arith.constant 3 : i32
      %get3A_946 = arith.index_cast %get3A_945 : i32 to index
      %get3A_947 = arith.constant 0 : index
      %get3A_948 = tpu.vector_load %arg11[%get3A_946, %get3A_947] {strides = array<i32>} : memref<6x16xf32, #tpu.memory_space<vmem>>, vector<1x16xf32>,
      %get3A_949 = vector.shape_cast %get3A_948 : vector<1x16xf32> to vector<16xf32>
      %mul3A_950 = arith.mulf %add3A_944, %get3A_949 : vector<16xf32>
      %convert_element_type3A_951 = arith.fptosi %mul3A_950 : vector<16xf32> to vector<16xi32>
      %get3A_952 = arith.constant 1 : i32
      %get3A_953 = arith.index_cast %get3A_952 : i32 to index
      %get3A_954 = arith.constant 0 : index
      %get3A_955 = tpu.vector_load %arg11[%get3A_953, %get3A_954] {strides = array<i32>} : memref<6x16xf32, #tpu.memory_space<vmem>>, vector<1x16xf32>,
      %get3A_956 = vector.shape_cast %get3A_955 : vector<1x16xf32> to vector<16xf32>
      %add3A_957 = arith.addf %get3A_935, %get3A_956 : vector<16xf32>
      %get3A_958 = arith.constant 4 : i32
      %get3A_959 = arith.index_cast %get3A_958 : i32 to index
      %get3A_960 = arith.constant 0 : index
      %get3A_961 = tpu.vector_load %arg11[%get3A_959, %get3A_960] {strides = array<i32>} : memref<6x16xf32, #tpu.memory_space<vmem>>, vector<1x16xf32>,
      %get3A_962 = vector.shape_cast %get3A_961 : vector<1x16xf32> to vector<16xf32>
      %mul3A_963 = arith.mulf %add3A_957, %get3A_962 : vector<16xf32>
      %convert_element_type3A_964 = arith.fptosi %mul3A_963 : vector<16xf32> to vector<16xi32>
      %get3A_965 = arith.constant 2 : i32
      %get3A_966 = arith.index_cast %get3A_965 : i32 to index
      %get3A_967 = arith.constant 0 : index
      %get3A_968 = tpu.vector_load %arg11[%get3A_966, %get3A_967] {strides = array<i32>} : memref<6x16xf32, #tpu.memory_space<vmem>>, vector<1x16xf32>,
      %get3A_969 = vector.shape_cast %get3A_968 : vector<1x16xf32> to vector<16xf32>
      %add3A_970 = arith.addf %get3A_938, %get3A_969 : vector<16xf32>
      %get3A_971 = arith.constant 5 : i32
      %get3A_972 = arith.index_cast %get3A_971 : i32 to index
      %get3A_973 = arith.constant 0 : index
      %get3A_974 = tpu.vector_load %arg11[%get3A_972, %get3A_973] {strides = array<i32>} : memref<6x16xf32, #tpu.memory_space<vmem>>, vector<1x16xf32>,
      %get3A_975 = vector.shape_cast %get3A_974 : vector<1x16xf32> to vector<16xf32>
      %mul3A_976 = arith.mulf %add3A_970, %get3A_975 : vector<16xf32>
      %convert_element_type3A_977 = arith.fptosi %mul3A_976 : vector<16xf32> to vector<16xi32>
      %lt3A_978 = arith.constant 0 : i32
      %lt3A_979 = vector.broadcast %lt3A_978 : i32 to vector<16xi32>
      %lt3A_980 = arith.cmpi slt, %convert_element_type3A_951, %lt3A_979 : vector<16xi32>
      %lt3A_981 = arith.constant 0 : i32
      %lt3A_982 = vector.broadcast %lt3A_981 : i32 to vector<16xi32>
      %lt3A_983 = arith.cmpi slt, %convert_element_type3A_964, %lt3A_982 : vector<16xi32>
      %or3A_984 = arith.ori %lt3A_980, %lt3A_983 : vector<16xi1>
      %lt3A_985 = arith.constant 0 : i32
      %lt3A_986 = vector.broadcast %lt3A_985 : i32 to vector<16xi32>
      %lt3A_987 = arith.cmpi slt, %convert_element_type3A_977, %lt3A_986 : vector<16xi32>
      %or3A_988 = arith.ori %or3A_984, %lt3A_987 : vector<16xi1>
      %gt3A_989 = arith.constant 511 : i32
      %gt3A_990 = vector.broadcast %gt3A_989 : i32 to vector<16xi32>
      %gt3A_991 = arith.cmpi sgt, %convert_element_type3A_951, %gt3A_990 : vector<16xi32>
      %or3A_992 = arith.ori %or3A_988, %gt3A_991 : vector<16xi1>
      %gt3A_993 = arith.constant 511 : i32
      %gt3A_994 = vector.broadcast %gt3A_993 : i32 to vector<16xi32>
      %gt3A_995 = arith.cmpi sgt, %convert_element_type3A_964, %gt3A_994 : vector<16xi32>
      %or3A_996 = arith.ori %or3A_992, %gt3A_995 : vector<16xi1>
      %gt3A_997 = arith.constant 255 : i32
      %gt3A_998 = vector.broadcast %gt3A_997 : i32 to vector<16xi32>
      %gt3A_999 = arith.cmpi sgt, %convert_element_type3A_977, %gt3A_998 : vector<16xi32>
      %or3A_1000 = arith.ori %or3A_996, %gt3A_999 : vector<16xi1>
      %mul3A_1001 = arith.constant 131072 : i32
      %mul3A_1002 = vector.broadcast %mul3A_1001 : i32 to vector<16xi32>
      %mul3A_1003 = arith.muli %convert_element_type3A_951, %mul3A_1002 : vector<16xi32>
      %shift_right_arithmetic3A_1004 = arith.constant 3 : i32
      %shift_right_arithmetic3A_1005 = vector.broadcast %shift_right_arithmetic3A_1004 : i32 to vector<16xi32>
      %shift_right_arithmetic3A_1006 = arith.shrsi %convert_element_type3A_964, %shift_right_arithmetic3A_1005 : vector<16xi32>
      %mul3A_1007 = arith.constant 2048 : i32
      %mul3A_1008 = vector.broadcast %mul3A_1007 : i32 to vector<16xi32>
      %mul3A_1009 = arith.muli %shift_right_arithmetic3A_1006, %mul3A_1008 : vector<16xi32>
      %add3A_1010 = arith.addi %mul3A_1003, %mul3A_1009 : vector<16xi32>
      %shift_right_arithmetic3A_1011 = arith.constant 7 : i32
      %shift_right_arithmetic3A_1012 = vector.broadcast %shift_right_arithmetic3A_1011 : i32 to vector<16xi32>
      %shift_right_arithmetic3A_1013 = arith.shrsi %convert_element_type3A_977, %shift_right_arithmetic3A_1012 : vector<16xi32>
      %mul3A_1014 = arith.constant 1024 : i32
      %mul3A_1015 = vector.broadcast %mul3A_1014 : i32 to vector<16xi32>
      %mul3A_1016 = arith.muli %shift_right_arithmetic3A_1013, %mul3A_1015 : vector<16xi32>
      %add3A_1017 = arith.addi %add3A_1010, %mul3A_1016 : vector<16xi32>
      %and3A_1018 = arith.constant 7 : i32
      %and3A_1019 = vector.broadcast %and3A_1018 : i32 to vector<16xi32>
      %and3A_1020 = arith.andi %convert_element_type3A_964, %and3A_1019 : vector<16xi32>
      %mul3A_1021 = arith.constant 128 : i32
      %mul3A_1022 = vector.broadcast %mul3A_1021 : i32 to vector<16xi32>
      %mul3A_1023 = arith.muli %and3A_1020, %mul3A_1022 : vector<16xi32>
      %add3A_1024 = arith.addi %add3A_1017, %mul3A_1023 : vector<16xi32>
      %and3A_1025 = arith.constant 127 : i32
      %and3A_1026 = vector.broadcast %and3A_1025 : i32 to vector<16xi32>
      %and3A_1027 = arith.andi %convert_element_type3A_977, %and3A_1026 : vector<16xi32>
      %add3A_1028 = arith.addi %add3A_1024, %and3A_1027 : vector<16xi32>
      %jit3A_1029 = arith.constant 0 : i32
      %broadcast_in_dim3A_1030 = vector.broadcast %jit3A_1029 : i32 to vector<16xi32>
      %select_n3A_1031 = arith.select %or3A_1000, %broadcast_in_dim3A_1030, %add3A_1028 : vector<16xi1>, vector<16xi32>
      %swap3A_1032 = arith.index_cast %add3A_929 : i32 to index
      %swap3A_1033 = tpu.vector_load %arg15[%swap3A_1032] {strides = array<i32>} : memref<8192xi32, #tpu.memory_space<vmem>>, vector<16xi32>,
      %swap3A_1034 = vector.shape_cast %swap3A_1033 : vector<16xi32> to vector<16xi32>
      %swap3A_1035 = vector.shape_cast %select_n3A_1031 : vector<16xi32> to vector<16xi32>
      tpu.vector_store %arg15[%swap3A_1032], %swap3A_1035 {strides = array<i32>} : memref<8192xi32, #tpu.memory_space<vmem>>, vector<16xi32>,
      %jit3A_1036 = arith.constant 0.000000e+00 : f32
      %jit3A_1037 = arith.constant 1.000000e+00 : f32
      %broadcast_in_dim3A_1038 = vector.broadcast %jit3A_1036 : f32 to vector<16xf32>
      %broadcast_in_dim3A_1039 = vector.broadcast %jit3A_1037 : f32 to vector<16xf32>
      %select_n3A_1040 = arith.select %or3A_1000, %broadcast_in_dim3A_1038, %broadcast_in_dim3A_1039 : vector<16xi1>, vector<16xf32>
      %swap3A_1041 = arith.index_cast %add3A_929 : i32 to index
      %swap3A_1042 = tpu.vector_load %arg16[%swap3A_1041] {strides = array<i32>} : memref<8192xf32, #tpu.memory_space<vmem>>, vector<16xf32>,
      %swap3A_1043 = vector.shape_cast %swap3A_1042 : vector<16xf32> to vector<16xf32>
      %swap3A_1044 = vector.shape_cast %select_n3A_1040 : vector<16xf32> to vector<16xf32>
      tpu.vector_store %arg16[%swap3A_1041], %swap3A_1044 {strides = array<i32>} : memref<8192xf32, #tpu.memory_space<vmem>>, vector<16xf32>,
      %mul3A_1045 = arith.constant 128 : i32
      %mul3A_1046 = arith.muli %scan3A_102, %mul3A_1045 : i32
      %dma_start3A = tpu.memref_slice %arg17[%mul3A_1046] : memref<8192xf32, #tpu.memory_space<vmem>> -> memref<128xf32, #tpu.memory_space<vmem>>
      %dma_start3A_1047 = tpu.memref_slice %arg15[%mul3A_1046] : memref<8192xi32, #tpu.memory_space<vmem>> -> memref<128xi32, #tpu.memory_space<vmem>>
      %dma_start3A_1048 = arith.constant 0 : i32
      %dma_start3A_1049 = tpu.memref_slice %arg6[%dma_start3A_1048] : memref<67108864xf32, #tpu.memory_space<hbm>> -> memref<67108864xf32, #tpu.memory_space<hbm>>
      tpu.enqueue_indirect_dma source(%dma_start3A_1049 : memref<67108864xf32, #tpu.memory_space<hbm>>) target(%dma_start3A : memref<128xf32, #tpu.memory_space<vmem>>) offsets(%dma_start3A_1047 : memref<128xi32, #tpu.memory_space<vmem>>) semaphore(%arg19 : memref<!tpu.dma_semaphore, #tpu.memory_space<semaphore_mem>>)
      %scan3A_1050 = arith.constant 0 : i32
      scf.yield %scan3A_1050 : i32
    }
    %scan3A_69 = arith.constant 64 : i32
    %add3A_70 = arith.constant 16384 : i32
    %add3A_71 = arith.addi %mul3A_2, %add3A_70 : i32
    %scan3A_72 = arith.constant 0 : i32
    %scan3A_73 = arith.constant 0 : i32
    %scan3A_74 = arith.constant 64 : i32
    %scan3A_75 = arith.addi %scan3A_73, %scan3A_74 : i32
    %scan3A_76 = arith.constant 1 : i32
    %scan3A_77 = scf.for %scan3A_102 = %scan3A_73 to %scan3A_75 step %scan3A_76 iter_args(%scan3A_103 = %scan3A_72) -> (i32)  : i32 {
      %mul3A_104 = arith.constant 128 : i32
      %mul3A_105 = arith.muli %scan3A_102, %mul3A_104 : i32
      %dma_wait3A = tpu.memref_slice %arg14[%mul3A_105] : memref<8192xf32, #tpu.memory_space<vmem>> -> memref<128xf32, #tpu.memory_space<vmem>>
      %dma_wait3A_106 = tpu.memref_slice %arg12[%mul3A_105] : memref<8192xi32, #tpu.memory_space<vmem>> -> memref<128xi32, #tpu.memory_space<vmem>>
      %dma_wait3A_107 = arith.constant 0 : i32
      %dma_wait3A_108 = tpu.memref_slice %arg6[%dma_wait3A_107] : memref<67108864xf32, #tpu.memory_space<hbm>> -> memref<67108864xf32, #tpu.memory_space<hbm>>
      tpu.wait_indirect_dma semaphore(%arg18 : memref<!tpu.dma_semaphore, #tpu.memory_space<semaphore_mem>>) src(%dma_wait3A_108 : memref<67108864xf32, #tpu.memory_space<hbm>>) dst(%dma_wait3A : memref<128xf32, #tpu.memory_space<vmem>>)
      %scan3A_109 = arith.constant 0 : i32
      scf.yield %scan3A_109 : i32
    }
    %scan3A_78 = arith.constant 64 : i32
    %scan3A_79 = arith.constant 0 : i32
    %scan3A_80 = arith.constant 0 : i32
    %scan3A_81 = arith.constant 64 : i32
    %scan3A_82 = arith.addi %scan3A_80, %scan3A_81 : i32
    %scan3A_83 = arith.constant 1 : i32
    %scan3A_84 = scf.for %scan3A_102 = %scan3A_80 to %scan3A_82 step %scan3A_83 iter_args(%scan3A_103 = %scan3A_79) -> (i32)  : i32 {
      %mul3A_104 = arith.constant 128 : i32
      %mul3A_105 = arith.muli %scan3A_102, %mul3A_104 : i32
      %add3A_106 = arith.constant 0 : i32
      %add3A_107 = arith.addi %mul3A_105, %add3A_106 : i32
      %get3A = arith.index_cast %add3A_107 : i32 to index
      %get3A_108 = tpu.vector_load %arg14[%get3A] {strides = array<i32>} : memref<8192xf32, #tpu.memory_space<vmem>>, vector<16xf32>,
      %get3A_109 = vector.shape_cast %get3A_108 : vector<16xf32> to vector<16xf32>
      %max3A = arith.constant -1.000000e+03 : f32
      %max3A_110 = vector.broadcast %max3A : f32 to vector<16xf32>
      %max3A_111 = arith.maximumf %get3A_109, %max3A_110 : vector<16xf32>
      %mul3A_112 = arith.constant 1.000000e-03 : f32
      %mul3A_113 = vector.broadcast %mul3A_112 : f32 to vector<16xf32>
      %mul3A_114 = arith.mulf %max3A_111, %mul3A_113 : vector<16xf32>
      %add3A_115 = arith.constant 1.000000e+00 : f32
      %add3A_116 = vector.broadcast %add3A_115 : f32 to vector<16xf32>
      %add3A_117 = arith.addf %mul3A_114, %add3A_116 : vector<16xf32>
      %mul3A_118 = arith.constant 8.000000e-02 : f32
      %mul3A_119 = vector.broadcast %mul3A_118 : f32 to vector<16xf32>
      %mul3A_120 = arith.mulf %add3A_117, %mul3A_119 : vector<16xf32>
      %get3A_121 = arith.index_cast %add3A_107 : i32 to index
      %get3A_122 = tpu.vector_load %arg13[%get3A_121] {strides = array<i32>} : memref<8192xf32, #tpu.memory_space<vmem>>, vector<16xf32>,
      %get3A_123 = vector.shape_cast %get3A_122 : vector<16xf32> to vector<16xf32>
      %mul3A_124 = arith.mulf %mul3A_120, %get3A_123 : vector<16xf32>
      %swap3A = arith.index_cast %add3A_107 : i32 to index
      %swap3A_125 = tpu.vector_load %arg14[%swap3A] {strides = array<i32>} : memref<8192xf32, #tpu.memory_space<vmem>>, vector<16xf32>,
      %swap3A_126 = vector.shape_cast %swap3A_125 : vector<16xf32> to vector<16xf32>
      %swap3A_127 = vector.shape_cast %mul3A_124 : vector<16xf32> to vector<16xf32>
      tpu.vector_store %arg14[%swap3A], %swap3A_127 {strides = array<i32>} : memref<8192xf32, #tpu.memory_space<vmem>>, vector<16xf32>,
      %mul3A_128 = arith.constant 128 : i32
      %mul3A_129 = arith.muli %scan3A_102, %mul3A_128 : i32
      %add3A_130 = arith.constant 16 : i32
      %add3A_131 = arith.addi %mul3A_129, %add3A_130 : i32
      %get3A_132 = arith.index_cast %add3A_131 : i32 to index
      %get3A_133 = tpu.vector_load %arg14[%get3A_132] {strides = array<i32>} : memref<8192xf32, #tpu.memory_space<vmem>>, vector<16xf32>,
      %get3A_134 = vector.shape_cast %get3A_133 : vector<16xf32> to vector<16xf32>
      %max3A_135 = arith.constant -1.000000e+03 : f32
      %max3A_136 = vector.broadcast %max3A_135 : f32 to vector<16xf32>
      %max3A_137 = arith.maximumf %get3A_134, %max3A_136 : vector<16xf32>
      %mul3A_138 = arith.constant 1.000000e-03 : f32
      %mul3A_139 = vector.broadcast %mul3A_138 : f32 to vector<16xf32>
      %mul3A_140 = arith.mulf %max3A_137, %mul3A_139 : vector<16xf32>
      %add3A_141 = arith.constant 1.000000e+00 : f32
      %add3A_142 = vector.broadcast %add3A_141 : f32 to vector<16xf32>
      %add3A_143 = arith.addf %mul3A_140, %add3A_142 : vector<16xf32>
      %mul3A_144 = arith.constant 8.000000e-02 : f32
      %mul3A_145 = vector.broadcast %mul3A_144 : f32 to vector<16xf32>
      %mul3A_146 = arith.mulf %add3A_143, %mul3A_145 : vector<16xf32>
      %get3A_147 = arith.index_cast %add3A_131 : i32 to index
      %get3A_148 = tpu.vector_load %arg13[%get3A_147] {strides = array<i32>} : memref<8192xf32, #tpu.memory_space<vmem>>, vector<16xf32>,
      %get3A_149 = vector.shape_cast %get3A_148 : vector<16xf32> to vector<16xf32>
      %mul3A_150 = arith.mulf %mul3A_146, %get3A_149 : vector<16xf32>
      %swap3A_151 = arith.index_cast %add3A_131 : i32 to index
      %swap3A_152 = tpu.vector_load %arg14[%swap3A_151] {strides = array<i32>} : memref<8192xf32, #tpu.memory_space<vmem>>, vector<16xf32>,
      %swap3A_153 = vector.shape_cast %swap3A_152 : vector<16xf32> to vector<16xf32>
      %swap3A_154 = vector.shape_cast %mul3A_150 : vector<16xf32> to vector<16xf32>
      tpu.vector_store %arg14[%swap3A_151], %swap3A_154 {strides = array<i32>} : memref<8192xf32, #tpu.memory_space<vmem>>, vector<16xf32>,
      %mul3A_155 = arith.constant 128 : i32
      %mul3A_156 = arith.muli %scan3A_102, %mul3A_155 : i32
      %add3A_157 = arith.constant 32 : i32
      %add3A_158 = arith.addi %mul3A_156, %add3A_157 : i32
      %get3A_159 = arith.index_cast %add3A_158 : i32 to index
      %get3A_160 = tpu.vector_load %arg14[%get3A_159] {strides = array<i32>} : memref<8192xf32, #tpu.memory_space<vmem>>, vector<16xf32>,
      %get3A_161 = vector.shape_cast %get3A_160 : vector<16xf32> to vector<16xf32>
      %max3A_162 = arith.constant -1.000000e+03 : f32
      %max3A_163 = vector.broadcast %max3A_162 : f32 to vector<16xf32>
      %max3A_164 = arith.maximumf %get3A_161, %max3A_163 : vector<16xf32>
      %mul3A_165 = arith.constant 1.000000e-03 : f32
      %mul3A_166 = vector.broadcast %mul3A_165 : f32 to vector<16xf32>
      %mul3A_167 = arith.mulf %max3A_164, %mul3A_166 : vector<16xf32>
      %add3A_168 = arith.constant 1.000000e+00 : f32
      %add3A_169 = vector.broadcast %add3A_168 : f32 to vector<16xf32>
      %add3A_170 = arith.addf %mul3A_167, %add3A_169 : vector<16xf32>
      %mul3A_171 = arith.constant 8.000000e-02 : f32
      %mul3A_172 = vector.broadcast %mul3A_171 : f32 to vector<16xf32>
      %mul3A_173 = arith.mulf %add3A_170, %mul3A_172 : vector<16xf32>
      %get3A_174 = arith.index_cast %add3A_158 : i32 to index
      %get3A_175 = tpu.vector_load %arg13[%get3A_174] {strides = array<i32>} : memref<8192xf32, #tpu.memory_space<vmem>>, vector<16xf32>,
      %get3A_176 = vector.shape_cast %get3A_175 : vector<16xf32> to vector<16xf32>
      %mul3A_177 = arith.mulf %mul3A_173, %get3A_176 : vector<16xf32>
      %swap3A_178 = arith.index_cast %add3A_158 : i32 to index
      %swap3A_179 = tpu.vector_load %arg14[%swap3A_178] {strides = array<i32>} : memref<8192xf32, #tpu.memory_space<vmem>>, vector<16xf32>,
      %swap3A_180 = vector.shape_cast %swap3A_179 : vector<16xf32> to vector<16xf32>
      %swap3A_181 = vector.shape_cast %mul3A_177 : vector<16xf32> to vector<16xf32>
      tpu.vector_store %arg14[%swap3A_178], %swap3A_181 {strides = array<i32>} : memref<8192xf32, #tpu.memory_space<vmem>>, vector<16xf32>,
      %mul3A_182 = arith.constant 128 : i32
      %mul3A_183 = arith.muli %scan3A_102, %mul3A_182 : i32
      %add3A_184 = arith.constant 48 : i32
      %add3A_185 = arith.addi %mul3A_183, %add3A_184 : i32
      %get3A_186 = arith.index_cast %add3A_185 : i32 to index
      %get3A_187 = tpu.vector_load %arg14[%get3A_186] {strides = array<i32>} : memref<8192xf32, #tpu.memory_space<vmem>>, vector<16xf32>,
      %get3A_188 = vector.shape_cast %get3A_187 : vector<16xf32> to vector<16xf32>
      %max3A_189 = arith.constant -1.000000e+03 : f32
      %max3A_190 = vector.broadcast %max3A_189 : f32 to vector<16xf32>
      %max3A_191 = arith.maximumf %get3A_188, %max3A_190 : vector<16xf32>
      %mul3A_192 = arith.constant 1.000000e-03 : f32
      %mul3A_193 = vector.broadcast %mul3A_192 : f32 to vector<16xf32>
      %mul3A_194 = arith.mulf %max3A_191, %mul3A_193 : vector<16xf32>
      %add3A_195 = arith.constant 1.000000e+00 : f32
      %add3A_196 = vector.broadcast %add3A_195 : f32 to vector<16xf32>
      %add3A_197 = arith.addf %mul3A_194, %add3A_196 : vector<16xf32>
      %mul3A_198 = arith.constant 8.000000e-02 : f32
      %mul3A_199 = vector.broadcast %mul3A_198 : f32 to vector<16xf32>
      %mul3A_200 = arith.mulf %add3A_197, %mul3A_199 : vector<16xf32>
      %get3A_201 = arith.index_cast %add3A_185 : i32 to index
      %get3A_202 = tpu.vector_load %arg13[%get3A_201] {strides = array<i32>} : memref<8192xf32, #tpu.memory_space<vmem>>, vector<16xf32>,
      %get3A_203 = vector.shape_cast %get3A_202 : vector<16xf32> to vector<16xf32>
      %mul3A_204 = arith.mulf %mul3A_200, %get3A_203 : vector<16xf32>
      %swap3A_205 = arith.index_cast %add3A_185 : i32 to index
      %swap3A_206 = tpu.vector_load %arg14[%swap3A_205] {strides = array<i32>} : memref<8192xf32, #tpu.memory_space<vmem>>, vector<16xf32>,
      %swap3A_207 = vector.shape_cast %swap3A_206 : vector<16xf32> to vector<16xf32>
      %swap3A_208 = vector.shape_cast %mul3A_204 : vector<16xf32> to vector<16xf32>
      tpu.vector_store %arg14[%swap3A_205], %swap3A_208 {strides = array<i32>} : memref<8192xf32, #tpu.memory_space<vmem>>, vector<16xf32>,
      %mul3A_209 = arith.constant 128 : i32
      %mul3A_210 = arith.muli %scan3A_102, %mul3A_209 : i32
      %add3A_211 = arith.constant 64 : i32
      %add3A_212 = arith.addi %mul3A_210, %add3A_211 : i32
      %get3A_213 = arith.index_cast %add3A_212 : i32 to index
      %get3A_214 = tpu.vector_load %arg14[%get3A_213] {strides = array<i32>} : memref<8192xf32, #tpu.memory_space<vmem>>, vector<16xf32>,
      %get3A_215 = vector.shape_cast %get3A_214 : vector<16xf32> to vector<16xf32>
      %max3A_216 = arith.constant -1.000000e+03 : f32
      %max3A_217 = vector.broadcast %max3A_216 : f32 to vector<16xf32>
      %max3A_218 = arith.maximumf %get3A_215, %max3A_217 : vector<16xf32>
      %mul3A_219 = arith.constant 1.000000e-03 : f32
      %mul3A_220 = vector.broadcast %mul3A_219 : f32 to vector<16xf32>
      %mul3A_221 = arith.mulf %max3A_218, %mul3A_220 : vector<16xf32>
      %add3A_222 = arith.constant 1.000000e+00 : f32
      %add3A_223 = vector.broadcast %add3A_222 : f32 to vector<16xf32>
      %add3A_224 = arith.addf %mul3A_221, %add3A_223 : vector<16xf32>
      %mul3A_225 = arith.constant 8.000000e-02 : f32
      %mul3A_226 = vector.broadcast %mul3A_225 : f32 to vector<16xf32>
      %mul3A_227 = arith.mulf %add3A_224, %mul3A_226 : vector<16xf32>
      %get3A_228 = arith.index_cast %add3A_212 : i32 to index
      %get3A_229 = tpu.vector_load %arg13[%get3A_228] {strides = array<i32>} : memref<8192xf32, #tpu.memory_space<vmem>>, vector<16xf32>,
      %get3A_230 = vector.shape_cast %get3A_229 : vector<16xf32> to vector<16xf32>
      %mul3A_231 = arith.mulf %mul3A_227, %get3A_230 : vector<16xf32>
      %swap3A_232 = arith.index_cast %add3A_212 : i32 to index
      %swap3A_233 = tpu.vector_load %arg14[%swap3A_232] {strides = array<i32>} : memref<8192xf32, #tpu.memory_space<vmem>>, vector<16xf32>,
      %swap3A_234 = vector.shape_cast %swap3A_233 : vector<16xf32> to vector<16xf32>
      %swap3A_235 = vector.shape_cast %mul3A_231 : vector<16xf32> to vector<16xf32>
      tpu.vector_store %arg14[%swap3A_232], %swap3A_235 {strides = array<i32>} : memref<8192xf32, #tpu.memory_space<vmem>>, vector<16xf32>,
      %mul3A_236 = arith.constant 128 : i32
      %mul3A_237 = arith.muli %scan3A_102, %mul3A_236 : i32
      %add3A_238 = arith.constant 80 : i32
      %add3A_239 = arith.addi %mul3A_237, %add3A_238 : i32
      %get3A_240 = arith.index_cast %add3A_239 : i32 to index
      %get3A_241 = tpu.vector_load %arg14[%get3A_240] {strides = array<i32>} : memref<8192xf32, #tpu.memory_space<vmem>>, vector<16xf32>,
      %get3A_242 = vector.shape_cast %get3A_241 : vector<16xf32> to vector<16xf32>
      %max3A_243 = arith.constant -1.000000e+03 : f32
      %max3A_244 = vector.broadcast %max3A_243 : f32 to vector<16xf32>
      %max3A_245 = arith.maximumf %get3A_242, %max3A_244 : vector<16xf32>
      %mul3A_246 = arith.constant 1.000000e-03 : f32
      %mul3A_247 = vector.broadcast %mul3A_246 : f32 to vector<16xf32>
      %mul3A_248 = arith.mulf %max3A_245, %mul3A_247 : vector<16xf32>
      %add3A_249 = arith.constant 1.000000e+00 : f32
      %add3A_250 = vector.broadcast %add3A_249 : f32 to vector<16xf32>
      %add3A_251 = arith.addf %mul3A_248, %add3A_250 : vector<16xf32>
      %mul3A_252 = arith.constant 8.000000e-02 : f32
      %mul3A_253 = vector.broadcast %mul3A_252 : f32 to vector<16xf32>
      %mul3A_254 = arith.mulf %add3A_251, %mul3A_253 : vector<16xf32>
      %get3A_255 = arith.index_cast %add3A_239 : i32 to index
      %get3A_256 = tpu.vector_load %arg13[%get3A_255] {strides = array<i32>} : memref<8192xf32, #tpu.memory_space<vmem>>, vector<16xf32>,
      %get3A_257 = vector.shape_cast %get3A_256 : vector<16xf32> to vector<16xf32>
      %mul3A_258 = arith.mulf %mul3A_254, %get3A_257 : vector<16xf32>
      %swap3A_259 = arith.index_cast %add3A_239 : i32 to index
      %swap3A_260 = tpu.vector_load %arg14[%swap3A_259] {strides = array<i32>} : memref<8192xf32, #tpu.memory_space<vmem>>, vector<16xf32>,
      %swap3A_261 = vector.shape_cast %swap3A_260 : vector<16xf32> to vector<16xf32>
      %swap3A_262 = vector.shape_cast %mul3A_258 : vector<16xf32> to vector<16xf32>
      tpu.vector_store %arg14[%swap3A_259], %swap3A_262 {strides = array<i32>} : memref<8192xf32, #tpu.memory_space<vmem>>, vector<16xf32>,
      %mul3A_263 = arith.constant 128 : i32
      %mul3A_264 = arith.muli %scan3A_102, %mul3A_263 : i32
      %add3A_265 = arith.constant 96 : i32
      %add3A_266 = arith.addi %mul3A_264, %add3A_265 : i32
      %get3A_267 = arith.index_cast %add3A_266 : i32 to index
      %get3A_268 = tpu.vector_load %arg14[%get3A_267] {strides = array<i32>} : memref<8192xf32, #tpu.memory_space<vmem>>, vector<16xf32>,
      %get3A_269 = vector.shape_cast %get3A_268 : vector<16xf32> to vector<16xf32>
      %max3A_270 = arith.constant -1.000000e+03 : f32
      %max3A_271 = vector.broadcast %max3A_270 : f32 to vector<16xf32>
      %max3A_272 = arith.maximumf %get3A_269, %max3A_271 : vector<16xf32>
      %mul3A_273 = arith.constant 1.000000e-03 : f32
      %mul3A_274 = vector.broadcast %mul3A_273 : f32 to vector<16xf32>
      %mul3A_275 = arith.mulf %max3A_272, %mul3A_274 : vector<16xf32>
      %add3A_276 = arith.constant 1.000000e+00 : f32
      %add3A_277 = vector.broadcast %add3A_276 : f32 to vector<16xf32>
      %add3A_278 = arith.addf %mul3A_275, %add3A_277 : vector<16xf32>
      %mul3A_279 = arith.constant 8.000000e-02 : f32
      %mul3A_280 = vector.broadcast %mul3A_279 : f32 to vector<16xf32>
      %mul3A_281 = arith.mulf %add3A_278, %mul3A_280 : vector<16xf32>
      %get3A_282 = arith.index_cast %add3A_266 : i32 to index
      %get3A_283 = tpu.vector_load %arg13[%get3A_282] {strides = array<i32>} : memref<8192xf32, #tpu.memory_space<vmem>>, vector<16xf32>,
      %get3A_284 = vector.shape_cast %get3A_283 : vector<16xf32> to vector<16xf32>
      %mul3A_285 = arith.mulf %mul3A_281, %get3A_284 : vector<16xf32>
      %swap3A_286 = arith.index_cast %add3A_266 : i32 to index
      %swap3A_287 = tpu.vector_load %arg14[%swap3A_286] {strides = array<i32>} : memref<8192xf32, #tpu.memory_space<vmem>>, vector<16xf32>,
      %swap3A_288 = vector.shape_cast %swap3A_287 : vector<16xf32> to vector<16xf32>
      %swap3A_289 = vector.shape_cast %mul3A_285 : vector<16xf32> to vector<16xf32>
      tpu.vector_store %arg14[%swap3A_286], %swap3A_289 {strides = array<i32>} : memref<8192xf32, #tpu.memory_space<vmem>>, vector<16xf32>,
      %mul3A_290 = arith.constant 128 : i32
      %mul3A_291 = arith.muli %scan3A_102, %mul3A_290 : i32
      %add3A_292 = arith.constant 112 : i32
      %add3A_293 = arith.addi %mul3A_291, %add3A_292 : i32
      %get3A_294 = arith.index_cast %add3A_293 : i32 to index
      %get3A_295 = tpu.vector_load %arg14[%get3A_294] {strides = array<i32>} : memref<8192xf32, #tpu.memory_space<vmem>>, vector<16xf32>,
      %get3A_296 = vector.shape_cast %get3A_295 : vector<16xf32> to vector<16xf32>
      %max3A_297 = arith.constant -1.000000e+03 : f32
      %max3A_298 = vector.broadcast %max3A_297 : f32 to vector<16xf32>
      %max3A_299 = arith.maximumf %get3A_296, %max3A_298 : vector<16xf32>
      %mul3A_300 = arith.constant 1.000000e-03 : f32
      %mul3A_301 = vector.broadcast %mul3A_300 : f32 to vector<16xf32>
      %mul3A_302 = arith.mulf %max3A_299, %mul3A_301 : vector<16xf32>
      %add3A_303 = arith.constant 1.000000e+00 : f32
      %add3A_304 = vector.broadcast %add3A_303 : f32 to vector<16xf32>
      %add3A_305 = arith.addf %mul3A_302, %add3A_304 : vector<16xf32>
      %mul3A_306 = arith.constant 8.000000e-02 : f32
      %mul3A_307 = vector.broadcast %mul3A_306 : f32 to vector<16xf32>
      %mul3A_308 = arith.mulf %add3A_305, %mul3A_307 : vector<16xf32>
      %get3A_309 = arith.index_cast %add3A_293 : i32 to index
      %get3A_310 = tpu.vector_load %arg13[%get3A_309] {strides = array<i32>} : memref<8192xf32, #tpu.memory_space<vmem>>, vector<16xf32>,
      %get3A_311 = vector.shape_cast %get3A_310 : vector<16xf32> to vector<16xf32>
      %mul3A_312 = arith.mulf %mul3A_308, %get3A_311 : vector<16xf32>
      %swap3A_313 = arith.index_cast %add3A_293 : i32 to index
      %swap3A_314 = tpu.vector_load %arg14[%swap3A_313] {strides = array<i32>} : memref<8192xf32, #tpu.memory_space<vmem>>, vector<16xf32>,
      %swap3A_315 = vector.shape_cast %swap3A_314 : vector<16xf32> to vector<16xf32>
      %swap3A_316 = vector.shape_cast %mul3A_312 : vector<16xf32> to vector<16xf32>
      tpu.vector_store %arg14[%swap3A_313], %swap3A_316 {strides = array<i32>} : memref<8192xf32, #tpu.memory_space<vmem>>, vector<16xf32>,
      %scan3A_317 = arith.constant 0 : i32
      scf.yield %scan3A_317 : i32
    }
    %scan3A_85 = arith.constant 64 : i32
    "tpu.region"() ({
      %run_scoped3A = tpu.sem_alloc : memref<!tpu.dma_semaphore, #tpu.memory_space<semaphore_mem>>
      %dma_start3A = tpu.memref_slice %arg7[%add3A_71] : memref<1048576xf32, #tpu.memory_space<hbm>> -> memref<8192xf32, #tpu.memory_space<hbm>>
      %dma_start3A_102 = tpu.memref_slice %arg7[%add3A_71] : memref<1048576xf32, #tpu.memory_space<hbm>> -> memref<8192xf32, #tpu.memory_space<hbm>>
      tpu.enqueue_dma source(%arg14 : memref<8192xf32, #tpu.memory_space<vmem>>) target(%dma_start3A_102 : memref<8192xf32, #tpu.memory_space<hbm>>) target_semaphore(%run_scoped3A : memref<!tpu.dma_semaphore, #tpu.memory_space<semaphore_mem>>)
      %dma_wait3A = tpu.memref_slice %arg7[%add3A_71] : memref<1048576xf32, #tpu.memory_space<hbm>> -> memref<8192xf32, #tpu.memory_space<hbm>>
      %dma_wait3A_103 = tpu.memref_slice %arg7[%add3A_71] : memref<1048576xf32, #tpu.memory_space<hbm>> -> memref<8192xf32, #tpu.memory_space<hbm>>
      tpu.wait_dma2 semaphore(%run_scoped3A : memref<!tpu.dma_semaphore, #tpu.memory_space<semaphore_mem>>) src(%arg14 : memref<8192xf32, #tpu.memory_space<vmem>>) dst(%dma_wait3A_103 : memref<8192xf32, #tpu.memory_space<hbm>>)
      tpu.yield
    }) : () -> ()
    %add3A_86 = arith.constant 24576 : i32
    %add3A_87 = arith.addi %mul3A_2, %add3A_86 : i32
    %scan3A_88 = arith.constant 0 : i32
    %scan3A_89 = arith.constant 0 : i32
    %scan3A_90 = arith.constant 64 : i32
    %scan3A_91 = arith.addi %scan3A_89, %scan3A_90 : i32
    %scan3A_92 = arith.constant 1 : i32
    %scan3A_93 = scf.for %scan3A_102 = %scan3A_89 to %scan3A_91 step %scan3A_92 iter_args(%scan3A_103 = %scan3A_88) -> (i32)  : i32 {
      %mul3A_104 = arith.constant 128 : i32
      %mul3A_105 = arith.muli %scan3A_102, %mul3A_104 : i32
      %dma_wait3A = tpu.memref_slice %arg17[%mul3A_105] : memref<8192xf32, #tpu.memory_space<vmem>> -> memref<128xf32, #tpu.memory_space<vmem>>
      %dma_wait3A_106 = tpu.memref_slice %arg15[%mul3A_105] : memref<8192xi32, #tpu.memory_space<vmem>> -> memref<128xi32, #tpu.memory_space<vmem>>
      %dma_wait3A_107 = arith.constant 0 : i32
      %dma_wait3A_108 = tpu.memref_slice %arg6[%dma_wait3A_107] : memref<67108864xf32, #tpu.memory_space<hbm>> -> memref<67108864xf32, #tpu.memory_space<hbm>>
      tpu.wait_indirect_dma semaphore(%arg19 : memref<!tpu.dma_semaphore, #tpu.memory_space<semaphore_mem>>) src(%dma_wait3A_108 : memref<67108864xf32, #tpu.memory_space<hbm>>) dst(%dma_wait3A : memref<128xf32, #tpu.memory_space<vmem>>)
      %scan3A_109 = arith.constant 0 : i32
      scf.yield %scan3A_109 : i32
    }
    %scan3A_94 = arith.constant 64 : i32
    %scan3A_95 = arith.constant 0 : i32
    %scan3A_96 = arith.constant 0 : i32
    %scan3A_97 = arith.constant 64 : i32
    %scan3A_98 = arith.addi %scan3A_96, %scan3A_97 : i32
    %scan3A_99 = arith.constant 1 : i32
    %scan3A_100 = scf.for %scan3A_102 = %scan3A_96 to %scan3A_98 step %scan3A_99 iter_args(%scan3A_103 = %scan3A_95) -> (i32)  : i32 {
      %mul3A_104 = arith.constant 128 : i32
      %mul3A_105 = arith.muli %scan3A_102, %mul3A_104 : i32
      %add3A_106 = arith.constant 0 : i32
      %add3A_107 = arith.addi %mul3A_105, %add3A_106 : i32
      %get3A = arith.index_cast %add3A_107 : i32 to index
      %get3A_108 = tpu.vector_load %arg17[%get3A] {strides = array<i32>} : memref<8192xf32, #tpu.memory_space<vmem>>, vector<16xf32>,
      %get3A_109 = vector.shape_cast %get3A_108 : vector<16xf32> to vector<16xf32>
      %max3A = arith.constant -1.000000e+03 : f32
      %max3A_110 = vector.broadcast %max3A : f32 to vector<16xf32>
      %max3A_111 = arith.maximumf %get3A_109, %max3A_110 : vector<16xf32>
      %mul3A_112 = arith.constant 1.000000e-03 : f32
      %mul3A_113 = vector.broadcast %mul3A_112 : f32 to vector<16xf32>
      %mul3A_114 = arith.mulf %max3A_111, %mul3A_113 : vector<16xf32>
      %add3A_115 = arith.constant 1.000000e+00 : f32
      %add3A_116 = vector.broadcast %add3A_115 : f32 to vector<16xf32>
      %add3A_117 = arith.addf %mul3A_114, %add3A_116 : vector<16xf32>
      %mul3A_118 = arith.constant 8.000000e-02 : f32
      %mul3A_119 = vector.broadcast %mul3A_118 : f32 to vector<16xf32>
      %mul3A_120 = arith.mulf %add3A_117, %mul3A_119 : vector<16xf32>
      %get3A_121 = arith.index_cast %add3A_107 : i32 to index
      %get3A_122 = tpu.vector_load %arg16[%get3A_121] {strides = array<i32>} : memref<8192xf32, #tpu.memory_space<vmem>>, vector<16xf32>,
      %get3A_123 = vector.shape_cast %get3A_122 : vector<16xf32> to vector<16xf32>
      %mul3A_124 = arith.mulf %mul3A_120, %get3A_123 : vector<16xf32>
      %swap3A = arith.index_cast %add3A_107 : i32 to index
      %swap3A_125 = tpu.vector_load %arg17[%swap3A] {strides = array<i32>} : memref<8192xf32, #tpu.memory_space<vmem>>, vector<16xf32>,
      %swap3A_126 = vector.shape_cast %swap3A_125 : vector<16xf32> to vector<16xf32>
      %swap3A_127 = vector.shape_cast %mul3A_124 : vector<16xf32> to vector<16xf32>
      tpu.vector_store %arg17[%swap3A], %swap3A_127 {strides = array<i32>} : memref<8192xf32, #tpu.memory_space<vmem>>, vector<16xf32>,
      %mul3A_128 = arith.constant 128 : i32
      %mul3A_129 = arith.muli %scan3A_102, %mul3A_128 : i32
      %add3A_130 = arith.constant 16 : i32
      %add3A_131 = arith.addi %mul3A_129, %add3A_130 : i32
      %get3A_132 = arith.index_cast %add3A_131 : i32 to index
      %get3A_133 = tpu.vector_load %arg17[%get3A_132] {strides = array<i32>} : memref<8192xf32, #tpu.memory_space<vmem>>, vector<16xf32>,
      %get3A_134 = vector.shape_cast %get3A_133 : vector<16xf32> to vector<16xf32>
      %max3A_135 = arith.constant -1.000000e+03 : f32
      %max3A_136 = vector.broadcast %max3A_135 : f32 to vector<16xf32>
      %max3A_137 = arith.maximumf %get3A_134, %max3A_136 : vector<16xf32>
      %mul3A_138 = arith.constant 1.000000e-03 : f32
      %mul3A_139 = vector.broadcast %mul3A_138 : f32 to vector<16xf32>
      %mul3A_140 = arith.mulf %max3A_137, %mul3A_139 : vector<16xf32>
      %add3A_141 = arith.constant 1.000000e+00 : f32
      %add3A_142 = vector.broadcast %add3A_141 : f32 to vector<16xf32>
      %add3A_143 = arith.addf %mul3A_140, %add3A_142 : vector<16xf32>
      %mul3A_144 = arith.constant 8.000000e-02 : f32
      %mul3A_145 = vector.broadcast %mul3A_144 : f32 to vector<16xf32>
      %mul3A_146 = arith.mulf %add3A_143, %mul3A_145 : vector<16xf32>
      %get3A_147 = arith.index_cast %add3A_131 : i32 to index
      %get3A_148 = tpu.vector_load %arg16[%get3A_147] {strides = array<i32>} : memref<8192xf32, #tpu.memory_space<vmem>>, vector<16xf32>,
      %get3A_149 = vector.shape_cast %get3A_148 : vector<16xf32> to vector<16xf32>
      %mul3A_150 = arith.mulf %mul3A_146, %get3A_149 : vector<16xf32>
      %swap3A_151 = arith.index_cast %add3A_131 : i32 to index
      %swap3A_152 = tpu.vector_load %arg17[%swap3A_151] {strides = array<i32>} : memref<8192xf32, #tpu.memory_space<vmem>>, vector<16xf32>,
      %swap3A_153 = vector.shape_cast %swap3A_152 : vector<16xf32> to vector<16xf32>
      %swap3A_154 = vector.shape_cast %mul3A_150 : vector<16xf32> to vector<16xf32>
      tpu.vector_store %arg17[%swap3A_151], %swap3A_154 {strides = array<i32>} : memref<8192xf32, #tpu.memory_space<vmem>>, vector<16xf32>,
      %mul3A_155 = arith.constant 128 : i32
      %mul3A_156 = arith.muli %scan3A_102, %mul3A_155 : i32
      %add3A_157 = arith.constant 32 : i32
      %add3A_158 = arith.addi %mul3A_156, %add3A_157 : i32
      %get3A_159 = arith.index_cast %add3A_158 : i32 to index
      %get3A_160 = tpu.vector_load %arg17[%get3A_159] {strides = array<i32>} : memref<8192xf32, #tpu.memory_space<vmem>>, vector<16xf32>,
      %get3A_161 = vector.shape_cast %get3A_160 : vector<16xf32> to vector<16xf32>
      %max3A_162 = arith.constant -1.000000e+03 : f32
      %max3A_163 = vector.broadcast %max3A_162 : f32 to vector<16xf32>
      %max3A_164 = arith.maximumf %get3A_161, %max3A_163 : vector<16xf32>
      %mul3A_165 = arith.constant 1.000000e-03 : f32
      %mul3A_166 = vector.broadcast %mul3A_165 : f32 to vector<16xf32>
      %mul3A_167 = arith.mulf %max3A_164, %mul3A_166 : vector<16xf32>
      %add3A_168 = arith.constant 1.000000e+00 : f32
      %add3A_169 = vector.broadcast %add3A_168 : f32 to vector<16xf32>
      %add3A_170 = arith.addf %mul3A_167, %add3A_169 : vector<16xf32>
      %mul3A_171 = arith.constant 8.000000e-02 : f32
      %mul3A_172 = vector.broadcast %mul3A_171 : f32 to vector<16xf32>
      %mul3A_173 = arith.mulf %add3A_170, %mul3A_172 : vector<16xf32>
      %get3A_174 = arith.index_cast %add3A_158 : i32 to index
      %get3A_175 = tpu.vector_load %arg16[%get3A_174] {strides = array<i32>} : memref<8192xf32, #tpu.memory_space<vmem>>, vector<16xf32>,
      %get3A_176 = vector.shape_cast %get3A_175 : vector<16xf32> to vector<16xf32>
      %mul3A_177 = arith.mulf %mul3A_173, %get3A_176 : vector<16xf32>
      %swap3A_178 = arith.index_cast %add3A_158 : i32 to index
      %swap3A_179 = tpu.vector_load %arg17[%swap3A_178] {strides = array<i32>} : memref<8192xf32, #tpu.memory_space<vmem>>, vector<16xf32>,
      %swap3A_180 = vector.shape_cast %swap3A_179 : vector<16xf32> to vector<16xf32>
      %swap3A_181 = vector.shape_cast %mul3A_177 : vector<16xf32> to vector<16xf32>
      tpu.vector_store %arg17[%swap3A_178], %swap3A_181 {strides = array<i32>} : memref<8192xf32, #tpu.memory_space<vmem>>, vector<16xf32>,
      %mul3A_182 = arith.constant 128 : i32
      %mul3A_183 = arith.muli %scan3A_102, %mul3A_182 : i32
      %add3A_184 = arith.constant 48 : i32
      %add3A_185 = arith.addi %mul3A_183, %add3A_184 : i32
      %get3A_186 = arith.index_cast %add3A_185 : i32 to index
      %get3A_187 = tpu.vector_load %arg17[%get3A_186] {strides = array<i32>} : memref<8192xf32, #tpu.memory_space<vmem>>, vector<16xf32>,
      %get3A_188 = vector.shape_cast %get3A_187 : vector<16xf32> to vector<16xf32>
      %max3A_189 = arith.constant -1.000000e+03 : f32
      %max3A_190 = vector.broadcast %max3A_189 : f32 to vector<16xf32>
      %max3A_191 = arith.maximumf %get3A_188, %max3A_190 : vector<16xf32>
      %mul3A_192 = arith.constant 1.000000e-03 : f32
      %mul3A_193 = vector.broadcast %mul3A_192 : f32 to vector<16xf32>
      %mul3A_194 = arith.mulf %max3A_191, %mul3A_193 : vector<16xf32>
      %add3A_195 = arith.constant 1.000000e+00 : f32
      %add3A_196 = vector.broadcast %add3A_195 : f32 to vector<16xf32>
      %add3A_197 = arith.addf %mul3A_194, %add3A_196 : vector<16xf32>
      %mul3A_198 = arith.constant 8.000000e-02 : f32
      %mul3A_199 = vector.broadcast %mul3A_198 : f32 to vector<16xf32>
      %mul3A_200 = arith.mulf %add3A_197, %mul3A_199 : vector<16xf32>
      %get3A_201 = arith.index_cast %add3A_185 : i32 to index
      %get3A_202 = tpu.vector_load %arg16[%get3A_201] {strides = array<i32>} : memref<8192xf32, #tpu.memory_space<vmem>>, vector<16xf32>,
      %get3A_203 = vector.shape_cast %get3A_202 : vector<16xf32> to vector<16xf32>
      %mul3A_204 = arith.mulf %mul3A_200, %get3A_203 : vector<16xf32>
      %swap3A_205 = arith.index_cast %add3A_185 : i32 to index
      %swap3A_206 = tpu.vector_load %arg17[%swap3A_205] {strides = array<i32>} : memref<8192xf32, #tpu.memory_space<vmem>>, vector<16xf32>,
      %swap3A_207 = vector.shape_cast %swap3A_206 : vector<16xf32> to vector<16xf32>
      %swap3A_208 = vector.shape_cast %mul3A_204 : vector<16xf32> to vector<16xf32>
      tpu.vector_store %arg17[%swap3A_205], %swap3A_208 {strides = array<i32>} : memref<8192xf32, #tpu.memory_space<vmem>>, vector<16xf32>,
      %mul3A_209 = arith.constant 128 : i32
      %mul3A_210 = arith.muli %scan3A_102, %mul3A_209 : i32
      %add3A_211 = arith.constant 64 : i32
      %add3A_212 = arith.addi %mul3A_210, %add3A_211 : i32
      %get3A_213 = arith.index_cast %add3A_212 : i32 to index
      %get3A_214 = tpu.vector_load %arg17[%get3A_213] {strides = array<i32>} : memref<8192xf32, #tpu.memory_space<vmem>>, vector<16xf32>,
      %get3A_215 = vector.shape_cast %get3A_214 : vector<16xf32> to vector<16xf32>
      %max3A_216 = arith.constant -1.000000e+03 : f32
      %max3A_217 = vector.broadcast %max3A_216 : f32 to vector<16xf32>
      %max3A_218 = arith.maximumf %get3A_215, %max3A_217 : vector<16xf32>
      %mul3A_219 = arith.constant 1.000000e-03 : f32
      %mul3A_220 = vector.broadcast %mul3A_219 : f32 to vector<16xf32>
      %mul3A_221 = arith.mulf %max3A_218, %mul3A_220 : vector<16xf32>
      %add3A_222 = arith.constant 1.000000e+00 : f32
      %add3A_223 = vector.broadcast %add3A_222 : f32 to vector<16xf32>
      %add3A_224 = arith.addf %mul3A_221, %add3A_223 : vector<16xf32>
      %mul3A_225 = arith.constant 8.000000e-02 : f32
      %mul3A_226 = vector.broadcast %mul3A_225 : f32 to vector<16xf32>
      %mul3A_227 = arith.mulf %add3A_224, %mul3A_226 : vector<16xf32>
      %get3A_228 = arith.index_cast %add3A_212 : i32 to index
      %get3A_229 = tpu.vector_load %arg16[%get3A_228] {strides = array<i32>} : memref<8192xf32, #tpu.memory_space<vmem>>, vector<16xf32>,
      %get3A_230 = vector.shape_cast %get3A_229 : vector<16xf32> to vector<16xf32>
      %mul3A_231 = arith.mulf %mul3A_227, %get3A_230 : vector<16xf32>
      %swap3A_232 = arith.index_cast %add3A_212 : i32 to index
      %swap3A_233 = tpu.vector_load %arg17[%swap3A_232] {strides = array<i32>} : memref<8192xf32, #tpu.memory_space<vmem>>, vector<16xf32>,
      %swap3A_234 = vector.shape_cast %swap3A_233 : vector<16xf32> to vector<16xf32>
      %swap3A_235 = vector.shape_cast %mul3A_231 : vector<16xf32> to vector<16xf32>
      tpu.vector_store %arg17[%swap3A_232], %swap3A_235 {strides = array<i32>} : memref<8192xf32, #tpu.memory_space<vmem>>, vector<16xf32>,
      %mul3A_236 = arith.constant 128 : i32
      %mul3A_237 = arith.muli %scan3A_102, %mul3A_236 : i32
      %add3A_238 = arith.constant 80 : i32
      %add3A_239 = arith.addi %mul3A_237, %add3A_238 : i32
      %get3A_240 = arith.index_cast %add3A_239 : i32 to index
      %get3A_241 = tpu.vector_load %arg17[%get3A_240] {strides = array<i32>} : memref<8192xf32, #tpu.memory_space<vmem>>, vector<16xf32>,
      %get3A_242 = vector.shape_cast %get3A_241 : vector<16xf32> to vector<16xf32>
      %max3A_243 = arith.constant -1.000000e+03 : f32
      %max3A_244 = vector.broadcast %max3A_243 : f32 to vector<16xf32>
      %max3A_245 = arith.maximumf %get3A_242, %max3A_244 : vector<16xf32>
      %mul3A_246 = arith.constant 1.000000e-03 : f32
      %mul3A_247 = vector.broadcast %mul3A_246 : f32 to vector<16xf32>
      %mul3A_248 = arith.mulf %max3A_245, %mul3A_247 : vector<16xf32>
      %add3A_249 = arith.constant 1.000000e+00 : f32
      %add3A_250 = vector.broadcast %add3A_249 : f32 to vector<16xf32>
      %add3A_251 = arith.addf %mul3A_248, %add3A_250 : vector<16xf32>
      %mul3A_252 = arith.constant 8.000000e-02 : f32
      %mul3A_253 = vector.broadcast %mul3A_252 : f32 to vector<16xf32>
      %mul3A_254 = arith.mulf %add3A_251, %mul3A_253 : vector<16xf32>
      %get3A_255 = arith.index_cast %add3A_239 : i32 to index
      %get3A_256 = tpu.vector_load %arg16[%get3A_255] {strides = array<i32>} : memref<8192xf32, #tpu.memory_space<vmem>>, vector<16xf32>,
      %get3A_257 = vector.shape_cast %get3A_256 : vector<16xf32> to vector<16xf32>
      %mul3A_258 = arith.mulf %mul3A_254, %get3A_257 : vector<16xf32>
      %swap3A_259 = arith.index_cast %add3A_239 : i32 to index
      %swap3A_260 = tpu.vector_load %arg17[%swap3A_259] {strides = array<i32>} : memref<8192xf32, #tpu.memory_space<vmem>>, vector<16xf32>,
      %swap3A_261 = vector.shape_cast %swap3A_260 : vector<16xf32> to vector<16xf32>
      %swap3A_262 = vector.shape_cast %mul3A_258 : vector<16xf32> to vector<16xf32>
      tpu.vector_store %arg17[%swap3A_259], %swap3A_262 {strides = array<i32>} : memref<8192xf32, #tpu.memory_space<vmem>>, vector<16xf32>,
      %mul3A_263 = arith.constant 128 : i32
      %mul3A_264 = arith.muli %scan3A_102, %mul3A_263 : i32
      %add3A_265 = arith.constant 96 : i32
      %add3A_266 = arith.addi %mul3A_264, %add3A_265 : i32
      %get3A_267 = arith.index_cast %add3A_266 : i32 to index
      %get3A_268 = tpu.vector_load %arg17[%get3A_267] {strides = array<i32>} : memref<8192xf32, #tpu.memory_space<vmem>>, vector<16xf32>,
      %get3A_269 = vector.shape_cast %get3A_268 : vector<16xf32> to vector<16xf32>
      %max3A_270 = arith.constant -1.000000e+03 : f32
      %max3A_271 = vector.broadcast %max3A_270 : f32 to vector<16xf32>
      %max3A_272 = arith.maximumf %get3A_269, %max3A_271 : vector<16xf32>
      %mul3A_273 = arith.constant 1.000000e-03 : f32
      %mul3A_274 = vector.broadcast %mul3A_273 : f32 to vector<16xf32>
      %mul3A_275 = arith.mulf %max3A_272, %mul3A_274 : vector<16xf32>
      %add3A_276 = arith.constant 1.000000e+00 : f32
      %add3A_277 = vector.broadcast %add3A_276 : f32 to vector<16xf32>
      %add3A_278 = arith.addf %mul3A_275, %add3A_277 : vector<16xf32>
      %mul3A_279 = arith.constant 8.000000e-02 : f32
      %mul3A_280 = vector.broadcast %mul3A_279 : f32 to vector<16xf32>
      %mul3A_281 = arith.mulf %add3A_278, %mul3A_280 : vector<16xf32>
      %get3A_282 = arith.index_cast %add3A_266 : i32 to index
      %get3A_283 = tpu.vector_load %arg16[%get3A_282] {strides = array<i32>} : memref<8192xf32, #tpu.memory_space<vmem>>, vector<16xf32>,
      %get3A_284 = vector.shape_cast %get3A_283 : vector<16xf32> to vector<16xf32>
      %mul3A_285 = arith.mulf %mul3A_281, %get3A_284 : vector<16xf32>
      %swap3A_286 = arith.index_cast %add3A_266 : i32 to index
      %swap3A_287 = tpu.vector_load %arg17[%swap3A_286] {strides = array<i32>} : memref<8192xf32, #tpu.memory_space<vmem>>, vector<16xf32>,
      %swap3A_288 = vector.shape_cast %swap3A_287 : vector<16xf32> to vector<16xf32>
      %swap3A_289 = vector.shape_cast %mul3A_285 : vector<16xf32> to vector<16xf32>
      tpu.vector_store %arg17[%swap3A_286], %swap3A_289 {strides = array<i32>} : memref<8192xf32, #tpu.memory_space<vmem>>, vector<16xf32>,
      %mul3A_290 = arith.constant 128 : i32
      %mul3A_291 = arith.muli %scan3A_102, %mul3A_290 : i32
      %add3A_292 = arith.constant 112 : i32
      %add3A_293 = arith.addi %mul3A_291, %add3A_292 : i32
      %get3A_294 = arith.index_cast %add3A_293 : i32 to index
      %get3A_295 = tpu.vector_load %arg17[%get3A_294] {strides = array<i32>} : memref<8192xf32, #tpu.memory_space<vmem>>, vector<16xf32>,
      %get3A_296 = vector.shape_cast %get3A_295 : vector<16xf32> to vector<16xf32>
      %max3A_297 = arith.constant -1.000000e+03 : f32
      %max3A_298 = vector.broadcast %max3A_297 : f32 to vector<16xf32>
      %max3A_299 = arith.maximumf %get3A_296, %max3A_298 : vector<16xf32>
      %mul3A_300 = arith.constant 1.000000e-03 : f32
      %mul3A_301 = vector.broadcast %mul3A_300 : f32 to vector<16xf32>
      %mul3A_302 = arith.mulf %max3A_299, %mul3A_301 : vector<16xf32>
      %add3A_303 = arith.constant 1.000000e+00 : f32
      %add3A_304 = vector.broadcast %add3A_303 : f32 to vector<16xf32>
      %add3A_305 = arith.addf %mul3A_302, %add3A_304 : vector<16xf32>
      %mul3A_306 = arith.constant 8.000000e-02 : f32
      %mul3A_307 = vector.broadcast %mul3A_306 : f32 to vector<16xf32>
      %mul3A_308 = arith.mulf %add3A_305, %mul3A_307 : vector<16xf32>
      %get3A_309 = arith.index_cast %add3A_293 : i32 to index
      %get3A_310 = tpu.vector_load %arg16[%get3A_309] {strides = array<i32>} : memref<8192xf32, #tpu.memory_space<vmem>>, vector<16xf32>,
      %get3A_311 = vector.shape_cast %get3A_310 : vector<16xf32> to vector<16xf32>
      %mul3A_312 = arith.mulf %mul3A_308, %get3A_311 : vector<16xf32>
      %swap3A_313 = arith.index_cast %add3A_293 : i32 to index
      %swap3A_314 = tpu.vector_load %arg17[%swap3A_313] {strides = array<i32>} : memref<8192xf32, #tpu.memory_space<vmem>>, vector<16xf32>,
      %swap3A_315 = vector.shape_cast %swap3A_314 : vector<16xf32> to vector<16xf32>
      %swap3A_316 = vector.shape_cast %mul3A_312 : vector<16xf32> to vector<16xf32>
      tpu.vector_store %arg17[%swap3A_313], %swap3A_316 {strides = array<i32>} : memref<8192xf32, #tpu.memory_space<vmem>>, vector<16xf32>,
      %scan3A_317 = arith.constant 0 : i32
      scf.yield %scan3A_317 : i32
    }
    %scan3A_101 = arith.constant 64 : i32
    "tpu.region"() ({
      %run_scoped3A = tpu.sem_alloc : memref<!tpu.dma_semaphore, #tpu.memory_space<semaphore_mem>>
      %dma_start3A = tpu.memref_slice %arg7[%add3A_87] : memref<1048576xf32, #tpu.memory_space<hbm>> -> memref<8192xf32, #tpu.memory_space<hbm>>
      %dma_start3A_102 = tpu.memref_slice %arg7[%add3A_87] : memref<1048576xf32, #tpu.memory_space<hbm>> -> memref<8192xf32, #tpu.memory_space<hbm>>
      tpu.enqueue_dma source(%arg17 : memref<8192xf32, #tpu.memory_space<vmem>>) target(%dma_start3A_102 : memref<8192xf32, #tpu.memory_space<hbm>>) target_semaphore(%run_scoped3A : memref<!tpu.dma_semaphore, #tpu.memory_space<semaphore_mem>>)
      %dma_wait3A = tpu.memref_slice %arg7[%add3A_87] : memref<1048576xf32, #tpu.memory_space<hbm>> -> memref<8192xf32, #tpu.memory_space<hbm>>
      %dma_wait3A_103 = tpu.memref_slice %arg7[%add3A_87] : memref<1048576xf32, #tpu.memory_space<hbm>> -> memref<8192xf32, #tpu.memory_space<hbm>>
      tpu.wait_dma2 semaphore(%run_scoped3A : memref<!tpu.dma_semaphore, #tpu.memory_space<semaphore_mem>>) src(%arg17 : memref<8192xf32, #tpu.memory_space<vmem>>) dst(%dma_wait3A_103 : memref<8192xf32, #tpu.memory_space<hbm>>)
      tpu.yield
    }) : () -> ()
    return
  }
}

</mosaic_0001>

<sc_bundles>
// kernel: kernel.3.cloned.1.call-start
scs
__scs_entry_jumppad:
0x0: {  	(pc) =	sbr.rel $0x88, $3  }
0x1: {  	(tag) =	ssettag $0x0;
	lr =	simm.s32 $0x1  }
0x2: {  	[smem:$0x3F9E] =	sst lr;
	_ =	strace $0xD0000000  }
0x3: {  	_ = 	snop  }
0x4: {  	_ = 	snop  }
0x5: {  	_ = 	snop  }
0x6: {  	_ = 	snop  }
0x7: {  	_ = 	snop  }
__scs_overlays_trampoline_lowered:
0x8: {  	[smem:$0x3FAD] =	sst s0  }
0x9: {  	[smem:$0x3FAE] =	sst s1  }
0xa: {  	[smem:$0x3FAF] =	sst s2  }
0xb: {  	[smem:$0x3FB0] =	sst s3  }
0xc: {  	[smem:$0x3FB1] =	sst s4  }
0xd: {  	[smem:$0x3FB2] =	sst s5  }
0xe: {  	[smem:$0x3FB3] =	sst s6  }
0xf: {  	[smem:$0x3FB4] =	sst s7  }
0x10: {  	[smem:$0x3FB5] =	sst s8  }
0x11: {  	[smem:$0x3FB6] =	sst s9;
	s0 =	simm.s32 @!p0 $0x0  }
0x12: {  	s1 =	sld [smem:$0x3F9C];
	s0 =	simm.s32 @p0 $0x1  }
0x13: {  	[smem:$0x3FB7] =	sst s0;
	s0 =	simm.s32 @!p1 $0x0  }
0x14: {  	s2 =	sld [smem:$0x3F9B];
	s0 =	simm.s32 @p1 $0x1  }
0x15: {  	[smem:$0x3FB8] =	sst s0;
	s0 =	simm.s32 @!p2 $0x0  }
0x16: {  	s3 =	sld [smem:$0x3FDB];
	s0 =	simm.s32 @p2 $0x1  }
0x17: {  	s4 =	simm.s32 $0x1BF5;
	[smem:$0x3FBA] =	sst s0  }
0x18: {  	s0 =	sld [smem:$0x3F9D];
	_ =	swait.ge [sflag:s4], $0x0  }
0x19: {  	s7 =	sld [smem:$0x3F9E]  }
0x1a: {  	s8 =	sadd.s32 $0xFFFFE003, lr  }
0x1b: {  	s9 =	sadd.s32 $0xFFFFFEF7, lr;
	s5 =	simm.s32 $0xFFFFFFFF;
	p2 =	slt.u32 s8, $0xFFFFF086  }
0x1c: {  	p1 =	slt.u32 s9, $0xF7A;
	s5 =	simm.s32 @!p2 $0x0  }
0x1d: {  	s5 =	simm.s32 @p1 $0x1;
	p0 =	seq.s32 s7, s2  }
0x1e: {  	s7 =	smul.u32 @!p0 $0xF7A, s2;
	p2 =	seq.s32 @!p0 s5, $0x0  }
0x1f: {  	s9 =	smul.u32 $0xF7A, s1;
	s8 =	simm.s32 @!p0 $0x1BF5;
	p2 =	por !p2, p0  }
0x20: {  	[sflag:s8] =	ssyncset.s32 @!p0 $0xFFFFF086;
	s6 =	sadd.s32 @!p0 s3, s7;
	s7 =	simm.s32 @!p0 $0x108  }
0x21: {  	s3 =	sadd.s32 s3, s9;
	s6 =	sadd.s32 @!p0 $0x88, s6;
	s7 =	simm.s32 @p2 $0x1082  }
0x22: {  	[simem:s7], [sflag:s8] =	dma.local @!p0 [hbm:s6], $0xF7A  }
0x23: {  	s9 =	sor.u32 $0xD0000000, s2;
	s6 =	simm.s32 $0x108;
	_ =	swait.ge @!p0 [sflag:s8], $0x0  }
0x24: {  	s3 =	sadd.s32 $0x88, s3;
	s6 =	simm.s32 @!p1 $0x1082;
	[sflag:s4] =	ssyncset.s32 $0xFFFFF086  }
0x25: {  	[simem:s6], [sflag:s4] =	dma.local [hbm:s3], $0xF7A  }
0x26: {  	[smem:$0x3F9E] =	sst s1;
	(tag) =	ssettag s2;
	_ =	strace s9  }
0x27: {  	s1 =	sld [smem:$0x3FAE]  }
0x28: {  	s2 =	sld [smem:$0x3FAF]  }
0x29: {  	s4 =	sld [smem:$0x3FB1]  }
0x2a: {  	p0 =	seq.s32 s5, $0x0;
	s5 =	sld [smem:$0x3FB2]  }
0x2b: {  	s6 =	sld [smem:$0x3FB3]  }
0x2c: {  	s7 =	sld [smem:$0x3FB4]  }
0x2d: {  	s3 =	simm.s32 $0x108;
	s8 =	sld [smem:$0x3FB5]  }
0x2e: {  	s3 =	simm.s32 @!p0 $0x1082;
	s9 =	sld [smem:$0x3FB6]  }
0x2f: {  	lr =	sadd.s32 s0, s3;
	s0 =	sld [smem:$0x3FAD]  }
0x30: {  	s3 =	sld [smem:$0x3FB0]  }
0x31: {  	[smem:$0x3FB9] =	sst s10  }
0x32: {  	s10 =	sld [smem:$0x3FB7];
	_ =	sdelay $0x3  }
0x33: {  	p0 =	seq.s32 s10, $0x1;
	s10 =	sld [smem:$0x3FB9];
	_ =	sdelay $0x3  }
0x34: {  	[smem:$0x3FB9] =	sst s10  }
0x35: {  	s10 =	sld [smem:$0x3FB8];
	_ =	sdelay $0x3  }
0x36: {  	p1 =	seq.s32 s10, $0x1;
	s10 =	sld [smem:$0x3FB9];
	_ =	sdelay $0x3  }
0x37: {  	[smem:$0x3FB9] =	sst s10  }
0x38: {  	s10 =	sld [smem:$0x3FBA]  }
0x39: {  	_ = 	snop;
	(pc) =	sbr.ind lr, $3  }
0x3a: {  	_ = 	snop  }
0x3b: {  	_ = 	snop  }
0x3c: {  	p2 =	seq.s32 s10, $0x1;
	s10 =	sld [smem:$0x3FB9]  }
0x3d: {  	_ =	shalt  }
0x3e: {  	_ =	shalt  }
0x3f: {  	_ =	shalt  }
0x40: {  	_ =	shalt  }
0x41: {  	_ =	shalt  }
0x42: {  	_ =	shalt  }
0x43: {  	_ =	shalt  }
0x44: {  	_ =	shalt  }
0x45: {  	_ =	shalt  }
0x46: {  	_ =	shalt  }
0x47: {  	_ =	shalt  }
0x48: {  	_ =	shalt  }
0x49: {  	_ =	shalt  }
0x4a: {  	_ =	shalt  }
0x4b: {  	_ =	shalt  }
0x4c: {  	_ =	shalt  }
0x4d: {  	_ =	shalt  }
0x4e: {  	_ =	shalt  }
0x4f: {  	_ =	shalt  }
0x50: {  	_ =	shalt  }
0x51: {  	_ =	shalt  }
0x52: {  	_ =	shalt  }
0x53: {  	_ =	shalt  }
0x54: {  	_ =	shalt  }
0x55: {  	_ =	shalt  }
0x56: {  	_ =	shalt  }
0x57: {  	_ =	shalt  }
0x58: {  	_ =	shalt  }
0x59: {  	_ =	shalt  }
0x5a: {  	_ =	shalt  }
0x5b: {  	_ =	shalt  }
0x5c: {  	_ =	shalt  }
0x5d: {  	_ =	shalt  }
0x5e: {  	_ =	shalt  }
0x5f: {  	_ =	shalt  }
0x60: {  	_ =	shalt  }
0x61: {  	_ =	shalt  }
0x62: {  	_ =	shalt  }
0x63: {  	_ =	shalt  }
0x64: {  	_ =	shalt  }
0x65: {  	_ =	shalt  }
0x66: {  	_ =	shalt  }
0x67: {  	_ =	shalt  }
0x68: {  	_ =	shalt  }
0x69: {  	_ =	shalt  }
0x6a: {  	_ =	shalt  }
0x6b: {  	_ =	shalt  }
0x6c: {  	_ =	shalt  }
0x6d: {  	_ =	shalt  }
0x6e: {  	_ =	shalt  }
0x6f: {  	_ =	shalt  }
0x70: {  	_ =	shalt  }
0x71: {  	_ =	shalt  }
0x72: {  	_ =	shalt  }
0x73: {  	_ =	shalt  }
0x74: {  	_ =	shalt  }
0x75: {  	_ =	shalt  }
0x76: {  	_ =	shalt  }
0x77: {  	_ =	shalt  }
0x78: {  	_ =	shalt  }
0x79: {  	_ =	shalt  }
0x7a: {  	_ =	shalt  }
0x7b: {  	_ =	shalt  }
0x7c: {  	_ =	shalt  }
0x7d: {  	_ =	shalt  }
0x7e: {  	_ =	shalt  }
0x7f: {  	_ =	shalt  }
0x80: {  	_ =	shalt  }
0x81: {  	_ =	shalt  }
0x82: {  	_ =	shalt  }
0x83: {  	_ =	shalt  }
0x84: {  	_ =	shalt  }
0x85: {  	_ =	shalt  }
0x86: {  	_ =	shalt  }
0x87: {  	_ =	shalt  }
.Lfunc_end0:
.L_simem_size_0:
called_computation_lowered:
.L_overlay_start_0:
0x88: {  	s2 =	sld [smem:$0x3FD9]  }
0x89: {  	s3 =	sld [smem:$0x3FFE];
	_ =	sdelay $0x1  }
0x8a: {  	s1 =	srdreg.scid  }
0x8b: {  	s0 =	sand.u32 $0x1, s1  }
0x8c: {  	s17 =	sshll.u32 s0, $0xA;
	s2 =	sadd.s32 s3, s2  }
0x8d: {  	s2 =	sadd.s32 s2, s17  }
0x8e: {  	[smem:$0x3FC5] =	sst s2  }
0x8f: {  	_ = 	snop  }
0x90: {  	s2 =	sld [smem:$0x3FC8]  }
0x91: {  	s18 =	sld [smem:$0x3FD0];
	(tm) =	ssettm $0x1  }
0x92: {  	s4 =	sld [smem:$0x3FFB];
	_ =	sdelay $0x3  }
0x93: {  	_ =	strace s4  }
0x94: {  	s4 =	sld [smem:$0x3FFC];
	_ =	sdelay $0x3  }
0x95: {  	_ =	strace s4  }
0x96: {  	s4 =	sld [smem:$0x3FFD];
	_ =	sdelay $0x3  }
0x97: {  	_ =	strace s4  }
0x98: {  	_ =	strace $0x8FFFFFFF  }
0x99: {  	s19 =	sld [smem:$0x3FDB];
	_ =	sdelay $0x1  }
0x9a: {  	s5 =	simm.s32 $_scs_section_size  }
0x9b: {  	s6 =	simm.s32 $_size__tile_overlayer_lowered;
	s7 =	simm.s32 $_tile_overlayer_lowered  }
0x9c: {  	s22 =	simm.s32 $0x1BFF;
	s21 =	sshll.u32 s7, $0x1;
	s4 =	sadd.s32 s5, s19  }
0x9d: {  	s8 =	simm.s32 $0x0;
	s20 =	sshll.u32 s6, $0x1;
	s6 =	sadd.s32 s21, s4  }
0x9e: {  	[timem:s8], [sflag:s22] =	dma.local [hbm:s6], s20  }
0x9f: {  	_ =	swait.ge [sflag:s22], s20  }
0xa0: {  	s5 =	ssub.s32 $0x0, s20;
	[sflag:s22] =	ssyncset.done $0x0  }
0xa1: {  	[sflag:s22] =	ssyncadd.s32 s5;
	_ =	sdelay $0x1  }
0xa2: {  	s23 =	simm.s32 $0x1B8B  }
0xa3: {  	_ =	swait.ge [sflag:s23], $0x1  }
0xa4: {  	[sflag:s23] =	ssyncset.done $0x0  }
0xa5: {  	s25 =	simm.s32 $0x1B8E;
	s24 =	sld [smem:$0x3FFE];
	[sflag:s23] =	ssyncadd.s32 $0xFFFFFFFF  }
0xa6: {  	s26 =	simm.s32 $execute0_lowered;
	[smem:$0x3FD2] =	sst s25  }
0xa7: {  	s6 =	sshll.u32 s26, $0x1;
	_ =	strace $0x80000046;
	[dreg:$0x1] =	wrdreg $0xFFFFFFFF  }
0xa8: {  	s28 =	simm.s32 $_size_execute0_lowered;
	s4 =	sadd.s32 s4, s6;
	[dreg:$0x0] =	wrdreg $0x0  }
0xa9: {  	s6 =	sshll.u32 s28, $0x1;
	[dreg:$0x2] =	wrdreg s4  }
0xaa: {  	[dreg:$0x3] =	wrdreg s6  }
0xab: {  	[dreg:$0x4] =	wrdreg $0xC0  }
0xac: {  	_ =	task [dreg:s8], $0x5FFFF  }
0xad: {  	[dreg:$0x1] =	wrdreg $0xFFFFFFFF  }
0xae: {  	[dreg:$0x0] =	wrdreg $0x60  }
0xaf: {  	[dreg:$0x2] =	wrdreg s24  }
0xb0: {  	[dreg:$0x3] =	wrdreg s18  }
0xb1: {  	[dreg:$0x4] =	wrdreg s2  }
0xb2: {  	[dreg:$0x5] =	wrdreg $0x9  }
0xb3: {  	_ =	task.clear_ibuf [dreg:s8], $0x6FFFF;
	_ =	strace $0x90000046  }
0xb4: {  	s29 =	simm.s32 $0x9;
	_ =	strace $0x80000048  }
0xb5: {  	_ =	swait.ge [sflag:s29], $0x1  }
0xb6: {  	[sflag:s29] =	ssyncadd.s32 $0xFFFFFFFF  }
0xb7: {  	_ =	strace $0x90000048  }
0xb8: {  	_ =	sfence  }
0xb9: {  	s30 =	sld [smem:$0x0];
	_ =	sdelay $0x2  }
0xba: {  	s31 =	sshll.u32 s1, $0xD;
	s1 =	sshrl.u32 s1, $0x2  }
0xbb: {  	s3 =	sand.u32 $0x4000, s31;
	s1 =	sadd.s32 s1, s30  }
0xbc: {  	s0 =	sor.u32 s3, s0;
	s1 =	sshll.u32 s1, $0x11  }
0xbd: {  	s0 =	sor.u32 s1, s0  }
0xbe: {  	s0 =	sadd.s32 $0x8F2B, s0  }
0xbf: {  	[sflag:s0] =	ssyncadd.remote.s32 $0x1  }
0xc0: {  	_ =	sfence.sel $0xFFFF  }
0xc1: {  	[dreg:$0x0] =	wrdreg $0xFFFFFFFF;
	(pc) =	sbr.abs _section_cstart, $3  }
0xc2: {  	[dreg:$0x1] =	wrdreg $0xFFFFFFFF  }
0xc3: {  	_ =	task.clear_ibuf [dreg:s8], $0x2FFFF;
	_ =	strace $0x9FFFFFFF  }
0xc4: {  	(tm) =	ssettm $0x7FFFFFFF  }
0xc5: {  	_ =	shalt  }
tec
execute0_lowered:
.L_overlay_start_1:
0x0: {  	(tag) =	ssettag $0x1  }
0x1: {  	s0 =	rddreg [dreg:$0x0]  }
0x2: {  	s3 =	rddreg [dreg:$0x1]  }
0x3: {  	s1 =	rddreg [dreg:$0x2];
	s2 =	simm.s32 $0x0  }
0x4: {  	s4 =	srdreg.scid;
	s7 =	stileid.u32;
	s23 =	simm.s32 $0x3  }
0x5: {  	s24 =	simm.s32 $0x2000;
	s25 =	simm.s32 $0x4000;
	s28 =	simm.s32 $0x1  }
0x6: {  	s29 =	simm.s32 $0xA400;
	s30 =	simm.s32 $0x2;
	s31 =	simm.s32 $0x10400  }
0x7: {  	[smem:$0x7FF] =	sst s2;
	s16 =	sadd.s32 $0x20C00, s0;
	s17 =	sadd.s32 $0xC00, s0  }
0x8: {  	s4 =	sand.u32 $0x1, s4;
	s5 =	sadd.s32 $0x40C00, s0;
	s7 =	sshll.u32 s7, $0xD  }
0x9: {  	s0 =	sadd.s32 $0x40E00, s0;
	s26 =	ssub.s32 $0x2, s4;
	s4 =	sshll.u32 s4, $0xC  }
0xa: {  	_ =	strace $0x80000047;
	s6 =	sshrl.u32 s26, $0x1;
	s4 =	sor.u32 s4, s7  }
0xb: {  	[dreg:$0x4] =	wrdreg s5;
	s21 =	ssub.s32 s26, s6;
	s5 =	sadd.s32 s16, s4  }
0xc: {  	s6 =	sadd.s32 s17, s4;
	s15 =	sor.u32 $0x400, s4;
	s7 =	sadd.s32 s3, s4  }
0xd: {  	s11 =	sadd.s32 s0, s4;
	s19 =	sor.u32 $0x800, s4;
	s4 =	sor.u32 $0xC00, s4  }
0xe: {  	s26 =	simm.s32 $0x80;
	s8 =	sadd.s32 s16, s15;
	s9 =	sadd.s32 s17, s15  }
0xf: {  	s10 =	sadd.s32 s3, s15;
	s12 =	sadd.s32 s16, s19;
	s13 =	sadd.s32 s17, s19  }
0x10: {  	s14 =	sadd.s32 s3, s19;
	s15 =	sadd.s32 s0, s15;
	s16 =	sadd.s32 s16, s4  }
0x11: {  	s17 =	sadd.s32 s17, s4;
	s18 =	sadd.s32 s3, s4;
	s19 =	sadd.s32 s0, s19  }
0x12: {  	v0 =	vimm.f32 $1.000000000e+00;
	s20 =	sadd.s32 s0, s4;
	s21 =	smax.u32 s21, $0x1;
	s0 =	simm.s32 $0x0  }
.LBB2_1:
0x13: {  	s3 =	rddreg [dreg:$0x4];
	s4 =	simm.s32 $0x6000  }
0x14: {  	[tilespmem:s4], [sflag:$0x3] =	stream.linear.gather [hbm4b:s3+s2], $0x300, $0x38;
	[tilespmem:$0x12400] =	vst v63  }
0x15: {  	_ =	swait.ge [sflag:s23], $0x300  }
0x16: {  	[sflag:s23] =	ssyncset.done $0x0  }
0x17: {  	[sflag:s23] =	ssyncadd.s32 $0xFFFFFD00  }
0x18: {  	[tilespmem:s2], [sflag:$0x3] =	stream.linear.gather [hbm4b:s5+s2], $0x2000, $0x38;
	[tilespmem:$0x12400] =	vst v63  }
0x19: {  	_ =	swait.ge [sflag:s23], $0x2000  }
0x1a: {  	[sflag:s23] =	ssyncset.done $0x0  }
0x1b: {  	[sflag:s23] =	ssyncadd.s32 $0xFFFFE000  }
0x1c: {  	[tilespmem:s24], [sflag:$0x3] =	stream.linear.gather [hbm4b:s6+s2], $0x2000, $0x38;
	[tilespmem:$0x12400] =	vst v63  }
0x1d: {  	_ =	swait.ge [sflag:s23], $0x2000  }
0x1e: {  	[sflag:s23] =	ssyncset.done $0x0  }
0x1f: {  	[sflag:s23] =	ssyncadd.s32 $0xFFFFE000  }
0x20: {  	[tilespmem:s25], [sflag:$0x3] =	stream.linear.gather [hbm4b:s7+s2], $0x2000, $0x38;
	[tilespmem:$0x12400] =	vst v63  }
0x21: {  	_ =	swait.ge [sflag:s23], $0x2000  }
0x22: {  	[sflag:s23] =	ssyncset.done $0x0  }
0x23: {  	s3 =	simm.s32 $0x0;
	[sflag:s23] =	ssyncadd.s32 $0xFFFFE000  }
.LBB2_2:
0x24: {  	v4 =	vld [tilespmem:$0x6000]  }
0x25: {  	v5 =	vld [tilespmem:$0x6180]  }
0x26: {  	v6 =	vld [tilespmem:$0x6080]  }
0x27: {  	s22 =	sshra.s32 s3, $0x2;
	v7 =	vld [tilespmem:$0x6100]  }
0x28: {  	v1 =	vld [tilespmem:s22+$0x0]  }
0x29: {  	v2 =	vld [tilespmem:s22+$0x2000]  }
0x2a: {  	v3 =	vld [tilespmem:s22+$0x4000]  }
0x2b: {  	v8 =	vld [tilespmem:$0x6200]  }
0x2c: {  	v9 =	vld [tilespmem:$0x6280];
	_ =	sdelay $0x1  }
0x2d: {  	v1 =	vadd.f32 v4, v1;
	v2 =	vadd.f32 v6, v2  }
0x2e: {  	v3 =	vadd.f32 v7, v3  }
0x2f: {  	v1 =	vmul.f32 v5, v1;
	v2 =	vmul.f32 v8, v2  }
0x30: {  	v3 =	vmul.f32 v9, v3  }
0x31: {  	v1 =	vtrunc.f32 v1;
	v2 =	vtrunc.f32 v2  }
0x32: {  	v1 =	vcvt.f32.s32 v1;
	v2 =	vcvt.f32.s32 v2  }
0x33: {  	v3 =	vtrunc.f32 v3  }
0x34: {  	v3 =	vcvt.f32.s32 v3;
	v44 =	vor.u32 v1, v2  }
0x35: {  	vm0 =	vgt.s32 v1, $0x1FF;
	vm1 =	vgt.s32 v2, $0x1FF;
	v45 =	vshll.u32 v2, $0x8  }
0x36: {  	v1 =	vshll.u32 v1, $0x11;
	v2 =	vshll.u32 v2, $0x7;
	v4 =	vor.u32 v3, v44  }
0x37: {  	v46 =	vshll.u32 v3, $0x3;
	vm2 =	vlt.s32 v4, $0x0;
	v4 =	vand.u32 $0xFFFFF800, v45  }
0x38: {  	v47 =	vand.u32 $0x7F, v3;
	v2 =	vand.u32 $0x380, v2;
	v1 =	vadd.s32 v1, v4  }
0x39: {  	vm11 =	vgt.s32 v3, $0xFF;
	vm0 =	vmor vm0, vm1;
	v1 =	vor.u32 v2, v1  }
0x3a: {  	vm0 =	vmor vm0, vm2;
	v2 =	vand.u32 $0xFFFFFC00, v46;
	v1 =	vor.u32 v47, v1  }
0x3b: {  	vm0 =	vmor vm11, vm0;
	v1 =	vadd.s32 v2, v1  }
0x3c: {  	v3 =	vld [tilespmem:s22+$0x2010];
	v1 =	vsel vm0, $0x0, v1  }
0x3d: {  	v2 =	vld [tilespmem:s22+$0x10];
	[tilespmem:s22+$0x6400] =	vst v1;
	v1 =	vsel vm0, $0x0, v0  }
0x3e: {  	[tilespmem:s22+$0x8400] =	vst v1;
	v1 =	vld [tilespmem:s22+$0x4010]  }
0x3f: {  	v48 =	vld [tilespmem:$0x6000]  }
0x40: {  	v49 =	vld [tilespmem:$0x6180]  }
0x41: {  	v50 =	vld [tilespmem:$0x6080]  }
0x42: {  	v51 =	vld [tilespmem:$0x6100]  }
0x43: {  	v52 =	vld [tilespmem:$0x6200]  }
0x44: {  	v53 =	vld [tilespmem:$0x6280];
	_ =	sdelay $0x1  }
0x45: {  	v2 =	vadd.f32 v48, v2;
	v3 =	vadd.f32 v50, v3  }
0x46: {  	v1 =	vadd.f32 v51, v1  }
0x47: {  	v2 =	vmul.f32 v49, v2;
	v3 =	vmul.f32 v52, v3  }
0x48: {  	v1 =	vmul.f32 v53, v1  }
0x49: {  	v2 =	vtrunc.f32 v2;
	v3 =	vtrunc.f32 v3  }
0x4a: {  	v2 =	vcvt.f32.s32 v2;
	v3 =	vcvt.f32.s32 v3  }
0x4b: {  	v1 =	vtrunc.f32 v1  }
0x4c: {  	v1 =	vcvt.f32.s32 v1;
	v54 =	vor.u32 v2, v3  }
0x4d: {  	vm12 =	vgt.s32 v2, $0x1FF;
	vm13 =	vgt.s32 v3, $0x1FF;
	v55 =	vshll.u32 v3, $0x8  }
0x4e: {  	v2 =	vshll.u32 v2, $0x11;
	v3 =	vshll.u32 v3, $0x7;
	v4 =	vor.u32 v1, v54  }
0x4f: {  	v56 =	vshll.u32 v1, $0x3;
	vm14 =	vlt.s32 v4, $0x0;
	v4 =	vand.u32 $0xFFFFF800, v55  }
0x50: {  	v57 =	vand.u32 $0x7F, v1;
	v3 =	vand.u32 $0x380, v3;
	v2 =	vadd.s32 v2, v4  }
0x51: {  	vm15 =	vgt.s32 v1, $0xFF;
	vm0 =	vmor vm12, vm13;
	v2 =	vor.u32 v3, v2  }
0x52: {  	v1 =	vand.u32 $0xFFFFFC00, v56;
	vm0 =	vmor vm0, vm14;
	v2 =	vor.u32 v57, v2  }
0x53: {  	vm0 =	vmor vm15, vm0;
	v1 =	vadd.s32 v1, v2  }
0x54: {  	v3 =	vld [tilespmem:s22+$0x2020];
	v1 =	vsel vm0, $0x0, v1  }
0x55: {  	v2 =	vld [tilespmem:s22+$0x20];
	[tilespmem:s22+$0x6410] =	vst v1;
	v1 =	vsel vm0, $0x0, v0  }
0x56: {  	[tilespmem:s22+$0x8410] =	vst v1;
	v1 =	vld [tilespmem:s22+$0x4020]  }
0x57: {  	v58 =	vld [tilespmem:$0x6000]  }
0x58: {  	v59 =	vld [tilespmem:$0x6180]  }
0x59: {  	v60 =	vld [tilespmem:$0x6080]  }
0x5a: {  	v61 =	vld [tilespmem:$0x6100]  }
0x5b: {  	v62 =	vld [tilespmem:$0x6200]  }
0x5c: {  	v63 =	vld [tilespmem:$0x6280];
	_ =	sdelay $0x1  }
0x5d: {  	v2 =	vadd.f32 v58, v2;
	v3 =	vadd.f32 v60, v3  }
0x5e: {  	v1 =	vadd.f32 v61, v1  }
0x5f: {  	v2 =	vmul.f32 v59, v2;
	v3 =	vmul.f32 v62, v3  }
0x60: {  	v1 =	vmul.f32 v63, v1  }
0x61: {  	v2 =	vtrunc.f32 v2;
	v3 =	vtrunc.f32 v3  }
0x62: {  	v2 =	vcvt.f32.s32 v2;
	v3 =	vcvt.f32.s32 v3  }
0x63: {  	v1 =	vtrunc.f32 v1  }
0x64: {  	v1 =	vcvt.f32.s32 v1;
	v11 =	vor.u32 v2, v3  }
0x65: {  	vm4 =	vgt.s32 v2, $0x1FF;
	vm5 =	vgt.s32 v3, $0x1FF;
	v12 =	vshll.u32 v3, $0x8  }
0x66: {  	v2 =	vshll.u32 v2, $0x11;
	v3 =	vshll.u32 v3, $0x7;
	v4 =	vor.u32 v1, v11  }
0x67: {  	v13 =	vshll.u32 v1, $0x3;
	vm6 =	vlt.s32 v4, $0x0;
	v4 =	vand.u32 $0xFFFFF800, v12  }
0x68: {  	v14 =	vand.u32 $0x7F, v1;
	v3 =	vand.u32 $0x380, v3;
	v2 =	vadd.s32 v2, v4  }
0x69: {  	vm7 =	vgt.s32 v1, $0xFF;
	vm0 =	vmor vm4, vm5;
	v2 =	vor.u32 v3, v2  }
0x6a: {  	v1 =	vand.u32 $0xFFFFFC00, v13;
	vm0 =	vmor vm0, vm6;
	v2 =	vor.u32 v14, v2  }
0x6b: {  	vm0 =	vmor vm7, vm0;
	v1 =	vadd.s32 v1, v2  }
0x6c: {  	v3 =	vld [tilespmem:s22+$0x2030];
	v1 =	vsel vm0, $0x0, v1  }
0x6d: {  	v2 =	vld [tilespmem:s22+$0x30];
	[tilespmem:s22+$0x6420] =	vst v1;
	v1 =	vsel vm0, $0x0, v0  }
0x6e: {  	[tilespmem:s22+$0x8420] =	vst v1;
	v1 =	vld [tilespmem:s22+$0x4030]  }
0x6f: {  	v15 =	vld [tilespmem:$0x6000]  }
0x70: {  	v16 =	vld [tilespmem:$0x6180]  }
0x71: {  	v17 =	vld [tilespmem:$0x6080]  }
0x72: {  	v18 =	vld [tilespmem:$0x6100]  }
0x73: {  	v19 =	vld [tilespmem:$0x6200]  }
0x74: {  	v20 =	vld [tilespmem:$0x6280];
	_ =	sdelay $0x1  }
0x75: {  	v2 =	vadd.f32 v15, v2;
	v3 =	vadd.f32 v17, v3  }
0x76: {  	v1 =	vadd.f32 v18, v1  }
0x77: {  	v2 =	vmul.f32 v16, v2;
	v3 =	vmul.f32 v19, v3  }
0x78: {  	v1 =	vmul.f32 v20, v1  }
0x79: {  	v2 =	vtrunc.f32 v2;
	v3 =	vtrunc.f32 v3  }
0x7a: {  	v2 =	vcvt.f32.s32 v2;
	v3 =	vcvt.f32.s32 v3  }
0x7b: {  	v1 =	vtrunc.f32 v1  }
0x7c: {  	v1 =	vcvt.f32.s32 v1;
	v21 =	vor.u32 v2, v3  }
0x7d: {  	vm8 =	vgt.s32 v2, $0x1FF;
	vm9 =	vgt.s32 v3, $0x1FF;
	v22 =	vshll.u32 v3, $0x8  }
0x7e: {  	v2 =	vshll.u32 v2, $0x11;
	v3 =	vshll.u32 v3, $0x7;
	v4 =	vor.u32 v1, v21  }
0x7f: {  	v23 =	vshll.u32 v1, $0x3;
	vm10 =	vlt.s32 v4, $0x0;
	v4 =	vand.u32 $0xFFFFF800, v22  }
0x80: {  	v24 =	vand.u32 $0x7F, v1;
	v3 =	vand.u32 $0x380, v3;
	v2 =	vadd.s32 v2, v4  }
0x81: {  	vm11 =	vgt.s32 v1, $0xFF;
	vm0 =	vmor vm8, vm9;
	v2 =	vor.u32 v3, v2  }
0x82: {  	v1 =	vand.u32 $0xFFFFFC00, v23;
	vm0 =	vmor vm0, vm10;
	v2 =	vor.u32 v24, v2  }
0x83: {  	vm0 =	vmor vm11, vm0;
	v1 =	vadd.s32 v1, v2  }
0x84: {  	v3 =	vld [tilespmem:s22+$0x2040];
	v1 =	vsel vm0, $0x0, v1  }
0x85: {  	v2 =	vld [tilespmem:s22+$0x40];
	[tilespmem:s22+$0x6430] =	vst v1;
	v1 =	vsel vm0, $0x0, v0  }
0x86: {  	[tilespmem:s22+$0x8430] =	vst v1;
	v1 =	vld [tilespmem:s22+$0x4040]  }
0x87: {  	v25 =	vld [tilespmem:$0x6000]  }
0x88: {  	v26 =	vld [tilespmem:$0x6180]  }
0x89: {  	v27 =	vld [tilespmem:$0x6080]  }
0x8a: {  	v28 =	vld [tilespmem:$0x6100]  }
0x8b: {  	v29 =	vld [tilespmem:$0x6200]  }
0x8c: {  	v30 =	vld [tilespmem:$0x6280];
	_ =	sdelay $0x1  }
0x8d: {  	v2 =	vadd.f32 v25, v2;
	v3 =	vadd.f32 v27, v3  }
0x8e: {  	v1 =	vadd.f32 v28, v1  }
0x8f: {  	v2 =	vmul.f32 v26, v2;
	v3 =	vmul.f32 v29, v3  }
0x90: {  	v1 =	vmul.f32 v30, v1  }
0x91: {  	v2 =	vtrunc.f32 v2;
	v3 =	vtrunc.f32 v3  }
0x92: {  	v2 =	vcvt.f32.s32 v2;
	v3 =	vcvt.f32.s32 v3  }
0x93: {  	v1 =	vtrunc.f32 v1  }
0x94: {  	v1 =	vcvt.f32.s32 v1;
	v31 =	vor.u32 v2, v3  }
0x95: {  	vm12 =	vgt.s32 v2, $0x1FF;
	vm13 =	vgt.s32 v3, $0x1FF;
	v32 =	vshll.u32 v3, $0x8  }
0x96: {  	v2 =	vshll.u32 v2, $0x11;
	v3 =	vshll.u32 v3, $0x7;
	v4 =	vor.u32 v1, v31  }
0x97: {  	v33 =	vshll.u32 v1, $0x3;
	vm14 =	vlt.s32 v4, $0x0;
	v4 =	vand.u32 $0xFFFFF800, v32  }
0x98: {  	v34 =	vand.u32 $0x7F, v1;
	v3 =	vand.u32 $0x380, v3;
	v2 =	vadd.s32 v2, v4  }
0x99: {  	vm15 =	vgt.s32 v1, $0xFF;
	vm0 =	vmor vm12, vm13;
	v2 =	vor.u32 v3, v2  }
0x9a: {  	v1 =	vand.u32 $0xFFFFFC00, v33;
	vm0 =	vmor vm0, vm14;
	v2 =	vor.u32 v34, v2  }
0x9b: {  	vm0 =	vmor vm15, vm0;
	v1 =	vadd.s32 v1, v2  }
0x9c: {  	v3 =	vld [tilespmem:s22+$0x2050];
	v1 =	vsel vm0, $0x0, v1  }
0x9d: {  	v2 =	vld [tilespmem:s22+$0x50];
	[tilespmem:s22+$0x6440] =	vst v1;
	v1 =	vsel vm0, $0x0, v0  }
0x9e: {  	[tilespmem:s22+$0x8440] =	vst v1;
	v1 =	vld [tilespmem:s22+$0x4050]  }
0x9f: {  	v35 =	vld [tilespmem:$0x6000]  }
0xa0: {  	v36 =	vld [tilespmem:$0x6180]  }
0xa1: {  	v37 =	vld [tilespmem:$0x6080]  }
0xa2: {  	v38 =	vld [tilespmem:$0x6100]  }
0xa3: {  	v39 =	vld [tilespmem:$0x6200]  }
0xa4: {  	v40 =	vld [tilespmem:$0x6280];
	_ =	sdelay $0x1  }
0xa5: {  	v2 =	vadd.f32 v35, v2;
	v3 =	vadd.f32 v37, v3  }
0xa6: {  	v1 =	vadd.f32 v38, v1  }
0xa7: {  	v2 =	vmul.f32 v36, v2;
	v3 =	vmul.f32 v39, v3  }
0xa8: {  	v1 =	vmul.f32 v40, v1  }
0xa9: {  	v2 =	vtrunc.f32 v2;
	v3 =	vtrunc.f32 v3  }
0xaa: {  	v2 =	vcvt.f32.s32 v2;
	v3 =	vcvt.f32.s32 v3  }
0xab: {  	v1 =	vtrunc.f32 v1  }
0xac: {  	v1 =	vcvt.f32.s32 v1;
	v41 =	vor.u32 v2, v3  }
0xad: {  	vm4 =	vgt.s32 v2, $0x1FF;
	vm5 =	vgt.s32 v3, $0x1FF;
	v42 =	vshll.u32 v3, $0x8  }
0xae: {  	v2 =	vshll.u32 v2, $0x11;
	v3 =	vshll.u32 v3, $0x7;
	v4 =	vor.u32 v1, v41  }
0xaf: {  	v43 =	vshll.u32 v1, $0x3;
	vm6 =	vlt.s32 v4, $0x0;
	v4 =	vand.u32 $0xFFFFF800, v42  }
0xb0: {  	v44 =	vand.u32 $0x7F, v1;
	v3 =	vand.u32 $0x380, v3;
	v2 =	vadd.s32 v2, v4  }
0xb1: {  	vm7 =	vgt.s32 v1, $0xFF;
	vm0 =	vmor vm4, vm5;
	v2 =	vor.u32 v3, v2  }
0xb2: {  	v1 =	vand.u32 $0xFFFFFC00, v43;
	vm0 =	vmor vm0, vm6;
	v2 =	vor.u32 v44, v2  }
0xb3: {  	vm0 =	vmor vm7, vm0;
	v1 =	vadd.s32 v1, v2  }
0xb4: {  	v3 =	vld [tilespmem:s22+$0x2060];
	v1 =	vsel vm0, $0x0, v1  }
0xb5: {  	v2 =	vld [tilespmem:s22+$0x60];
	[tilespmem:s22+$0x6450] =	vst v1;
	v1 =	vsel vm0, $0x0, v0  }
0xb6: {  	[tilespmem:s22+$0x8450] =	vst v1;
	v1 =	vld [tilespmem:s22+$0x4060]  }
0xb7: {  	v45 =	vld [tilespmem:$0x6000]  }
0xb8: {  	v46 =	vld [tilespmem:$0x6180]  }
0xb9: {  	v47 =	vld [tilespmem:$0x6080]  }
0xba: {  	v48 =	vld [tilespmem:$0x6100]  }
0xbb: {  	v49 =	vld [tilespmem:$0x6200]  }
0xbc: {  	v50 =	vld [tilespmem:$0x6280];
	_ =	sdelay $0x1  }
0xbd: {  	v2 =	vadd.f32 v45, v2;
	v3 =	vadd.f32 v47, v3  }
0xbe: {  	v1 =	vadd.f32 v48, v1  }
0xbf: {  	v2 =	vmul.f32 v46, v2;
	v3 =	vmul.f32 v49, v3  }
0xc0: {  	v1 =	vmul.f32 v50, v1  }
0xc1: {  	v2 =	vtrunc.f32 v2;
	v3 =	vtrunc.f32 v3  }
0xc2: {  	v2 =	vcvt.f32.s32 v2;
	v3 =	vcvt.f32.s32 v3  }
0xc3: {  	v1 =	vtrunc.f32 v1  }
0xc4: {  	v1 =	vcvt.f32.s32 v1;
	v51 =	vor.u32 v2, v3  }
0xc5: {  	vm8 =	vgt.s32 v2, $0x1FF;
	vm9 =	vgt.s32 v3, $0x1FF;
	v52 =	vshll.u32 v3, $0x8  }
0xc6: {  	v2 =	vshll.u32 v2, $0x11;
	v3 =	vshll.u32 v3, $0x7;
	v4 =	vor.u32 v1, v51  }
0xc7: {  	v53 =	vshll.u32 v1, $0x3;
	vm10 =	vlt.s32 v4, $0x0;
	v4 =	vand.u32 $0xFFFFF800, v52  }
0xc8: {  	v54 =	vand.u32 $0x7F, v1;
	v3 =	vand.u32 $0x380, v3;
	v2 =	vadd.s32 v2, v4  }
0xc9: {  	vm11 =	vgt.s32 v1, $0xFF;
	vm0 =	vmor vm8, vm9;
	v2 =	vor.u32 v3, v2  }
0xca: {  	v1 =	vand.u32 $0xFFFFFC00, v53;
	vm0 =	vmor vm0, vm10;
	v2 =	vor.u32 v54, v2  }
0xcb: {  	vm0 =	vmor vm11, vm0;
	v1 =	vadd.s32 v1, v2  }
0xcc: {  	v3 =	vld [tilespmem:s22+$0x2070];
	v1 =	vsel vm0, $0x0, v1  }
0xcd: {  	v2 =	vld [tilespmem:s22+$0x70];
	[tilespmem:s22+$0x6460] =	vst v1;
	v1 =	vsel vm0, $0x0, v0  }
0xce: {  	[tilespmem:s22+$0x8460] =	vst v1;
	v1 =	vld [tilespmem:s22+$0x4070]  }
0xcf: {  	v55 =	vld [tilespmem:$0x6000]  }
0xd0: {  	v56 =	vld [tilespmem:$0x6180]  }
0xd1: {  	v57 =	vld [tilespmem:$0x6080]  }
0xd2: {  	v58 =	vld [tilespmem:$0x6100]  }
0xd3: {  	v59 =	vld [tilespmem:$0x6200]  }
0xd4: {  	v60 =	vld [tilespmem:$0x6280];
	_ =	sdelay $0x1  }
0xd5: {  	v2 =	vadd.f32 v55, v2;
	v3 =	vadd.f32 v57, v3  }
0xd6: {  	v1 =	vadd.f32 v58, v1  }
0xd7: {  	v2 =	vmul.f32 v56, v2;
	v3 =	vmul.f32 v59, v3  }
0xd8: {  	v1 =	vmul.f32 v60, v1  }
0xd9: {  	v2 =	vtrunc.f32 v2;
	v3 =	vtrunc.f32 v3  }
0xda: {  	v2 =	vcvt.f32.s32 v2;
	v3 =	vcvt.f32.s32 v3  }
0xdb: {  	v1 =	vtrunc.f32 v1  }
0xdc: {  	v1 =	vcvt.f32.s32 v1;
	v61 =	vor.u32 v2, v3  }
0xdd: {  	vm12 =	vgt.s32 v2, $0x1FF;
	vm13 =	vgt.s32 v3, $0x1FF;
	v62 =	vshll.u32 v3, $0x8  }
0xde: {  	v2 =	vshll.u32 v2, $0x11;
	v3 =	vshll.u32 v3, $0x7;
	v4 =	vor.u32 v1, v61  }
0xdf: {  	v63 =	vshll.u32 v1, $0x3;
	vm14 =	vlt.s32 v4, $0x0;
	v4 =	vand.u32 $0xFFFFF800, v62  }
0xe0: {  	vm15 =	vgt.s32 v1, $0xFF;
	v3 =	vand.u32 $0x380, v3;
	v2 =	vadd.s32 v2, v4  }
0xe1: {  	vm0 =	vmor vm12, vm13;
	v2 =	vor.u32 v3, v2;
	v3 =	vand.u32 $0x7F, v1  }
0xe2: {  	p0 =	sne.s32 s3, $0x7E00;
	vm0 =	vmor vm0, vm14;
	v1 =	vand.u32 $0xFFFFFC00, v63;
	v2 =	vor.u32 v3, v2  }
.Ltmp0:
0xe3: {  	vm0 =	vmor vm15, vm0;
	v1 =	vadd.s32 v1, v2;
	(pc) =	sbr.rel @p0 .LBB2_2-.Ltmp0, $4  }
0xe4: {  	v1 =	vsel vm0, $0x0, v1  }
0xe5: {  	[tilespmem:s22+$0x6470] =	vst v1;
	v1 =	vsel vm0, $0x0, v0  }
0xe6: {  	s3 =	sadd.s32 $0x200, s3;
	s4 =	sadd.s32 $0x6400, s22;
	[tilespmem:s22+$0x8470] =	vst v1;
	s22 =	sadd.s32 $0xA400, s22  }
0xe7: {  	[tilespmem:s22], [sflag:$0x1] =	stream.indirect.gather [hbm4b:s1+s26], $0x1, s4, s26, $0xb8;
	[tilespmem:$0x12400] =	vst v63  }
0xe8: {  	s3 =	simm.s32 $0x0  }
0xe9: {  	[tilespmem:s3], [sflag:$0x3] =	stream.linear.gather [hbm4b:s8+s3], $0x2000, $0x38;
	[tilespmem:$0x12400] =	vst v63  }
0xea: {  	_ =	swait.ge [sflag:s23], $0x2000  }
0xeb: {  	[sflag:s23] =	ssyncset.done $0x0  }
0xec: {  	[sflag:s23] =	ssyncadd.s32 $0xFFFFE000  }
0xed: {  	[tilespmem:s24], [sflag:$0x3] =	stream.linear.gather [hbm4b:s9+s3], $0x2000, $0x38;
	[tilespmem:$0x12400] =	vst v63  }
0xee: {  	_ =	swait.ge [sflag:s23], $0x2000  }
0xef: {  	[sflag:s23] =	ssyncset.done $0x0  }
0xf0: {  	[sflag:s23] =	ssyncadd.s32 $0xFFFFE000  }
0xf1: {  	[tilespmem:s25], [sflag:$0x3] =	stream.linear.gather [hbm4b:s10+s3], $0x2000, $0x38;
	[tilespmem:$0x12400] =	vst v63  }
0xf2: {  	_ =	swait.ge [sflag:s23], $0x2000  }
0xf3: {  	[sflag:s23] =	ssyncset.done $0x0  }
0xf4: {  	[sflag:s23] =	ssyncadd.s32 $0xFFFFE000  }
.LBB2_4:
0xf5: {  	v4 =	vld [tilespmem:$0x6000]  }
0xf6: {  	v5 =	vld [tilespmem:$0x6180]  }
0xf7: {  	v6 =	vld [tilespmem:$0x6080]  }
0xf8: {  	s22 =	sshra.s32 s3, $0x2;
	v7 =	vld [tilespmem:$0x6100]  }
0xf9: {  	v1 =	vld [tilespmem:s22+$0x0]  }
0xfa: {  	v2 =	vld [tilespmem:s22+$0x2000]  }
0xfb: {  	v3 =	vld [tilespmem:s22+$0x4000]  }
0xfc: {  	v8 =	vld [tilespmem:$0x6200]  }
0xfd: {  	v9 =	vld [tilespmem:$0x6280];
	_ =	sdelay $0x1  }
0xfe: {  	v1 =	vadd.f32 v4, v1;
	v2 =	vadd.f32 v6, v2  }
0xff: {  	v3 =	vadd.f32 v7, v3  }
0x100: {  	v1 =	vmul.f32 v5, v1;
	v2 =	vmul.f32 v8, v2  }
0x101: {  	v3 =	vmul.f32 v9, v3  }
0x102: {  	v1 =	vtrunc.f32 v1;
	v2 =	vtrunc.f32 v2  }
0x103: {  	v1 =	vcvt.f32.s32 v1;
	v2 =	vcvt.f32.s32 v2  }
0x104: {  	v3 =	vtrunc.f32 v3  }
0x105: {  	v3 =	vcvt.f32.s32 v3;
	v44 =	vor.u32 v1, v2  }
0x106: {  	vm0 =	vgt.s32 v1, $0x1FF;
	vm1 =	vgt.s32 v2, $0x1FF;
	v45 =	vshll.u32 v2, $0x8  }
0x107: {  	v1 =	vshll.u32 v1, $0x11;
	v2 =	vshll.u32 v2, $0x7;
	v4 =	vor.u32 v3, v44  }
0x108: {  	v46 =	vshll.u32 v3, $0x3;
	vm2 =	vlt.s32 v4, $0x0;
	v4 =	vand.u32 $0xFFFFF800, v45  }
0x109: {  	v47 =	vand.u32 $0x7F, v3;
	v2 =	vand.u32 $0x380, v2;
	v1 =	vadd.s32 v1, v4  }
0x10a: {  	vm11 =	vgt.s32 v3, $0xFF;
	vm0 =	vmor vm0, vm1;
	v1 =	vor.u32 v2, v1  }
0x10b: {  	vm0 =	vmor vm0, vm2;
	v2 =	vand.u32 $0xFFFFFC00, v46;
	v1 =	vor.u32 v47, v1  }
0x10c: {  	vm0 =	vmor vm11, vm0;
	v1 =	vadd.s32 v2, v1  }
0x10d: {  	v3 =	vld [tilespmem:s22+$0x2010];
	v1 =	vsel vm0, $0x0, v1  }
0x10e: {  	v2 =	vld [tilespmem:s22+$0x10];
	[tilespmem:s22+$0xC400] =	vst v1;
	v1 =	vsel vm0, $0x0, v0  }
0x10f: {  	[tilespmem:s22+$0xE400] =	vst v1;
	v1 =	vld [tilespmem:s22+$0x4010]  }
0x110: {  	v48 =	vld [tilespmem:$0x6000]  }
0x111: {  	v49 =	vld [tilespmem:$0x6180]  }
0x112: {  	v50 =	vld [tilespmem:$0x6080]  }
0x113: {  	v51 =	vld [tilespmem:$0x6100]  }
0x114: {  	v52 =	vld [tilespmem:$0x6200]  }
0x115: {  	v53 =	vld [tilespmem:$0x6280];
	_ =	sdelay $0x1  }
0x116: {  	v2 =	vadd.f32 v48, v2;
	v3 =	vadd.f32 v50, v3  }
0x117: {  	v1 =	vadd.f32 v51, v1  }
0x118: {  	v2 =	vmul.f32 v49, v2;
	v3 =	vmul.f32 v52, v3  }
0x119: {  	v1 =	vmul.f32 v53, v1  }
0x11a: {  	v2 =	vtrunc.f32 v2;
	v3 =	vtrunc.f32 v3  }
0x11b: {  	v2 =	vcvt.f32.s32 v2;
	v3 =	vcvt.f32.s32 v3  }
0x11c: {  	v1 =	vtrunc.f32 v1  }
0x11d: {  	v1 =	vcvt.f32.s32 v1;
	v54 =	vor.u32 v2, v3  }
0x11e: {  	vm12 =	vgt.s32 v2, $0x1FF;
	vm13 =	vgt.s32 v3, $0x1FF;
	v55 =	vshll.u32 v3, $0x8  }
0x11f: {  	v2 =	vshll.u32 v2, $0x11;
	v3 =	vshll.u32 v3, $0x7;
	v4 =	vor.u32 v1, v54  }
0x120: {  	v56 =	vshll.u32 v1, $0x3;
	vm14 =	vlt.s32 v4, $0x0;
	v4 =	vand.u32 $0xFFFFF800, v55  }
0x121: {  	v57 =	vand.u32 $0x7F, v1;
	v3 =	vand.u32 $0x380, v3;
	v2 =	vadd.s32 v2, v4  }
0x122: {  	vm15 =	vgt.s32 v1, $0xFF;
	vm0 =	vmor vm12, vm13;
	v2 =	vor.u32 v3, v2  }
0x123: {  	v1 =	vand.u32 $0xFFFFFC00, v56;
	vm0 =	vmor vm0, vm14;
	v2 =	vor.u32 v57, v2  }
0x124: {  	vm0 =	vmor vm15, vm0;
	v1 =	vadd.s32 v1, v2  }
0x125: {  	v3 =	vld [tilespmem:s22+$0x2020];
	v1 =	vsel vm0, $0x0, v1  }
0x126: {  	v2 =	vld [tilespmem:s22+$0x20];
	[tilespmem:s22+$0xC410] =	vst v1;
	v1 =	vsel vm0, $0x0, v0  }
0x127: {  	[tilespmem:s22+$0xE410] =	vst v1;
	v1 =	vld [tilespmem:s22+$0x4020]  }
0x128: {  	v58 =	vld [tilespmem:$0x6000]  }
0x129: {  	v59 =	vld [tilespmem:$0x6180]  }
0x12a: {  	v60 =	vld [tilespmem:$0x6080]  }
0x12b: {  	v61 =	vld [tilespmem:$0x6100]  }
0x12c: {  	v62 =	vld [tilespmem:$0x6200]  }
0x12d: {  	v63 =	vld [tilespmem:$0x6280];
	_ =	sdelay $0x1  }
0x12e: {  	v2 =	vadd.f32 v58, v2;
	v3 =	vadd.f32 v60, v3  }
0x12f: {  	v1 =	vadd.f32 v61, v1  }
0x130: {  	v2 =	vmul.f32 v59, v2;
	v3 =	vmul.f32 v62, v3  }
0x131: {  	v1 =	vmul.f32 v63, v1  }
0x132: {  	v2 =	vtrunc.f32 v2;
	v3 =	vtrunc.f32 v3  }
0x133: {  	v2 =	vcvt.f32.s32 v2;
	v3 =	vcvt.f32.s32 v3  }
0x134: {  	v1 =	vtrunc.f32 v1  }
0x135: {  	v1 =	vcvt.f32.s32 v1;
	v11 =	vor.u32 v2, v3  }
0x136: {  	vm4 =	vgt.s32 v2, $0x1FF;
	vm5 =	vgt.s32 v3, $0x1FF;
	v12 =	vshll.u32 v3, $0x8  }
0x137: {  	v2 =	vshll.u32 v2, $0x11;
	v3 =	vshll.u32 v3, $0x7;
	v4 =	vor.u32 v1, v11  }
0x138: {  	v13 =	vshll.u32 v1, $0x3;
	vm6 =	vlt.s32 v4, $0x0;
	v4 =	vand.u32 $0xFFFFF800, v12  }
0x139: {  	v14 =	vand.u32 $0x7F, v1;
	v3 =	vand.u32 $0x380, v3;
	v2 =	vadd.s32 v2, v4  }
0x13a: {  	vm7 =	vgt.s32 v1, $0xFF;
	vm0 =	vmor vm4, vm5;
	v2 =	vor.u32 v3, v2  }
0x13b: {  	v1 =	vand.u32 $0xFFFFFC00, v13;
	vm0 =	vmor vm0, vm6;
	v2 =	vor.u32 v14, v2  }
0x13c: {  	vm0 =	vmor vm7, vm0;
	v1 =	vadd.s32 v1, v2  }
0x13d: {  	v3 =	vld [tilespmem:s22+$0x2030];
	v1 =	vsel vm0, $0x0, v1  }
0x13e: {  	v2 =	vld [tilespmem:s22+$0x30];
	[tilespmem:s22+$0xC420] =	vst v1;
	v1 =	vsel vm0, $0x0, v0  }
0x13f: {  	[tilespmem:s22+$0xE420] =	vst v1;
	v1 =	vld [tilespmem:s22+$0x4030]  }
0x140: {  	v15 =	vld [tilespmem:$0x6000]  }
0x141: {  	v16 =	vld [tilespmem:$0x6180]  }
0x142: {  	v17 =	vld [tilespmem:$0x6080]  }
0x143: {  	v18 =	vld [tilespmem:$0x6100]  }
0x144: {  	v19 =	vld [tilespmem:$0x6200]  }
0x145: {  	v20 =	vld [tilespmem:$0x6280];
	_ =	sdelay $0x1  }
0x146: {  	v2 =	vadd.f32 v15, v2;
	v3 =	vadd.f32 v17, v3  }
0x147: {  	v1 =	vadd.f32 v18, v1  }
0x148: {  	v2 =	vmul.f32 v16, v2;
	v3 =	vmul.f32 v19, v3  }
0x149: {  	v1 =	vmul.f32 v20, v1  }
0x14a: {  	v2 =	vtrunc.f32 v2;
	v3 =	vtrunc.f32 v3  }
0x14b: {  	v2 =	vcvt.f32.s32 v2;
	v3 =	vcvt.f32.s32 v3  }
0x14c: {  	v1 =	vtrunc.f32 v1  }
0x14d: {  	v1 =	vcvt.f32.s32 v1;
	v21 =	vor.u32 v2, v3  }
0x14e: {  	vm8 =	vgt.s32 v2, $0x1FF;
	vm9 =	vgt.s32 v3, $0x1FF;
	v22 =	vshll.u32 v3, $0x8  }
0x14f: {  	v2 =	vshll.u32 v2, $0x11;
	v3 =	vshll.u32 v3, $0x7;
	v4 =	vor.u32 v1, v21  }
0x150: {  	v23 =	vshll.u32 v1, $0x3;
	vm10 =	vlt.s32 v4, $0x0;
	v4 =	vand.u32 $0xFFFFF800, v22  }
0x151: {  	v24 =	vand.u32 $0x7F, v1;
	v3 =	vand.u32 $0x380, v3;
	v2 =	vadd.s32 v2, v4  }
0x152: {  	vm11 =	vgt.s32 v1, $0xFF;
	vm0 =	vmor vm8, vm9;
	v2 =	vor.u32 v3, v2  }
0x153: {  	v1 =	vand.u32 $0xFFFFFC00, v23;
	vm0 =	vmor vm0, vm10;
	v2 =	vor.u32 v24, v2  }
0x154: {  	vm0 =	vmor vm11, vm0;
	v1 =	vadd.s32 v1, v2  }
0x155: {  	v3 =	vld [tilespmem:s22+$0x2040];
	v1 =	vsel vm0, $0x0, v1  }
0x156: {  	v2 =	vld [tilespmem:s22+$0x40];
	[tilespmem:s22+$0xC430] =	vst v1;
	v1 =	vsel vm0, $0x0, v0  }
0x157: {  	[tilespmem:s22+$0xE430] =	vst v1;
	v1 =	vld [tilespmem:s22+$0x4040]  }
0x158: {  	v25 =	vld [tilespmem:$0x6000]  }
0x159: {  	v26 =	vld [tilespmem:$0x6180]  }
0x15a: {  	v27 =	vld [tilespmem:$0x6080]  }
0x15b: {  	v28 =	vld [tilespmem:$0x6100]  }
0x15c: {  	v29 =	vld [tilespmem:$0x6200]  }
0x15d: {  	v30 =	vld [tilespmem:$0x6280];
	_ =	sdelay $0x1  }
0x15e: {  	v2 =	vadd.f32 v25, v2;
	v3 =	vadd.f32 v27, v3  }
0x15f: {  	v1 =	vadd.f32 v28, v1  }
0x160: {  	v2 =	vmul.f32 v26, v2;
	v3 =	vmul.f32 v29, v3  }
0x161: {  	v1 =	vmul.f32 v30, v1  }
0x162: {  	v2 =	vtrunc.f32 v2;
	v3 =	vtrunc.f32 v3  }
0x163: {  	v2 =	vcvt.f32.s32 v2;
	v3 =	vcvt.f32.s32 v3  }
0x164: {  	v1 =	vtrunc.f32 v1  }
0x165: {  	v1 =	vcvt.f32.s32 v1;
	v31 =	vor.u32 v2, v3  }
0x166: {  	vm12 =	vgt.s32 v2, $0x1FF;
	vm13 =	vgt.s32 v3, $0x1FF;
	v32 =	vshll.u32 v3, $0x8  }
0x167: {  	v2 =	vshll.u32 v2, $0x11;
	v3 =	vshll.u32 v3, $0x7;
	v4 =	vor.u32 v1, v31  }
0x168: {  	v33 =	vshll.u32 v1, $0x3;
	vm14 =	vlt.s32 v4, $0x0;
	v4 =	vand.u32 $0xFFFFF800, v32  }
0x169: {  	v34 =	vand.u32 $0x7F, v1;
	v3 =	vand.u32 $0x380, v3;
	v2 =	vadd.s32 v2, v4  }
0x16a: {  	vm15 =	vgt.s32 v1, $0xFF;
	vm0 =	vmor vm12, vm13;
	v2 =	vor.u32 v3, v2  }
0x16b: {  	v1 =	vand.u32 $0xFFFFFC00, v33;
	vm0 =	vmor vm0, vm14;
	v2 =	vor.u32 v34, v2  }
0x16c: {  	vm0 =	vmor vm15, vm0;
	v1 =	vadd.s32 v1, v2  }
0x16d: {  	v3 =	vld [tilespmem:s22+$0x2050];
	v1 =	vsel vm0, $0x0, v1  }
0x16e: {  	v2 =	vld [tilespmem:s22+$0x50];
	[tilespmem:s22+$0xC440] =	vst v1;
	v1 =	vsel vm0, $0x0, v0  }
0x16f: {  	[tilespmem:s22+$0xE440] =	vst v1;
	v1 =	vld [tilespmem:s22+$0x4050]  }
0x170: {  	v35 =	vld [tilespmem:$0x6000]  }
0x171: {  	v36 =	vld [tilespmem:$0x6180]  }
0x172: {  	v37 =	vld [tilespmem:$0x6080]  }
0x173: {  	v38 =	vld [tilespmem:$0x6100]  }
0x174: {  	v39 =	vld [tilespmem:$0x6200]  }
0x175: {  	v40 =	vld [tilespmem:$0x6280];
	_ =	sdelay $0x1  }
0x176: {  	v2 =	vadd.f32 v35, v2;
	v3 =	vadd.f32 v37, v3  }
0x177: {  	v1 =	vadd.f32 v38, v1  }
0x178: {  	v2 =	vmul.f32 v36, v2;
	v3 =	vmul.f32 v39, v3  }
0x179: {  	v1 =	vmul.f32 v40, v1  }
0x17a: {  	v2 =	vtrunc.f32 v2;
	v3 =	vtrunc.f32 v3  }
0x17b: {  	v2 =	vcvt.f32.s32 v2;
	v3 =	vcvt.f32.s32 v3  }
0x17c: {  	v1 =	vtrunc.f32 v1  }
0x17d: {  	v1 =	vcvt.f32.s32 v1;
	v41 =	vor.u32 v2, v3  }
0x17e: {  	vm4 =	vgt.s32 v2, $0x1FF;
	vm5 =	vgt.s32 v3, $0x1FF;
	v42 =	vshll.u32 v3, $0x8  }
0x17f: {  	v2 =	vshll.u32 v2, $0x11;
	v3 =	vshll.u32 v3, $0x7;
	v4 =	vor.u32 v1, v41  }
0x180: {  	v43 =	vshll.u32 v1, $0x3;
	vm6 =	vlt.s32 v4, $0x0;
	v4 =	vand.u32 $0xFFFFF800, v42  }
0x181: {  	v44 =	vand.u32 $0x7F, v1;
	v3 =	vand.u32 $0x380, v3;
	v2 =	vadd.s32 v2, v4  }
0x182: {  	vm7 =	vgt.s32 v1, $0xFF;
	vm0 =	vmor vm4, vm5;
	v2 =	vor.u32 v3, v2  }
0x183: {  	v1 =	vand.u32 $0xFFFFFC00, v43;
	vm0 =	vmor vm0, vm6;
	v2 =	vor.u32 v44, v2  }
0x184: {  	vm0 =	vmor vm7, vm0;
	v1 =	vadd.s32 v1, v2  }
0x185: {  	v3 =	vld [tilespmem:s22+$0x2060];
	v1 =	vsel vm0, $0x0, v1  }
0x186: {  	v2 =	vld [tilespmem:s22+$0x60];
	[tilespmem:s22+$0xC450] =	vst v1;
	v1 =	vsel vm0, $0x0, v0  }
0x187: {  	[tilespmem:s22+$0xE450] =	vst v1;
	v1 =	vld [tilespmem:s22+$0x4060]  }
0x188: {  	v45 =	vld [tilespmem:$0x6000]  }
0x189: {  	v46 =	vld [tilespmem:$0x6180]  }
0x18a: {  	v47 =	vld [tilespmem:$0x6080]  }
0x18b: {  	v48 =	vld [tilespmem:$0x6100]  }
0x18c: {  	v49 =	vld [tilespmem:$0x6200]  }
0x18d: {  	v50 =	vld [tilespmem:$0x6280];
	_ =	sdelay $0x1  }
0x18e: {  	v2 =	vadd.f32 v45, v2;
	v3 =	vadd.f32 v47, v3  }
0x18f: {  	v1 =	vadd.f32 v48, v1  }
0x190: {  	v2 =	vmul.f32 v46, v2;
	v3 =	vmul.f32 v49, v3  }
0x191: {  	v1 =	vmul.f32 v50, v1  }
0x192: {  	v2 =	vtrunc.f32 v2;
	v3 =	vtrunc.f32 v3  }
0x193: {  	v2 =	vcvt.f32.s32 v2;
	v3 =	vcvt.f32.s32 v3  }
0x194: {  	v1 =	vtrunc.f32 v1  }
0x195: {  	v1 =	vcvt.f32.s32 v1;
	v51 =	vor.u32 v2, v3  }
0x196: {  	vm8 =	vgt.s32 v2, $0x1FF;
	vm9 =	vgt.s32 v3, $0x1FF;
	v52 =	vshll.u32 v3, $0x8  }
0x197: {  	v2 =	vshll.u32 v2, $0x11;
	v3 =	vshll.u32 v3, $0x7;
	v4 =	vor.u32 v1, v51  }
0x198: {  	v53 =	vshll.u32 v1, $0x3;
	vm10 =	vlt.s32 v4, $0x0;
	v4 =	vand.u32 $0xFFFFF800, v52  }
0x199: {  	v54 =	vand.u32 $0x7F, v1;
	v3 =	vand.u32 $0x380, v3;
	v2 =	vadd.s32 v2, v4  }
0x19a: {  	vm11 =	vgt.s32 v1, $0xFF;
	vm0 =	vmor vm8, vm9;
	v2 =	vor.u32 v3, v2  }
0x19b: {  	v1 =	vand.u32 $0xFFFFFC00, v53;
	vm0 =	vmor vm0, vm10;
	v2 =	vor.u32 v54, v2  }
0x19c: {  	vm0 =	vmor vm11, vm0;
	v1 =	vadd.s32 v1, v2  }
0x19d: {  	v3 =	vld [tilespmem:s22+$0x2070];
	v1 =	vsel vm0, $0x0, v1  }
0x19e: {  	v2 =	vld [tilespmem:s22+$0x70];
	[tilespmem:s22+$0xC460] =	vst v1;
	v1 =	vsel vm0, $0x0, v0  }
0x19f: {  	[tilespmem:s22+$0xE460] =	vst v1;
	v1 =	vld [tilespmem:s22+$0x4070]  }
0x1a0: {  	v55 =	vld [tilespmem:$0x6000]  }
0x1a1: {  	v56 =	vld [tilespmem:$0x6180]  }
0x1a2: {  	v57 =	vld [tilespmem:$0x6080]  }
0x1a3: {  	v58 =	vld [tilespmem:$0x6100]  }
0x1a4: {  	v59 =	vld [tilespmem:$0x6200]  }
0x1a5: {  	v60 =	vld [tilespmem:$0x6280];
	_ =	sdelay $0x1  }
0x1a6: {  	v2 =	vadd.f32 v55, v2;
	v3 =	vadd.f32 v57, v3  }
0x1a7: {  	v1 =	vadd.f32 v58, v1  }
0x1a8: {  	v2 =	vmul.f32 v56, v2;
	v3 =	vmul.f32 v59, v3  }
0x1a9: {  	v1 =	vmul.f32 v60, v1  }
0x1aa: {  	v2 =	vtrunc.f32 v2;
	v3 =	vtrunc.f32 v3  }
0x1ab: {  	v2 =	vcvt.f32.s32 v2;
	v3 =	vcvt.f32.s32 v3  }
0x1ac: {  	v1 =	vtrunc.f32 v1  }
0x1ad: {  	v1 =	vcvt.f32.s32 v1;
	v61 =	vor.u32 v2, v3  }
0x1ae: {  	vm12 =	vgt.s32 v2, $0x1FF;
	vm13 =	vgt.s32 v3, $0x1FF;
	v62 =	vshll.u32 v3, $0x8  }
0x1af: {  	v2 =	vshll.u32 v2, $0x11;
	v3 =	vshll.u32 v3, $0x7;
	v4 =	vor.u32 v1, v61  }
0x1b0: {  	v63 =	vshll.u32 v1, $0x3;
	vm14 =	vlt.s32 v4, $0x0;
	v4 =	vand.u32 $0xFFFFF800, v62  }
0x1b1: {  	vm15 =	vgt.s32 v1, $0xFF;
	v3 =	vand.u32 $0x380, v3;
	v2 =	vadd.s32 v2, v4  }
0x1b2: {  	vm0 =	vmor vm12, vm13;
	v2 =	vor.u32 v3, v2;
	v3 =	vand.u32 $0x7F, v1  }
0x1b3: {  	p0 =	sne.s32 s3, $0x7E00;
	vm0 =	vmor vm0, vm14;
	v1 =	vand.u32 $0xFFFFFC00, v63;
	v2 =	vor.u32 v3, v2  }
.Ltmp1:
0x1b4: {  	vm0 =	vmor vm15, vm0;
	v1 =	vadd.s32 v1, v2;
	(pc) =	sbr.rel @p0 .LBB2_4-.Ltmp1, $4  }
0x1b5: {  	v1 =	vsel vm0, $0x0, v1  }
0x1b6: {  	[tilespmem:s22+$0xC470] =	vst v1;
	v1 =	vsel vm0, $0x0, v0  }
0x1b7: {  	s3 =	sadd.s32 $0x200, s3;
	s4 =	sadd.s32 $0xC400, s22;
	[tilespmem:s22+$0xE470] =	vst v1;
	s22 =	sadd.s32 $0x10400, s22  }
0x1b8: {  	[tilespmem:s22], [sflag:$0x2] =	stream.indirect.gather [hbm4b:s1+s26], $0x1, s4, s26, $0xb8;
	[tilespmem:$0x12400] =	vst v63  }
0x1b9: {  	s3 =	simm.s32 $0x40  }
.LBB2_6:
0x1ba: {  	p0 =	sne.s32 s3, $0x1  }
.Ltmp2:
0x1bb: {  	_ = 	snop;
	(pc) =	sbr.rel @p0 .LBB2_6-.Ltmp2, $4  }
0x1bc: {  	_ = 	snop  }
0x1bd: {  	_ =	swait.ge [sflag:s28], $0x80  }
0x1be: {  	[sflag:s28] =	ssyncset.done $0x0  }
0x1bf: {  	s3 =	sadd.s32 $0xFFFFFFFF, s3;
	[sflag:s28] =	ssyncadd.s32 $0xFFFFFF80  }
0x1c0: {  	s3 =	simm.s32 $0x0  }
0x1c1: {  	v3 =	vld [tilespmem:s3+$0xA460]  }
0x1c2: {  	v1 =	vld [tilespmem:s3+$0x8410]  }
0x1c3: {  	v4 =	vld [tilespmem:s3+$0xA450]  }
0x1c4: {  	v2 =	vld [tilespmem:s3+$0x8450]  }
0x1c5: {  	v9 =	vld [tilespmem:s3+$0x8460]  }
0x1c6: {  	v5 =	vld [tilespmem:s3+$0xA470];
	v3 =	vmax.f32 v3, $-1.000000000e+03  }
0x1c7: {  	v8 =	vld [tilespmem:s3+$0xA430];
	v3 =	vmul.f32 $1.000000050e-03, v3  }
0x1c8: {  	v10 =	vld [tilespmem:s3+$0xA440]  }
0x1c9: {  	v12 =	vld [tilespmem:s3+$0xA420];
	v4 =	vmax.f32 v4, $-1.000000000e+03;
	v3 =	vadd.f32 $1.000000000e+00, v3  }
0x1ca: {  	v6 =	vld [tilespmem:s3+$0xA400];
	v4 =	vmul.f32 $1.000000050e-03, v4  }
0x1cb: {  	v7 =	vld [tilespmem:s3+$0xA410];
	v5 =	vmax.f32 v5, $-1.000000000e+03;
	v3 =	vmul.f32 $7.999999820e-02, v3  }
0x1cc: {  	v11 =	vmax.f32 v8, $-1.000000000e+03;
	v8 =	vmul.f32 $1.000000050e-03, v5;
	v5 =	vld [tilespmem:s3+$0x8470];
	v14 =	vadd.f32 $1.000000000e+00, v4  }
0x1cd: {  	s22 =	simm.s32 $0x200;
	v15 =	vmax.f32 v10, $-1.000000000e+03;
	v11 =	vmul.f32 $1.000000050e-03, v11;
	v4 =	vld [tilespmem:s3+$0x8430];
	v10 =	vmul.f32 v3, v9  }
0x1ce: {  	v13 =	vmax.f32 v12, $-1.000000000e+03;
	v12 =	vmul.f32 $7.999999820e-02, v14;
	v3 =	vld [tilespmem:s3+$0x8420];
	v9 =	vmul.f32 $1.000000050e-03, v15  }
.LBB2_8:
0x1cf: {  	s4 =	sshra.s32 s22, $0x2;
	p0 =	sne.s32 s22, $0x7E00;
	s22 =	sadd.s32 $0x200, s22;
	v13 =	vmul.f32 $1.000000050e-03, v13;
	v11 =	vadd.f32 $1.000000000e+00, v11;
	v14 =	vld [tilespmem:s3+$0x8440];
	[tilespmem:s3+$0xA460] =	vst v10;
	v8 =	vadd.f32 $1.000000000e+00, v8  }
0x1d0: {  	v6 =	vmax.f32 v6, $-1.000000000e+03;
	v10 =	vld [tilespmem:s4+$0xA460];
	v7 =	vmax.f32 v7, $-1.000000000e+03;
	v2 =	vmul.f32 v12, v2  }
0x1d1: {  	v6 =	vmul.f32 $1.000000050e-03, v6;
	v9 =	vadd.f32 $1.000000000e+00, v9;
	v12 =	vld [tilespmem:s4+$0x8410];
	v8 =	vmul.f32 $7.999999820e-02, v8  }
0x1d2: {  	v7 =	vmul.f32 $1.000000050e-03, v7;
	v13 =	vadd.f32 $1.000000000e+00, v13;
	v11 =	vmul.f32 $7.999999820e-02, v11;
	v15 =	vld [tilespmem:s3+$0x8400];
	[tilespmem:s3+$0xA450] =	vst v2  }
0x1d3: {  	v6 =	vadd.f32 $1.000000000e+00, v6;
	v9 =	vmul.f32 $7.999999820e-02, v9;
	v16 =	vld [tilespmem:s4+$0xA450];
	v5 =	vmul.f32 v8, v5  }
0x1d4: {  	v7 =	vadd.f32 $1.000000000e+00, v7;
	v8 =	vmul.f32 $7.999999820e-02, v13;
	v4 =	vmul.f32 v11, v4;
	v2 =	vld [tilespmem:s4+$0x8450]  }
0x1d5: {  	v6 =	vmul.f32 $7.999999820e-02, v6;
	v9 =	vmul.f32 v9, v14;
	v13 =	vld [tilespmem:s4+$0x8460];
	[tilespmem:s3+$0xA470] =	vst v5  }
0x1d6: {  	v5 =	vmax.f32 v10, $-1.000000000e+03;
	v7 =	vmul.f32 $7.999999820e-02, v7;
	v3 =	vmul.f32 v8, v3;
	v10 =	vld [tilespmem:s4+$0xA470];
	[tilespmem:s3+$0xA430] =	vst v4  }
0x1d7: {  	v5 =	vmul.f32 $1.000000050e-03, v5;
	v4 =	vld [tilespmem:s4+$0xA430];
	v6 =	vmul.f32 v6, v15;
	[tilespmem:s3+$0xA440] =	vst v9  }
0x1d8: {  	v7 =	vmul.f32 v7, v1;
	v1 =	vmov v12;
	v9 =	vld [tilespmem:s4+$0xA440];
	v8 =	vmax.f32 v16, $-1.000000000e+03;
	[tilespmem:s3+$0xA420] =	vst v3  }
0x1d9: {  	v5 =	vadd.f32 $1.000000000e+00, v5;
	v3 =	vld [tilespmem:s4+$0xA420];
	v8 =	vmul.f32 $1.000000050e-03, v8;
	[tilespmem:s3+$0xA400] =	vst v6  }
.Ltmp3:
0x1da: {  	v6 =	vld [tilespmem:s4+$0xA400];
	[tilespmem:s3+$0xA410] =	vst v7;
	s3 =	smov.u32 s4;
	(pc) =	sbr.rel @p0 .LBB2_8-.Ltmp3, $4  }
0x1db: {  	v12 =	vmul.f32 $7.999999820e-02, v5;
	v7 =	vld [tilespmem:s3+$0xA410];
	v5 =	vmax.f32 v10, $-1.000000000e+03  }
0x1dc: {  	v14 =	vadd.f32 $1.000000000e+00, v8;
	v4 =	vmax.f32 v4, $-1.000000000e+03;
	v8 =	vmul.f32 $1.000000050e-03, v5;
	v5 =	vld [tilespmem:s3+$0x8470]  }
0x1dd: {  	v10 =	vmul.f32 v12, v13;
	v11 =	vmul.f32 $1.000000050e-03, v4;
	v4 =	vld [tilespmem:s3+$0x8430];
	v9 =	vmax.f32 v9, $-1.000000000e+03  }
0x1de: {  	v12 =	vmul.f32 $7.999999820e-02, v14;
	v13 =	vmax.f32 v3, $-1.000000000e+03;
	v3 =	vld [tilespmem:s3+$0x8420];
	v9 =	vmul.f32 $1.000000050e-03, v9  }
0x1df: {  	v13 =	vmul.f32 $1.000000050e-03, v13;
	v11 =	vadd.f32 $1.000000000e+00, v11;
	v8 =	vadd.f32 $1.000000000e+00, v8  }
0x1e0: {  	v14 =	vld [tilespmem:s3+$0x8440];
	v6 =	vmax.f32 v6, $-1.000000000e+03;
	v7 =	vmax.f32 v7, $-1.000000000e+03;
	v2 =	vmul.f32 v12, v2  }
0x1e1: {  	v6 =	vmul.f32 $1.000000050e-03, v6;
	v9 =	vadd.f32 $1.000000000e+00, v9;
	v8 =	vmul.f32 $7.999999820e-02, v8  }
0x1e2: {  	v59 =	vld [tilespmem:s3+$0x8400];
	v7 =	vmul.f32 $1.000000050e-03, v7;
	v60 =	vadd.f32 $1.000000000e+00, v13;
	v11 =	vmul.f32 $7.999999820e-02, v11  }
0x1e3: {  	[tilespmem:s3+$0xA460] =	vst v10;
	v6 =	vadd.f32 $1.000000000e+00, v6;
	v9 =	vmul.f32 $7.999999820e-02, v9;
	v5 =	vmul.f32 v8, v5  }
0x1e4: {  	[tilespmem:s3+$0xA450] =	vst v2;
	v2 =	vadd.f32 $1.000000000e+00, v7;
	v61 =	vmul.f32 $7.999999820e-02, v60;
	v4 =	vmul.f32 v11, v4  }
0x1e5: {  	v6 =	vmul.f32 $7.999999820e-02, v6;
	v62 =	vmul.f32 v9, v14;
	[tilespmem:s3+$0xA470] =	vst v5  }
0x1e6: {  	v2 =	vmul.f32 $7.999999820e-02, v2;
	v3 =	vmul.f32 v61, v3;
	[tilespmem:s3+$0xA430] =	vst v4  }
0x1e7: {  	v63 =	vmul.f32 v6, v59;
	[tilespmem:s3+$0xA440] =	vst v62  }
0x1e8: {  	v1 =	vmul.f32 v2, v1;
	[tilespmem:s3+$0xA420] =	vst v3  }
0x1e9: {  	[tilespmem:s3+$0xA400] =	vst v63  }
0x1ea: {  	[tilespmem:s3+$0xA410] =	vst v1;
	s3 =	simm.s32 $0x0  }
0x1eb: {  	[hbm4b:s11+s3] =	stream.linear.scatter [tilespmem:s29], [sflag:$0x3], $0x2000, $0x38;
	[tilespmem:$0x12400] =	vst v63  }
0x1ec: {  	_ =	swait.ge [sflag:s23], $0x2000  }
0x1ed: {  	[sflag:s23] =	ssyncset.done $0x0  }
0x1ee: {  	[sflag:s23] =	ssyncadd.s32 $0xFFFFE000  }
0x1ef: {  	[tilespmem:s3], [sflag:$0x3] =	stream.linear.gather [hbm4b:s12+s3], $0x2000, $0x38;
	[tilespmem:$0x12400] =	vst v63  }
0x1f0: {  	_ =	swait.ge [sflag:s23], $0x2000  }
0x1f1: {  	[sflag:s23] =	ssyncset.done $0x0  }
0x1f2: {  	[sflag:s23] =	ssyncadd.s32 $0xFFFFE000  }
0x1f3: {  	[tilespmem:s24], [sflag:$0x3] =	stream.linear.gather [hbm4b:s13+s3], $0x2000, $0x38;
	[tilespmem:$0x12400] =	vst v63  }
0x1f4: {  	_ =	swait.ge [sflag:s23], $0x2000  }
0x1f5: {  	[sflag:s23] =	ssyncset.done $0x0  }
0x1f6: {  	[sflag:s23] =	ssyncadd.s32 $0xFFFFE000  }
0x1f7: {  	[tilespmem:s25], [sflag:$0x3] =	stream.linear.gather [hbm4b:s14+s3], $0x2000, $0x38;
	[tilespmem:$0x12400] =	vst v63  }
0x1f8: {  	_ =	swait.ge [sflag:s23], $0x2000  }
0x1f9: {  	[sflag:s23] =	ssyncset.done $0x0  }
0x1fa: {  	[sflag:s23] =	ssyncadd.s32 $0xFFFFE000  }
.LBB2_10:
0x1fb: {  	v4 =	vld [tilespmem:$0x6000]  }
0x1fc: {  	v5 =	vld [tilespmem:$0x6180]  }
0x1fd: {  	v6 =	vld [tilespmem:$0x6080]  }
0x1fe: {  	s22 =	sshra.s32 s3, $0x2;
	v7 =	vld [tilespmem:$0x6100]  }
0x1ff: {  	v1 =	vld [tilespmem:s22+$0x0]  }
0x200: {  	v2 =	vld [tilespmem:s22+$0x2000]  }
0x201: {  	v3 =	vld [tilespmem:s22+$0x4000]  }
0x202: {  	v8 =	vld [tilespmem:$0x6200]  }
0x203: {  	v9 =	vld [tilespmem:$0x6280];
	_ =	sdelay $0x1  }
0x204: {  	v1 =	vadd.f32 v4, v1;
	v2 =	vadd.f32 v6, v2  }
0x205: {  	v3 =	vadd.f32 v7, v3  }
0x206: {  	v1 =	vmul.f32 v5, v1;
	v2 =	vmul.f32 v8, v2  }
0x207: {  	v3 =	vmul.f32 v9, v3  }
0x208: {  	v1 =	vtrunc.f32 v1;
	v2 =	vtrunc.f32 v2  }
0x209: {  	v1 =	vcvt.f32.s32 v1;
	v2 =	vcvt.f32.s32 v2  }
0x20a: {  	v3 =	vtrunc.f32 v3  }
0x20b: {  	v3 =	vcvt.f32.s32 v3;
	v44 =	vor.u32 v1, v2  }
0x20c: {  	vm0 =	vgt.s32 v1, $0x1FF;
	vm1 =	vgt.s32 v2, $0x1FF;
	v45 =	vshll.u32 v2, $0x8  }
0x20d: {  	v1 =	vshll.u32 v1, $0x11;
	v2 =	vshll.u32 v2, $0x7;
	v4 =	vor.u32 v3, v44  }
0x20e: {  	v46 =	vshll.u32 v3, $0x3;
	vm2 =	vlt.s32 v4, $0x0;
	v4 =	vand.u32 $0xFFFFF800, v45  }
0x20f: {  	v47 =	vand.u32 $0x7F, v3;
	v2 =	vand.u32 $0x380, v2;
	v1 =	vadd.s32 v1, v4  }
0x210: {  	vm11 =	vgt.s32 v3, $0xFF;
	vm0 =	vmor vm0, vm1;
	v1 =	vor.u32 v2, v1  }
0x211: {  	vm0 =	vmor vm0, vm2;
	v2 =	vand.u32 $0xFFFFFC00, v46;
	v1 =	vor.u32 v47, v1  }
0x212: {  	vm0 =	vmor vm11, vm0;
	v1 =	vadd.s32 v2, v1  }
0x213: {  	v3 =	vld [tilespmem:s22+$0x2010];
	v1 =	vsel vm0, $0x0, v1  }
0x214: {  	v2 =	vld [tilespmem:s22+$0x10];
	[tilespmem:s22+$0x6400] =	vst v1;
	v1 =	vsel vm0, $0x0, v0  }
0x215: {  	[tilespmem:s22+$0x8400] =	vst v1;
	v1 =	vld [tilespmem:s22+$0x4010]  }
0x216: {  	v48 =	vld [tilespmem:$0x6000]  }
0x217: {  	v49 =	vld [tilespmem:$0x6180]  }
0x218: {  	v50 =	vld [tilespmem:$0x6080]  }
0x219: {  	v51 =	vld [tilespmem:$0x6100]  }
0x21a: {  	v52 =	vld [tilespmem:$0x6200]  }
0x21b: {  	v53 =	vld [tilespmem:$0x6280];
	_ =	sdelay $0x1  }
0x21c: {  	v2 =	vadd.f32 v48, v2;
	v3 =	vadd.f32 v50, v3  }
0x21d: {  	v1 =	vadd.f32 v51, v1  }
0x21e: {  	v2 =	vmul.f32 v49, v2;
	v3 =	vmul.f32 v52, v3  }
0x21f: {  	v1 =	vmul.f32 v53, v1  }
0x220: {  	v2 =	vtrunc.f32 v2;
	v3 =	vtrunc.f32 v3  }
0x221: {  	v2 =	vcvt.f32.s32 v2;
	v3 =	vcvt.f32.s32 v3  }
0x222: {  	v1 =	vtrunc.f32 v1  }
0x223: {  	v1 =	vcvt.f32.s32 v1;
	v54 =	vor.u32 v2, v3  }
0x224: {  	vm12 =	vgt.s32 v2, $0x1FF;
	vm13 =	vgt.s32 v3, $0x1FF;
	v55 =	vshll.u32 v3, $0x8  }
0x225: {  	v2 =	vshll.u32 v2, $0x11;
	v3 =	vshll.u32 v3, $0x7;
	v4 =	vor.u32 v1, v54  }
0x226: {  	v56 =	vshll.u32 v1, $0x3;
	vm14 =	vlt.s32 v4, $0x0;
	v4 =	vand.u32 $0xFFFFF800, v55  }
0x227: {  	v57 =	vand.u32 $0x7F, v1;
	v3 =	vand.u32 $0x380, v3;
	v2 =	vadd.s32 v2, v4  }
0x228: {  	vm15 =	vgt.s32 v1, $0xFF;
	vm0 =	vmor vm12, vm13;
	v2 =	vor.u32 v3, v2  }
0x229: {  	v1 =	vand.u32 $0xFFFFFC00, v56;
	vm0 =	vmor vm0, vm14;
	v2 =	vor.u32 v57, v2  }
0x22a: {  	vm0 =	vmor vm15, vm0;
	v1 =	vadd.s32 v1, v2  }
0x22b: {  	v3 =	vld [tilespmem:s22+$0x2020];
	v1 =	vsel vm0, $0x0, v1  }
0x22c: {  	v2 =	vld [tilespmem:s22+$0x20];
	[tilespmem:s22+$0x6410] =	vst v1;
	v1 =	vsel vm0, $0x0, v0  }
0x22d: {  	[tilespmem:s22+$0x8410] =	vst v1;
	v1 =	vld [tilespmem:s22+$0x4020]  }
0x22e: {  	v58 =	vld [tilespmem:$0x6000]  }
0x22f: {  	v59 =	vld [tilespmem:$0x6180]  }
0x230: {  	v60 =	vld [tilespmem:$0x6080]  }
0x231: {  	v61 =	vld [tilespmem:$0x6100]  }
0x232: {  	v62 =	vld [tilespmem:$0x6200]  }
0x233: {  	v63 =	vld [tilespmem:$0x6280];
	_ =	sdelay $0x1  }
0x234: {  	v2 =	vadd.f32 v58, v2;
	v3 =	vadd.f32 v60, v3  }
0x235: {  	v1 =	vadd.f32 v61, v1  }
0x236: {  	v2 =	vmul.f32 v59, v2;
	v3 =	vmul.f32 v62, v3  }
0x237: {  	v1 =	vmul.f32 v63, v1  }
0x238: {  	v2 =	vtrunc.f32 v2;
	v3 =	vtrunc.f32 v3  }
0x239: {  	v2 =	vcvt.f32.s32 v2;
	v3 =	vcvt.f32.s32 v3  }
0x23a: {  	v1 =	vtrunc.f32 v1  }
0x23b: {  	v1 =	vcvt.f32.s32 v1;
	v11 =	vor.u32 v2, v3  }
0x23c: {  	vm4 =	vgt.s32 v2, $0x1FF;
	vm5 =	vgt.s32 v3, $0x1FF;
	v12 =	vshll.u32 v3, $0x8  }
0x23d: {  	v2 =	vshll.u32 v2, $0x11;
	v3 =	vshll.u32 v3, $0x7;
	v4 =	vor.u32 v1, v11  }
0x23e: {  	v13 =	vshll.u32 v1, $0x3;
	vm6 =	vlt.s32 v4, $0x0;
	v4 =	vand.u32 $0xFFFFF800, v12  }
0x23f: {  	v14 =	vand.u32 $0x7F, v1;
	v3 =	vand.u32 $0x380, v3;
	v2 =	vadd.s32 v2, v4  }
0x240: {  	vm7 =	vgt.s32 v1, $0xFF;
	vm0 =	vmor vm4, vm5;
	v2 =	vor.u32 v3, v2  }
0x241: {  	v1 =	vand.u32 $0xFFFFFC00, v13;
	vm0 =	vmor vm0, vm6;
	v2 =	vor.u32 v14, v2  }
0x242: {  	vm0 =	vmor vm7, vm0;
	v1 =	vadd.s32 v1, v2  }
0x243: {  	v3 =	vld [tilespmem:s22+$0x2030];
	v1 =	vsel vm0, $0x0, v1  }
0x244: {  	v2 =	vld [tilespmem:s22+$0x30];
	[tilespmem:s22+$0x6420] =	vst v1;
	v1 =	vsel vm0, $0x0, v0  }
0x245: {  	[tilespmem:s22+$0x8420] =	vst v1;
	v1 =	vld [tilespmem:s22+$0x4030]  }
0x246: {  	v15 =	vld [tilespmem:$0x6000]  }
0x247: {  	v16 =	vld [tilespmem:$0x6180]  }
0x248: {  	v17 =	vld [tilespmem:$0x6080]  }
0x249: {  	v18 =	vld [tilespmem:$0x6100]  }
0x24a: {  	v19 =	vld [tilespmem:$0x6200]  }
0x24b: {  	v20 =	vld [tilespmem:$0x6280];
	_ =	sdelay $0x1  }
0x24c: {  	v2 =	vadd.f32 v15, v2;
	v3 =	vadd.f32 v17, v3  }
0x24d: {  	v1 =	vadd.f32 v18, v1  }
0x24e: {  	v2 =	vmul.f32 v16, v2;
	v3 =	vmul.f32 v19, v3  }
0x24f: {  	v1 =	vmul.f32 v20, v1  }
0x250: {  	v2 =	vtrunc.f32 v2;
	v3 =	vtrunc.f32 v3  }
0x251: {  	v2 =	vcvt.f32.s32 v2;
	v3 =	vcvt.f32.s32 v3  }
0x252: {  	v1 =	vtrunc.f32 v1  }
0x253: {  	v1 =	vcvt.f32.s32 v1;
	v21 =	vor.u32 v2, v3  }
0x254: {  	vm8 =	vgt.s32 v2, $0x1FF;
	vm9 =	vgt.s32 v3, $0x1FF;
	v22 =	vshll.u32 v3, $0x8  }
0x255: {  	v2 =	vshll.u32 v2, $0x11;
	v3 =	vshll.u32 v3, $0x7;
	v4 =	vor.u32 v1, v21  }
0x256: {  	v23 =	vshll.u32 v1, $0x3;
	vm10 =	vlt.s32 v4, $0x0;
	v4 =	vand.u32 $0xFFFFF800, v22  }
0x257: {  	v24 =	vand.u32 $0x7F, v1;
	v3 =	vand.u32 $0x380, v3;
	v2 =	vadd.s32 v2, v4  }
0x258: {  	vm11 =	vgt.s32 v1, $0xFF;
	vm0 =	vmor vm8, vm9;
	v2 =	vor.u32 v3, v2  }
0x259: {  	v1 =	vand.u32 $0xFFFFFC00, v23;
	vm0 =	vmor vm0, vm10;
	v2 =	vor.u32 v24, v2  }
0x25a: {  	vm0 =	vmor vm11, vm0;
	v1 =	vadd.s32 v1, v2  }
0x25b: {  	v3 =	vld [tilespmem:s22+$0x2040];
	v1 =	vsel vm0, $0x0, v1  }
0x25c: {  	v2 =	vld [tilespmem:s22+$0x40];
	[tilespmem:s22+$0x6430] =	vst v1;
	v1 =	vsel vm0, $0x0, v0  }
0x25d: {  	[tilespmem:s22+$0x8430] =	vst v1;
	v1 =	vld [tilespmem:s22+$0x4040]  }
0x25e: {  	v25 =	vld [tilespmem:$0x6000]  }
0x25f: {  	v26 =	vld [tilespmem:$0x6180]  }
0x260: {  	v27 =	vld [tilespmem:$0x6080]  }
0x261: {  	v28 =	vld [tilespmem:$0x6100]  }
0x262: {  	v29 =	vld [tilespmem:$0x6200]  }
0x263: {  	v30 =	vld [tilespmem:$0x6280];
	_ =	sdelay $0x1  }
0x264: {  	v2 =	vadd.f32 v25, v2;
	v3 =	vadd.f32 v27, v3  }
0x265: {  	v1 =	vadd.f32 v28, v1  }
0x266: {  	v2 =	vmul.f32 v26, v2;
	v3 =	vmul.f32 v29, v3  }
0x267: {  	v1 =	vmul.f32 v30, v1  }
0x268: {  	v2 =	vtrunc.f32 v2;
	v3 =	vtrunc.f32 v3  }
0x269: {  	v2 =	vcvt.f32.s32 v2;
	v3 =	vcvt.f32.s32 v3  }
0x26a: {  	v1 =	vtrunc.f32 v1  }
0x26b: {  	v1 =	vcvt.f32.s32 v1;
	v31 =	vor.u32 v2, v3  }
0x26c: {  	vm12 =	vgt.s32 v2, $0x1FF;
	vm13 =	vgt.s32 v3, $0x1FF;
	v32 =	vshll.u32 v3, $0x8  }
0x26d: {  	v2 =	vshll.u32 v2, $0x11;
	v3 =	vshll.u32 v3, $0x7;
	v4 =	vor.u32 v1, v31  }
0x26e: {  	v33 =	vshll.u32 v1, $0x3;
	vm14 =	vlt.s32 v4, $0x0;
	v4 =	vand.u32 $0xFFFFF800, v32  }
0x26f: {  	v34 =	vand.u32 $0x7F, v1;
	v3 =	vand.u32 $0x380, v3;
	v2 =	vadd.s32 v2, v4  }
0x270: {  	vm15 =	vgt.s32 v1, $0xFF;
	vm0 =	vmor vm12, vm13;
	v2 =	vor.u32 v3, v2  }
0x271: {  	v1 =	vand.u32 $0xFFFFFC00, v33;
	vm0 =	vmor vm0, vm14;
	v2 =	vor.u32 v34, v2  }
0x272: {  	vm0 =	vmor vm15, vm0;
	v1 =	vadd.s32 v1, v2  }
0x273: {  	v3 =	vld [tilespmem:s22+$0x2050];
	v1 =	vsel vm0, $0x0, v1  }
0x274: {  	v2 =	vld [tilespmem:s22+$0x50];
	[tilespmem:s22+$0x6440] =	vst v1;
	v1 =	vsel vm0, $0x0, v0  }
0x275: {  	[tilespmem:s22+$0x8440] =	vst v1;
	v1 =	vld [tilespmem:s22+$0x4050]  }
0x276: {  	v35 =	vld [tilespmem:$0x6000]  }
0x277: {  	v36 =	vld [tilespmem:$0x6180]  }
0x278: {  	v37 =	vld [tilespmem:$0x6080]  }
0x279: {  	v38 =	vld [tilespmem:$0x6100]  }
0x27a: {  	v39 =	vld [tilespmem:$0x6200]  }
0x27b: {  	v40 =	vld [tilespmem:$0x6280];
	_ =	sdelay $0x1  }
0x27c: {  	v2 =	vadd.f32 v35, v2;
	v3 =	vadd.f32 v37, v3  }
0x27d: {  	v1 =	vadd.f32 v38, v1  }
0x27e: {  	v2 =	vmul.f32 v36, v2;
	v3 =	vmul.f32 v39, v3  }
0x27f: {  	v1 =	vmul.f32 v40, v1  }
0x280: {  	v2 =	vtrunc.f32 v2;
	v3 =	vtrunc.f32 v3  }
0x281: {  	v2 =	vcvt.f32.s32 v2;
	v3 =	vcvt.f32.s32 v3  }
0x282: {  	v1 =	vtrunc.f32 v1  }
0x283: {  	v1 =	vcvt.f32.s32 v1;
	v41 =	vor.u32 v2, v3  }
0x284: {  	vm4 =	vgt.s32 v2, $0x1FF;
	vm5 =	vgt.s32 v3, $0x1FF;
	v42 =	vshll.u32 v3, $0x8  }
0x285: {  	v2 =	vshll.u32 v2, $0x11;
	v3 =	vshll.u32 v3, $0x7;
	v4 =	vor.u32 v1, v41  }
0x286: {  	v43 =	vshll.u32 v1, $0x3;
	vm6 =	vlt.s32 v4, $0x0;
	v4 =	vand.u32 $0xFFFFF800, v42  }
0x287: {  	v44 =	vand.u32 $0x7F, v1;
	v3 =	vand.u32 $0x380, v3;
	v2 =	vadd.s32 v2, v4  }
0x288: {  	vm7 =	vgt.s32 v1, $0xFF;
	vm0 =	vmor vm4, vm5;
	v2 =	vor.u32 v3, v2  }
0x289: {  	v1 =	vand.u32 $0xFFFFFC00, v43;
	vm0 =	vmor vm0, vm6;
	v2 =	vor.u32 v44, v2  }
0x28a: {  	vm0 =	vmor vm7, vm0;
	v1 =	vadd.s32 v1, v2  }
0x28b: {  	v3 =	vld [tilespmem:s22+$0x2060];
	v1 =	vsel vm0, $0x0, v1  }
0x28c: {  	v2 =	vld [tilespmem:s22+$0x60];
	[tilespmem:s22+$0x6450] =	vst v1;
	v1 =	vsel vm0, $0x0, v0  }
0x28d: {  	[tilespmem:s22+$0x8450] =	vst v1;
	v1 =	vld [tilespmem:s22+$0x4060]  }
0x28e: {  	v45 =	vld [tilespmem:$0x6000]  }
0x28f: {  	v46 =	vld [tilespmem:$0x6180]  }
0x290: {  	v47 =	vld [tilespmem:$0x6080]  }
0x291: {  	v48 =	vld [tilespmem:$0x6100]  }
0x292: {  	v49 =	vld [tilespmem:$0x6200]  }
0x293: {  	v50 =	vld [tilespmem:$0x6280];
	_ =	sdelay $0x1  }
0x294: {  	v2 =	vadd.f32 v45, v2;
	v3 =	vadd.f32 v47, v3  }
0x295: {  	v1 =	vadd.f32 v48, v1  }
0x296: {  	v2 =	vmul.f32 v46, v2;
	v3 =	vmul.f32 v49, v3  }
0x297: {  	v1 =	vmul.f32 v50, v1  }
0x298: {  	v2 =	vtrunc.f32 v2;
	v3 =	vtrunc.f32 v3  }
0x299: {  	v2 =	vcvt.f32.s32 v2;
	v3 =	vcvt.f32.s32 v3  }
0x29a: {  	v1 =	vtrunc.f32 v1  }
0x29b: {  	v1 =	vcvt.f32.s32 v1;
	v51 =	vor.u32 v2, v3  }
0x29c: {  	vm8 =	vgt.s32 v2, $0x1FF;
	vm9 =	vgt.s32 v3, $0x1FF;
	v52 =	vshll.u32 v3, $0x8  }
0x29d: {  	v2 =	vshll.u32 v2, $0x11;
	v3 =	vshll.u32 v3, $0x7;
	v4 =	vor.u32 v1, v51  }
0x29e: {  	v53 =	vshll.u32 v1, $0x3;
	vm10 =	vlt.s32 v4, $0x0;
	v4 =	vand.u32 $0xFFFFF800, v52  }
0x29f: {  	v54 =	vand.u32 $0x7F, v1;
	v3 =	vand.u32 $0x380, v3;
	v2 =	vadd.s32 v2, v4  }
0x2a0: {  	vm11 =	vgt.s32 v1, $0xFF;
	vm0 =	vmor vm8, vm9;
	v2 =	vor.u32 v3, v2  }
0x2a1: {  	v1 =	vand.u32 $0xFFFFFC00, v53;
	vm0 =	vmor vm0, vm10;
	v2 =	vor.u32 v54, v2  }
0x2a2: {  	vm0 =	vmor vm11, vm0;
	v1 =	vadd.s32 v1, v2  }
0x2a3: {  	v3 =	vld [tilespmem:s22+$0x2070];
	v1 =	vsel vm0, $0x0, v1  }
0x2a4: {  	v2 =	vld [tilespmem:s22+$0x70];
	[tilespmem:s22+$0x6460] =	vst v1;
	v1 =	vsel vm0, $0x0, v0  }
0x2a5: {  	[tilespmem:s22+$0x8460] =	vst v1;
	v1 =	vld [tilespmem:s22+$0x4070]  }
0x2a6: {  	v55 =	vld [tilespmem:$0x6000]  }
0x2a7: {  	v56 =	vld [tilespmem:$0x6180]  }
0x2a8: {  	v57 =	vld [tilespmem:$0x6080]  }
0x2a9: {  	v58 =	vld [tilespmem:$0x6100]  }
0x2aa: {  	v59 =	vld [tilespmem:$0x6200]  }
0x2ab: {  	v60 =	vld [tilespmem:$0x6280];
	_ =	sdelay $0x1  }
0x2ac: {  	v2 =	vadd.f32 v55, v2;
	v3 =	vadd.f32 v57, v3  }
0x2ad: {  	v1 =	vadd.f32 v58, v1  }
0x2ae: {  	v2 =	vmul.f32 v56, v2;
	v3 =	vmul.f32 v59, v3  }
0x2af: {  	v1 =	vmul.f32 v60, v1  }
0x2b0: {  	v2 =	vtrunc.f32 v2;
	v3 =	vtrunc.f32 v3  }
0x2b1: {  	v2 =	vcvt.f32.s32 v2;
	v3 =	vcvt.f32.s32 v3  }
0x2b2: {  	v1 =	vtrunc.f32 v1  }
0x2b3: {  	v1 =	vcvt.f32.s32 v1;
	v61 =	vor.u32 v2, v3  }
0x2b4: {  	vm12 =	vgt.s32 v2, $0x1FF;
	vm13 =	vgt.s32 v3, $0x1FF;
	v62 =	vshll.u32 v3, $0x8  }
0x2b5: {  	v2 =	vshll.u32 v2, $0x11;
	v3 =	vshll.u32 v3, $0x7;
	v4 =	vor.u32 v1, v61  }
0x2b6: {  	v63 =	vshll.u32 v1, $0x3;
	vm14 =	vlt.s32 v4, $0x0;
	v4 =	vand.u32 $0xFFFFF800, v62  }
0x2b7: {  	vm15 =	vgt.s32 v1, $0xFF;
	v3 =	vand.u32 $0x380, v3;
	v2 =	vadd.s32 v2, v4  }
0x2b8: {  	vm0 =	vmor vm12, vm13;
	v2 =	vor.u32 v3, v2;
	v3 =	vand.u32 $0x7F, v1  }
0x2b9: {  	p0 =	sne.s32 s3, $0x7E00;
	vm0 =	vmor vm0, vm14;
	v1 =	vand.u32 $0xFFFFFC00, v63;
	v2 =	vor.u32 v3, v2  }
.Ltmp4:
0x2ba: {  	vm0 =	vmor vm15, vm0;
	v1 =	vadd.s32 v1, v2;
	(pc) =	sbr.rel @p0 .LBB2_10-.Ltmp4, $4  }
0x2bb: {  	v1 =	vsel vm0, $0x0, v1  }
0x2bc: {  	[tilespmem:s22+$0x6470] =	vst v1;
	v1 =	vsel vm0, $0x0, v0  }
0x2bd: {  	s3 =	sadd.s32 $0x200, s3;
	s4 =	sadd.s32 $0x6400, s22;
	[tilespmem:s22+$0x8470] =	vst v1;
	s22 =	sadd.s32 $0xA400, s22  }
0x2be: {  	[tilespmem:s22], [sflag:$0x1] =	stream.indirect.gather [hbm4b:s1+s26], $0x1, s4, s26, $0xb8;
	[tilespmem:$0x12400] =	vst v63  }
0x2bf: {  	s3 =	simm.s32 $0x40  }
.LBB2_12:
0x2c0: {  	p0 =	sne.s32 s3, $0x1  }
.Ltmp5:
0x2c1: {  	_ = 	snop;
	(pc) =	sbr.rel @p0 .LBB2_12-.Ltmp5, $4  }
0x2c2: {  	_ = 	snop  }
0x2c3: {  	_ =	swait.ge [sflag:s30], $0x80  }
0x2c4: {  	[sflag:s30] =	ssyncset.done $0x0  }
0x2c5: {  	s3 =	sadd.s32 $0xFFFFFFFF, s3;
	[sflag:s30] =	ssyncadd.s32 $0xFFFFFF80  }
0x2c6: {  	s3 =	simm.s32 $0x0  }
0x2c7: {  	v3 =	vld [tilespmem:s3+$0x10460]  }
0x2c8: {  	v1 =	vld [tilespmem:s3+$0xE410]  }
0x2c9: {  	v4 =	vld [tilespmem:s3+$0x10450]  }
0x2ca: {  	v2 =	vld [tilespmem:s3+$0xE450]  }
0x2cb: {  	v9 =	vld [tilespmem:s3+$0xE460]  }
0x2cc: {  	v5 =	vld [tilespmem:s3+$0x10470];
	v3 =	vmax.f32 v3, $-1.000000000e+03  }
0x2cd: {  	v8 =	vld [tilespmem:s3+$0x10430];
	v3 =	vmul.f32 $1.000000050e-03, v3  }
0x2ce: {  	v10 =	vld [tilespmem:s3+$0x10440]  }
0x2cf: {  	v12 =	vld [tilespmem:s3+$0x10420];
	v4 =	vmax.f32 v4, $-1.000000000e+03;
	v3 =	vadd.f32 $1.000000000e+00, v3  }
0x2d0: {  	v6 =	vld [tilespmem:s3+$0x10400];
	v4 =	vmul.f32 $1.000000050e-03, v4  }
0x2d1: {  	v7 =	vld [tilespmem:s3+$0x10410];
	v5 =	vmax.f32 v5, $-1.000000000e+03;
	v3 =	vmul.f32 $7.999999820e-02, v3  }
0x2d2: {  	v11 =	vmax.f32 v8, $-1.000000000e+03;
	v8 =	vmul.f32 $1.000000050e-03, v5;
	v5 =	vld [tilespmem:s3+$0xE470];
	v14 =	vadd.f32 $1.000000000e+00, v4  }
0x2d3: {  	s22 =	simm.s32 $0x200;
	v15 =	vmax.f32 v10, $-1.000000000e+03;
	v11 =	vmul.f32 $1.000000050e-03, v11;
	v4 =	vld [tilespmem:s3+$0xE430];
	v10 =	vmul.f32 v3, v9  }
0x2d4: {  	v13 =	vmax.f32 v12, $-1.000000000e+03;
	v12 =	vmul.f32 $7.999999820e-02, v14;
	v3 =	vld [tilespmem:s3+$0xE420];
	v9 =	vmul.f32 $1.000000050e-03, v15  }
.LBB2_14:
0x2d5: {  	s4 =	sshra.s32 s22, $0x2;
	p0 =	sne.s32 s22, $0x7E00;
	s22 =	sadd.s32 $0x200, s22;
	v13 =	vmul.f32 $1.000000050e-03, v13;
	v11 =	vadd.f32 $1.000000000e+00, v11;
	v14 =	vld [tilespmem:s3+$0xE440];
	[tilespmem:s3+$0x10460] =	vst v10;
	v8 =	vadd.f32 $1.000000000e+00, v8  }
0x2d6: {  	v6 =	vmax.f32 v6, $-1.000000000e+03;
	v10 =	vld [tilespmem:s4+$0x10460];
	v7 =	vmax.f32 v7, $-1.000000000e+03;
	v2 =	vmul.f32 v12, v2  }
0x2d7: {  	v6 =	vmul.f32 $1.000000050e-03, v6;
	v9 =	vadd.f32 $1.000000000e+00, v9;
	v12 =	vld [tilespmem:s4+$0xE410];
	v8 =	vmul.f32 $7.999999820e-02, v8  }
0x2d8: {  	v7 =	vmul.f32 $1.000000050e-03, v7;
	v13 =	vadd.f32 $1.000000000e+00, v13;
	v11 =	vmul.f32 $7.999999820e-02, v11;
	v15 =	vld [tilespmem:s3+$0xE400];
	[tilespmem:s3+$0x10450] =	vst v2  }
0x2d9: {  	v6 =	vadd.f32 $1.000000000e+00, v6;
	v9 =	vmul.f32 $7.999999820e-02, v9;
	v16 =	vld [tilespmem:s4+$0x10450];
	v5 =	vmul.f32 v8, v5  }
0x2da: {  	v7 =	vadd.f32 $1.000000000e+00, v7;
	v8 =	vmul.f32 $7.999999820e-02, v13;
	v4 =	vmul.f32 v11, v4;
	v2 =	vld [tilespmem:s4+$0xE450]  }
0x2db: {  	v6 =	vmul.f32 $7.999999820e-02, v6;
	v9 =	vmul.f32 v9, v14;
	v13 =	vld [tilespmem:s4+$0xE460];
	[tilespmem:s3+$0x10470] =	vst v5  }
0x2dc: {  	v5 =	vmax.f32 v10, $-1.000000000e+03;
	v7 =	vmul.f32 $7.999999820e-02, v7;
	v3 =	vmul.f32 v8, v3;
	v10 =	vld [tilespmem:s4+$0x10470];
	[tilespmem:s3+$0x10430] =	vst v4  }
0x2dd: {  	v5 =	vmul.f32 $1.000000050e-03, v5;
	v4 =	vld [tilespmem:s4+$0x10430];
	v6 =	vmul.f32 v6, v15;
	[tilespmem:s3+$0x10440] =	vst v9  }
0x2de: {  	v7 =	vmul.f32 v7, v1;
	v1 =	vmov v12;
	v9 =	vld [tilespmem:s4+$0x10440];
	v8 =	vmax.f32 v16, $-1.000000000e+03;
	[tilespmem:s3+$0x10420] =	vst v3  }
0x2df: {  	v5 =	vadd.f32 $1.000000000e+00, v5;
	v3 =	vld [tilespmem:s4+$0x10420];
	v8 =	vmul.f32 $1.000000050e-03, v8;
	[tilespmem:s3+$0x10400] =	vst v6  }
.Ltmp6:
0x2e0: {  	v6 =	vld [tilespmem:s4+$0x10400];
	[tilespmem:s3+$0x10410] =	vst v7;
	s3 =	smov.u32 s4;
	(pc) =	sbr.rel @p0 .LBB2_14-.Ltmp6, $4  }
0x2e1: {  	v12 =	vmul.f32 $7.999999820e-02, v5;
	v7 =	vld [tilespmem:s3+$0x10410];
	v5 =	vmax.f32 v10, $-1.000000000e+03  }
0x2e2: {  	v14 =	vadd.f32 $1.000000000e+00, v8;
	v4 =	vmax.f32 v4, $-1.000000000e+03;
	v8 =	vmul.f32 $1.000000050e-03, v5;
	v5 =	vld [tilespmem:s3+$0xE470]  }
0x2e3: {  	v10 =	vmul.f32 v12, v13;
	v11 =	vmul.f32 $1.000000050e-03, v4;
	v4 =	vld [tilespmem:s3+$0xE430];
	v9 =	vmax.f32 v9, $-1.000000000e+03  }
0x2e4: {  	v12 =	vmul.f32 $7.999999820e-02, v14;
	v13 =	vmax.f32 v3, $-1.000000000e+03;
	v3 =	vld [tilespmem:s3+$0xE420];
	v9 =	vmul.f32 $1.000000050e-03, v9  }
0x2e5: {  	v13 =	vmul.f32 $1.000000050e-03, v13;
	v11 =	vadd.f32 $1.000000000e+00, v11;
	v8 =	vadd.f32 $1.000000000e+00, v8  }
0x2e6: {  	v14 =	vld [tilespmem:s3+$0xE440];
	v6 =	vmax.f32 v6, $-1.000000000e+03;
	v7 =	vmax.f32 v7, $-1.000000000e+03;
	v2 =	vmul.f32 v12, v2  }
0x2e7: {  	v6 =	vmul.f32 $1.000000050e-03, v6;
	v9 =	vadd.f32 $1.000000000e+00, v9;
	v8 =	vmul.f32 $7.999999820e-02, v8  }
0x2e8: {  	v59 =	vld [tilespmem:s3+$0xE400];
	v7 =	vmul.f32 $1.000000050e-03, v7;
	v60 =	vadd.f32 $1.000000000e+00, v13;
	v11 =	vmul.f32 $7.999999820e-02, v11  }
0x2e9: {  	[tilespmem:s3+$0x10460] =	vst v10;
	v6 =	vadd.f32 $1.000000000e+00, v6;
	v9 =	vmul.f32 $7.999999820e-02, v9;
	v5 =	vmul.f32 v8, v5  }
0x2ea: {  	[tilespmem:s3+$0x10450] =	vst v2;
	v2 =	vadd.f32 $1.000000000e+00, v7;
	v61 =	vmul.f32 $7.999999820e-02, v60;
	v4 =	vmul.f32 v11, v4  }
0x2eb: {  	v6 =	vmul.f32 $7.999999820e-02, v6;
	v62 =	vmul.f32 v9, v14;
	[tilespmem:s3+$0x10470] =	vst v5  }
0x2ec: {  	v2 =	vmul.f32 $7.999999820e-02, v2;
	v3 =	vmul.f32 v61, v3;
	[tilespmem:s3+$0x10430] =	vst v4  }
0x2ed: {  	v63 =	vmul.f32 v6, v59;
	[tilespmem:s3+$0x10440] =	vst v62  }
0x2ee: {  	v1 =	vmul.f32 v2, v1;
	[tilespmem:s3+$0x10420] =	vst v3  }
0x2ef: {  	[tilespmem:s3+$0x10400] =	vst v63  }
0x2f0: {  	[tilespmem:s3+$0x10410] =	vst v1;
	s3 =	simm.s32 $0x0  }
0x2f1: {  	[hbm4b:s15+s3] =	stream.linear.scatter [tilespmem:s31], [sflag:$0x3], $0x2000, $0x38;
	[tilespmem:$0x12400] =	vst v63  }
0x2f2: {  	_ =	swait.ge [sflag:s23], $0x2000  }
0x2f3: {  	[sflag:s23] =	ssyncset.done $0x0  }
0x2f4: {  	[sflag:s23] =	ssyncadd.s32 $0xFFFFE000  }
0x2f5: {  	[tilespmem:s3], [sflag:$0x3] =	stream.linear.gather [hbm4b:s16+s3], $0x2000, $0x38;
	[tilespmem:$0x12400] =	vst v63  }
0x2f6: {  	_ =	swait.ge [sflag:s23], $0x2000  }
0x2f7: {  	[sflag:s23] =	ssyncset.done $0x0  }
0x2f8: {  	[sflag:s23] =	ssyncadd.s32 $0xFFFFE000  }
0x2f9: {  	[tilespmem:s24], [sflag:$0x3] =	stream.linear.gather [hbm4b:s17+s3], $0x2000, $0x38;
	[tilespmem:$0x12400] =	vst v63  }
0x2fa: {  	_ =	swait.ge [sflag:s23], $0x2000  }
0x2fb: {  	[sflag:s23] =	ssyncset.done $0x0  }
0x2fc: {  	[sflag:s23] =	ssyncadd.s32 $0xFFFFE000  }
0x2fd: {  	[tilespmem:s25], [sflag:$0x3] =	stream.linear.gather [hbm4b:s18+s3], $0x2000, $0x38;
	[tilespmem:$0x12400] =	vst v63  }
0x2fe: {  	_ =	swait.ge [sflag:s23], $0x2000  }
0x2ff: {  	[sflag:s23] =	ssyncset.done $0x0  }
0x300: {  	[sflag:s23] =	ssyncadd.s32 $0xFFFFE000  }
.LBB2_16:
0x301: {  	v4 =	vld [tilespmem:$0x6000]  }
0x302: {  	v5 =	vld [tilespmem:$0x6180]  }
0x303: {  	v6 =	vld [tilespmem:$0x6080]  }
0x304: {  	s22 =	sshra.s32 s3, $0x2;
	v7 =	vld [tilespmem:$0x6100]  }
0x305: {  	v1 =	vld [tilespmem:s22+$0x0]  }
0x306: {  	v2 =	vld [tilespmem:s22+$0x2000]  }
0x307: {  	v3 =	vld [tilespmem:s22+$0x4000]  }
0x308: {  	v8 =	vld [tilespmem:$0x6200]  }
0x309: {  	v9 =	vld [tilespmem:$0x6280];
	_ =	sdelay $0x1  }
0x30a: {  	v1 =	vadd.f32 v4, v1;
	v2 =	vadd.f32 v6, v2  }
0x30b: {  	v3 =	vadd.f32 v7, v3  }
0x30c: {  	v1 =	vmul.f32 v5, v1;
	v2 =	vmul.f32 v8, v2  }
0x30d: {  	v3 =	vmul.f32 v9, v3  }
0x30e: {  	v1 =	vtrunc.f32 v1;
	v2 =	vtrunc.f32 v2  }
0x30f: {  	v1 =	vcvt.f32.s32 v1;
	v2 =	vcvt.f32.s32 v2  }
0x310: {  	v3 =	vtrunc.f32 v3  }
0x311: {  	v3 =	vcvt.f32.s32 v3;
	v44 =	vor.u32 v1, v2  }
0x312: {  	vm0 =	vgt.s32 v1, $0x1FF;
	vm1 =	vgt.s32 v2, $0x1FF;
	v45 =	vshll.u32 v2, $0x8  }
0x313: {  	v1 =	vshll.u32 v1, $0x11;
	v2 =	vshll.u32 v2, $0x7;
	v4 =	vor.u32 v3, v44  }
0x314: {  	v46 =	vshll.u32 v3, $0x3;
	vm2 =	vlt.s32 v4, $0x0;
	v4 =	vand.u32 $0xFFFFF800, v45  }
0x315: {  	v47 =	vand.u32 $0x7F, v3;
	v2 =	vand.u32 $0x380, v2;
	v1 =	vadd.s32 v1, v4  }
0x316: {  	vm11 =	vgt.s32 v3, $0xFF;
	vm0 =	vmor vm0, vm1;
	v1 =	vor.u32 v2, v1  }
0x317: {  	vm0 =	vmor vm0, vm2;
	v2 =	vand.u32 $0xFFFFFC00, v46;
	v1 =	vor.u32 v47, v1  }
0x318: {  	vm0 =	vmor vm11, vm0;
	v1 =	vadd.s32 v2, v1  }
0x319: {  	v3 =	vld [tilespmem:s22+$0x2010];
	v1 =	vsel vm0, $0x0, v1  }
0x31a: {  	v2 =	vld [tilespmem:s22+$0x10];
	[tilespmem:s22+$0xC400] =	vst v1;
	v1 =	vsel vm0, $0x0, v0  }
0x31b: {  	[tilespmem:s22+$0xE400] =	vst v1;
	v1 =	vld [tilespmem:s22+$0x4010]  }
0x31c: {  	v48 =	vld [tilespmem:$0x6000]  }
0x31d: {  	v49 =	vld [tilespmem:$0x6180]  }
0x31e: {  	v50 =	vld [tilespmem:$0x6080]  }
0x31f: {  	v51 =	vld [tilespmem:$0x6100]  }
0x320: {  	v52 =	vld [tilespmem:$0x6200]  }
0x321: {  	v53 =	vld [tilespmem:$0x6280];
	_ =	sdelay $0x1  }
0x322: {  	v2 =	vadd.f32 v48, v2;
	v3 =	vadd.f32 v50, v3  }
0x323: {  	v1 =	vadd.f32 v51, v1  }
0x324: {  	v2 =	vmul.f32 v49, v2;
	v3 =	vmul.f32 v52, v3  }
0x325: {  	v1 =	vmul.f32 v53, v1  }
0x326: {  	v2 =	vtrunc.f32 v2;
	v3 =	vtrunc.f32 v3  }
0x327: {  	v2 =	vcvt.f32.s32 v2;
	v3 =	vcvt.f32.s32 v3  }
0x328: {  	v1 =	vtrunc.f32 v1  }
0x329: {  	v1 =	vcvt.f32.s32 v1;
	v54 =	vor.u32 v2, v3  }
0x32a: {  	vm12 =	vgt.s32 v2, $0x1FF;
	vm13 =	vgt.s32 v3, $0x1FF;
	v55 =	vshll.u32 v3, $0x8  }
0x32b: {  	v2 =	vshll.u32 v2, $0x11;
	v3 =	vshll.u32 v3, $0x7;
	v4 =	vor.u32 v1, v54  }
0x32c: {  	v56 =	vshll.u32 v1, $0x3;
	vm14 =	vlt.s32 v4, $0x0;
	v4 =	vand.u32 $0xFFFFF800, v55  }
0x32d: {  	v57 =	vand.u32 $0x7F, v1;
	v3 =	vand.u32 $0x380, v3;
	v2 =	vadd.s32 v2, v4  }
0x32e: {  	vm15 =	vgt.s32 v1, $0xFF;
	vm0 =	vmor vm12, vm13;
	v2 =	vor.u32 v3, v2  }
0x32f: {  	v1 =	vand.u32 $0xFFFFFC00, v56;
	vm0 =	vmor vm0, vm14;
	v2 =	vor.u32 v57, v2  }
0x330: {  	vm0 =	vmor vm15, vm0;
	v1 =	vadd.s32 v1, v2  }
0x331: {  	v3 =	vld [tilespmem:s22+$0x2020];
	v1 =	vsel vm0, $0x0, v1  }
0x332: {  	v2 =	vld [tilespmem:s22+$0x20];
	[tilespmem:s22+$0xC410] =	vst v1;
	v1 =	vsel vm0, $0x0, v0  }
0x333: {  	[tilespmem:s22+$0xE410] =	vst v1;
	v1 =	vld [tilespmem:s22+$0x4020]  }
0x334: {  	v58 =	vld [tilespmem:$0x6000]  }
0x335: {  	v59 =	vld [tilespmem:$0x6180]  }
0x336: {  	v60 =	vld [tilespmem:$0x6080]  }
0x337: {  	v61 =	vld [tilespmem:$0x6100]  }
0x338: {  	v62 =	vld [tilespmem:$0x6200]  }
0x339: {  	v63 =	vld [tilespmem:$0x6280];
	_ =	sdelay $0x1  }
0x33a: {  	v2 =	vadd.f32 v58, v2;
	v3 =	vadd.f32 v60, v3  }
0x33b: {  	v1 =	vadd.f32 v61, v1  }
0x33c: {  	v2 =	vmul.f32 v59, v2;
	v3 =	vmul.f32 v62, v3  }
0x33d: {  	v1 =	vmul.f32 v63, v1  }
0x33e: {  	v2 =	vtrunc.f32 v2;
	v3 =	vtrunc.f32 v3  }
0x33f: {  	v2 =	vcvt.f32.s32 v2;
	v3 =	vcvt.f32.s32 v3  }
0x340: {  	v1 =	vtrunc.f32 v1  }
0x341: {  	v1 =	vcvt.f32.s32 v1;
	v11 =	vor.u32 v2, v3  }
0x342: {  	vm4 =	vgt.s32 v2, $0x1FF;
	vm5 =	vgt.s32 v3, $0x1FF;
	v12 =	vshll.u32 v3, $0x8  }
0x343: {  	v2 =	vshll.u32 v2, $0x11;
	v3 =	vshll.u32 v3, $0x7;
	v4 =	vor.u32 v1, v11  }
0x344: {  	v13 =	vshll.u32 v1, $0x3;
	vm6 =	vlt.s32 v4, $0x0;
	v4 =	vand.u32 $0xFFFFF800, v12  }
0x345: {  	v14 =	vand.u32 $0x7F, v1;
	v3 =	vand.u32 $0x380, v3;
	v2 =	vadd.s32 v2, v4  }
0x346: {  	vm7 =	vgt.s32 v1, $0xFF;
	vm0 =	vmor vm4, vm5;
	v2 =	vor.u32 v3, v2  }
0x347: {  	v1 =	vand.u32 $0xFFFFFC00, v13;
	vm0 =	vmor vm0, vm6;
	v2 =	vor.u32 v14, v2  }
0x348: {  	vm0 =	vmor vm7, vm0;
	v1 =	vadd.s32 v1, v2  }
0x349: {  	v3 =	vld [tilespmem:s22+$0x2030];
	v1 =	vsel vm0, $0x0, v1  }
0x34a: {  	v2 =	vld [tilespmem:s22+$0x30];
	[tilespmem:s22+$0xC420] =	vst v1;
	v1 =	vsel vm0, $0x0, v0  }
0x34b: {  	[tilespmem:s22+$0xE420] =	vst v1;
	v1 =	vld [tilespmem:s22+$0x4030]  }
0x34c: {  	v15 =	vld [tilespmem:$0x6000]  }
0x34d: {  	v16 =	vld [tilespmem:$0x6180]  }
0x34e: {  	v17 =	vld [tilespmem:$0x6080]  }
0x34f: {  	v18 =	vld [tilespmem:$0x6100]  }
0x350: {  	v19 =	vld [tilespmem:$0x6200]  }
0x351: {  	v20 =	vld [tilespmem:$0x6280];
	_ =	sdelay $0x1  }
0x352: {  	v2 =	vadd.f32 v15, v2;
	v3 =	vadd.f32 v17, v3  }
0x353: {  	v1 =	vadd.f32 v18, v1  }
0x354: {  	v2 =	vmul.f32 v16, v2;
	v3 =	vmul.f32 v19, v3  }
0x355: {  	v1 =	vmul.f32 v20, v1  }
0x356: {  	v2 =	vtrunc.f32 v2;
	v3 =	vtrunc.f32 v3  }
0x357: {  	v2 =	vcvt.f32.s32 v2;
	v3 =	vcvt.f32.s32 v3  }
0x358: {  	v1 =	vtrunc.f32 v1  }
0x359: {  	v1 =	vcvt.f32.s32 v1;
	v21 =	vor.u32 v2, v3  }
0x35a: {  	vm8 =	vgt.s32 v2, $0x1FF;
	vm9 =	vgt.s32 v3, $0x1FF;
	v22 =	vshll.u32 v3, $0x8  }
0x35b: {  	v2 =	vshll.u32 v2, $0x11;
	v3 =	vshll.u32 v3, $0x7;
	v4 =	vor.u32 v1, v21  }
0x35c: {  	v23 =	vshll.u32 v1, $0x3;
	vm10 =	vlt.s32 v4, $0x0;
	v4 =	vand.u32 $0xFFFFF800, v22  }
0x35d: {  	v24 =	vand.u32 $0x7F, v1;
	v3 =	vand.u32 $0x380, v3;
	v2 =	vadd.s32 v2, v4  }
0x35e: {  	vm11 =	vgt.s32 v1, $0xFF;
	vm0 =	vmor vm8, vm9;
	v2 =	vor.u32 v3, v2  }
0x35f: {  	v1 =	vand.u32 $0xFFFFFC00, v23;
	vm0 =	vmor vm0, vm10;
	v2 =	vor.u32 v24, v2  }
0x360: {  	vm0 =	vmor vm11, vm0;
	v1 =	vadd.s32 v1, v2  }
0x361: {  	v3 =	vld [tilespmem:s22+$0x2040];
	v1 =	vsel vm0, $0x0, v1  }
0x362: {  	v2 =	vld [tilespmem:s22+$0x40];
	[tilespmem:s22+$0xC430] =	vst v1;
	v1 =	vsel vm0, $0x0, v0  }
0x363: {  	[tilespmem:s22+$0xE430] =	vst v1;
	v1 =	vld [tilespmem:s22+$0x4040]  }
0x364: {  	v25 =	vld [tilespmem:$0x6000]  }
0x365: {  	v26 =	vld [tilespmem:$0x6180]  }
0x366: {  	v27 =	vld [tilespmem:$0x6080]  }
0x367: {  	v28 =	vld [tilespmem:$0x6100]  }
0x368: {  	v29 =	vld [tilespmem:$0x6200]  }
0x369: {  	v30 =	vld [tilespmem:$0x6280];
	_ =	sdelay $0x1  }
0x36a: {  	v2 =	vadd.f32 v25, v2;
	v3 =	vadd.f32 v27, v3  }
0x36b: {  	v1 =	vadd.f32 v28, v1  }
0x36c: {  	v2 =	vmul.f32 v26, v2;
	v3 =	vmul.f32 v29, v3  }
0x36d: {  	v1 =	vmul.f32 v30, v1  }
0x36e: {  	v2 =	vtrunc.f32 v2;
	v3 =	vtrunc.f32 v3  }
0x36f: {  	v2 =	vcvt.f32.s32 v2;
	v3 =	vcvt.f32.s32 v3  }
0x370: {  	v1 =	vtrunc.f32 v1  }
0x371: {  	v1 =	vcvt.f32.s32 v1;
	v31 =	vor.u32 v2, v3  }
0x372: {  	vm12 =	vgt.s32 v2, $0x1FF;
	vm13 =	vgt.s32 v3, $0x1FF;
	v32 =	vshll.u32 v3, $0x8  }
0x373: {  	v2 =	vshll.u32 v2, $0x11;
	v3 =	vshll.u32 v3, $0x7;
	v4 =	vor.u32 v1, v31  }
0x374: {  	v33 =	vshll.u32 v1, $0x3;
	vm14 =	vlt.s32 v4, $0x0;
	v4 =	vand.u32 $0xFFFFF800, v32  }
0x375: {  	v34 =	vand.u32 $0x7F, v1;
	v3 =	vand.u32 $0x380, v3;
	v2 =	vadd.s32 v2, v4  }
0x376: {  	vm15 =	vgt.s32 v1, $0xFF;
	vm0 =	vmor vm12, vm13;
	v2 =	vor.u32 v3, v2  }
0x377: {  	v1 =	vand.u32 $0xFFFFFC00, v33;
	vm0 =	vmor vm0, vm14;
	v2 =	vor.u32 v34, v2  }
0x378: {  	vm0 =	vmor vm15, vm0;
	v1 =	vadd.s32 v1, v2  }
0x379: {  	v3 =	vld [tilespmem:s22+$0x2050];
	v1 =	vsel vm0, $0x0, v1  }
0x37a: {  	v2 =	vld [tilespmem:s22+$0x50];
	[tilespmem:s22+$0xC440] =	vst v1;
	v1 =	vsel vm0, $0x0, v0  }
0x37b: {  	[tilespmem:s22+$0xE440] =	vst v1;
	v1 =	vld [tilespmem:s22+$0x4050]  }
0x37c: {  	v35 =	vld [tilespmem:$0x6000]  }
0x37d: {  	v36 =	vld [tilespmem:$0x6180]  }
0x37e: {  	v37 =	vld [tilespmem:$0x6080]  }
0x37f: {  	v38 =	vld [tilespmem:$0x6100]  }
0x380: {  	v39 =	vld [tilespmem:$0x6200]  }
0x381: {  	v40 =	vld [tilespmem:$0x6280];
	_ =	sdelay $0x1  }
0x382: {  	v2 =	vadd.f32 v35, v2;
	v3 =	vadd.f32 v37, v3  }
0x383: {  	v1 =	vadd.f32 v38, v1  }
0x384: {  	v2 =	vmul.f32 v36, v2;
	v3 =	vmul.f32 v39, v3  }
0x385: {  	v1 =	vmul.f32 v40, v1  }
0x386: {  	v2 =	vtrunc.f32 v2;
	v3 =	vtrunc.f32 v3  }
0x387: {  	v2 =	vcvt.f32.s32 v2;
	v3 =	vcvt.f32.s32 v3  }
0x388: {  	v1 =	vtrunc.f32 v1  }
0x389: {  	v1 =	vcvt.f32.s32 v1;
	v41 =	vor.u32 v2, v3  }
0x38a: {  	vm4 =	vgt.s32 v2, $0x1FF;
	vm5 =	vgt.s32 v3, $0x1FF;
	v42 =	vshll.u32 v3, $0x8  }
0x38b: {  	v2 =	vshll.u32 v2, $0x11;
	v3 =	vshll.u32 v3, $0x7;
	v4 =	vor.u32 v1, v41  }
0x38c: {  	v43 =	vshll.u32 v1, $0x3;
	vm6 =	vlt.s32 v4, $0x0;
	v4 =	vand.u32 $0xFFFFF800, v42  }
0x38d: {  	v44 =	vand.u32 $0x7F, v1;
	v3 =	vand.u32 $0x380, v3;
	v2 =	vadd.s32 v2, v4  }
0x38e: {  	vm7 =	vgt.s32 v1, $0xFF;
	vm0 =	vmor vm4, vm5;
	v2 =	vor.u32 v3, v2  }
0x38f: {  	v1 =	vand.u32 $0xFFFFFC00, v43;
	vm0 =	vmor vm0, vm6;
	v2 =	vor.u32 v44, v2  }
0x390: {  	vm0 =	vmor vm7, vm0;
	v1 =	vadd.s32 v1, v2  }
0x391: {  	v3 =	vld [tilespmem:s22+$0x2060];
	v1 =	vsel vm0, $0x0, v1  }
0x392: {  	v2 =	vld [tilespmem:s22+$0x60];
	[tilespmem:s22+$0xC450] =	vst v1;
	v1 =	vsel vm0, $0x0, v0  }
0x393: {  	[tilespmem:s22+$0xE450] =	vst v1;
	v1 =	vld [tilespmem:s22+$0x4060]  }
0x394: {  	v45 =	vld [tilespmem:$0x6000]  }
0x395: {  	v46 =	vld [tilespmem:$0x6180]  }
0x396: {  	v47 =	vld [tilespmem:$0x6080]  }
0x397: {  	v48 =	vld [tilespmem:$0x6100]  }
0x398: {  	v49 =	vld [tilespmem:$0x6200]  }
0x399: {  	v50 =	vld [tilespmem:$0x6280];
	_ =	sdelay $0x1  }
0x39a: {  	v2 =	vadd.f32 v45, v2;
	v3 =	vadd.f32 v47, v3  }
0x39b: {  	v1 =	vadd.f32 v48, v1  }
0x39c: {  	v2 =	vmul.f32 v46, v2;
	v3 =	vmul.f32 v49, v3  }
0x39d: {  	v1 =	vmul.f32 v50, v1  }
0x39e: {  	v2 =	vtrunc.f32 v2;
	v3 =	vtrunc.f32 v3  }
0x39f: {  	v2 =	vcvt.f32.s32 v2;
	v3 =	vcvt.f32.s32 v3  }
0x3a0: {  	v1 =	vtrunc.f32 v1  }
0x3a1: {  	v1 =	vcvt.f32.s32 v1;
	v51 =	vor.u32 v2, v3  }
0x3a2: {  	vm8 =	vgt.s32 v2, $0x1FF;
	vm9 =	vgt.s32 v3, $0x1FF;
	v52 =	vshll.u32 v3, $0x8  }
0x3a3: {  	v2 =	vshll.u32 v2, $0x11;
	v3 =	vshll.u32 v3, $0x7;
	v4 =	vor.u32 v1, v51  }
0x3a4: {  	v53 =	vshll.u32 v1, $0x3;
	vm10 =	vlt.s32 v4, $0x0;
	v4 =	vand.u32 $0xFFFFF800, v52  }
0x3a5: {  	v54 =	vand.u32 $0x7F, v1;
	v3 =	vand.u32 $0x380, v3;
	v2 =	vadd.s32 v2, v4  }
0x3a6: {  	vm11 =	vgt.s32 v1, $0xFF;
	vm0 =	vmor vm8, vm9;
	v2 =	vor.u32 v3, v2  }
0x3a7: {  	v1 =	vand.u32 $0xFFFFFC00, v53;
	vm0 =	vmor vm0, vm10;
	v2 =	vor.u32 v54, v2  }
0x3a8: {  	vm0 =	vmor vm11, vm0;
	v1 =	vadd.s32 v1, v2  }
0x3a9: {  	v3 =	vld [tilespmem:s22+$0x2070];
	v1 =	vsel vm0, $0x0, v1  }
0x3aa: {  	v2 =	vld [tilespmem:s22+$0x70];
	[tilespmem:s22+$0xC460] =	vst v1;
	v1 =	vsel vm0, $0x0, v0  }
0x3ab: {  	[tilespmem:s22+$0xE460] =	vst v1;
	v1 =	vld [tilespmem:s22+$0x4070]  }
0x3ac: {  	v55 =	vld [tilespmem:$0x6000]  }
0x3ad: {  	v56 =	vld [tilespmem:$0x6180]  }
0x3ae: {  	v57 =	vld [tilespmem:$0x6080]  }
0x3af: {  	v58 =	vld [tilespmem:$0x6100]  }
0x3b0: {  	v59 =	vld [tilespmem:$0x6200]  }
0x3b1: {  	v60 =	vld [tilespmem:$0x6280];
	_ =	sdelay $0x1  }
0x3b2: {  	v2 =	vadd.f32 v55, v2;
	v3 =	vadd.f32 v57, v3  }
0x3b3: {  	v1 =	vadd.f32 v58, v1  }
0x3b4: {  	v2 =	vmul.f32 v56, v2;
	v3 =	vmul.f32 v59, v3  }
0x3b5: {  	v1 =	vmul.f32 v60, v1  }
0x3b6: {  	v2 =	vtrunc.f32 v2;
	v3 =	vtrunc.f32 v3  }
0x3b7: {  	v2 =	vcvt.f32.s32 v2;
	v3 =	vcvt.f32.s32 v3  }
0x3b8: {  	v1 =	vtrunc.f32 v1  }
0x3b9: {  	v1 =	vcvt.f32.s32 v1;
	v61 =	vor.u32 v2, v3  }
0x3ba: {  	vm12 =	vgt.s32 v2, $0x1FF;
	vm13 =	vgt.s32 v3, $0x1FF;
	v62 =	vshll.u32 v3, $0x8  }
0x3bb: {  	v2 =	vshll.u32 v2, $0x11;
	v3 =	vshll.u32 v3, $0x7;
	v4 =	vor.u32 v1, v61  }
0x3bc: {  	v63 =	vshll.u32 v1, $0x3;
	vm14 =	vlt.s32 v4, $0x0;
	v4 =	vand.u32 $0xFFFFF800, v62  }
0x3bd: {  	vm15 =	vgt.s32 v1, $0xFF;
	v3 =	vand.u32 $0x380, v3;
	v2 =	vadd.s32 v2, v4  }
0x3be: {  	vm0 =	vmor vm12, vm13;
	v2 =	vor.u32 v3, v2;
	v3 =	vand.u32 $0x7F, v1  }
0x3bf: {  	p0 =	sne.s32 s3, $0x7E00;
	vm0 =	vmor vm0, vm14;
	v1 =	vand.u32 $0xFFFFFC00, v63;
	v2 =	vor.u32 v3, v2  }
.Ltmp7:
0x3c0: {  	vm0 =	vmor vm15, vm0;
	v1 =	vadd.s32 v1, v2;
	(pc) =	sbr.rel @p0 .LBB2_16-.Ltmp7, $4  }
0x3c1: {  	v1 =	vsel vm0, $0x0, v1  }
0x3c2: {  	[tilespmem:s22+$0xC470] =	vst v1;
	v1 =	vsel vm0, $0x0, v0  }
0x3c3: {  	s3 =	sadd.s32 $0x200, s3;
	s4 =	sadd.s32 $0xC400, s22;
	[tilespmem:s22+$0xE470] =	vst v1;
	s22 =	sadd.s32 $0x10400, s22  }
0x3c4: {  	[tilespmem:s22], [sflag:$0x2] =	stream.indirect.gather [hbm4b:s1+s26], $0x1, s4, s26, $0xb8;
	[tilespmem:$0x12400] =	vst v63  }
0x3c5: {  	s3 =	simm.s32 $0x40  }
.LBB2_18:
0x3c6: {  	p0 =	sne.s32 s3, $0x1  }
.Ltmp8:
0x3c7: {  	_ = 	snop;
	(pc) =	sbr.rel @p0 .LBB2_18-.Ltmp8, $4  }
0x3c8: {  	_ = 	snop  }
0x3c9: {  	_ =	swait.ge [sflag:s28], $0x80  }
0x3ca: {  	[sflag:s28] =	ssyncset.done $0x0  }
0x3cb: {  	s3 =	sadd.s32 $0xFFFFFFFF, s3;
	[sflag:s28] =	ssyncadd.s32 $0xFFFFFF80  }
0x3cc: {  	s3 =	simm.s32 $0x0  }
0x3cd: {  	v3 =	vld [tilespmem:s3+$0xA460]  }
0x3ce: {  	v1 =	vld [tilespmem:s3+$0x8410]  }
0x3cf: {  	v4 =	vld [tilespmem:s3+$0xA450]  }
0x3d0: {  	v2 =	vld [tilespmem:s3+$0x8450]  }
0x3d1: {  	v9 =	vld [tilespmem:s3+$0x8460]  }
0x3d2: {  	v5 =	vld [tilespmem:s3+$0xA470];
	v3 =	vmax.f32 v3, $-1.000000000e+03  }
0x3d3: {  	v8 =	vld [tilespmem:s3+$0xA430];
	v3 =	vmul.f32 $1.000000050e-03, v3  }
0x3d4: {  	v10 =	vld [tilespmem:s3+$0xA440]  }
0x3d5: {  	v12 =	vld [tilespmem:s3+$0xA420];
	v4 =	vmax.f32 v4, $-1.000000000e+03;
	v3 =	vadd.f32 $1.000000000e+00, v3  }
0x3d6: {  	v6 =	vld [tilespmem:s3+$0xA400];
	v4 =	vmul.f32 $1.000000050e-03, v4  }
0x3d7: {  	v7 =	vld [tilespmem:s3+$0xA410];
	v5 =	vmax.f32 v5, $-1.000000000e+03;
	v3 =	vmul.f32 $7.999999820e-02, v3  }
0x3d8: {  	v11 =	vmax.f32 v8, $-1.000000000e+03;
	v8 =	vmul.f32 $1.000000050e-03, v5;
	v5 =	vld [tilespmem:s3+$0x8470];
	v14 =	vadd.f32 $1.000000000e+00, v4  }
0x3d9: {  	s22 =	simm.s32 $0x200;
	v15 =	vmax.f32 v10, $-1.000000000e+03;
	v11 =	vmul.f32 $1.000000050e-03, v11;
	v4 =	vld [tilespmem:s3+$0x8430];
	v10 =	vmul.f32 v3, v9  }
0x3da: {  	v13 =	vmax.f32 v12, $-1.000000000e+03;
	v12 =	vmul.f32 $7.999999820e-02, v14;
	v3 =	vld [tilespmem:s3+$0x8420];
	v9 =	vmul.f32 $1.000000050e-03, v15  }
.LBB2_20:
0x3db: {  	s4 =	sshra.s32 s22, $0x2;
	p0 =	sne.s32 s22, $0x7E00;
	s22 =	sadd.s32 $0x200, s22;
	v13 =	vmul.f32 $1.000000050e-03, v13;
	v11 =	vadd.f32 $1.000000000e+00, v11;
	v14 =	vld [tilespmem:s3+$0x8440];
	[tilespmem:s3+$0xA460] =	vst v10;
	v8 =	vadd.f32 $1.000000000e+00, v8  }
0x3dc: {  	v6 =	vmax.f32 v6, $-1.000000000e+03;
	v10 =	vld [tilespmem:s4+$0xA460];
	v7 =	vmax.f32 v7, $-1.000000000e+03;
	v2 =	vmul.f32 v12, v2  }
0x3dd: {  	v6 =	vmul.f32 $1.000000050e-03, v6;
	v9 =	vadd.f32 $1.000000000e+00, v9;
	v12 =	vld [tilespmem:s4+$0x8410];
	v8 =	vmul.f32 $7.999999820e-02, v8  }
0x3de: {  	v7 =	vmul.f32 $1.000000050e-03, v7;
	v13 =	vadd.f32 $1.000000000e+00, v13;
	v11 =	vmul.f32 $7.999999820e-02, v11;
	v15 =	vld [tilespmem:s3+$0x8400];
	[tilespmem:s3+$0xA450] =	vst v2  }
0x3df: {  	v6 =	vadd.f32 $1.000000000e+00, v6;
	v9 =	vmul.f32 $7.999999820e-02, v9;
	v16 =	vld [tilespmem:s4+$0xA450];
	v5 =	vmul.f32 v8, v5  }
0x3e0: {  	v7 =	vadd.f32 $1.000000000e+00, v7;
	v8 =	vmul.f32 $7.999999820e-02, v13;
	v4 =	vmul.f32 v11, v4;
	v2 =	vld [tilespmem:s4+$0x8450]  }
0x3e1: {  	v6 =	vmul.f32 $7.999999820e-02, v6;
	v9 =	vmul.f32 v9, v14;
	v13 =	vld [tilespmem:s4+$0x8460];
	[tilespmem:s3+$0xA470] =	vst v5  }
0x3e2: {  	v5 =	vmax.f32 v10, $-1.000000000e+03;
	v7 =	vmul.f32 $7.999999820e-02, v7;
	v3 =	vmul.f32 v8, v3;
	v10 =	vld [tilespmem:s4+$0xA470];
	[tilespmem:s3+$0xA430] =	vst v4  }
0x3e3: {  	v5 =	vmul.f32 $1.000000050e-03, v5;
	v4 =	vld [tilespmem:s4+$0xA430];
	v6 =	vmul.f32 v6, v15;
	[tilespmem:s3+$0xA440] =	vst v9  }
0x3e4: {  	v7 =	vmul.f32 v7, v1;
	v1 =	vmov v12;
	v9 =	vld [tilespmem:s4+$0xA440];
	v8 =	vmax.f32 v16, $-1.000000000e+03;
	[tilespmem:s3+$0xA420] =	vst v3  }
0x3e5: {  	v5 =	vadd.f32 $1.000000000e+00, v5;
	v3 =	vld [tilespmem:s4+$0xA420];
	v8 =	vmul.f32 $1.000000050e-03, v8;
	[tilespmem:s3+$0xA400] =	vst v6  }
.Ltmp9:
0x3e6: {  	v6 =	vld [tilespmem:s4+$0xA400];
	[tilespmem:s3+$0xA410] =	vst v7;
	s3 =	smov.u32 s4;
	(pc) =	sbr.rel @p0 .LBB2_20-.Ltmp9, $4  }
0x3e7: {  	v12 =	vmul.f32 $7.999999820e-02, v5;
	v7 =	vld [tilespmem:s3+$0xA410];
	v5 =	vmax.f32 v10, $-1.000000000e+03  }
0x3e8: {  	v14 =	vadd.f32 $1.000000000e+00, v8;
	v4 =	vmax.f32 v4, $-1.000000000e+03;
	v8 =	vmul.f32 $1.000000050e-03, v5;
	v5 =	vld [tilespmem:s3+$0x8470]  }
0x3e9: {  	v10 =	vmul.f32 v12, v13;
	v11 =	vmul.f32 $1.000000050e-03, v4;
	v4 =	vld [tilespmem:s3+$0x8430];
	v9 =	vmax.f32 v9, $-1.000000000e+03  }
0x3ea: {  	v12 =	vmul.f32 $7.999999820e-02, v14;
	v13 =	vmax.f32 v3, $-1.000000000e+03;
	v3 =	vld [tilespmem:s3+$0x8420];
	v9 =	vmul.f32 $1.000000050e-03, v9  }
0x3eb: {  	v13 =	vmul.f32 $1.000000050e-03, v13;
	v11 =	vadd.f32 $1.000000000e+00, v11;
	v8 =	vadd.f32 $1.000000000e+00, v8  }
0x3ec: {  	v14 =	vld [tilespmem:s3+$0x8440];
	v6 =	vmax.f32 v6, $-1.000000000e+03;
	v7 =	vmax.f32 v7, $-1.000000000e+03;
	v2 =	vmul.f32 v12, v2  }
0x3ed: {  	v6 =	vmul.f32 $1.000000050e-03, v6;
	v9 =	vadd.f32 $1.000000000e+00, v9;
	v8 =	vmul.f32 $7.999999820e-02, v8  }
0x3ee: {  	v59 =	vld [tilespmem:s3+$0x8400];
	v7 =	vmul.f32 $1.000000050e-03, v7;
	v60 =	vadd.f32 $1.000000000e+00, v13;
	v11 =	vmul.f32 $7.999999820e-02, v11  }
0x3ef: {  	[tilespmem:s3+$0xA460] =	vst v10;
	v6 =	vadd.f32 $1.000000000e+00, v6;
	v9 =	vmul.f32 $7.999999820e-02, v9;
	v5 =	vmul.f32 v8, v5  }
0x3f0: {  	[tilespmem:s3+$0xA450] =	vst v2;
	v2 =	vadd.f32 $1.000000000e+00, v7;
	v61 =	vmul.f32 $7.999999820e-02, v60;
	v4 =	vmul.f32 v11, v4  }
0x3f1: {  	v6 =	vmul.f32 $7.999999820e-02, v6;
	v62 =	vmul.f32 v9, v14;
	[tilespmem:s3+$0xA470] =	vst v5  }
0x3f2: {  	v2 =	vmul.f32 $7.999999820e-02, v2;
	v3 =	vmul.f32 v61, v3;
	[tilespmem:s3+$0xA430] =	vst v4  }
0x3f3: {  	v63 =	vmul.f32 v6, v59;
	[tilespmem:s3+$0xA440] =	vst v62  }
0x3f4: {  	v1 =	vmul.f32 v2, v1;
	[tilespmem:s3+$0xA420] =	vst v3  }
0x3f5: {  	[tilespmem:s3+$0xA400] =	vst v63  }
0x3f6: {  	[tilespmem:s3+$0xA410] =	vst v1  }
0x3f7: {  	[hbm4b:s19+s2] =	stream.linear.scatter [tilespmem:s29], [sflag:$0x3], $0x2000, $0x38;
	[tilespmem:$0x12400] =	vst v63  }
0x3f8: {  	_ =	swait.ge [sflag:s23], $0x2000  }
0x3f9: {  	[sflag:s23] =	ssyncset.done $0x0  }
0x3fa: {  	s3 =	simm.s32 $0x40;
	[sflag:s23] =	ssyncadd.s32 $0xFFFFE000  }
.LBB2_22:
0x3fb: {  	p0 =	sne.s32 s3, $0x1  }
.Ltmp10:
0x3fc: {  	_ = 	snop;
	(pc) =	sbr.rel @p0 .LBB2_22-.Ltmp10, $4  }
0x3fd: {  	_ = 	snop  }
0x3fe: {  	_ =	swait.ge [sflag:s30], $0x80  }
0x3ff: {  	[sflag:s30] =	ssyncset.done $0x0  }
0x400: {  	s3 =	sadd.s32 $0xFFFFFFFF, s3;
	[sflag:s30] =	ssyncadd.s32 $0xFFFFFF80  }
0x401: {  	s3 =	simm.s32 $0x0  }
0x402: {  	v3 =	vld [tilespmem:s3+$0x10460]  }
0x403: {  	v1 =	vld [tilespmem:s3+$0xE410]  }
0x404: {  	v4 =	vld [tilespmem:s3+$0x10450]  }
0x405: {  	v2 =	vld [tilespmem:s3+$0xE450]  }
0x406: {  	v9 =	vld [tilespmem:s3+$0xE460]  }
0x407: {  	v5 =	vld [tilespmem:s3+$0x10470];
	v3 =	vmax.f32 v3, $-1.000000000e+03  }
0x408: {  	v8 =	vld [tilespmem:s3+$0x10430];
	v3 =	vmul.f32 $1.000000050e-03, v3  }
0x409: {  	v10 =	vld [tilespmem:s3+$0x10440]  }
0x40a: {  	v12 =	vld [tilespmem:s3+$0x10420];
	v4 =	vmax.f32 v4, $-1.000000000e+03;
	v3 =	vadd.f32 $1.000000000e+00, v3  }
0x40b: {  	v6 =	vld [tilespmem:s3+$0x10400];
	v4 =	vmul.f32 $1.000000050e-03, v4  }
0x40c: {  	v7 =	vld [tilespmem:s3+$0x10410];
	v5 =	vmax.f32 v5, $-1.000000000e+03;
	v3 =	vmul.f32 $7.999999820e-02, v3  }
0x40d: {  	v11 =	vmax.f32 v8, $-1.000000000e+03;
	v8 =	vmul.f32 $1.000000050e-03, v5;
	v5 =	vld [tilespmem:s3+$0xE470];
	v14 =	vadd.f32 $1.000000000e+00, v4  }
0x40e: {  	s22 =	simm.s32 $0x200;
	v15 =	vmax.f32 v10, $-1.000000000e+03;
	v11 =	vmul.f32 $1.000000050e-03, v11;
	v4 =	vld [tilespmem:s3+$0xE430];
	v10 =	vmul.f32 v3, v9  }
0x40f: {  	v13 =	vmax.f32 v12, $-1.000000000e+03;
	v12 =	vmul.f32 $7.999999820e-02, v14;
	v3 =	vld [tilespmem:s3+$0xE420];
	v9 =	vmul.f32 $1.000000050e-03, v15  }
.LBB2_24:
0x410: {  	s4 =	sshra.s32 s22, $0x2;
	p0 =	sne.s32 s22, $0x7E00;
	s22 =	sadd.s32 $0x200, s22;
	v13 =	vmul.f32 $1.000000050e-03, v13;
	v11 =	vadd.f32 $1.000000000e+00, v11;
	v14 =	vld [tilespmem:s3+$0xE440];
	[tilespmem:s3+$0x10460] =	vst v10;
	v8 =	vadd.f32 $1.000000000e+00, v8  }
0x411: {  	v6 =	vmax.f32 v6, $-1.000000000e+03;
	v10 =	vld [tilespmem:s4+$0x10460];
	v7 =	vmax.f32 v7, $-1.000000000e+03;
	v2 =	vmul.f32 v12, v2  }
0x412: {  	v6 =	vmul.f32 $1.000000050e-03, v6;
	v9 =	vadd.f32 $1.000000000e+00, v9;
	v12 =	vld [tilespmem:s4+$0xE410];
	v8 =	vmul.f32 $7.999999820e-02, v8  }
0x413: {  	v7 =	vmul.f32 $1.000000050e-03, v7;
	v13 =	vadd.f32 $1.000000000e+00, v13;
	v11 =	vmul.f32 $7.999999820e-02, v11;
	v15 =	vld [tilespmem:s3+$0xE400];
	[tilespmem:s3+$0x10450] =	vst v2  }
0x414: {  	v6 =	vadd.f32 $1.000000000e+00, v6;
	v9 =	vmul.f32 $7.999999820e-02, v9;
	v16 =	vld [tilespmem:s4+$0x10450];
	v5 =	vmul.f32 v8, v5  }
0x415: {  	v7 =	vadd.f32 $1.000000000e+00, v7;
	v8 =	vmul.f32 $7.999999820e-02, v13;
	v4 =	vmul.f32 v11, v4;
	v2 =	vld [tilespmem:s4+$0xE450]  }
0x416: {  	v6 =	vmul.f32 $7.999999820e-02, v6;
	v9 =	vmul.f32 v9, v14;
	v13 =	vld [tilespmem:s4+$0xE460];
	[tilespmem:s3+$0x10470] =	vst v5  }
0x417: {  	v5 =	vmax.f32 v10, $-1.000000000e+03;
	v7 =	vmul.f32 $7.999999820e-02, v7;
	v3 =	vmul.f32 v8, v3;
	v10 =	vld [tilespmem:s4+$0x10470];
	[tilespmem:s3+$0x10430] =	vst v4  }
0x418: {  	v5 =	vmul.f32 $1.000000050e-03, v5;
	v4 =	vld [tilespmem:s4+$0x10430];
	v6 =	vmul.f32 v6, v15;
	[tilespmem:s3+$0x10440] =	vst v9  }
0x419: {  	v7 =	vmul.f32 v7, v1;
	v1 =	vmov v12;
	v9 =	vld [tilespmem:s4+$0x10440];
	v8 =	vmax.f32 v16, $-1.000000000e+03;
	[tilespmem:s3+$0x10420] =	vst v3  }
0x41a: {  	v5 =	vadd.f32 $1.000000000e+00, v5;
	v3 =	vld [tilespmem:s4+$0x10420];
	v8 =	vmul.f32 $1.000000050e-03, v8;
	[tilespmem:s3+$0x10400] =	vst v6  }
.Ltmp11:
0x41b: {  	v6 =	vld [tilespmem:s4+$0x10400];
	[tilespmem:s3+$0x10410] =	vst v7;
	s3 =	smov.u32 s4;
	(pc) =	sbr.rel @p0 .LBB2_24-.Ltmp11, $4  }
0x41c: {  	v12 =	vmul.f32 $7.999999820e-02, v5;
	v7 =	vld [tilespmem:s3+$0x10410];
	v5 =	vmax.f32 v10, $-1.000000000e+03  }
0x41d: {  	v14 =	vadd.f32 $1.000000000e+00, v8;
	v4 =	vmax.f32 v4, $-1.000000000e+03;
	v8 =	vmul.f32 $1.000000050e-03, v5;
	v5 =	vld [tilespmem:s3+$0xE470]  }
0x41e: {  	v10 =	vmul.f32 v12, v13;
	v11 =	vmul.f32 $1.000000050e-03, v4;
	v4 =	vld [tilespmem:s3+$0xE430];
	v9 =	vmax.f32 v9, $-1.000000000e+03  }
0x41f: {  	v12 =	vmul.f32 $7.999999820e-02, v14;
	v13 =	vmax.f32 v3, $-1.000000000e+03;
	v3 =	vld [tilespmem:s3+$0xE420];
	v9 =	vmul.f32 $1.000000050e-03, v9  }
0x420: {  	v13 =	vmul.f32 $1.000000050e-03, v13;
	v11 =	vadd.f32 $1.000000000e+00, v11;
	v8 =	vadd.f32 $1.000000000e+00, v8  }
0x421: {  	v14 =	vld [tilespmem:s3+$0xE440];
	v6 =	vmax.f32 v6, $-1.000000000e+03;
	v7 =	vmax.f32 v7, $-1.000000000e+03;
	v2 =	vmul.f32 v12, v2  }
0x422: {  	v6 =	vmul.f32 $1.000000050e-03, v6;
	v9 =	vadd.f32 $1.000000000e+00, v9;
	v8 =	vmul.f32 $7.999999820e-02, v8  }
0x423: {  	v59 =	vld [tilespmem:s3+$0xE400];
	v7 =	vmul.f32 $1.000000050e-03, v7;
	v60 =	vadd.f32 $1.000000000e+00, v13;
	v11 =	vmul.f32 $7.999999820e-02, v11  }
0x424: {  	[tilespmem:s3+$0x10460] =	vst v10;
	v6 =	vadd.f32 $1.000000000e+00, v6;
	v9 =	vmul.f32 $7.999999820e-02, v9;
	v5 =	vmul.f32 v8, v5  }
0x425: {  	[tilespmem:s3+$0x10450] =	vst v2;
	v2 =	vadd.f32 $1.000000000e+00, v7;
	v61 =	vmul.f32 $7.999999820e-02, v60;
	v4 =	vmul.f32 v11, v4  }
0x426: {  	v6 =	vmul.f32 $7.999999820e-02, v6;
	v62 =	vmul.f32 v9, v14;
	[tilespmem:s3+$0x10470] =	vst v5  }
0x427: {  	v2 =	vmul.f32 $7.999999820e-02, v2;
	v3 =	vmul.f32 v61, v3;
	[tilespmem:s3+$0x10430] =	vst v4  }
0x428: {  	v63 =	vmul.f32 v6, v59;
	[tilespmem:s3+$0x10440] =	vst v62  }
0x429: {  	s0 =	sadd.s32 $0x1, s0;
	v1 =	vmul.f32 v2, v1;
	[tilespmem:s3+$0x10420] =	vst v3  }
0x42a: {  	p0 =	sne.s32 s0, s21;
	[tilespmem:s3+$0x10400] =	vst v63  }
.Ltmp12:
0x42b: {  	[tilespmem:s3+$0x10410] =	vst v1;
	(pc) =	sbr.rel @p0 .LBB2_1-.Ltmp12, $4  }
0x42c: {  	[hbm4b:s20+s2] =	stream.linear.scatter [tilespmem:s31], [sflag:$0x3], $0x2000, $0x38;
	[tilespmem:$0x12400] =	vst v63  }
0x42d: {  	_ =	swait.ge [sflag:s23], $0x2000  }
0x42e: {  	[sflag:s23] =	ssyncset.done $0x0  }
0x42f: {  	[sflag:s23] =	ssyncadd.s32 $0xFFFFE000  }
0x430: {  	_ =	sfence.sel $0x180000  }
0x431: {  	[bflag:$0x0] =	sbarrier.arrive $0xFFFF  }
0x432: {  	_ =	strace $0x90000047  }
0x433: {  	s0 =	stileid.u32;
	[bflag:$0x2] =	sbarrier.arrive $0xFFFF  }
0x434: {  	p0 =	sne.s32 s0, $0x0;
	s0 =	rddreg [dreg:$0x3]  }
0x435: {  	s0 =	sadd.s32 @!p0 $0x100000, s0  }
0x436: {  	[sflag:s0] =	ssyncadd.tile.s32 @!p0 $0x1;
	_ =	shalt  }
.Lfunc_end2:
_tile_overlayer_lowered:
.L_overlay_start_2:
0x437: {  	(tag) =	ssettag $0x2  }
0x438: {  	s0 =	rddreg [dreg:$0x0];
	s2 =	stileid.u32  }
0x439: {  	s1 =	rddreg [dreg:$0x1];
	p0 =	sne.s32 s2, $0x0  }
0x43a: {  	s3 =	rddreg [dreg:$0x2];
	[bflag:$0x3] =	sbarrier.arrive $0xFFFF;
	s2 =	simm.s32 @!p0 $0x1C03  }
0x43b: {  	[timem:s3], [sflag:s2] =	dma.local @!p0 [hbm:s0], s1  }
0x43c: {  	s0 =	simm.s32 @!p0 $0x3  }
0x43d: {  	_ =	swait.ge @!p0 [sflag:s0], s1  }
0x43e: {  	s1 =	ssub.s32 @!p0 $0x0, s1;
	[sflag:s0] =	ssyncset.done @!p0 $0x0  }
0x43f: {  	[sflag:s0] =	ssyncadd.s32 @!p0 s1  }
0x440: {  	[bflag:$0x3] =	sbarrier.arrive $0xFFFF  }
0x441: {  	_ =	shalt  }

</sc_bundles>
